<compile_context>
chip_gen: v7x
topology: tpu7x:2x2x1
jax: 0.10.2.dev20260603
libtpu: 0.0.44.dev20260713+nightly
codegen_flags: <defaults>
</compile_context>

<pallas_src>
import jax
import jax.numpy as jnp
import numpy as np
from jax import lax
from jax.experimental import pallas as pl
from jax.experimental.pallas import tpu as pltpu
from jax.experimental.pallas import tpu_sc as plsc

_B, _C, _H, _W = 8, 96, 128, 128
_HW = _H * _W
_NCLS = 19
_DIM = 96
_NH = 8
_HD = _DIM // _NH
_MLP = 4
_PQ = 1024
_PK = 1024



def _k1_body(logits_ref, ent_ref):
    lg = logits_ref[0]
    m = jnp.max(lg, axis=0, keepdims=True)
    e = jnp.exp(lg - m)
    sm = jnp.sum(e, axis=0, keepdims=True)
    p = e / sm
    ent_ref[0] = -jnp.sum(p * jnp.log(p), axis=0, keepdims=True)


def _k1(x_logits):
    lg = x_logits.reshape(_B, _NCLS, _HW)
    ent = pl.pallas_call(
        _k1_body,
        grid=(_B,),
        in_specs=[pl.BlockSpec((1, _NCLS, _HW), lambda b: (b, 0, 0))],
        out_specs=pl.BlockSpec((1, 1, _HW), lambda b: (b, 0, 0)),
        out_shape=jax.ShapeDtypeStruct((_B, 1, _HW), jnp.float32),
    )(lg)
    return ent.reshape(_B, _HW)


def _k1b_body(scores_ref, par_ref):
    bits = jax.lax.bitcast_convert_type(
        jnp.maximum(scores_ref[...], 0.0), jnp.int32)

    def body(i, lo):
        cand = lo | (jnp.int32(1) << (30 - i))
        cnt = jnp.sum((bits >= cand).astype(jnp.float32), axis=1,
                      keepdims=True)
        return jnp.where(cnt >= _PQ, cand, lo)

    lo = jax.lax.fori_loop(0, 31, body, jnp.zeros((_NROW, 1), jnp.int32))
    n_gt = jnp.sum((bits > lo).astype(jnp.float32), axis=1, keepdims=True)
    tf = jax.lax.bitcast_convert_type(lo, jnp.float32)
    par_ref[:, 0, :] = jnp.broadcast_to(tf, (_NROW, 16))
    par_ref[:, 1, :] = jnp.broadcast_to(n_gt, (_NROW, 16))


def _k1b(scores):
    return pl.pallas_call(
        _k1b_body,
        grid=(1,),
        in_specs=[pl.BlockSpec((_NROW, _HW), lambda i: (0, 0))],
        out_specs=pl.BlockSpec((_NROW, 2, 16), lambda i: (0, 0, 0)),
        out_shape=jax.ShapeDtypeStruct((_NROW, 2, 16), jnp.float32),
    )(scores)



def _mm(a, b, dims):
    return jax.lax.dot_general(a.astype(jnp.bfloat16), b.astype(jnp.bfloat16),
                               dims, preferred_element_type=jnp.float32)


def _k4_body(qft_ref, kvt_ref, wq_ref, wk_ref, wv_ref, wo_ref,
             w1_ref, b1_ref, w2_ref, b2_ref, out_ref):
    qf = qft_ref[0]
    kv = kvt_ref[0]
    ct = (((0,), (0,)), ((), ()))
    q = _mm(wq_ref[...], qf, ct)
    k = _mm(wk_ref[...], kv, ct)
    v = _mm(wv_ref[...], kv, ct)
    scale = np.float32(1.0 / np.sqrt(_HD))
    outs = []
    for h in range(_NH):
        qh = q[h * _HD:(h + 1) * _HD]
        kh = k[h * _HD:(h + 1) * _HD]
        vh = v[h * _HD:(h + 1) * _HD]
        s = _mm(qh, kh, (((0,), (0,)), ((), ()))) * scale
        ex = jnp.exp(s)
        pden = jnp.sum(ex, axis=1, keepdims=True)
        prob = ex * (1.0 / pden)
        oh = _mm(vh, prob, (((1,), (1,)), ((), ())))
        outs.append(oh)
    o = jnp.concatenate(outs, axis=0)
    o = _mm(wo_ref[...], o, ct)
    h1 = qf + o
    z = _mm(w1_ref[...], h1, ct) + b1_ref[...]
    g = jax.nn.gelu(z)
    h2 = h1 + _mm(w2_ref[...], g, (((0,), (0,)), ((), ()))) + b2_ref[...]
    out_ref[0] = h2


def _k4(g, Wq, Wk, Wv, Wo, W1, b1, W2, b2):
    b1c = b1.reshape(_DIM * _MLP, 1)
    b2c = b2.reshape(_DIM, 1)
    wspec = lambda sh: pl.BlockSpec(sh, lambda b: tuple(0 for _ in sh))
    return pl.pallas_call(
        _k4_body,
        grid=(_B,),
        in_specs=[
            pl.BlockSpec((1, _C, _PQ), lambda b: (b, 0, 0)),
            pl.BlockSpec((1, _C, _PK), lambda b: (b + _B, 0, 0)),
            wspec((_DIM, _DIM)), wspec((_DIM, _DIM)), wspec((_DIM, _DIM)),
            wspec((_DIM, _DIM)), wspec((_DIM, _DIM * _MLP)),
            wspec((_DIM * _MLP, 1)), wspec((_DIM * _MLP, _DIM)),
            wspec((_DIM, 1)),
        ],
        out_specs=pl.BlockSpec((1, _C, _PQ), lambda b: (b, 0, 0)),
        out_shape=jax.ShapeDtypeStruct((_B, _C, _PQ), jnp.float32),
    )(g, g, Wq, Wk, Wv, Wo, W1, b1c, W2, b2c)



_SC_MESH = plsc.VectorSubcoreMesh(core_axis_name="c", subcore_axis_name="s",
                                  num_cores=2, num_subcores=16)
_NROW = 16


def _k2_body(ent_h, edge_h, par_h, out_h, score_v, par_v, gt_v, eq_v):
    wid = lax.axis_index("s") * 2 + lax.axis_index("c")

    @pl.when(wid < _NROW)
    def _():
        r = wid

        @pl.when(r < 8)
        def _():
            pltpu.sync_copy(ent_h.at[r], score_v)

        @pl.when(r >= 8)
        def _():
            pltpu.sync_copy(edge_h.at[r - 8], score_v)

        pltpu.sync_copy(par_h.at[r], par_v)
        tv = par_v[pl.ds(0, 16)]

        def scan_body(i, carry):
            off_g, off_e = carry
            v = score_v[pl.ds(i * 16, 16)]
            idxv = lax.iota(jnp.int32, 16) + i * 16
            m_g = v > tv
            m_e = v == tv
            ig = m_g.astype(jnp.int32)
            ie = m_e.astype(jnp.int32)
            cum_g = plsc.cumsum(ig)
            cum_e = plsc.cumsum(ie)
            pos_g = jnp.where(m_g, off_g + cum_g - 1, _PQ + 15)
            pos_e = jnp.where(m_e, off_e + cum_e - 1, _HW + 15)
            plsc.store_scatter(gt_v, [pos_g], idxv)
            plsc.store_scatter(eq_v, [pos_e], idxv)
            return off_g + jnp.sum(ig), off_e + jnp.sum(ie)

        n_gt, _n_eq = lax.fori_loop(
            0, _HW // 16, scan_body, (jnp.int32(0), jnp.int32(0)))
        need = _PQ - n_gt

        def tie_body(j, _):
            rem = need - j * 16

            @pl.when(rem > 0)
            def _():
                ev = eq_v[pl.ds(j * 16, 16)]
                lane = lax.iota(jnp.int32, 16)
                pos = jnp.where(lane < rem, n_gt + j * 16 + lane, _PQ + 15)
                plsc.store_scatter(gt_v, [pos], ev)

            return 0

        lax.fori_loop(0, _PQ // 16, tie_body, 0)
        pltpu.sync_copy(gt_v.at[pl.ds(0, _PQ)], out_h.at[r])


def _k2(ent, edge_flat, params):
    f = pl.kernel(
        _k2_body,
        out_type=jax.ShapeDtypeStruct((_NROW, _PQ), jnp.int32),
        mesh=_SC_MESH,
        compiler_params=pltpu.CompilerParams(needs_layout_passes=False),
        scratch_types=[
            pltpu.VMEM((_HW,), jnp.float32),
            pltpu.VMEM((32,), jnp.float32),
            pltpu.VMEM((_PQ + 16,), jnp.int32),
            pltpu.VMEM((_HW + 16,), jnp.int32),
        ],
    )
    return f(ent, edge_flat, params)



_CPT = _C // 2
_NCH = _PQ // 128


def _k3_body(xflat_h, idx_h, out_h, idx_v, gidx_v, dst_v, sem):
    wid = lax.axis_index("s") * 2 + lax.axis_index("c")
    r = wid >> 1
    c0 = (wid & 1) * _CPT
    b = r & 7
    pltpu.sync_copy(idx_h.at[r], idx_v)

    def task(t, _):
        ch = c0 + t
        off = (b * _C + ch) * _HW
        for j in range(_NCH):
            tt = t * _NCH + j
            for l in range(8):
                gidx_v[tt, pl.ds(l * 16, 16)] = (
                    idx_v[pl.ds(j * 128 + l * 16, 16)] + off)
            pltpu.async_copy(xflat_h.at[gidx_v.at[tt]], dst_v.at[tt], sem)
        return 0

    lax.fori_loop(0, _CPT, task, 0)

    def drain(t, _):
        pltpu.make_async_copy(
            xflat_h.at[gidx_v.at[t]], dst_v.at[t], sem).wait()
        return 0

    lax.fori_loop(0, _CPT * _NCH, drain, 0)
    pltpu.sync_copy(dst_v, out_h.at[r, pl.ds(c0 * _NCH, _CPT * _NCH)])


def _k3(xflat, idx):
    f = pl.kernel(
        _k3_body,
        out_type=jax.ShapeDtypeStruct((_NROW, _C * _NCH, 128), jnp.float32),
        mesh=_SC_MESH,
        compiler_params=pltpu.CompilerParams(needs_layout_passes=False),
        scratch_types=[
            pltpu.VMEM((_PQ,), jnp.int32),
            pltpu.VMEM((_CPT * _NCH, 128), jnp.int32),
            pltpu.VMEM((_CPT * _NCH, 128), jnp.float32),
            pltpu.SemaphoreType.DMA,
        ],
    )
    return f(xflat, idx)



_TOT = _B * _C * _HW
_PER_CORE = _TOT // 2
_PER_TILE = _PER_CORE // 16
_CHUNK = 16384
_NCK = _PER_TILE // _CHUNK


def _k5_body(xflat_h, cross_h, idx_h, out_h, buf0_v, buf1_v, buf2_v, buf3_v,
             idx_v, src_v, cp_sem, wr_sem):
    cid = lax.axis_index("c")
    sid = lax.axis_index("s")
    base = cid * _PER_CORE + sid * _PER_TILE
    b = cid * 4 + (sid >> 2)
    r0 = cid * (_PER_CORE // _HW) + sid * _NCK
    pltpu.sync_copy(idx_h.at[b], idx_v)
    pltpu.sync_copy(cross_h.at[pl.ds(r0 * _PQ, _NCK * _PQ)], src_v)

    bufs = [buf0_v, buf1_v, buf2_v, buf3_v]

    def rd(k):
        return pltpu.async_copy(
            xflat_h.at[pl.ds(base + k * _CHUNK, _CHUNK)], bufs[k % 4],
            cp_sem)

    rds = {}
    wrs = {}
    for k in range(4):
        rds[k] = rd(k)
    for k in range(_NCK):
        rds[k].wait()
        buf = bufs[k % 4]

        def scat(j, _):
            pos = idx_v[pl.ds(j * 16, 16)]
            vals = src_v[pl.ds(k * _PQ + j * 16, 16)]
            plsc.store_scatter(buf, [pos], vals)
            return 0

        lax.fori_loop(0, _PQ // 16, scat, 0)
        wrs[k] = pltpu.async_copy(
            buf, out_h.at[pl.ds(base + k * _CHUNK, _CHUNK)], wr_sem)
        if k + 4 < _NCK:
            wrs[k].wait()
            rds[k + 4] = rd(k + 4)
    for k in range(max(0, _NCK - 4), _NCK):
        wrs[k].wait()


def _k5(xflat, cross_flat, idx):
    f = pl.kernel(
        _k5_body,
        out_type=jax.ShapeDtypeStruct((_TOT,), jnp.float32),
        mesh=_SC_MESH,
        compiler_params=pltpu.CompilerParams(needs_layout_passes=False),
        scratch_types=[
            pltpu.VMEM((_CHUNK,), jnp.float32),
            pltpu.VMEM((_CHUNK,), jnp.float32),
            pltpu.VMEM((_CHUNK,), jnp.float32),
            pltpu.VMEM((_CHUNK,), jnp.float32),
            pltpu.VMEM((_PQ,), jnp.int32),
            pltpu.VMEM((_NCK * _PQ,), jnp.float32),
            pltpu.SemaphoreType.DMA,
            pltpu.SemaphoreType.DMA,
        ],
    )
    return f(xflat, cross_flat, idx)


def kernel(x, x_logits, edge_prediction, Wq, Wk, Wv, Wo, W1, b1, W2, b2):
    edge_flat = edge_prediction.reshape(_B, _HW)
    ent = _k1(x_logits)
    scores = jnp.concatenate([ent, edge_flat], axis=0)
    params = _k1b(scores).reshape(_NROW, 32)

    idx = _k2(ent, edge_flat, params)
    xflat = x.reshape(_B * _C * _HW)
    g = _k3(xflat, idx).reshape(_NROW, _C, _PQ)

    cross = _k4(g, Wq, Wk, Wv, Wo, W1, b1, W2, b2)

    cross_flat = cross.reshape(_B * _C * _PQ)
    final = _k5(xflat, cross_flat, idx)
    return final.reshape(_B, _C, _H, _W)

# --- scband reference (transcript-rebuilt; emitter-appended) ---
"""Pipeline reference for scband-region-point-process-20083267076769 (READ-ONLY COPY).

The authoritative reference and input builder live on the scoring server;
editing this copy changes nothing except your own understanding.
"""

import jax, jax.numpy as jnp
import numpy as np

B, C, H, W = 8, 96, 128, 128
NUM_CLASSES = 19
DIM = 96
NUM_HEADS = 8
HEAD_DIM = DIM // NUM_HEADS
MLP_RATIO = 4
P_REGION = 1024
P_EDGE = 1024


def setup_inputs(seed: int = 0) -> dict:
    key = jax.random.key(seed)
    ks = jax.random.split(key, 9)
    s = 0.02
    return {
        "x": jax.random.normal(ks[0], (B, C, H, W), dtype=jnp.float32),
        "x_logits": jax.random.normal(ks[1], (B, NUM_CLASSES, H, W), dtype=jnp.float32),
        "edge_prediction": jax.random.uniform(ks[2], (B, 1, H, W), dtype=jnp.float32),
        "Wq": jax.random.normal(ks[3], (DIM, DIM), dtype=jnp.float32) * s,
        "Wk": jax.random.normal(ks[4], (DIM, DIM), dtype=jnp.float32) * s,
        "Wv": jax.random.normal(ks[5], (DIM, DIM), dtype=jnp.float32) * s,
        "Wo": jax.random.normal(ks[6], (DIM, DIM), dtype=jnp.float32) * s,
        "W1": jax.random.normal(ks[7], (DIM, DIM * MLP_RATIO), dtype=jnp.float32) * s,
        "b1": jnp.zeros((DIM * MLP_RATIO,), dtype=jnp.float32),
        "W2": jax.random.normal(ks[8], (DIM * MLP_RATIO, DIM), dtype=jnp.float32) * s,
        "b2": jnp.zeros((DIM,), dtype=jnp.float32),
    }


def _forward(x, x_logits, edge_prediction, Wq, Wk, Wv, Wo, W1, b1, W2, b2):
    Bn, Cn, Hn, Wn = x.shape
    HWn = Hn * Wn
    # entropy of softmax prediction -> region points via topk
    p = jax.nn.softmax(x_logits, axis=1)
    ent = -jnp.sum(p * jnp.log(p), axis=1).reshape(Bn, HWn)
    region_idx = jax.lax.top_k(ent, P_REGION)[1]
    # edge points via topk over edge prediction map
    edge_idx = jax.lax.top_k(edge_prediction.reshape(Bn, HWn), P_EDGE)[1]
    flat = x.reshape(Bn, Cn, HWn)
    ridx = jnp.broadcast_to(region_idx[:, None, :], (Bn, Cn, P_REGION))
    eidx = jnp.broadcast_to(edge_idx[:, None, :], (Bn, Cn, P_EDGE))
    # point_sample: gather along flattened spatial dim
    qf = jnp.take_along_axis(flat, ridx, axis=2).transpose(0, 2, 1)   # (B, Pq, C)
    kvf = jnp.take_along_axis(flat, eidx, axis=2).transpose(0, 2, 1)  # (B, Pkv, C)

    def split_heads(t, Wm):
        y = t @ Wm
        return y.reshape(Bn, -1, NUM_HEADS, HEAD_DIM).transpose(0, 2, 1, 3)

    qh = split_heads(qf, Wq)
    kh = split_heads(kvf, Wk)
    vh = split_heads(kvf, Wv)
    attn = jax.nn.softmax(jnp.einsum('bhqd,bhkd->bhqk', qh, kh) / np.sqrt(HEAD_DIM), axis=-1)
    o = jnp.einsum('bhqk,bhkd->bhqd', attn, vh)
    o = o.transpose(0, 2, 1, 3).reshape(Bn, P_REGION, DIM) @ Wo
    h = qf + o
    h = h + (jax.nn.gelu(h @ W1 + b1) @ W2 + b2)
    cross = h.transpose(0, 2, 1)  # (B, C, Pq)
    # scatter refined point features back into the feature map
    bi = jnp.arange(Bn)[:, None, None]
    ci = jnp.arange(Cn)[None, :, None]
    final = flat.at[bi, ci, ridx].set(cross)
    return final.reshape(Bn, Cn, Hn, Wn)


def reference(x, x_logits, edge_prediction, Wq, Wk, Wv, Wo, W1, b1, W2, b2):
    return _forward(x, x_logits, edge_prediction, Wq, Wk, Wv, Wo, W1, b1, W2, b2)

if __name__ == "__main__":
    import jax
    _d = setup_inputs()
    print(jax.jit(kernel)(*tuple(_d.values())))

</pallas_src>

<mosaic_0001>
#map = affine_map<(d0, d1) -> (0)>
#map1 = affine_map<(d0, d1) -> (0, 0)>
#map2 = affine_map<(d0, d1) -> (0, 0, 0)>
module attributes {stable_mosaic.version = 14 : i64} {
  func.func @_k3_body(%arg0: i32, %arg1: i32, %arg2: memref<12582912xf32, #tpu.memory_space<hbm>>, %arg3: memref<16x1024xi32, #tpu.memory_space<hbm>>, %arg4: memref<16x768x128xf32, #tpu.memory_space<hbm>>, %arg5: memref<1024xi32, #tpu.memory_space<vmem>>, %arg6: memref<384x128xi32, #tpu.memory_space<vmem>>, %arg7: memref<384x128xf32, #tpu.memory_space<vmem>>, %arg8: memref<!tpu.dma_semaphore, #tpu.memory_space<semaphore_mem>>) attributes {dimension_semantics = [#tpu.dimension_semantics<core_parallel>, #tpu.dimension_semantics<subcore_parallel>], iteration_bounds = array<i64: 2, 16>, scalar_prefetch = 0 : i64, scratch_operands = 4 : i64, tpu.core_type = #tpu.core_type<sc_vector_subcore>, window_params = [{transform_indices = #map}, {transform_indices = #map1}, {transform_indices = #map2}]} {
    %mul3A = arith.constant 2 : i32
    %mul3A_0 = arith.muli %arg1, %mul3A : i32
    %add3A = arith.addi %mul3A_0, %arg0 : i32
    %shift_right_arithmetic3A = arith.constant 1 : i32
    %shift_right_arithmetic3A_1 = arith.shrsi %add3A, %shift_right_arithmetic3A : i32
    %and3A = arith.constant 1 : i32
    %and3A_2 = arith.andi %add3A, %and3A : i32
    %mul3A_3 = arith.constant 48 : i32
    %mul3A_4 = arith.muli %and3A_2, %mul3A_3 : i32
    %and3A_5 = arith.constant 7 : i32
    %and3A_6 = arith.andi %shift_right_arithmetic3A_1, %and3A_5 : i32
    "tpu.region"() ({
      %run_scoped3A = tpu.sem_alloc : memref<!tpu.dma_semaphore, #tpu.memory_space<semaphore_mem>>
      %dma_start3A = arith.constant 0 : i32
      %dma_start3A_22 = tpu.memref_slice %arg3[%shift_right_arithmetic3A_1, %dma_start3A] : memref<16x1024xi32, #tpu.memory_space<hbm>> -> memref<1x1024xi32, #tpu.memory_space<hbm>>
      %dma_start3A_23 = tpu.memref_squeeze %dma_start3A_22 : memref<1x1024xi32, #tpu.memory_space<hbm>> -> memref<1024xi32, #tpu.memory_space<hbm>>
      %dma_start3A_24 = arith.constant 0 : i32
      %dma_start3A_25 = tpu.memref_slice %arg3[%shift_right_arithmetic3A_1, %dma_start3A_24] : memref<16x1024xi32, #tpu.memory_space<hbm>> -> memref<1x1024xi32, #tpu.memory_space<hbm>>
      %dma_start3A_26 = tpu.memref_squeeze %dma_start3A_25 : memref<1x1024xi32, #tpu.memory_space<hbm>> -> memref<1024xi32, #tpu.memory_space<hbm>>
      tpu.enqueue_dma source(%dma_start3A_26 : memref<1024xi32, #tpu.memory_space<hbm>>) target(%arg5 : memref<1024xi32, #tpu.memory_space<vmem>>) target_semaphore(%run_scoped3A : memref<!tpu.dma_semaphore, #tpu.memory_space<semaphore_mem>>)
      %dma_wait3A = arith.constant 0 : i32
      %dma_wait3A_27 = tpu.memref_slice %arg3[%shift_right_arithmetic3A_1, %dma_wait3A] : memref<16x1024xi32, #tpu.memory_space<hbm>> -> memref<1x1024xi32, #tpu.memory_space<hbm>>
      %dma_wait3A_28 = tpu.memref_squeeze %dma_wait3A_27 : memref<1x1024xi32, #tpu.memory_space<hbm>> -> memref<1024xi32, #tpu.memory_space<hbm>>
      %dma_wait3A_29 = arith.constant 0 : i32
      %dma_wait3A_30 = tpu.memref_slice %arg3[%shift_right_arithmetic3A_1, %dma_wait3A_29] : memref<16x1024xi32, #tpu.memory_space<hbm>> -> memref<1x1024xi32, #tpu.memory_space<hbm>>
      %dma_wait3A_31 = tpu.memref_squeeze %dma_wait3A_30 : memref<1x1024xi32, #tpu.memory_space<hbm>> -> memref<1024xi32, #tpu.memory_space<hbm>>
      tpu.wait_dma2 semaphore(%run_scoped3A : memref<!tpu.dma_semaphore, #tpu.memory_space<semaphore_mem>>) src(%dma_wait3A_31 : memref<1024xi32, #tpu.memory_space<hbm>>) dst(%arg5 : memref<1024xi32, #tpu.memory_space<vmem>>)
      tpu.yield
    }) : () -> ()
    %scan3A = arith.constant 0 : i32
    %scan3A_7 = arith.constant 0 : i32
    %scan3A_8 = arith.constant 48 : i32
    %scan3A_9 = arith.addi %scan3A_7, %scan3A_8 : i32
    %scan3A_10 = arith.constant 1 : i32
    %scan3A_11 = scf.for %scan3A_22 = %scan3A_7 to %scan3A_9 step %scan3A_10 iter_args(%scan3A_23 = %scan3A) -> (i32)  : i32 {
      %add3A_24 = arith.addi %mul3A_4, %scan3A_22 : i32
      %mul3A_25 = arith.constant 96 : i32
      %mul3A_26 = arith.muli %and3A_6, %mul3A_25 : i32
      %add3A_27 = arith.addi %mul3A_26, %add3A_24 : i32
      %mul3A_28 = arith.constant 16384 : i32
      %mul3A_29 = arith.muli %add3A_27, %mul3A_28 : i32
      %mul3A_30 = arith.constant 8 : i32
      %mul3A_31 = arith.muli %scan3A_22, %mul3A_30 : i32
      %add3A_32 = arith.constant 0 : i32
      %add3A_33 = arith.addi %mul3A_31, %add3A_32 : i32
      %get3A = arith.constant 0 : index
      %get3A_34 = tpu.vector_load %arg5[%get3A] {strides = array<i32>} : memref<1024xi32, #tpu.memory_space<vmem>>, vector<16xi32>,
      %add3A_35 = vector.broadcast %mul3A_29 : i32 to vector<16xi32>
      %add3A_36 = arith.addi %get3A_34, %add3A_35 : vector<16xi32>
      %swap3A = arith.index_cast %add3A_33 : i32 to index
      %swap3A_37 = arith.constant 0 : index
      %swap3A_38 = tpu.vector_load %arg6[%swap3A, %swap3A_37] {strides = array<i32>} : memref<384x128xi32, #tpu.memory_space<vmem>>, vector<16xi32>,
      tpu.vector_store %arg6[%swap3A, %swap3A_37], %add3A_36 {strides = array<i32>} : memref<384x128xi32, #tpu.memory_space<vmem>>, vector<16xi32>,
      %get3A_39 = arith.constant 16 : index
      %get3A_40 = tpu.vector_load %arg5[%get3A_39] {strides = array<i32>} : memref<1024xi32, #tpu.memory_space<vmem>>, vector<16xi32>,
      %add3A_41 = vector.broadcast %mul3A_29 : i32 to vector<16xi32>
      %add3A_42 = arith.addi %get3A_40, %add3A_41 : vector<16xi32>
      %swap3A_43 = arith.index_cast %add3A_33 : i32 to index
      %swap3A_44 = arith.constant 16 : index
      %swap3A_45 = tpu.vector_load %arg6[%swap3A_43, %swap3A_44] {strides = array<i32>} : memref<384x128xi32, #tpu.memory_space<vmem>>, vector<16xi32>,
      tpu.vector_store %arg6[%swap3A_43, %swap3A_44], %add3A_42 {strides = array<i32>} : memref<384x128xi32, #tpu.memory_space<vmem>>, vector<16xi32>,
      %get3A_46 = arith.constant 32 : index
      %get3A_47 = tpu.vector_load %arg5[%get3A_46] {strides = array<i32>} : memref<1024xi32, #tpu.memory_space<vmem>>, vector<16xi32>,
      %add3A_48 = vector.broadcast %mul3A_29 : i32 to vector<16xi32>
      %add3A_49 = arith.addi %get3A_47, %add3A_48 : vector<16xi32>
      %swap3A_50 = arith.index_cast %add3A_33 : i32 to index
      %swap3A_51 = arith.constant 32 : index
      %swap3A_52 = tpu.vector_load %arg6[%swap3A_50, %swap3A_51] {strides = array<i32>} : memref<384x128xi32, #tpu.memory_space<vmem>>, vector<16xi32>,
      tpu.vector_store %arg6[%swap3A_50, %swap3A_51], %add3A_49 {strides = array<i32>} : memref<384x128xi32, #tpu.memory_space<vmem>>, vector<16xi32>,
      %get3A_53 = arith.constant 48 : index
      %get3A_54 = tpu.vector_load %arg5[%get3A_53] {strides = array<i32>} : memref<1024xi32, #tpu.memory_space<vmem>>, vector<16xi32>,
      %add3A_55 = vector.broadcast %mul3A_29 : i32 to vector<16xi32>
      %add3A_56 = arith.addi %get3A_54, %add3A_55 : vector<16xi32>
      %swap3A_57 = arith.index_cast %add3A_33 : i32 to index
      %swap3A_58 = arith.constant 48 : index
      %swap3A_59 = tpu.vector_load %arg6[%swap3A_57, %swap3A_58] {strides = array<i32>} : memref<384x128xi32, #tpu.memory_space<vmem>>, vector<16xi32>,
      tpu.vector_store %arg6[%swap3A_57, %swap3A_58], %add3A_56 {strides = array<i32>} : memref<384x128xi32, #tpu.memory_space<vmem>>, vector<16xi32>,
      %get3A_60 = arith.constant 64 : index
      %get3A_61 = tpu.vector_load %arg5[%get3A_60] {strides = array<i32>} : memref<1024xi32, #tpu.memory_space<vmem>>, vector<16xi32>,
      %add3A_62 = vector.broadcast %mul3A_29 : i32 to vector<16xi32>
      %add3A_63 = arith.addi %get3A_61, %add3A_62 : vector<16xi32>
      %swap3A_64 = arith.index_cast %add3A_33 : i32 to index
      %swap3A_65 = arith.constant 64 : index
      %swap3A_66 = tpu.vector_load %arg6[%swap3A_64, %swap3A_65] {strides = array<i32>} : memref<384x128xi32, #tpu.memory_space<vmem>>, vector<16xi32>,
      tpu.vector_store %arg6[%swap3A_64, %swap3A_65], %add3A_63 {strides = array<i32>} : memref<384x128xi32, #tpu.memory_space<vmem>>, vector<16xi32>,
      %get3A_67 = arith.constant 80 : index
      %get3A_68 = tpu.vector_load %arg5[%get3A_67] {strides = array<i32>} : memref<1024xi32, #tpu.memory_space<vmem>>, vector<16xi32>,
      %add3A_69 = vector.broadcast %mul3A_29 : i32 to vector<16xi32>
      %add3A_70 = arith.addi %get3A_68, %add3A_69 : vector<16xi32>
      %swap3A_71 = arith.index_cast %add3A_33 : i32 to index
      %swap3A_72 = arith.constant 80 : index
      %swap3A_73 = tpu.vector_load %arg6[%swap3A_71, %swap3A_72] {strides = array<i32>} : memref<384x128xi32, #tpu.memory_space<vmem>>, vector<16xi32>,
      tpu.vector_store %arg6[%swap3A_71, %swap3A_72], %add3A_70 {strides = array<i32>} : memref<384x128xi32, #tpu.memory_space<vmem>>, vector<16xi32>,
      %get3A_74 = arith.constant 96 : index
      %get3A_75 = tpu.vector_load %arg5[%get3A_74] {strides = array<i32>} : memref<1024xi32, #tpu.memory_space<vmem>>, vector<16xi32>,
      %add3A_76 = vector.broadcast %mul3A_29 : i32 to vector<16xi32>
      %add3A_77 = arith.addi %get3A_75, %add3A_76 : vector<16xi32>
      %swap3A_78 = arith.index_cast %add3A_33 : i32 to index
      %swap3A_79 = arith.constant 96 : index
      %swap3A_80 = tpu.vector_load %arg6[%swap3A_78, %swap3A_79] {strides = array<i32>} : memref<384x128xi32, #tpu.memory_space<vmem>>, vector<16xi32>,
      tpu.vector_store %arg6[%swap3A_78, %swap3A_79], %add3A_77 {strides = array<i32>} : memref<384x128xi32, #tpu.memory_space<vmem>>, vector<16xi32>,
      %get3A_81 = arith.constant 112 : index
      %get3A_82 = tpu.vector_load %arg5[%get3A_81] {strides = array<i32>} : memref<1024xi32, #tpu.memory_space<vmem>>, vector<16xi32>,
      %add3A_83 = vector.broadcast %mul3A_29 : i32 to vector<16xi32>
      %add3A_84 = arith.addi %get3A_82, %add3A_83 : vector<16xi32>
      %swap3A_85 = arith.index_cast %add3A_33 : i32 to index
      %swap3A_86 = arith.constant 112 : index
      %swap3A_87 = tpu.vector_load %arg6[%swap3A_85, %swap3A_86] {strides = array<i32>} : memref<384x128xi32, #tpu.memory_space<vmem>>, vector<16xi32>,
      tpu.vector_store %arg6[%swap3A_85, %swap3A_86], %add3A_84 {strides = array<i32>} : memref<384x128xi32, #tpu.memory_space<vmem>>, vector<16xi32>,
      %dma_start3A = arith.constant 0 : i32
      %dma_start3A_88 = tpu.memref_slice %arg7[%add3A_33, %dma_start3A] : memref<384x128xf32, #tpu.memory_space<vmem>> -> memref<1x128xf32, #tpu.memory_space<vmem>>
      %dma_start3A_89 = tpu.memref_squeeze %dma_start3A_88 : memref<1x128xf32, #tpu.memory_space<vmem>> -> memref<128xf32, #tpu.memory_space<vmem>>
      %dma_start3A_90 = arith.constant 0 : i32
      %dma_start3A_91 = tpu.memref_slice %arg6[%add3A_33, %dma_start3A_90] : memref<384x128xi32, #tpu.memory_space<vmem>> -> memref<1x128xi32, #tpu.memory_space<vmem>>
      %dma_start3A_92 = tpu.memref_squeeze %dma_start3A_91 : memref<1x128xi32, #tpu.memory_space<vmem>> -> memref<128xi32, #tpu.memory_space<vmem>>
      %dma_start3A_93 = arith.constant 0 : i32
      %dma_start3A_94 = tpu.memref_slice %arg2[%dma_start3A_93] : memref<12582912xf32, #tpu.memory_space<hbm>> -> memref<12582912xf32, #tpu.memory_space<hbm>>
      tpu.enqueue_indirect_dma source(%dma_start3A_94 : memref<12582912xf32, #tpu.memory_space<hbm>>) target(%dma_start3A_89 : memref<128xf32, #tpu.memory_space<vmem>>) offsets(%dma_start3A_92 : memref<128xi32, #tpu.memory_space<vmem>>) semaphore(%arg8 : memref<!tpu.dma_semaphore, #tpu.memory_space<semaphore_mem>>)
      %mul3A_95 = arith.constant 8 : i32
      %mul3A_96 = arith.muli %scan3A_22, %mul3A_95 : i32
      %add3A_97 = arith.constant 1 : i32
      %add3A_98 = arith.addi %mul3A_96, %add3A_97 : i32
      %get3A_99 = arith.constant 128 : index
      %get3A_100 = tpu.vector_load %arg5[%get3A_99] {strides = array<i32>} : memref<1024xi32, #tpu.memory_space<vmem>>, vector<16xi32>,
      %add3A_101 = vector.broadcast %mul3A_29 : i32 to vector<16xi32>
      %add3A_102 = arith.addi %get3A_100, %add3A_101 : vector<16xi32>
      %swap3A_103 = arith.index_cast %add3A_98 : i32 to index
      %swap3A_104 = arith.constant 0 : index
      %swap3A_105 = tpu.vector_load %arg6[%swap3A_103, %swap3A_104] {strides = array<i32>} : memref<384x128xi32, #tpu.memory_space<vmem>>, vector<16xi32>,
      tpu.vector_store %arg6[%swap3A_103, %swap3A_104], %add3A_102 {strides = array<i32>} : memref<384x128xi32, #tpu.memory_space<vmem>>, vector<16xi32>,
      %get3A_106 = arith.constant 144 : index
      %get3A_107 = tpu.vector_load %arg5[%get3A_106] {strides = array<i32>} : memref<1024xi32, #tpu.memory_space<vmem>>, vector<16xi32>,
      %add3A_108 = vector.broadcast %mul3A_29 : i32 to vector<16xi32>
      %add3A_109 = arith.addi %get3A_107, %add3A_108 : vector<16xi32>
      %swap3A_110 = arith.index_cast %add3A_98 : i32 to index
      %swap3A_111 = arith.constant 16 : index
      %swap3A_112 = tpu.vector_load %arg6[%swap3A_110, %swap3A_111] {strides = array<i32>} : memref<384x128xi32, #tpu.memory_space<vmem>>, vector<16xi32>,
      tpu.vector_store %arg6[%swap3A_110, %swap3A_111], %add3A_109 {strides = array<i32>} : memref<384x128xi32, #tpu.memory_space<vmem>>, vector<16xi32>,
      %get3A_113 = arith.constant 160 : index
      %get3A_114 = tpu.vector_load %arg5[%get3A_113] {strides = array<i32>} : memref<1024xi32, #tpu.memory_space<vmem>>, vector<16xi32>,
      %add3A_115 = vector.broadcast %mul3A_29 : i32 to vector<16xi32>
      %add3A_116 = arith.addi %get3A_114, %add3A_115 : vector<16xi32>
      %swap3A_117 = arith.index_cast %add3A_98 : i32 to index
      %swap3A_118 = arith.constant 32 : index
      %swap3A_119 = tpu.vector_load %arg6[%swap3A_117, %swap3A_118] {strides = array<i32>} : memref<384x128xi32, #tpu.memory_space<vmem>>, vector<16xi32>,
      tpu.vector_store %arg6[%swap3A_117, %swap3A_118], %add3A_116 {strides = array<i32>} : memref<384x128xi32, #tpu.memory_space<vmem>>, vector<16xi32>,
      %get3A_120 = arith.constant 176 : index
      %get3A_121 = tpu.vector_load %arg5[%get3A_120] {strides = array<i32>} : memref<1024xi32, #tpu.memory_space<vmem>>, vector<16xi32>,
      %add3A_122 = vector.broadcast %mul3A_29 : i32 to vector<16xi32>
      %add3A_123 = arith.addi %get3A_121, %add3A_122 : vector<16xi32>
      %swap3A_124 = arith.index_cast %add3A_98 : i32 to index
      %swap3A_125 = arith.constant 48 : index
      %swap3A_126 = tpu.vector_load %arg6[%swap3A_124, %swap3A_125] {strides = array<i32>} : memref<384x128xi32, #tpu.memory_space<vmem>>, vector<16xi32>,
      tpu.vector_store %arg6[%swap3A_124, %swap3A_125], %add3A_123 {strides = array<i32>} : memref<384x128xi32, #tpu.memory_space<vmem>>, vector<16xi32>,
      %get3A_127 = arith.constant 192 : index
      %get3A_128 = tpu.vector_load %arg5[%get3A_127] {strides = array<i32>} : memref<1024xi32, #tpu.memory_space<vmem>>, vector<16xi32>,
      %add3A_129 = vector.broadcast %mul3A_29 : i32 to vector<16xi32>
      %add3A_130 = arith.addi %get3A_128, %add3A_129 : vector<16xi32>
      %swap3A_131 = arith.index_cast %add3A_98 : i32 to index
      %swap3A_132 = arith.constant 64 : index
      %swap3A_133 = tpu.vector_load %arg6[%swap3A_131, %swap3A_132] {strides = array<i32>} : memref<384x128xi32, #tpu.memory_space<vmem>>, vector<16xi32>,
      tpu.vector_store %arg6[%swap3A_131, %swap3A_132], %add3A_130 {strides = array<i32>} : memref<384x128xi32, #tpu.memory_space<vmem>>, vector<16xi32>,
      %get3A_134 = arith.constant 208 : index
      %get3A_135 = tpu.vector_load %arg5[%get3A_134] {strides = array<i32>} : memref<1024xi32, #tpu.memory_space<vmem>>, vector<16xi32>,
      %add3A_136 = vector.broadcast %mul3A_29 : i32 to vector<16xi32>
      %add3A_137 = arith.addi %get3A_135, %add3A_136 : vector<16xi32>
      %swap3A_138 = arith.index_cast %add3A_98 : i32 to index
      %swap3A_139 = arith.constant 80 : index
      %swap3A_140 = tpu.vector_load %arg6[%swap3A_138, %swap3A_139] {strides = array<i32>} : memref<384x128xi32, #tpu.memory_space<vmem>>, vector<16xi32>,
      tpu.vector_store %arg6[%swap3A_138, %swap3A_139], %add3A_137 {strides = array<i32>} : memref<384x128xi32, #tpu.memory_space<vmem>>, vector<16xi32>,
      %get3A_141 = arith.constant 224 : index
      %get3A_142 = tpu.vector_load %arg5[%get3A_141] {strides = array<i32>} : memref<1024xi32, #tpu.memory_space<vmem>>, vector<16xi32>,
      %add3A_143 = vector.broadcast %mul3A_29 : i32 to vector<16xi32>
      %add3A_144 = arith.addi %get3A_142, %add3A_143 : vector<16xi32>
      %swap3A_145 = arith.index_cast %add3A_98 : i32 to index
      %swap3A_146 = arith.constant 96 : index
      %swap3A_147 = tpu.vector_load %arg6[%swap3A_145, %swap3A_146] {strides = array<i32>} : memref<384x128xi32, #tpu.memory_space<vmem>>, vector<16xi32>,
      tpu.vector_store %arg6[%swap3A_145, %swap3A_146], %add3A_144 {strides = array<i32>} : memref<384x128xi32, #tpu.memory_space<vmem>>, vector<16xi32>,
      %get3A_148 = arith.constant 240 : index
      %get3A_149 = tpu.vector_load %arg5[%get3A_148] {strides = array<i32>} : memref<1024xi32, #tpu.memory_space<vmem>>, vector<16xi32>,
      %add3A_150 = vector.broadcast %mul3A_29 : i32 to vector<16xi32>
      %add3A_151 = arith.addi %get3A_149, %add3A_150 : vector<16xi32>
      %swap3A_152 = arith.index_cast %add3A_98 : i32 to index
      %swap3A_153 = arith.constant 112 : index
      %swap3A_154 = tpu.vector_load %arg6[%swap3A_152, %swap3A_153] {strides = array<i32>} : memref<384x128xi32, #tpu.memory_space<vmem>>, vector<16xi32>,
      tpu.vector_store %arg6[%swap3A_152, %swap3A_153], %add3A_151 {strides = array<i32>} : memref<384x128xi32, #tpu.memory_space<vmem>>, vector<16xi32>,
      %dma_start3A_155 = arith.constant 0 : i32
      %dma_start3A_156 = tpu.memref_slice %arg7[%add3A_98, %dma_start3A_155] : memref<384x128xf32, #tpu.memory_space<vmem>> -> memref<1x128xf32, #tpu.memory_space<vmem>>
      %dma_start3A_157 = tpu.memref_squeeze %dma_start3A_156 : memref<1x128xf32, #tpu.memory_space<vmem>> -> memref<128xf32, #tpu.memory_space<vmem>>
      %dma_start3A_158 = arith.constant 0 : i32
      %dma_start3A_159 = tpu.memref_slice %arg6[%add3A_98, %dma_start3A_158] : memref<384x128xi32, #tpu.memory_space<vmem>> -> memref<1x128xi32, #tpu.memory_space<vmem>>
      %dma_start3A_160 = tpu.memref_squeeze %dma_start3A_159 : memref<1x128xi32, #tpu.memory_space<vmem>> -> memref<128xi32, #tpu.memory_space<vmem>>
      %dma_start3A_161 = arith.constant 0 : i32
      %dma_start3A_162 = tpu.memref_slice %arg2[%dma_start3A_161] : memref<12582912xf32, #tpu.memory_space<hbm>> -> memref<12582912xf32, #tpu.memory_space<hbm>>
      tpu.enqueue_indirect_dma source(%dma_start3A_162 : memref<12582912xf32, #tpu.memory_space<hbm>>) target(%dma_start3A_157 : memref<128xf32, #tpu.memory_space<vmem>>) offsets(%dma_start3A_160 : memref<128xi32, #tpu.memory_space<vmem>>) semaphore(%arg8 : memref<!tpu.dma_semaphore, #tpu.memory_space<semaphore_mem>>)
      %mul3A_163 = arith.constant 8 : i32
      %mul3A_164 = arith.muli %scan3A_22, %mul3A_163 : i32
      %add3A_165 = arith.constant 2 : i32
      %add3A_166 = arith.addi %mul3A_164, %add3A_165 : i32
      %get3A_167 = arith.constant 256 : index
      %get3A_168 = tpu.vector_load %arg5[%get3A_167] {strides = array<i32>} : memref<1024xi32, #tpu.memory_space<vmem>>, vector<16xi32>,
      %add3A_169 = vector.broadcast %mul3A_29 : i32 to vector<16xi32>
      %add3A_170 = arith.addi %get3A_168, %add3A_169 : vector<16xi32>
      %swap3A_171 = arith.index_cast %add3A_166 : i32 to index
      %swap3A_172 = arith.constant 0 : index
      %swap3A_173 = tpu.vector_load %arg6[%swap3A_171, %swap3A_172] {strides = array<i32>} : memref<384x128xi32, #tpu.memory_space<vmem>>, vector<16xi32>,
      tpu.vector_store %arg6[%swap3A_171, %swap3A_172], %add3A_170 {strides = array<i32>} : memref<384x128xi32, #tpu.memory_space<vmem>>, vector<16xi32>,
      %get3A_174 = arith.constant 272 : index
      %get3A_175 = tpu.vector_load %arg5[%get3A_174] {strides = array<i32>} : memref<1024xi32, #tpu.memory_space<vmem>>, vector<16xi32>,
      %add3A_176 = vector.broadcast %mul3A_29 : i32 to vector<16xi32>
      %add3A_177 = arith.addi %get3A_175, %add3A_176 : vector<16xi32>
      %swap3A_178 = arith.index_cast %add3A_166 : i32 to index
      %swap3A_179 = arith.constant 16 : index
      %swap3A_180 = tpu.vector_load %arg6[%swap3A_178, %swap3A_179] {strides = array<i32>} : memref<384x128xi32, #tpu.memory_space<vmem>>, vector<16xi32>,
      tpu.vector_store %arg6[%swap3A_178, %swap3A_179], %add3A_177 {strides = array<i32>} : memref<384x128xi32, #tpu.memory_space<vmem>>, vector<16xi32>,
      %get3A_181 = arith.constant 288 : index
      %get3A_182 = tpu.vector_load %arg5[%get3A_181] {strides = array<i32>} : memref<1024xi32, #tpu.memory_space<vmem>>, vector<16xi32>,
      %add3A_183 = vector.broadcast %mul3A_29 : i32 to vector<16xi32>
      %add3A_184 = arith.addi %get3A_182, %add3A_183 : vector<16xi32>
      %swap3A_185 = arith.index_cast %add3A_166 : i32 to index
      %swap3A_186 = arith.constant 32 : index
      %swap3A_187 = tpu.vector_load %arg6[%swap3A_185, %swap3A_186] {strides = array<i32>} : memref<384x128xi32, #tpu.memory_space<vmem>>, vector<16xi32>,
      tpu.vector_store %arg6[%swap3A_185, %swap3A_186], %add3A_184 {strides = array<i32>} : memref<384x128xi32, #tpu.memory_space<vmem>>, vector<16xi32>,
      %get3A_188 = arith.constant 304 : index
      %get3A_189 = tpu.vector_load %arg5[%get3A_188] {strides = array<i32>} : memref<1024xi32, #tpu.memory_space<vmem>>, vector<16xi32>,
      %add3A_190 = vector.broadcast %mul3A_29 : i32 to vector<16xi32>
      %add3A_191 = arith.addi %get3A_189, %add3A_190 : vector<16xi32>
      %swap3A_192 = arith.index_cast %add3A_166 : i32 to index
      %swap3A_193 = arith.constant 48 : index
      %swap3A_194 = tpu.vector_load %arg6[%swap3A_192, %swap3A_193] {strides = array<i32>} : memref<384x128xi32, #tpu.memory_space<vmem>>, vector<16xi32>,
      tpu.vector_store %arg6[%swap3A_192, %swap3A_193], %add3A_191 {strides = array<i32>} : memref<384x128xi32, #tpu.memory_space<vmem>>, vector<16xi32>,
      %get3A_195 = arith.constant 320 : index
      %get3A_196 = tpu.vector_load %arg5[%get3A_195] {strides = array<i32>} : memref<1024xi32, #tpu.memory_space<vmem>>, vector<16xi32>,
      %add3A_197 = vector.broadcast %mul3A_29 : i32 to vector<16xi32>
      %add3A_198 = arith.addi %get3A_196, %add3A_197 : vector<16xi32>
      %swap3A_199 = arith.index_cast %add3A_166 : i32 to index
      %swap3A_200 = arith.constant 64 : index
      %swap3A_201 = tpu.vector_load %arg6[%swap3A_199, %swap3A_200] {strides = array<i32>} : memref<384x128xi32, #tpu.memory_space<vmem>>, vector<16xi32>,
      tpu.vector_store %arg6[%swap3A_199, %swap3A_200], %add3A_198 {strides = array<i32>} : memref<384x128xi32, #tpu.memory_space<vmem>>, vector<16xi32>,
      %get3A_202 = arith.constant 336 : index
      %get3A_203 = tpu.vector_load %arg5[%get3A_202] {strides = array<i32>} : memref<1024xi32, #tpu.memory_space<vmem>>, vector<16xi32>,
      %add3A_204 = vector.broadcast %mul3A_29 : i32 to vector<16xi32>
      %add3A_205 = arith.addi %get3A_203, %add3A_204 : vector<16xi32>
      %swap3A_206 = arith.index_cast %add3A_166 : i32 to index
      %swap3A_207 = arith.constant 80 : index
      %swap3A_208 = tpu.vector_load %arg6[%swap3A_206, %swap3A_207] {strides = array<i32>} : memref<384x128xi32, #tpu.memory_space<vmem>>, vector<16xi32>,
      tpu.vector_store %arg6[%swap3A_206, %swap3A_207], %add3A_205 {strides = array<i32>} : memref<384x128xi32, #tpu.memory_space<vmem>>, vector<16xi32>,
      %get3A_209 = arith.constant 352 : index
      %get3A_210 = tpu.vector_load %arg5[%get3A_209] {strides = array<i32>} : memref<1024xi32, #tpu.memory_space<vmem>>, vector<16xi32>,
      %add3A_211 = vector.broadcast %mul3A_29 : i32 to vector<16xi32>
      %add3A_212 = arith.addi %get3A_210, %add3A_211 : vector<16xi32>
      %swap3A_213 = arith.index_cast %add3A_166 : i32 to index
      %swap3A_214 = arith.constant 96 : index
      %swap3A_215 = tpu.vector_load %arg6[%swap3A_213, %swap3A_214] {strides = array<i32>} : memref<384x128xi32, #tpu.memory_space<vmem>>, vector<16xi32>,
      tpu.vector_store %arg6[%swap3A_213, %swap3A_214], %add3A_212 {strides = array<i32>} : memref<384x128xi32, #tpu.memory_space<vmem>>, vector<16xi32>,
      %get3A_216 = arith.constant 368 : index
      %get3A_217 = tpu.vector_load %arg5[%get3A_216] {strides = array<i32>} : memref<1024xi32, #tpu.memory_space<vmem>>, vector<16xi32>,
      %add3A_218 = vector.broadcast %mul3A_29 : i32 to vector<16xi32>
      %add3A_219 = arith.addi %get3A_217, %add3A_218 : vector<16xi32>
      %swap3A_220 = arith.index_cast %add3A_166 : i32 to index
      %swap3A_221 = arith.constant 112 : index
      %swap3A_222 = tpu.vector_load %arg6[%swap3A_220, %swap3A_221] {strides = array<i32>} : memref<384x128xi32, #tpu.memory_space<vmem>>, vector<16xi32>,
      tpu.vector_store %arg6[%swap3A_220, %swap3A_221], %add3A_219 {strides = array<i32>} : memref<384x128xi32, #tpu.memory_space<vmem>>, vector<16xi32>,
      %dma_start3A_223 = arith.constant 0 : i32
      %dma_start3A_224 = tpu.memref_slice %arg7[%add3A_166, %dma_start3A_223] : memref<384x128xf32, #tpu.memory_space<vmem>> -> memref<1x128xf32, #tpu.memory_space<vmem>>
      %dma_start3A_225 = tpu.memref_squeeze %dma_start3A_224 : memref<1x128xf32, #tpu.memory_space<vmem>> -> memref<128xf32, #tpu.memory_space<vmem>>
      %dma_start3A_226 = arith.constant 0 : i32
      %dma_start3A_227 = tpu.memref_slice %arg6[%add3A_166, %dma_start3A_226] : memref<384x128xi32, #tpu.memory_space<vmem>> -> memref<1x128xi32, #tpu.memory_space<vmem>>
      %dma_start3A_228 = tpu.memref_squeeze %dma_start3A_227 : memref<1x128xi32, #tpu.memory_space<vmem>> -> memref<128xi32, #tpu.memory_space<vmem>>
      %dma_start3A_229 = arith.constant 0 : i32
      %dma_start3A_230 = tpu.memref_slice %arg2[%dma_start3A_229] : memref<12582912xf32, #tpu.memory_space<hbm>> -> memref<12582912xf32, #tpu.memory_space<hbm>>
      tpu.enqueue_indirect_dma source(%dma_start3A_230 : memref<12582912xf32, #tpu.memory_space<hbm>>) target(%dma_start3A_225 : memref<128xf32, #tpu.memory_space<vmem>>) offsets(%dma_start3A_228 : memref<128xi32, #tpu.memory_space<vmem>>) semaphore(%arg8 : memref<!tpu.dma_semaphore, #tpu.memory_space<semaphore_mem>>)
      %mul3A_231 = arith.constant 8 : i32
      %mul3A_232 = arith.muli %scan3A_22, %mul3A_231 : i32
      %add3A_233 = arith.constant 3 : i32
      %add3A_234 = arith.addi %mul3A_232, %add3A_233 : i32
      %get3A_235 = arith.constant 384 : index
      %get3A_236 = tpu.vector_load %arg5[%get3A_235] {strides = array<i32>} : memref<1024xi32, #tpu.memory_space<vmem>>, vector<16xi32>,
      %add3A_237 = vector.broadcast %mul3A_29 : i32 to vector<16xi32>
      %add3A_238 = arith.addi %get3A_236, %add3A_237 : vector<16xi32>
      %swap3A_239 = arith.index_cast %add3A_234 : i32 to index
      %swap3A_240 = arith.constant 0 : index
      %swap3A_241 = tpu.vector_load %arg6[%swap3A_239, %swap3A_240] {strides = array<i32>} : memref<384x128xi32, #tpu.memory_space<vmem>>, vector<16xi32>,
      tpu.vector_store %arg6[%swap3A_239, %swap3A_240], %add3A_238 {strides = array<i32>} : memref<384x128xi32, #tpu.memory_space<vmem>>, vector<16xi32>,
      %get3A_242 = arith.constant 400 : index
      %get3A_243 = tpu.vector_load %arg5[%get3A_242] {strides = array<i32>} : memref<1024xi32, #tpu.memory_space<vmem>>, vector<16xi32>,
      %add3A_244 = vector.broadcast %mul3A_29 : i32 to vector<16xi32>
      %add3A_245 = arith.addi %get3A_243, %add3A_244 : vector<16xi32>
      %swap3A_246 = arith.index_cast %add3A_234 : i32 to index
      %swap3A_247 = arith.constant 16 : index
      %swap3A_248 = tpu.vector_load %arg6[%swap3A_246, %swap3A_247] {strides = array<i32>} : memref<384x128xi32, #tpu.memory_space<vmem>>, vector<16xi32>,
      tpu.vector_store %arg6[%swap3A_246, %swap3A_247], %add3A_245 {strides = array<i32>} : memref<384x128xi32, #tpu.memory_space<vmem>>, vector<16xi32>,
      %get3A_249 = arith.constant 416 : index
      %get3A_250 = tpu.vector_load %arg5[%get3A_249] {strides = array<i32>} : memref<1024xi32, #tpu.memory_space<vmem>>, vector<16xi32>,
      %add3A_251 = vector.broadcast %mul3A_29 : i32 to vector<16xi32>
      %add3A_252 = arith.addi %get3A_250, %add3A_251 : vector<16xi32>
      %swap3A_253 = arith.index_cast %add3A_234 : i32 to index
      %swap3A_254 = arith.constant 32 : index
      %swap3A_255 = tpu.vector_load %arg6[%swap3A_253, %swap3A_254] {strides = array<i32>} : memref<384x128xi32, #tpu.memory_space<vmem>>, vector<16xi32>,
      tpu.vector_store %arg6[%swap3A_253, %swap3A_254], %add3A_252 {strides = array<i32>} : memref<384x128xi32, #tpu.memory_space<vmem>>, vector<16xi32>,
      %get3A_256 = arith.constant 432 : index
      %get3A_257 = tpu.vector_load %arg5[%get3A_256] {strides = array<i32>} : memref<1024xi32, #tpu.memory_space<vmem>>, vector<16xi32>,
      %add3A_258 = vector.broadcast %mul3A_29 : i32 to vector<16xi32>
      %add3A_259 = arith.addi %get3A_257, %add3A_258 : vector<16xi32>
      %swap3A_260 = arith.index_cast %add3A_234 : i32 to index
      %swap3A_261 = arith.constant 48 : index
      %swap3A_262 = tpu.vector_load %arg6[%swap3A_260, %swap3A_261] {strides = array<i32>} : memref<384x128xi32, #tpu.memory_space<vmem>>, vector<16xi32>,
      tpu.vector_store %arg6[%swap3A_260, %swap3A_261], %add3A_259 {strides = array<i32>} : memref<384x128xi32, #tpu.memory_space<vmem>>, vector<16xi32>,
      %get3A_263 = arith.constant 448 : index
      %get3A_264 = tpu.vector_load %arg5[%get3A_263] {strides = array<i32>} : memref<1024xi32, #tpu.memory_space<vmem>>, vector<16xi32>,
      %add3A_265 = vector.broadcast %mul3A_29 : i32 to vector<16xi32>
      %add3A_266 = arith.addi %get3A_264, %add3A_265 : vector<16xi32>
      %swap3A_267 = arith.index_cast %add3A_234 : i32 to index
      %swap3A_268 = arith.constant 64 : index
      %swap3A_269 = tpu.vector_load %arg6[%swap3A_267, %swap3A_268] {strides = array<i32>} : memref<384x128xi32, #tpu.memory_space<vmem>>, vector<16xi32>,
      tpu.vector_store %arg6[%swap3A_267, %swap3A_268], %add3A_266 {strides = array<i32>} : memref<384x128xi32, #tpu.memory_space<vmem>>, vector<16xi32>,
      %get3A_270 = arith.constant 464 : index
      %get3A_271 = tpu.vector_load %arg5[%get3A_270] {strides = array<i32>} : memref<1024xi32, #tpu.memory_space<vmem>>, vector<16xi32>,
      %add3A_272 = vector.broadcast %mul3A_29 : i32 to vector<16xi32>
      %add3A_273 = arith.addi %get3A_271, %add3A_272 : vector<16xi32>
      %swap3A_274 = arith.index_cast %add3A_234 : i32 to index
      %swap3A_275 = arith.constant 80 : index
      %swap3A_276 = tpu.vector_load %arg6[%swap3A_274, %swap3A_275] {strides = array<i32>} : memref<384x128xi32, #tpu.memory_space<vmem>>, vector<16xi32>,
      tpu.vector_store %arg6[%swap3A_274, %swap3A_275], %add3A_273 {strides = array<i32>} : memref<384x128xi32, #tpu.memory_space<vmem>>, vector<16xi32>,
      %get3A_277 = arith.constant 480 : index
      %get3A_278 = tpu.vector_load %arg5[%get3A_277] {strides = array<i32>} : memref<1024xi32, #tpu.memory_space<vmem>>, vector<16xi32>,
      %add3A_279 = vector.broadcast %mul3A_29 : i32 to vector<16xi32>
      %add3A_280 = arith.addi %get3A_278, %add3A_279 : vector<16xi32>
      %swap3A_281 = arith.index_cast %add3A_234 : i32 to index
      %swap3A_282 = arith.constant 96 : index
      %swap3A_283 = tpu.vector_load %arg6[%swap3A_281, %swap3A_282] {strides = array<i32>} : memref<384x128xi32, #tpu.memory_space<vmem>>, vector<16xi32>,
      tpu.vector_store %arg6[%swap3A_281, %swap3A_282], %add3A_280 {strides = array<i32>} : memref<384x128xi32, #tpu.memory_space<vmem>>, vector<16xi32>,
      %get3A_284 = arith.constant 496 : index
      %get3A_285 = tpu.vector_load %arg5[%get3A_284] {strides = array<i32>} : memref<1024xi32, #tpu.memory_space<vmem>>, vector<16xi32>,
      %add3A_286 = vector.broadcast %mul3A_29 : i32 to vector<16xi32>
      %add3A_287 = arith.addi %get3A_285, %add3A_286 : vector<16xi32>
      %swap3A_288 = arith.index_cast %add3A_234 : i32 to index
      %swap3A_289 = arith.constant 112 : index
      %swap3A_290 = tpu.vector_load %arg6[%swap3A_288, %swap3A_289] {strides = array<i32>} : memref<384x128xi32, #tpu.memory_space<vmem>>, vector<16xi32>,
      tpu.vector_store %arg6[%swap3A_288, %swap3A_289], %add3A_287 {strides = array<i32>} : memref<384x128xi32, #tpu.memory_space<vmem>>, vector<16xi32>,
      %dma_start3A_291 = arith.constant 0 : i32
      %dma_start3A_292 = tpu.memref_slice %arg7[%add3A_234, %dma_start3A_291] : memref<384x128xf32, #tpu.memory_space<vmem>> -> memref<1x128xf32, #tpu.memory_space<vmem>>
      %dma_start3A_293 = tpu.memref_squeeze %dma_start3A_292 : memref<1x128xf32, #tpu.memory_space<vmem>> -> memref<128xf32, #tpu.memory_space<vmem>>
      %dma_start3A_294 = arith.constant 0 : i32
      %dma_start3A_295 = tpu.memref_slice %arg6[%add3A_234, %dma_start3A_294] : memref<384x128xi32, #tpu.memory_space<vmem>> -> memref<1x128xi32, #tpu.memory_space<vmem>>
      %dma_start3A_296 = tpu.memref_squeeze %dma_start3A_295 : memref<1x128xi32, #tpu.memory_space<vmem>> -> memref<128xi32, #tpu.memory_space<vmem>>
      %dma_start3A_297 = arith.constant 0 : i32
      %dma_start3A_298 = tpu.memref_slice %arg2[%dma_start3A_297] : memref<12582912xf32, #tpu.memory_space<hbm>> -> memref<12582912xf32, #tpu.memory_space<hbm>>
      tpu.enqueue_indirect_dma source(%dma_start3A_298 : memref<12582912xf32, #tpu.memory_space<hbm>>) target(%dma_start3A_293 : memref<128xf32, #tpu.memory_space<vmem>>) offsets(%dma_start3A_296 : memref<128xi32, #tpu.memory_space<vmem>>) semaphore(%arg8 : memref<!tpu.dma_semaphore, #tpu.memory_space<semaphore_mem>>)
      %mul3A_299 = arith.constant 8 : i32
      %mul3A_300 = arith.muli %scan3A_22, %mul3A_299 : i32
      %add3A_301 = arith.constant 4 : i32
      %add3A_302 = arith.addi %mul3A_300, %add3A_301 : i32
      %get3A_303 = arith.constant 512 : index
      %get3A_304 = tpu.vector_load %arg5[%get3A_303] {strides = array<i32>} : memref<1024xi32, #tpu.memory_space<vmem>>, vector<16xi32>,
      %add3A_305 = vector.broadcast %mul3A_29 : i32 to vector<16xi32>
      %add3A_306 = arith.addi %get3A_304, %add3A_305 : vector<16xi32>
      %swap3A_307 = arith.index_cast %add3A_302 : i32 to index
      %swap3A_308 = arith.constant 0 : index
      %swap3A_309 = tpu.vector_load %arg6[%swap3A_307, %swap3A_308] {strides = array<i32>} : memref<384x128xi32, #tpu.memory_space<vmem>>, vector<16xi32>,
      tpu.vector_store %arg6[%swap3A_307, %swap3A_308], %add3A_306 {strides = array<i32>} : memref<384x128xi32, #tpu.memory_space<vmem>>, vector<16xi32>,
      %get3A_310 = arith.constant 528 : index
      %get3A_311 = tpu.vector_load %arg5[%get3A_310] {strides = array<i32>} : memref<1024xi32, #tpu.memory_space<vmem>>, vector<16xi32>,
      %add3A_312 = vector.broadcast %mul3A_29 : i32 to vector<16xi32>
      %add3A_313 = arith.addi %get3A_311, %add3A_312 : vector<16xi32>
      %swap3A_314 = arith.index_cast %add3A_302 : i32 to index
      %swap3A_315 = arith.constant 16 : index
      %swap3A_316 = tpu.vector_load %arg6[%swap3A_314, %swap3A_315] {strides = array<i32>} : memref<384x128xi32, #tpu.memory_space<vmem>>, vector<16xi32>,
      tpu.vector_store %arg6[%swap3A_314, %swap3A_315], %add3A_313 {strides = array<i32>} : memref<384x128xi32, #tpu.memory_space<vmem>>, vector<16xi32>,
      %get3A_317 = arith.constant 544 : index
      %get3A_318 = tpu.vector_load %arg5[%get3A_317] {strides = array<i32>} : memref<1024xi32, #tpu.memory_space<vmem>>, vector<16xi32>,
      %add3A_319 = vector.broadcast %mul3A_29 : i32 to vector<16xi32>
      %add3A_320 = arith.addi %get3A_318, %add3A_319 : vector<16xi32>
      %swap3A_321 = arith.index_cast %add3A_302 : i32 to index
      %swap3A_322 = arith.constant 32 : index
      %swap3A_323 = tpu.vector_load %arg6[%swap3A_321, %swap3A_322] {strides = array<i32>} : memref<384x128xi32, #tpu.memory_space<vmem>>, vector<16xi32>,
      tpu.vector_store %arg6[%swap3A_321, %swap3A_322], %add3A_320 {strides = array<i32>} : memref<384x128xi32, #tpu.memory_space<vmem>>, vector<16xi32>,
      %get3A_324 = arith.constant 560 : index
      %get3A_325 = tpu.vector_load %arg5[%get3A_324] {strides = array<i32>} : memref<1024xi32, #tpu.memory_space<vmem>>, vector<16xi32>,
      %add3A_326 = vector.broadcast %mul3A_29 : i32 to vector<16xi32>
      %add3A_327 = arith.addi %get3A_325, %add3A_326 : vector<16xi32>
      %swap3A_328 = arith.index_cast %add3A_302 : i32 to index
      %swap3A_329 = arith.constant 48 : index
      %swap3A_330 = tpu.vector_load %arg6[%swap3A_328, %swap3A_329] {strides = array<i32>} : memref<384x128xi32, #tpu.memory_space<vmem>>, vector<16xi32>,
      tpu.vector_store %arg6[%swap3A_328, %swap3A_329], %add3A_327 {strides = array<i32>} : memref<384x128xi32, #tpu.memory_space<vmem>>, vector<16xi32>,
      %get3A_331 = arith.constant 576 : index
      %get3A_332 = tpu.vector_load %arg5[%get3A_331] {strides = array<i32>} : memref<1024xi32, #tpu.memory_space<vmem>>, vector<16xi32>,
      %add3A_333 = vector.broadcast %mul3A_29 : i32 to vector<16xi32>
      %add3A_334 = arith.addi %get3A_332, %add3A_333 : vector<16xi32>
      %swap3A_335 = arith.index_cast %add3A_302 : i32 to index
      %swap3A_336 = arith.constant 64 : index
      %swap3A_337 = tpu.vector_load %arg6[%swap3A_335, %swap3A_336] {strides = array<i32>} : memref<384x128xi32, #tpu.memory_space<vmem>>, vector<16xi32>,
      tpu.vector_store %arg6[%swap3A_335, %swap3A_336], %add3A_334 {strides = array<i32>} : memref<384x128xi32, #tpu.memory_space<vmem>>, vector<16xi32>,
      %get3A_338 = arith.constant 592 : index
      %get3A_339 = tpu.vector_load %arg5[%get3A_338] {strides = array<i32>} : memref<1024xi32, #tpu.memory_space<vmem>>, vector<16xi32>,
      %add3A_340 = vector.broadcast %mul3A_29 : i32 to vector<16xi32>
      %add3A_341 = arith.addi %get3A_339, %add3A_340 : vector<16xi32>
      %swap3A_342 = arith.index_cast %add3A_302 : i32 to index
      %swap3A_343 = arith.constant 80 : index
      %swap3A_344 = tpu.vector_load %arg6[%swap3A_342, %swap3A_343] {strides = array<i32>} : memref<384x128xi32, #tpu.memory_space<vmem>>, vector<16xi32>,
      tpu.vector_store %arg6[%swap3A_342, %swap3A_343], %add3A_341 {strides = array<i32>} : memref<384x128xi32, #tpu.memory_space<vmem>>, vector<16xi32>,
      %get3A_345 = arith.constant 608 : index
      %get3A_346 = tpu.vector_load %arg5[%get3A_345] {strides = array<i32>} : memref<1024xi32, #tpu.memory_space<vmem>>, vector<16xi32>,
      %add3A_347 = vector.broadcast %mul3A_29 : i32 to vector<16xi32>
      %add3A_348 = arith.addi %get3A_346, %add3A_347 : vector<16xi32>
      %swap3A_349 = arith.index_cast %add3A_302 : i32 to index
      %swap3A_350 = arith.constant 96 : index
      %swap3A_351 = tpu.vector_load %arg6[%swap3A_349, %swap3A_350] {strides = array<i32>} : memref<384x128xi32, #tpu.memory_space<vmem>>, vector<16xi32>,
      tpu.vector_store %arg6[%swap3A_349, %swap3A_350], %add3A_348 {strides = array<i32>} : memref<384x128xi32, #tpu.memory_space<vmem>>, vector<16xi32>,
      %get3A_352 = arith.constant 624 : index
      %get3A_353 = tpu.vector_load %arg5[%get3A_352] {strides = array<i32>} : memref<1024xi32, #tpu.memory_space<vmem>>, vector<16xi32>,
      %add3A_354 = vector.broadcast %mul3A_29 : i32 to vector<16xi32>
      %add3A_355 = arith.addi %get3A_353, %add3A_354 : vector<16xi32>
      %swap3A_356 = arith.index_cast %add3A_302 : i32 to index
      %swap3A_357 = arith.constant 112 : index
      %swap3A_358 = tpu.vector_load %arg6[%swap3A_356, %swap3A_357] {strides = array<i32>} : memref<384x128xi32, #tpu.memory_space<vmem>>, vector<16xi32>,
      tpu.vector_store %arg6[%swap3A_356, %swap3A_357], %add3A_355 {strides = array<i32>} : memref<384x128xi32, #tpu.memory_space<vmem>>, vector<16xi32>,
      %dma_start3A_359 = arith.constant 0 : i32
      %dma_start3A_360 = tpu.memref_slice %arg7[%add3A_302, %dma_start3A_359] : memref<384x128xf32, #tpu.memory_space<vmem>> -> memref<1x128xf32, #tpu.memory_space<vmem>>
      %dma_start3A_361 = tpu.memref_squeeze %dma_start3A_360 : memref<1x128xf32, #tpu.memory_space<vmem>> -> memref<128xf32, #tpu.memory_space<vmem>>
      %dma_start3A_362 = arith.constant 0 : i32
      %dma_start3A_363 = tpu.memref_slice %arg6[%add3A_302, %dma_start3A_362] : memref<384x128xi32, #tpu.memory_space<vmem>> -> memref<1x128xi32, #tpu.memory_space<vmem>>
      %dma_start3A_364 = tpu.memref_squeeze %dma_start3A_363 : memref<1x128xi32, #tpu.memory_space<vmem>> -> memref<128xi32, #tpu.memory_space<vmem>>
      %dma_start3A_365 = arith.constant 0 : i32
      %dma_start3A_366 = tpu.memref_slice %arg2[%dma_start3A_365] : memref<12582912xf32, #tpu.memory_space<hbm>> -> memref<12582912xf32, #tpu.memory_space<hbm>>
      tpu.enqueue_indirect_dma source(%dma_start3A_366 : memref<12582912xf32, #tpu.memory_space<hbm>>) target(%dma_start3A_361 : memref<128xf32, #tpu.memory_space<vmem>>) offsets(%dma_start3A_364 : memref<128xi32, #tpu.memory_space<vmem>>) semaphore(%arg8 : memref<!tpu.dma_semaphore, #tpu.memory_space<semaphore_mem>>)
      %mul3A_367 = arith.constant 8 : i32
      %mul3A_368 = arith.muli %scan3A_22, %mul3A_367 : i32
      %add3A_369 = arith.constant 5 : i32
      %add3A_370 = arith.addi %mul3A_368, %add3A_369 : i32
      %get3A_371 = arith.constant 640 : index
      %get3A_372 = tpu.vector_load %arg5[%get3A_371] {strides = array<i32>} : memref<1024xi32, #tpu.memory_space<vmem>>, vector<16xi32>,
      %add3A_373 = vector.broadcast %mul3A_29 : i32 to vector<16xi32>
      %add3A_374 = arith.addi %get3A_372, %add3A_373 : vector<16xi32>
      %swap3A_375 = arith.index_cast %add3A_370 : i32 to index
      %swap3A_376 = arith.constant 0 : index
      %swap3A_377 = tpu.vector_load %arg6[%swap3A_375, %swap3A_376] {strides = array<i32>} : memref<384x128xi32, #tpu.memory_space<vmem>>, vector<16xi32>,
      tpu.vector_store %arg6[%swap3A_375, %swap3A_376], %add3A_374 {strides = array<i32>} : memref<384x128xi32, #tpu.memory_space<vmem>>, vector<16xi32>,
      %get3A_378 = arith.constant 656 : index
      %get3A_379 = tpu.vector_load %arg5[%get3A_378] {strides = array<i32>} : memref<1024xi32, #tpu.memory_space<vmem>>, vector<16xi32>,
      %add3A_380 = vector.broadcast %mul3A_29 : i32 to vector<16xi32>
      %add3A_381 = arith.addi %get3A_379, %add3A_380 : vector<16xi32>
      %swap3A_382 = arith.index_cast %add3A_370 : i32 to index
      %swap3A_383 = arith.constant 16 : index
      %swap3A_384 = tpu.vector_load %arg6[%swap3A_382, %swap3A_383] {strides = array<i32>} : memref<384x128xi32, #tpu.memory_space<vmem>>, vector<16xi32>,
      tpu.vector_store %arg6[%swap3A_382, %swap3A_383], %add3A_381 {strides = array<i32>} : memref<384x128xi32, #tpu.memory_space<vmem>>, vector<16xi32>,
      %get3A_385 = arith.constant 672 : index
      %get3A_386 = tpu.vector_load %arg5[%get3A_385] {strides = array<i32>} : memref<1024xi32, #tpu.memory_space<vmem>>, vector<16xi32>,
      %add3A_387 = vector.broadcast %mul3A_29 : i32 to vector<16xi32>
      %add3A_388 = arith.addi %get3A_386, %add3A_387 : vector<16xi32>
      %swap3A_389 = arith.index_cast %add3A_370 : i32 to index
      %swap3A_390 = arith.constant 32 : index
      %swap3A_391 = tpu.vector_load %arg6[%swap3A_389, %swap3A_390] {strides = array<i32>} : memref<384x128xi32, #tpu.memory_space<vmem>>, vector<16xi32>,
      tpu.vector_store %arg6[%swap3A_389, %swap3A_390], %add3A_388 {strides = array<i32>} : memref<384x128xi32, #tpu.memory_space<vmem>>, vector<16xi32>,
      %get3A_392 = arith.constant 688 : index
      %get3A_393 = tpu.vector_load %arg5[%get3A_392] {strides = array<i32>} : memref<1024xi32, #tpu.memory_space<vmem>>, vector<16xi32>,
      %add3A_394 = vector.broadcast %mul3A_29 : i32 to vector<16xi32>
      %add3A_395 = arith.addi %get3A_393, %add3A_394 : vector<16xi32>
      %swap3A_396 = arith.index_cast %add3A_370 : i32 to index
      %swap3A_397 = arith.constant 48 : index
      %swap3A_398 = tpu.vector_load %arg6[%swap3A_396, %swap3A_397] {strides = array<i32>} : memref<384x128xi32, #tpu.memory_space<vmem>>, vector<16xi32>,
      tpu.vector_store %arg6[%swap3A_396, %swap3A_397], %add3A_395 {strides = array<i32>} : memref<384x128xi32, #tpu.memory_space<vmem>>, vector<16xi32>,
      %get3A_399 = arith.constant 704 : index
      %get3A_400 = tpu.vector_load %arg5[%get3A_399] {strides = array<i32>} : memref<1024xi32, #tpu.memory_space<vmem>>, vector<16xi32>,
      %add3A_401 = vector.broadcast %mul3A_29 : i32 to vector<16xi32>
      %add3A_402 = arith.addi %get3A_400, %add3A_401 : vector<16xi32>
      %swap3A_403 = arith.index_cast %add3A_370 : i32 to index
      %swap3A_404 = arith.constant 64 : index
      %swap3A_405 = tpu.vector_load %arg6[%swap3A_403, %swap3A_404] {strides = array<i32>} : memref<384x128xi32, #tpu.memory_space<vmem>>, vector<16xi32>,
      tpu.vector_store %arg6[%swap3A_403, %swap3A_404], %add3A_402 {strides = array<i32>} : memref<384x128xi32, #tpu.memory_space<vmem>>, vector<16xi32>,
      %get3A_406 = arith.constant 720 : index
      %get3A_407 = tpu.vector_load %arg5[%get3A_406] {strides = array<i32>} : memref<1024xi32, #tpu.memory_space<vmem>>, vector<16xi32>,
      %add3A_408 = vector.broadcast %mul3A_29 : i32 to vector<16xi32>
      %add3A_409 = arith.addi %get3A_407, %add3A_408 : vector<16xi32>
      %swap3A_410 = arith.index_cast %add3A_370 : i32 to index
      %swap3A_411 = arith.constant 80 : index
      %swap3A_412 = tpu.vector_load %arg6[%swap3A_410, %swap3A_411] {strides = array<i32>} : memref<384x128xi32, #tpu.memory_space<vmem>>, vector<16xi32>,
      tpu.vector_store %arg6[%swap3A_410, %swap3A_411], %add3A_409 {strides = array<i32>} : memref<384x128xi32, #tpu.memory_space<vmem>>, vector<16xi32>,
      %get3A_413 = arith.constant 736 : index
      %get3A_414 = tpu.vector_load %arg5[%get3A_413] {strides = array<i32>} : memref<1024xi32, #tpu.memory_space<vmem>>, vector<16xi32>,
      %add3A_415 = vector.broadcast %mul3A_29 : i32 to vector<16xi32>
      %add3A_416 = arith.addi %get3A_414, %add3A_415 : vector<16xi32>
      %swap3A_417 = arith.index_cast %add3A_370 : i32 to index
      %swap3A_418 = arith.constant 96 : index
      %swap3A_419 = tpu.vector_load %arg6[%swap3A_417, %swap3A_418] {strides = array<i32>} : memref<384x128xi32, #tpu.memory_space<vmem>>, vector<16xi32>,
      tpu.vector_store %arg6[%swap3A_417, %swap3A_418], %add3A_416 {strides = array<i32>} : memref<384x128xi32, #tpu.memory_space<vmem>>, vector<16xi32>,
      %get3A_420 = arith.constant 752 : index
      %get3A_421 = tpu.vector_load %arg5[%get3A_420] {strides = array<i32>} : memref<1024xi32, #tpu.memory_space<vmem>>, vector<16xi32>,
      %add3A_422 = vector.broadcast %mul3A_29 : i32 to vector<16xi32>
      %add3A_423 = arith.addi %get3A_421, %add3A_422 : vector<16xi32>
      %swap3A_424 = arith.index_cast %add3A_370 : i32 to index
      %swap3A_425 = arith.constant 112 : index
      %swap3A_426 = tpu.vector_load %arg6[%swap3A_424, %swap3A_425] {strides = array<i32>} : memref<384x128xi32, #tpu.memory_space<vmem>>, vector<16xi32>,
      tpu.vector_store %arg6[%swap3A_424, %swap3A_425], %add3A_423 {strides = array<i32>} : memref<384x128xi32, #tpu.memory_space<vmem>>, vector<16xi32>,
      %dma_start3A_427 = arith.constant 0 : i32
      %dma_start3A_428 = tpu.memref_slice %arg7[%add3A_370, %dma_start3A_427] : memref<384x128xf32, #tpu.memory_space<vmem>> -> memref<1x128xf32, #tpu.memory_space<vmem>>
      %dma_start3A_429 = tpu.memref_squeeze %dma_start3A_428 : memref<1x128xf32, #tpu.memory_space<vmem>> -> memref<128xf32, #tpu.memory_space<vmem>>
      %dma_start3A_430 = arith.constant 0 : i32
      %dma_start3A_431 = tpu.memref_slice %arg6[%add3A_370, %dma_start3A_430] : memref<384x128xi32, #tpu.memory_space<vmem>> -> memref<1x128xi32, #tpu.memory_space<vmem>>
      %dma_start3A_432 = tpu.memref_squeeze %dma_start3A_431 : memref<1x128xi32, #tpu.memory_space<vmem>> -> memref<128xi32, #tpu.memory_space<vmem>>
      %dma_start3A_433 = arith.constant 0 : i32
      %dma_start3A_434 = tpu.memref_slice %arg2[%dma_start3A_433] : memref<12582912xf32, #tpu.memory_space<hbm>> -> memref<12582912xf32, #tpu.memory_space<hbm>>
      tpu.enqueue_indirect_dma source(%dma_start3A_434 : memref<12582912xf32, #tpu.memory_space<hbm>>) target(%dma_start3A_429 : memref<128xf32, #tpu.memory_space<vmem>>) offsets(%dma_start3A_432 : memref<128xi32, #tpu.memory_space<vmem>>) semaphore(%arg8 : memref<!tpu.dma_semaphore, #tpu.memory_space<semaphore_mem>>)
      %mul3A_435 = arith.constant 8 : i32
      %mul3A_436 = arith.muli %scan3A_22, %mul3A_435 : i32
      %add3A_437 = arith.constant 6 : i32
      %add3A_438 = arith.addi %mul3A_436, %add3A_437 : i32
      %get3A_439 = arith.constant 768 : index
      %get3A_440 = tpu.vector_load %arg5[%get3A_439] {strides = array<i32>} : memref<1024xi32, #tpu.memory_space<vmem>>, vector<16xi32>,
      %add3A_441 = vector.broadcast %mul3A_29 : i32 to vector<16xi32>
      %add3A_442 = arith.addi %get3A_440, %add3A_441 : vector<16xi32>
      %swap3A_443 = arith.index_cast %add3A_438 : i32 to index
      %swap3A_444 = arith.constant 0 : index
      %swap3A_445 = tpu.vector_load %arg6[%swap3A_443, %swap3A_444] {strides = array<i32>} : memref<384x128xi32, #tpu.memory_space<vmem>>, vector<16xi32>,
      tpu.vector_store %arg6[%swap3A_443, %swap3A_444], %add3A_442 {strides = array<i32>} : memref<384x128xi32, #tpu.memory_space<vmem>>, vector<16xi32>,
      %get3A_446 = arith.constant 784 : index
      %get3A_447 = tpu.vector_load %arg5[%get3A_446] {strides = array<i32>} : memref<1024xi32, #tpu.memory_space<vmem>>, vector<16xi32>,
      %add3A_448 = vector.broadcast %mul3A_29 : i32 to vector<16xi32>
      %add3A_449 = arith.addi %get3A_447, %add3A_448 : vector<16xi32>
      %swap3A_450 = arith.index_cast %add3A_438 : i32 to index
      %swap3A_451 = arith.constant 16 : index
      %swap3A_452 = tpu.vector_load %arg6[%swap3A_450, %swap3A_451] {strides = array<i32>} : memref<384x128xi32, #tpu.memory_space<vmem>>, vector<16xi32>,
      tpu.vector_store %arg6[%swap3A_450, %swap3A_451], %add3A_449 {strides = array<i32>} : memref<384x128xi32, #tpu.memory_space<vmem>>, vector<16xi32>,
      %get3A_453 = arith.constant 800 : index
      %get3A_454 = tpu.vector_load %arg5[%get3A_453] {strides = array<i32>} : memref<1024xi32, #tpu.memory_space<vmem>>, vector<16xi32>,
      %add3A_455 = vector.broadcast %mul3A_29 : i32 to vector<16xi32>
      %add3A_456 = arith.addi %get3A_454, %add3A_455 : vector<16xi32>
      %swap3A_457 = arith.index_cast %add3A_438 : i32 to index
      %swap3A_458 = arith.constant 32 : index
      %swap3A_459 = tpu.vector_load %arg6[%swap3A_457, %swap3A_458] {strides = array<i32>} : memref<384x128xi32, #tpu.memory_space<vmem>>, vector<16xi32>,
      tpu.vector_store %arg6[%swap3A_457, %swap3A_458], %add3A_456 {strides = array<i32>} : memref<384x128xi32, #tpu.memory_space<vmem>>, vector<16xi32>,
      %get3A_460 = arith.constant 816 : index
      %get3A_461 = tpu.vector_load %arg5[%get3A_460] {strides = array<i32>} : memref<1024xi32, #tpu.memory_space<vmem>>, vector<16xi32>,
      %add3A_462 = vector.broadcast %mul3A_29 : i32 to vector<16xi32>
      %add3A_463 = arith.addi %get3A_461, %add3A_462 : vector<16xi32>
      %swap3A_464 = arith.index_cast %add3A_438 : i32 to index
      %swap3A_465 = arith.constant 48 : index
      %swap3A_466 = tpu.vector_load %arg6[%swap3A_464, %swap3A_465] {strides = array<i32>} : memref<384x128xi32, #tpu.memory_space<vmem>>, vector<16xi32>,
      tpu.vector_store %arg6[%swap3A_464, %swap3A_465], %add3A_463 {strides = array<i32>} : memref<384x128xi32, #tpu.memory_space<vmem>>, vector<16xi32>,
      %get3A_467 = arith.constant 832 : index
      %get3A_468 = tpu.vector_load %arg5[%get3A_467] {strides = array<i32>} : memref<1024xi32, #tpu.memory_space<vmem>>, vector<16xi32>,
      %add3A_469 = vector.broadcast %mul3A_29 : i32 to vector<16xi32>
      %add3A_470 = arith.addi %get3A_468, %add3A_469 : vector<16xi32>
      %swap3A_471 = arith.index_cast %add3A_438 : i32 to index
      %swap3A_472 = arith.constant 64 : index
      %swap3A_473 = tpu.vector_load %arg6[%swap3A_471, %swap3A_472] {strides = array<i32>} : memref<384x128xi32, #tpu.memory_space<vmem>>, vector<16xi32>,
      tpu.vector_store %arg6[%swap3A_471, %swap3A_472], %add3A_470 {strides = array<i32>} : memref<384x128xi32, #tpu.memory_space<vmem>>, vector<16xi32>,
      %get3A_474 = arith.constant 848 : index
      %get3A_475 = tpu.vector_load %arg5[%get3A_474] {strides = array<i32>} : memref<1024xi32, #tpu.memory_space<vmem>>, vector<16xi32>,
      %add3A_476 = vector.broadcast %mul3A_29 : i32 to vector<16xi32>
      %add3A_477 = arith.addi %get3A_475, %add3A_476 : vector<16xi32>
      %swap3A_478 = arith.index_cast %add3A_438 : i32 to index
      %swap3A_479 = arith.constant 80 : index
      %swap3A_480 = tpu.vector_load %arg6[%swap3A_478, %swap3A_479] {strides = array<i32>} : memref<384x128xi32, #tpu.memory_space<vmem>>, vector<16xi32>,
      tpu.vector_store %arg6[%swap3A_478, %swap3A_479], %add3A_477 {strides = array<i32>} : memref<384x128xi32, #tpu.memory_space<vmem>>, vector<16xi32>,
      %get3A_481 = arith.constant 864 : index
      %get3A_482 = tpu.vector_load %arg5[%get3A_481] {strides = array<i32>} : memref<1024xi32, #tpu.memory_space<vmem>>, vector<16xi32>,
      %add3A_483 = vector.broadcast %mul3A_29 : i32 to vector<16xi32>
      %add3A_484 = arith.addi %get3A_482, %add3A_483 : vector<16xi32>
      %swap3A_485 = arith.index_cast %add3A_438 : i32 to index
      %swap3A_486 = arith.constant 96 : index
      %swap3A_487 = tpu.vector_load %arg6[%swap3A_485, %swap3A_486] {strides = array<i32>} : memref<384x128xi32, #tpu.memory_space<vmem>>, vector<16xi32>,
      tpu.vector_store %arg6[%swap3A_485, %swap3A_486], %add3A_484 {strides = array<i32>} : memref<384x128xi32, #tpu.memory_space<vmem>>, vector<16xi32>,
      %get3A_488 = arith.constant 880 : index
      %get3A_489 = tpu.vector_load %arg5[%get3A_488] {strides = array<i32>} : memref<1024xi32, #tpu.memory_space<vmem>>, vector<16xi32>,
      %add3A_490 = vector.broadcast %mul3A_29 : i32 to vector<16xi32>
      %add3A_491 = arith.addi %get3A_489, %add3A_490 : vector<16xi32>
      %swap3A_492 = arith.index_cast %add3A_438 : i32 to index
      %swap3A_493 = arith.constant 112 : index
      %swap3A_494 = tpu.vector_load %arg6[%swap3A_492, %swap3A_493] {strides = array<i32>} : memref<384x128xi32, #tpu.memory_space<vmem>>, vector<16xi32>,
      tpu.vector_store %arg6[%swap3A_492, %swap3A_493], %add3A_491 {strides = array<i32>} : memref<384x128xi32, #tpu.memory_space<vmem>>, vector<16xi32>,
      %dma_start3A_495 = arith.constant 0 : i32
      %dma_start3A_496 = tpu.memref_slice %arg7[%add3A_438, %dma_start3A_495] : memref<384x128xf32, #tpu.memory_space<vmem>> -> memref<1x128xf32, #tpu.memory_space<vmem>>
      %dma_start3A_497 = tpu.memref_squeeze %dma_start3A_496 : memref<1x128xf32, #tpu.memory_space<vmem>> -> memref<128xf32, #tpu.memory_space<vmem>>
      %dma_start3A_498 = arith.constant 0 : i32
      %dma_start3A_499 = tpu.memref_slice %arg6[%add3A_438, %dma_start3A_498] : memref<384x128xi32, #tpu.memory_space<vmem>> -> memref<1x128xi32, #tpu.memory_space<vmem>>
      %dma_start3A_500 = tpu.memref_squeeze %dma_start3A_499 : memref<1x128xi32, #tpu.memory_space<vmem>> -> memref<128xi32, #tpu.memory_space<vmem>>
      %dma_start3A_501 = arith.constant 0 : i32
      %dma_start3A_502 = tpu.memref_slice %arg2[%dma_start3A_501] : memref<12582912xf32, #tpu.memory_space<hbm>> -> memref<12582912xf32, #tpu.memory_space<hbm>>
      tpu.enqueue_indirect_dma source(%dma_start3A_502 : memref<12582912xf32, #tpu.memory_space<hbm>>) target(%dma_start3A_497 : memref<128xf32, #tpu.memory_space<vmem>>) offsets(%dma_start3A_500 : memref<128xi32, #tpu.memory_space<vmem>>) semaphore(%arg8 : memref<!tpu.dma_semaphore, #tpu.memory_space<semaphore_mem>>)
      %mul3A_503 = arith.constant 8 : i32
      %mul3A_504 = arith.muli %scan3A_22, %mul3A_503 : i32
      %add3A_505 = arith.constant 7 : i32
      %add3A_506 = arith.addi %mul3A_504, %add3A_505 : i32
      %get3A_507 = arith.constant 896 : index
      %get3A_508 = tpu.vector_load %arg5[%get3A_507] {strides = array<i32>} : memref<1024xi32, #tpu.memory_space<vmem>>, vector<16xi32>,
      %add3A_509 = vector.broadcast %mul3A_29 : i32 to vector<16xi32>
      %add3A_510 = arith.addi %get3A_508, %add3A_509 : vector<16xi32>
      %swap3A_511 = arith.index_cast %add3A_506 : i32 to index
      %swap3A_512 = arith.constant 0 : index
      %swap3A_513 = tpu.vector_load %arg6[%swap3A_511, %swap3A_512] {strides = array<i32>} : memref<384x128xi32, #tpu.memory_space<vmem>>, vector<16xi32>,
      tpu.vector_store %arg6[%swap3A_511, %swap3A_512], %add3A_510 {strides = array<i32>} : memref<384x128xi32, #tpu.memory_space<vmem>>, vector<16xi32>,
      %get3A_514 = arith.constant 912 : index
      %get3A_515 = tpu.vector_load %arg5[%get3A_514] {strides = array<i32>} : memref<1024xi32, #tpu.memory_space<vmem>>, vector<16xi32>,
      %add3A_516 = vector.broadcast %mul3A_29 : i32 to vector<16xi32>
      %add3A_517 = arith.addi %get3A_515, %add3A_516 : vector<16xi32>
      %swap3A_518 = arith.index_cast %add3A_506 : i32 to index
      %swap3A_519 = arith.constant 16 : index
      %swap3A_520 = tpu.vector_load %arg6[%swap3A_518, %swap3A_519] {strides = array<i32>} : memref<384x128xi32, #tpu.memory_space<vmem>>, vector<16xi32>,
      tpu.vector_store %arg6[%swap3A_518, %swap3A_519], %add3A_517 {strides = array<i32>} : memref<384x128xi32, #tpu.memory_space<vmem>>, vector<16xi32>,
      %get3A_521 = arith.constant 928 : index
      %get3A_522 = tpu.vector_load %arg5[%get3A_521] {strides = array<i32>} : memref<1024xi32, #tpu.memory_space<vmem>>, vector<16xi32>,
      %add3A_523 = vector.broadcast %mul3A_29 : i32 to vector<16xi32>
      %add3A_524 = arith.addi %get3A_522, %add3A_523 : vector<16xi32>
      %swap3A_525 = arith.index_cast %add3A_506 : i32 to index
      %swap3A_526 = arith.constant 32 : index
      %swap3A_527 = tpu.vector_load %arg6[%swap3A_525, %swap3A_526] {strides = array<i32>} : memref<384x128xi32, #tpu.memory_space<vmem>>, vector<16xi32>,
      tpu.vector_store %arg6[%swap3A_525, %swap3A_526], %add3A_524 {strides = array<i32>} : memref<384x128xi32, #tpu.memory_space<vmem>>, vector<16xi32>,
      %get3A_528 = arith.constant 944 : index
      %get3A_529 = tpu.vector_load %arg5[%get3A_528] {strides = array<i32>} : memref<1024xi32, #tpu.memory_space<vmem>>, vector<16xi32>,
      %add3A_530 = vector.broadcast %mul3A_29 : i32 to vector<16xi32>
      %add3A_531 = arith.addi %get3A_529, %add3A_530 : vector<16xi32>
      %swap3A_532 = arith.index_cast %add3A_506 : i32 to index
      %swap3A_533 = arith.constant 48 : index
      %swap3A_534 = tpu.vector_load %arg6[%swap3A_532, %swap3A_533] {strides = array<i32>} : memref<384x128xi32, #tpu.memory_space<vmem>>, vector<16xi32>,
      tpu.vector_store %arg6[%swap3A_532, %swap3A_533], %add3A_531 {strides = array<i32>} : memref<384x128xi32, #tpu.memory_space<vmem>>, vector<16xi32>,
      %get3A_535 = arith.constant 960 : index
      %get3A_536 = tpu.vector_load %arg5[%get3A_535] {strides = array<i32>} : memref<1024xi32, #tpu.memory_space<vmem>>, vector<16xi32>,
      %add3A_537 = vector.broadcast %mul3A_29 : i32 to vector<16xi32>
      %add3A_538 = arith.addi %get3A_536, %add3A_537 : vector<16xi32>
      %swap3A_539 = arith.index_cast %add3A_506 : i32 to index
      %swap3A_540 = arith.constant 64 : index
      %swap3A_541 = tpu.vector_load %arg6[%swap3A_539, %swap3A_540] {strides = array<i32>} : memref<384x128xi32, #tpu.memory_space<vmem>>, vector<16xi32>,
      tpu.vector_store %arg6[%swap3A_539, %swap3A_540], %add3A_538 {strides = array<i32>} : memref<384x128xi32, #tpu.memory_space<vmem>>, vector<16xi32>,
      %get3A_542 = arith.constant 976 : index
      %get3A_543 = tpu.vector_load %arg5[%get3A_542] {strides = array<i32>} : memref<1024xi32, #tpu.memory_space<vmem>>, vector<16xi32>,
      %add3A_544 = vector.broadcast %mul3A_29 : i32 to vector<16xi32>
      %add3A_545 = arith.addi %get3A_543, %add3A_544 : vector<16xi32>
      %swap3A_546 = arith.index_cast %add3A_506 : i32 to index
      %swap3A_547 = arith.constant 80 : index
      %swap3A_548 = tpu.vector_load %arg6[%swap3A_546, %swap3A_547] {strides = array<i32>} : memref<384x128xi32, #tpu.memory_space<vmem>>, vector<16xi32>,
      tpu.vector_store %arg6[%swap3A_546, %swap3A_547], %add3A_545 {strides = array<i32>} : memref<384x128xi32, #tpu.memory_space<vmem>>, vector<16xi32>,
      %get3A_549 = arith.constant 992 : index
      %get3A_550 = tpu.vector_load %arg5[%get3A_549] {strides = array<i32>} : memref<1024xi32, #tpu.memory_space<vmem>>, vector<16xi32>,
      %add3A_551 = vector.broadcast %mul3A_29 : i32 to vector<16xi32>
      %add3A_552 = arith.addi %get3A_550, %add3A_551 : vector<16xi32>
      %swap3A_553 = arith.index_cast %add3A_506 : i32 to index
      %swap3A_554 = arith.constant 96 : index
      %swap3A_555 = tpu.vector_load %arg6[%swap3A_553, %swap3A_554] {strides = array<i32>} : memref<384x128xi32, #tpu.memory_space<vmem>>, vector<16xi32>,
      tpu.vector_store %arg6[%swap3A_553, %swap3A_554], %add3A_552 {strides = array<i32>} : memref<384x128xi32, #tpu.memory_space<vmem>>, vector<16xi32>,
      %get3A_556 = arith.constant 1008 : index
      %get3A_557 = tpu.vector_load %arg5[%get3A_556] {strides = array<i32>} : memref<1024xi32, #tpu.memory_space<vmem>>, vector<16xi32>,
      %add3A_558 = vector.broadcast %mul3A_29 : i32 to vector<16xi32>
      %add3A_559 = arith.addi %get3A_557, %add3A_558 : vector<16xi32>
      %swap3A_560 = arith.index_cast %add3A_506 : i32 to index
      %swap3A_561 = arith.constant 112 : index
      %swap3A_562 = tpu.vector_load %arg6[%swap3A_560, %swap3A_561] {strides = array<i32>} : memref<384x128xi32, #tpu.memory_space<vmem>>, vector<16xi32>,
      tpu.vector_store %arg6[%swap3A_560, %swap3A_561], %add3A_559 {strides = array<i32>} : memref<384x128xi32, #tpu.memory_space<vmem>>, vector<16xi32>,
      %dma_start3A_563 = arith.constant 0 : i32
      %dma_start3A_564 = tpu.memref_slice %arg7[%add3A_506, %dma_start3A_563] : memref<384x128xf32, #tpu.memory_space<vmem>> -> memref<1x128xf32, #tpu.memory_space<vmem>>
      %dma_start3A_565 = tpu.memref_squeeze %dma_start3A_564 : memref<1x128xf32, #tpu.memory_space<vmem>> -> memref<128xf32, #tpu.memory_space<vmem>>
      %dma_start3A_566 = arith.constant 0 : i32
      %dma_start3A_567 = tpu.memref_slice %arg6[%add3A_506, %dma_start3A_566] : memref<384x128xi32, #tpu.memory_space<vmem>> -> memref<1x128xi32, #tpu.memory_space<vmem>>
      %dma_start3A_568 = tpu.memref_squeeze %dma_start3A_567 : memref<1x128xi32, #tpu.memory_space<vmem>> -> memref<128xi32, #tpu.memory_space<vmem>>
      %dma_start3A_569 = arith.constant 0 : i32
      %dma_start3A_570 = tpu.memref_slice %arg2[%dma_start3A_569] : memref<12582912xf32, #tpu.memory_space<hbm>> -> memref<12582912xf32, #tpu.memory_space<hbm>>
      tpu.enqueue_indirect_dma source(%dma_start3A_570 : memref<12582912xf32, #tpu.memory_space<hbm>>) target(%dma_start3A_565 : memref<128xf32, #tpu.memory_space<vmem>>) offsets(%dma_start3A_568 : memref<128xi32, #tpu.memory_space<vmem>>) semaphore(%arg8 : memref<!tpu.dma_semaphore, #tpu.memory_space<semaphore_mem>>)
      %scan3A_571 = arith.constant 0 : i32
      scf.yield %scan3A_571 : i32
    }
    %scan3A_12 = arith.constant 48 : i32
    %scan3A_13 = arith.constant 0 : i32
    %scan3A_14 = arith.constant 0 : i32
    %scan3A_15 = arith.constant 384 : i32
    %scan3A_16 = arith.addi %scan3A_14, %scan3A_15 : i32
    %scan3A_17 = arith.constant 1 : i32
    %scan3A_18 = scf.for %scan3A_22 = %scan3A_14 to %scan3A_16 step %scan3A_17 iter_args(%scan3A_23 = %scan3A_13) -> (i32)  : i32 {
      %dma_wait3A = arith.constant 0 : i32
      %dma_wait3A_24 = tpu.memref_slice %arg7[%scan3A_22, %dma_wait3A] : memref<384x128xf32, #tpu.memory_space<vmem>> -> memref<1x128xf32, #tpu.memory_space<vmem>>
      %dma_wait3A_25 = tpu.memref_squeeze %dma_wait3A_24 : memref<1x128xf32, #tpu.memory_space<vmem>> -> memref<128xf32, #tpu.memory_space<vmem>>
      %dma_wait3A_26 = arith.constant 0 : i32
      %dma_wait3A_27 = tpu.memref_slice %arg6[%scan3A_22, %dma_wait3A_26] : memref<384x128xi32, #tpu.memory_space<vmem>> -> memref<1x128xi32, #tpu.memory_space<vmem>>
      %dma_wait3A_28 = tpu.memref_squeeze %dma_wait3A_27 : memref<1x128xi32, #tpu.memory_space<vmem>> -> memref<128xi32, #tpu.memory_space<vmem>>
      %dma_wait3A_29 = arith.constant 0 : i32
      %dma_wait3A_30 = tpu.memref_slice %arg2[%dma_wait3A_29] : memref<12582912xf32, #tpu.memory_space<hbm>> -> memref<12582912xf32, #tpu.memory_space<hbm>>
      tpu.wait_indirect_dma semaphore(%arg8 : memref<!tpu.dma_semaphore, #tpu.memory_space<semaphore_mem>>) src(%dma_wait3A_30 : memref<12582912xf32, #tpu.memory_space<hbm>>) dst(%dma_wait3A_25 : memref<128xf32, #tpu.memory_space<vmem>>)
      %scan3A_31 = arith.constant 0 : i32
      scf.yield %scan3A_31 : i32
    }
    %scan3A_19 = arith.constant 384 : i32
    %mul3A_20 = arith.constant 8 : i32
    %mul3A_21 = arith.muli %mul3A_4, %mul3A_20 : i32
    "tpu.region"() ({
      %run_scoped3A = tpu.sem_alloc : memref<!tpu.dma_semaphore, #tpu.memory_space<semaphore_mem>>
      %dma_start3A = arith.constant 0 : i32
      %dma_start3A_22 = tpu.memref_slice %arg4[%shift_right_arithmetic3A_1, %mul3A_21, %dma_start3A] : memref<16x768x128xf32, #tpu.memory_space<hbm>> -> memref<1x384x128xf32, #tpu.memory_space<hbm>>
      %dma_start3A_23 = tpu.memref_squeeze %dma_start3A_22 : memref<1x384x128xf32, #tpu.memory_space<hbm>> -> memref<384x128xf32, #tpu.memory_space<hbm>>
      %dma_start3A_24 = arith.constant 0 : i32
      %dma_start3A_25 = tpu.memref_slice %arg4[%shift_right_arithmetic3A_1, %mul3A_21, %dma_start3A_24] : memref<16x768x128xf32, #tpu.memory_space<hbm>> -> memref<1x384x128xf32, #tpu.memory_space<hbm>>
      %dma_start3A_26 = tpu.memref_squeeze %dma_start3A_25 : memref<1x384x128xf32, #tpu.memory_space<hbm>> -> memref<384x128xf32, #tpu.memory_space<hbm>>
      tpu.enqueue_dma source(%arg7 : memref<384x128xf32, #tpu.memory_space<vmem>>) target(%dma_start3A_26 : memref<384x128xf32, #tpu.memory_space<hbm>>) target_semaphore(%run_scoped3A : memref<!tpu.dma_semaphore, #tpu.memory_space<semaphore_mem>>)
      %dma_wait3A = arith.constant 0 : i32
      %dma_wait3A_27 = tpu.memref_slice %arg4[%shift_right_arithmetic3A_1, %mul3A_21, %dma_wait3A] : memref<16x768x128xf32, #tpu.memory_space<hbm>> -> memref<1x384x128xf32, #tpu.memory_space<hbm>>
      %dma_wait3A_28 = tpu.memref_squeeze %dma_wait3A_27 : memref<1x384x128xf32, #tpu.memory_space<hbm>> -> memref<384x128xf32, #tpu.memory_space<hbm>>
      %dma_wait3A_29 = arith.constant 0 : i32
      %dma_wait3A_30 = tpu.memref_slice %arg4[%shift_right_arithmetic3A_1, %mul3A_21, %dma_wait3A_29] : memref<16x768x128xf32, #tpu.memory_space<hbm>> -> memref<1x384x128xf32, #tpu.memory_space<hbm>>
      %dma_wait3A_31 = tpu.memref_squeeze %dma_wait3A_30 : memref<1x384x128xf32, #tpu.memory_space<hbm>> -> memref<384x128xf32, #tpu.memory_space<hbm>>
      tpu.wait_dma2 semaphore(%run_scoped3A : memref<!tpu.dma_semaphore, #tpu.memory_space<semaphore_mem>>) src(%arg7 : memref<384x128xf32, #tpu.memory_space<vmem>>) dst(%dma_wait3A_31 : memref<384x128xf32, #tpu.memory_space<hbm>>)
      tpu.yield
    }) : () -> ()
    return
  }
}

#map = affine_map<(d0, d1) -> (0)>
#map1 = affine_map<(d0, d1) -> (0, 0)>
module attributes {stable_mosaic.version = 14 : i64} {
  func.func @_k5_body(%arg0: i32, %arg1: i32, %arg2: memref<12582912xf32, #tpu.memory_space<hbm>>, %arg3: memref<786432xf32, #tpu.memory_space<hbm>>, %arg4: memref<16x1024xi32, #tpu.memory_space<hbm>>, %arg5: memref<12582912xf32, #tpu.memory_space<hbm>>, %arg6: memref<16384xf32, #tpu.memory_space<vmem>>, %arg7: memref<16384xf32, #tpu.memory_space<vmem>>, %arg8: memref<16384xf32, #tpu.memory_space<vmem>>, %arg9: memref<16384xf32, #tpu.memory_space<vmem>>, %arg10: memref<1024xi32, #tpu.memory_space<vmem>>, %arg11: memref<24576xf32, #tpu.memory_space<vmem>>, %arg12: memref<!tpu.dma_semaphore, #tpu.memory_space<semaphore_mem>>, %arg13: memref<!tpu.dma_semaphore, #tpu.memory_space<semaphore_mem>>) attributes {dimension_semantics = [#tpu.dimension_semantics<core_parallel>, #tpu.dimension_semantics<subcore_parallel>], iteration_bounds = array<i64: 2, 16>, scalar_prefetch = 0 : i64, scratch_operands = 8 : i64, tpu.core_type = #tpu.core_type<sc_vector_subcore>, window_params = [{transform_indices = #map}, {transform_indices = #map}, {transform_indices = #map1}, {transform_indices = #map}]} {
    %mul3A = arith.constant 6291456 : i32
    %mul3A_0 = arith.muli %arg0, %mul3A : i32
    %mul3A_1 = arith.constant 393216 : i32
    %mul3A_2 = arith.muli %arg1, %mul3A_1 : i32
    %add3A = arith.addi %mul3A_0, %mul3A_2 : i32
    %mul3A_3 = arith.constant 4 : i32
    %mul3A_4 = arith.muli %arg0, %mul3A_3 : i32
    %shift_right_arithmetic3A = arith.constant 2 : i32
    %shift_right_arithmetic3A_5 = arith.shrsi %arg1, %shift_right_arithmetic3A : i32
    %add3A_6 = arith.addi %mul3A_4, %shift_right_arithmetic3A_5 : i32
    %mul3A_7 = arith.constant 384 : i32
    %mul3A_8 = arith.muli %arg0, %mul3A_7 : i32
    %mul3A_9 = arith.constant 24 : i32
    %mul3A_10 = arith.muli %arg1, %mul3A_9 : i32
    %add3A_11 = arith.addi %mul3A_8, %mul3A_10 : i32
    "tpu.region"() ({
      %run_scoped3A = tpu.sem_alloc : memref<!tpu.dma_semaphore, #tpu.memory_space<semaphore_mem>>
      %dma_start3A_467 = arith.constant 0 : i32
      %dma_start3A_468 = tpu.memref_slice %arg4[%add3A_6, %dma_start3A_467] : memref<16x1024xi32, #tpu.memory_space<hbm>> -> memref<1x1024xi32, #tpu.memory_space<hbm>>
      %dma_start3A_469 = tpu.memref_squeeze %dma_start3A_468 : memref<1x1024xi32, #tpu.memory_space<hbm>> -> memref<1024xi32, #tpu.memory_space<hbm>>
      %dma_start3A_470 = arith.constant 0 : i32
      %dma_start3A_471 = tpu.memref_slice %arg4[%add3A_6, %dma_start3A_470] : memref<16x1024xi32, #tpu.memory_space<hbm>> -> memref<1x1024xi32, #tpu.memory_space<hbm>>
      %dma_start3A_472 = tpu.memref_squeeze %dma_start3A_471 : memref<1x1024xi32, #tpu.memory_space<hbm>> -> memref<1024xi32, #tpu.memory_space<hbm>>
      tpu.enqueue_dma source(%dma_start3A_472 : memref<1024xi32, #tpu.memory_space<hbm>>) target(%arg10 : memref<1024xi32, #tpu.memory_space<vmem>>) target_semaphore(%run_scoped3A : memref<!tpu.dma_semaphore, #tpu.memory_space<semaphore_mem>>)
      %dma_wait3A_473 = arith.constant 0 : i32
      %dma_wait3A_474 = tpu.memref_slice %arg4[%add3A_6, %dma_wait3A_473] : memref<16x1024xi32, #tpu.memory_space<hbm>> -> memref<1x1024xi32, #tpu.memory_space<hbm>>
      %dma_wait3A_475 = tpu.memref_squeeze %dma_wait3A_474 : memref<1x1024xi32, #tpu.memory_space<hbm>> -> memref<1024xi32, #tpu.memory_space<hbm>>
      %dma_wait3A_476 = arith.constant 0 : i32
      %dma_wait3A_477 = tpu.memref_slice %arg4[%add3A_6, %dma_wait3A_476] : memref<16x1024xi32, #tpu.memory_space<hbm>> -> memref<1x1024xi32, #tpu.memory_space<hbm>>
      %dma_wait3A_478 = tpu.memref_squeeze %dma_wait3A_477 : memref<1x1024xi32, #tpu.memory_space<hbm>> -> memref<1024xi32, #tpu.memory_space<hbm>>
      tpu.wait_dma2 semaphore(%run_scoped3A : memref<!tpu.dma_semaphore, #tpu.memory_space<semaphore_mem>>) src(%dma_wait3A_478 : memref<1024xi32, #tpu.memory_space<hbm>>) dst(%arg10 : memref<1024xi32, #tpu.memory_space<vmem>>)
      tpu.yield
    }) : () -> ()
    %mul3A_12 = arith.constant 1024 : i32
    %mul3A_13 = arith.muli %add3A_11, %mul3A_12 : i32
    "tpu.region"() ({
      %run_scoped3A = tpu.sem_alloc : memref<!tpu.dma_semaphore, #tpu.memory_space<semaphore_mem>>
      %dma_start3A_467 = tpu.memref_slice %arg3[%mul3A_13] : memref<786432xf32, #tpu.memory_space<hbm>> -> memref<24576xf32, #tpu.memory_space<hbm>>
      %dma_start3A_468 = tpu.memref_slice %arg3[%mul3A_13] : memref<786432xf32, #tpu.memory_space<hbm>> -> memref<24576xf32, #tpu.memory_space<hbm>>
      tpu.enqueue_dma source(%dma_start3A_468 : memref<24576xf32, #tpu.memory_space<hbm>>) target(%arg11 : memref<24576xf32, #tpu.memory_space<vmem>>) target_semaphore(%run_scoped3A : memref<!tpu.dma_semaphore, #tpu.memory_space<semaphore_mem>>)
      %dma_wait3A_469 = tpu.memref_slice %arg3[%mul3A_13] : memref<786432xf32, #tpu.memory_space<hbm>> -> memref<24576xf32, #tpu.memory_space<hbm>>
      %dma_wait3A_470 = tpu.memref_slice %arg3[%mul3A_13] : memref<786432xf32, #tpu.memory_space<hbm>> -> memref<24576xf32, #tpu.memory_space<hbm>>
      tpu.wait_dma2 semaphore(%run_scoped3A : memref<!tpu.dma_semaphore, #tpu.memory_space<semaphore_mem>>) src(%dma_wait3A_470 : memref<24576xf32, #tpu.memory_space<hbm>>) dst(%arg11 : memref<24576xf32, #tpu.memory_space<vmem>>)
      tpu.yield
    }) : () -> ()
    %add3A_14 = arith.constant 0 : i32
    %add3A_15 = arith.addi %add3A, %add3A_14 : i32
    %dma_start3A = tpu.memref_slice %arg2[%add3A_15] : memref<12582912xf32, #tpu.memory_space<hbm>> -> memref<16384xf32, #tpu.memory_space<hbm>>
    %dma_start3A_16 = tpu.memref_slice %arg2[%add3A_15] : memref<12582912xf32, #tpu.memory_space<hbm>> -> memref<16384xf32, #tpu.memory_space<hbm>>
    tpu.enqueue_dma source(%dma_start3A_16 : memref<16384xf32, #tpu.memory_space<hbm>>) target(%arg6 : memref<16384xf32, #tpu.memory_space<vmem>>) target_semaphore(%arg12 : memref<!tpu.dma_semaphore, #tpu.memory_space<semaphore_mem>>)
    %add3A_17 = arith.constant 16384 : i32
    %add3A_18 = arith.addi %add3A, %add3A_17 : i32
    %dma_start3A_19 = tpu.memref_slice %arg2[%add3A_18] : memref<12582912xf32, #tpu.memory_space<hbm>> -> memref<16384xf32, #tpu.memory_space<hbm>>
    %dma_start3A_20 = tpu.memref_slice %arg2[%add3A_18] : memref<12582912xf32, #tpu.memory_space<hbm>> -> memref<16384xf32, #tpu.memory_space<hbm>>
    tpu.enqueue_dma source(%dma_start3A_20 : memref<16384xf32, #tpu.memory_space<hbm>>) target(%arg7 : memref<16384xf32, #tpu.memory_space<vmem>>) target_semaphore(%arg12 : memref<!tpu.dma_semaphore, #tpu.memory_space<semaphore_mem>>)
    %add3A_21 = arith.constant 32768 : i32
    %add3A_22 = arith.addi %add3A, %add3A_21 : i32
    %dma_start3A_23 = tpu.memref_slice %arg2[%add3A_22] : memref<12582912xf32, #tpu.memory_space<hbm>> -> memref<16384xf32, #tpu.memory_space<hbm>>
    %dma_start3A_24 = tpu.memref_slice %arg2[%add3A_22] : memref<12582912xf32, #tpu.memory_space<hbm>> -> memref<16384xf32, #tpu.memory_space<hbm>>
    tpu.enqueue_dma source(%dma_start3A_24 : memref<16384xf32, #tpu.memory_space<hbm>>) target(%arg8 : memref<16384xf32, #tpu.memory_space<vmem>>) target_semaphore(%arg12 : memref<!tpu.dma_semaphore, #tpu.memory_space<semaphore_mem>>)
    %add3A_25 = arith.constant 49152 : i32
    %add3A_26 = arith.addi %add3A, %add3A_25 : i32
    %dma_start3A_27 = tpu.memref_slice %arg2[%add3A_26] : memref<12582912xf32, #tpu.memory_space<hbm>> -> memref<16384xf32, #tpu.memory_space<hbm>>
    %dma_start3A_28 = tpu.memref_slice %arg2[%add3A_26] : memref<12582912xf32, #tpu.memory_space<hbm>> -> memref<16384xf32, #tpu.memory_space<hbm>>
    tpu.enqueue_dma source(%dma_start3A_28 : memref<16384xf32, #tpu.memory_space<hbm>>) target(%arg9 : memref<16384xf32, #tpu.memory_space<vmem>>) target_semaphore(%arg12 : memref<!tpu.dma_semaphore, #tpu.memory_space<semaphore_mem>>)
    %dma_wait3A = tpu.memref_slice %arg2[%add3A_15] : memref<12582912xf32, #tpu.memory_space<hbm>> -> memref<16384xf32, #tpu.memory_space<hbm>>
    %dma_wait3A_29 = tpu.memref_slice %arg2[%add3A_15] : memref<12582912xf32, #tpu.memory_space<hbm>> -> memref<16384xf32, #tpu.memory_space<hbm>>
    tpu.wait_dma2 semaphore(%arg12 : memref<!tpu.dma_semaphore, #tpu.memory_space<semaphore_mem>>) src(%dma_wait3A_29 : memref<16384xf32, #tpu.memory_space<hbm>>) dst(%arg6 : memref<16384xf32, #tpu.memory_space<vmem>>)
    %scan3A = arith.constant 0 : i32
    %scan3A_30 = arith.constant 0 : i32
    %scan3A_31 = arith.constant 64 : i32
    %scan3A_32 = arith.addi %scan3A_30, %scan3A_31 : i32
    %scan3A_33 = arith.constant 1 : i32
    %scan3A_34 = scf.for %scan3A_467 = %scan3A_30 to %scan3A_32 step %scan3A_33 iter_args(%scan3A_468 = %scan3A) -> (i32)  : i32 {
      %mul3A_469 = arith.constant 16 : i32
      %mul3A_470 = arith.muli %scan3A_467, %mul3A_469 : i32
      %get3A = arith.index_cast %mul3A_470 : i32 to index
      %get3A_471 = tpu.vector_load %arg10[%get3A] {strides = array<i32>} : memref<1024xi32, #tpu.memory_space<vmem>>, vector<16xi32>,
      %mul3A_472 = arith.constant 16 : i32
      %mul3A_473 = arith.muli %scan3A_467, %mul3A_472 : i32
      %add3A_474 = arith.constant 0 : i32
      %add3A_475 = arith.addi %add3A_474, %mul3A_473 : i32
      %get3A_476 = arith.index_cast %add3A_475 : i32 to index
      %get3A_477 = tpu.vector_load %arg11[%get3A_476] {strides = array<i32>} : memref<24576xf32, #tpu.memory_space<vmem>>, vector<16xf32>,
      tpu.vector_store_idx %arg6[%get3A_471], %get3A_477 : memref<16384xf32, #tpu.memory_space<vmem>>[vector<16xi32>], vector<16xf32>,
      %scan3A_478 = arith.constant 0 : i32
      scf.yield %scan3A_478 : i32
    }
    %scan3A_35 = arith.constant 64 : i32
    %add3A_36 = arith.constant 0 : i32
    %add3A_37 = arith.addi %add3A, %add3A_36 : i32
    %dma_start3A_38 = tpu.memref_slice %arg5[%add3A_37] : memref<12582912xf32, #tpu.memory_space<hbm>> -> memref<16384xf32, #tpu.memory_space<hbm>>
    %dma_start3A_39 = tpu.memref_slice %arg5[%add3A_37] : memref<12582912xf32, #tpu.memory_space<hbm>> -> memref<16384xf32, #tpu.memory_space<hbm>>
    tpu.enqueue_dma source(%arg6 : memref<16384xf32, #tpu.memory_space<vmem>>) target(%dma_start3A_39 : memref<16384xf32, #tpu.memory_space<hbm>>) target_semaphore(%arg13 : memref<!tpu.dma_semaphore, #tpu.memory_space<semaphore_mem>>)
    %dma_wait3A_40 = tpu.memref_slice %arg5[%add3A_37] : memref<12582912xf32, #tpu.memory_space<hbm>> -> memref<16384xf32, #tpu.memory_space<hbm>>
    %dma_wait3A_41 = tpu.memref_slice %arg5[%add3A_37] : memref<12582912xf32, #tpu.memory_space<hbm>> -> memref<16384xf32, #tpu.memory_space<hbm>>
    tpu.wait_dma2 semaphore(%arg13 : memref<!tpu.dma_semaphore, #tpu.memory_space<semaphore_mem>>) src(%arg6 : memref<16384xf32, #tpu.memory_space<vmem>>) dst(%dma_wait3A_41 : memref<16384xf32, #tpu.memory_space<hbm>>)
    %add3A_42 = arith.constant 65536 : i32
    %add3A_43 = arith.addi %add3A, %add3A_42 : i32
    %dma_start3A_44 = tpu.memref_slice %arg2[%add3A_43] : memref<12582912xf32, #tpu.memory_space<hbm>> -> memref<16384xf32, #tpu.memory_space<hbm>>
    %dma_start3A_45 = tpu.memref_slice %arg2[%add3A_43] : memref<12582912xf32, #tpu.memory_space<hbm>> -> memref<16384xf32, #tpu.memory_space<hbm>>
    tpu.enqueue_dma source(%dma_start3A_45 : memref<16384xf32, #tpu.memory_space<hbm>>) target(%arg6 : memref<16384xf32, #tpu.memory_space<vmem>>) target_semaphore(%arg12 : memref<!tpu.dma_semaphore, #tpu.memory_space<semaphore_mem>>)
    %dma_wait3A_46 = tpu.memref_slice %arg2[%add3A_18] : memref<12582912xf32, #tpu.memory_space<hbm>> -> memref<16384xf32, #tpu.memory_space<hbm>>
    %dma_wait3A_47 = tpu.memref_slice %arg2[%add3A_18] : memref<12582912xf32, #tpu.memory_space<hbm>> -> memref<16384xf32, #tpu.memory_space<hbm>>
    tpu.wait_dma2 semaphore(%arg12 : memref<!tpu.dma_semaphore, #tpu.memory_space<semaphore_mem>>) src(%dma_wait3A_47 : memref<16384xf32, #tpu.memory_space<hbm>>) dst(%arg7 : memref<16384xf32, #tpu.memory_space<vmem>>)
    %scan3A_48 = arith.constant 0 : i32
    %scan3A_49 = arith.constant 0 : i32
    %scan3A_50 = arith.constant 64 : i32
    %scan3A_51 = arith.addi %scan3A_49, %scan3A_50 : i32
    %scan3A_52 = arith.constant 1 : i32
    %scan3A_53 = scf.for %scan3A_467 = %scan3A_49 to %scan3A_51 step %scan3A_52 iter_args(%scan3A_468 = %scan3A_48) -> (i32)  : i32 {
      %mul3A_469 = arith.constant 16 : i32
      %mul3A_470 = arith.muli %scan3A_467, %mul3A_469 : i32
      %get3A = arith.index_cast %mul3A_470 : i32 to index
      %get3A_471 = tpu.vector_load %arg10[%get3A] {strides = array<i32>} : memref<1024xi32, #tpu.memory_space<vmem>>, vector<16xi32>,
      %mul3A_472 = arith.constant 16 : i32
      %mul3A_473 = arith.muli %scan3A_467, %mul3A_472 : i32
      %add3A_474 = arith.constant 1024 : i32
      %add3A_475 = arith.addi %add3A_474, %mul3A_473 : i32
      %get3A_476 = arith.index_cast %add3A_475 : i32 to index
      %get3A_477 = tpu.vector_load %arg11[%get3A_476] {strides = array<i32>} : memref<24576xf32, #tpu.memory_space<vmem>>, vector<16xf32>,
      tpu.vector_store_idx %arg7[%get3A_471], %get3A_477 : memref<16384xf32, #tpu.memory_space<vmem>>[vector<16xi32>], vector<16xf32>,
      %scan3A_478 = arith.constant 0 : i32
      scf.yield %scan3A_478 : i32
    }
    %scan3A_54 = arith.constant 64 : i32
    %add3A_55 = arith.constant 16384 : i32
    %add3A_56 = arith.addi %add3A, %add3A_55 : i32
    %dma_start3A_57 = tpu.memref_slice %arg5[%add3A_56] : memref<12582912xf32, #tpu.memory_space<hbm>> -> memref<16384xf32, #tpu.memory_space<hbm>>
    %dma_start3A_58 = tpu.memref_slice %arg5[%add3A_56] : memref<12582912xf32, #tpu.memory_space<hbm>> -> memref<16384xf32, #tpu.memory_space<hbm>>
    tpu.enqueue_dma source(%arg7 : memref<16384xf32, #tpu.memory_space<vmem>>) target(%dma_start3A_58 : memref<16384xf32, #tpu.memory_space<hbm>>) target_semaphore(%arg13 : memref<!tpu.dma_semaphore, #tpu.memory_space<semaphore_mem>>)
    %dma_wait3A_59 = tpu.memref_slice %arg5[%add3A_56] : memref<12582912xf32, #tpu.memory_space<hbm>> -> memref<16384xf32, #tpu.memory_space<hbm>>
    %dma_wait3A_60 = tpu.memref_slice %arg5[%add3A_56] : memref<12582912xf32, #tpu.memory_space<hbm>> -> memref<16384xf32, #tpu.memory_space<hbm>>
    tpu.wait_dma2 semaphore(%arg13 : memref<!tpu.dma_semaphore, #tpu.memory_space<semaphore_mem>>) src(%arg7 : memref<16384xf32, #tpu.memory_space<vmem>>) dst(%dma_wait3A_60 : memref<16384xf32, #tpu.memory_space<hbm>>)
    %add3A_61 = arith.constant 81920 : i32
    %add3A_62 = arith.addi %add3A, %add3A_61 : i32
    %dma_start3A_63 = tpu.memref_slice %arg2[%add3A_62] : memref<12582912xf32, #tpu.memory_space<hbm>> -> memref<16384xf32, #tpu.memory_space<hbm>>
    %dma_start3A_64 = tpu.memref_slice %arg2[%add3A_62] : memref<12582912xf32, #tpu.memory_space<hbm>> -> memref<16384xf32, #tpu.memory_space<hbm>>
    tpu.enqueue_dma source(%dma_start3A_64 : memref<16384xf32, #tpu.memory_space<hbm>>) target(%arg7 : memref<16384xf32, #tpu.memory_space<vmem>>) target_semaphore(%arg12 : memref<!tpu.dma_semaphore, #tpu.memory_space<semaphore_mem>>)
    %dma_wait3A_65 = tpu.memref_slice %arg2[%add3A_22] : memref<12582912xf32, #tpu.memory_space<hbm>> -> memref<16384xf32, #tpu.memory_space<hbm>>
    %dma_wait3A_66 = tpu.memref_slice %arg2[%add3A_22] : memref<12582912xf32, #tpu.memory_space<hbm>> -> memref<16384xf32, #tpu.memory_space<hbm>>
    tpu.wait_dma2 semaphore(%arg12 : memref<!tpu.dma_semaphore, #tpu.memory_space<semaphore_mem>>) src(%dma_wait3A_66 : memref<16384xf32, #tpu.memory_space<hbm>>) dst(%arg8 : memref<16384xf32, #tpu.memory_space<vmem>>)
    %scan3A_67 = arith.constant 0 : i32
    %scan3A_68 = arith.constant 0 : i32
    %scan3A_69 = arith.constant 64 : i32
    %scan3A_70 = arith.addi %scan3A_68, %scan3A_69 : i32
    %scan3A_71 = arith.constant 1 : i32
    %scan3A_72 = scf.for %scan3A_467 = %scan3A_68 to %scan3A_70 step %scan3A_71 iter_args(%scan3A_468 = %scan3A_67) -> (i32)  : i32 {
      %mul3A_469 = arith.constant 16 : i32
      %mul3A_470 = arith.muli %scan3A_467, %mul3A_469 : i32
      %get3A = arith.index_cast %mul3A_470 : i32 to index
      %get3A_471 = tpu.vector_load %arg10[%get3A] {strides = array<i32>} : memref<1024xi32, #tpu.memory_space<vmem>>, vector<16xi32>,
      %mul3A_472 = arith.constant 16 : i32
      %mul3A_473 = arith.muli %scan3A_467, %mul3A_472 : i32
      %add3A_474 = arith.constant 2048 : i32
      %add3A_475 = arith.addi %add3A_474, %mul3A_473 : i32
      %get3A_476 = arith.index_cast %add3A_475 : i32 to index
      %get3A_477 = tpu.vector_load %arg11[%get3A_476] {strides = array<i32>} : memref<24576xf32, #tpu.memory_space<vmem>>, vector<16xf32>,
      tpu.vector_store_idx %arg8[%get3A_471], %get3A_477 : memref<16384xf32, #tpu.memory_space<vmem>>[vector<16xi32>], vector<16xf32>,
      %scan3A_478 = arith.constant 0 : i32
      scf.yield %scan3A_478 : i32
    }
    %scan3A_73 = arith.constant 64 : i32
    %add3A_74 = arith.constant 32768 : i32
    %add3A_75 = arith.addi %add3A, %add3A_74 : i32
    %dma_start3A_76 = tpu.memref_slice %arg5[%add3A_75] : memref<12582912xf32, #tpu.memory_space<hbm>> -> memref<16384xf32, #tpu.memory_space<hbm>>
    %dma_start3A_77 = tpu.memref_slice %arg5[%add3A_75] : memref<12582912xf32, #tpu.memory_space<hbm>> -> memref<16384xf32, #tpu.memory_space<hbm>>
    tpu.enqueue_dma source(%arg8 : memref<16384xf32, #tpu.memory_space<vmem>>) target(%dma_start3A_77 : memref<16384xf32, #tpu.memory_space<hbm>>) target_semaphore(%arg13 : memref<!tpu.dma_semaphore, #tpu.memory_space<semaphore_mem>>)
    %dma_wait3A_78 = tpu.memref_slice %arg5[%add3A_75] : memref<12582912xf32, #tpu.memory_space<hbm>> -> memref<16384xf32, #tpu.memory_space<hbm>>
    %dma_wait3A_79 = tpu.memref_slice %arg5[%add3A_75] : memref<12582912xf32, #tpu.memory_space<hbm>> -> memref<16384xf32, #tpu.memory_space<hbm>>
    tpu.wait_dma2 semaphore(%arg13 : memref<!tpu.dma_semaphore, #tpu.memory_space<semaphore_mem>>) src(%arg8 : memref<16384xf32, #tpu.memory_space<vmem>>) dst(%dma_wait3A_79 : memref<16384xf32, #tpu.memory_space<hbm>>)
    %add3A_80 = arith.constant 98304 : i32
    %add3A_81 = arith.addi %add3A, %add3A_80 : i32
    %dma_start3A_82 = tpu.memref_slice %arg2[%add3A_81] : memref<12582912xf32, #tpu.memory_space<hbm>> -> memref<16384xf32, #tpu.memory_space<hbm>>
    %dma_start3A_83 = tpu.memref_slice %arg2[%add3A_81] : memref<12582912xf32, #tpu.memory_space<hbm>> -> memref<16384xf32, #tpu.memory_space<hbm>>
    tpu.enqueue_dma source(%dma_start3A_83 : memref<16384xf32, #tpu.memory_space<hbm>>) target(%arg8 : memref<16384xf32, #tpu.memory_space<vmem>>) target_semaphore(%arg12 : memref<!tpu.dma_semaphore, #tpu.memory_space<semaphore_mem>>)
    %dma_wait3A_84 = tpu.memref_slice %arg2[%add3A_26] : memref<12582912xf32, #tpu.memory_space<hbm>> -> memref<16384xf32, #tpu.memory_space<hbm>>
    %dma_wait3A_85 = tpu.memref_slice %arg2[%add3A_26] : memref<12582912xf32, #tpu.memory_space<hbm>> -> memref<16384xf32, #tpu.memory_space<hbm>>
    tpu.wait_dma2 semaphore(%arg12 : memref<!tpu.dma_semaphore, #tpu.memory_space<semaphore_mem>>) src(%dma_wait3A_85 : memref<16384xf32, #tpu.memory_space<hbm>>) dst(%arg9 : memref<16384xf32, #tpu.memory_space<vmem>>)
    %scan3A_86 = arith.constant 0 : i32
    %scan3A_87 = arith.constant 0 : i32
    %scan3A_88 = arith.constant 64 : i32
    %scan3A_89 = arith.addi %scan3A_87, %scan3A_88 : i32
    %scan3A_90 = arith.constant 1 : i32
    %scan3A_91 = scf.for %scan3A_467 = %scan3A_87 to %scan3A_89 step %scan3A_90 iter_args(%scan3A_468 = %scan3A_86) -> (i32)  : i32 {
      %mul3A_469 = arith.constant 16 : i32
      %mul3A_470 = arith.muli %scan3A_467, %mul3A_469 : i32
      %get3A = arith.index_cast %mul3A_470 : i32 to index
      %get3A_471 = tpu.vector_load %arg10[%get3A] {strides = array<i32>} : memref<1024xi32, #tpu.memory_space<vmem>>, vector<16xi32>,
      %mul3A_472 = arith.constant 16 : i32
      %mul3A_473 = arith.muli %scan3A_467, %mul3A_472 : i32
      %add3A_474 = arith.constant 3072 : i32
      %add3A_475 = arith.addi %add3A_474, %mul3A_473 : i32
      %get3A_476 = arith.index_cast %add3A_475 : i32 to index
      %get3A_477 = tpu.vector_load %arg11[%get3A_476] {strides = array<i32>} : memref<24576xf32, #tpu.memory_space<vmem>>, vector<16xf32>,
      tpu.vector_store_idx %arg9[%get3A_471], %get3A_477 : memref<16384xf32, #tpu.memory_space<vmem>>[vector<16xi32>], vector<16xf32>,
      %scan3A_478 = arith.constant 0 : i32
      scf.yield %scan3A_478 : i32
    }
    %scan3A_92 = arith.constant 64 : i32
    %add3A_93 = arith.constant 49152 : i32
    %add3A_94 = arith.addi %add3A, %add3A_93 : i32
    %dma_start3A_95 = tpu.memref_slice %arg5[%add3A_94] : memref<12582912xf32, #tpu.memory_space<hbm>> -> memref<16384xf32, #tpu.memory_space<hbm>>
    %dma_start3A_96 = tpu.memref_slice %arg5[%add3A_94] : memref<12582912xf32, #tpu.memory_space<hbm>> -> memref<16384xf32, #tpu.memory_space<hbm>>
    tpu.enqueue_dma source(%arg9 : memref<16384xf32, #tpu.memory_space<vmem>>) target(%dma_start3A_96 : memref<16384xf32, #tpu.memory_space<hbm>>) target_semaphore(%arg13 : memref<!tpu.dma_semaphore, #tpu.memory_space<semaphore_mem>>)
    %dma_wait3A_97 = tpu.memref_slice %arg5[%add3A_94] : memref<12582912xf32, #tpu.memory_space<hbm>> -> memref<16384xf32, #tpu.memory_space<hbm>>
    %dma_wait3A_98 = tpu.memref_slice %arg5[%add3A_94] : memref<12582912xf32, #tpu.memory_space<hbm>> -> memref<16384xf32, #tpu.memory_space<hbm>>
    tpu.wait_dma2 semaphore(%arg13 : memref<!tpu.dma_semaphore, #tpu.memory_space<semaphore_mem>>) src(%arg9 : memref<16384xf32, #tpu.memory_space<vmem>>) dst(%dma_wait3A_98 : memref<16384xf32, #tpu.memory_space<hbm>>)
    %add3A_99 = arith.constant 114688 : i32
    %add3A_100 = arith.addi %add3A, %add3A_99 : i32
    %dma_start3A_101 = tpu.memref_slice %arg2[%add3A_100] : memref<12582912xf32, #tpu.memory_space<hbm>> -> memref<16384xf32, #tpu.memory_space<hbm>>
    %dma_start3A_102 = tpu.memref_slice %arg2[%add3A_100] : memref<12582912xf32, #tpu.memory_space<hbm>> -> memref<16384xf32, #tpu.memory_space<hbm>>
    tpu.enqueue_dma source(%dma_start3A_102 : memref<16384xf32, #tpu.memory_space<hbm>>) target(%arg9 : memref<16384xf32, #tpu.memory_space<vmem>>) target_semaphore(%arg12 : memref<!tpu.dma_semaphore, #tpu.memory_space<semaphore_mem>>)
    %dma_wait3A_103 = tpu.memref_slice %arg2[%add3A_43] : memref<12582912xf32, #tpu.memory_space<hbm>> -> memref<16384xf32, #tpu.memory_space<hbm>>
    %dma_wait3A_104 = tpu.memref_slice %arg2[%add3A_43] : memref<12582912xf32, #tpu.memory_space<hbm>> -> memref<16384xf32, #tpu.memory_space<hbm>>
    tpu.wait_dma2 semaphore(%arg12 : memref<!tpu.dma_semaphore, #tpu.memory_space<semaphore_mem>>) src(%dma_wait3A_104 : memref<16384xf32, #tpu.memory_space<hbm>>) dst(%arg6 : memref<16384xf32, #tpu.memory_space<vmem>>)
    %scan3A_105 = arith.constant 0 : i32
    %scan3A_106 = arith.constant 0 : i32
    %scan3A_107 = arith.constant 64 : i32
    %scan3A_108 = arith.addi %scan3A_106, %scan3A_107 : i32
    %scan3A_109 = arith.constant 1 : i32
    %scan3A_110 = scf.for %scan3A_467 = %scan3A_106 to %scan3A_108 step %scan3A_109 iter_args(%scan3A_468 = %scan3A_105) -> (i32)  : i32 {
      %mul3A_469 = arith.constant 16 : i32
      %mul3A_470 = arith.muli %scan3A_467, %mul3A_469 : i32
      %get3A = arith.index_cast %mul3A_470 : i32 to index
      %get3A_471 = tpu.vector_load %arg10[%get3A] {strides = array<i32>} : memref<1024xi32, #tpu.memory_space<vmem>>, vector<16xi32>,
      %mul3A_472 = arith.constant 16 : i32
      %mul3A_473 = arith.muli %scan3A_467, %mul3A_472 : i32
      %add3A_474 = arith.constant 4096 : i32
      %add3A_475 = arith.addi %add3A_474, %mul3A_473 : i32
      %get3A_476 = arith.index_cast %add3A_475 : i32 to index
      %get3A_477 = tpu.vector_load %arg11[%get3A_476] {strides = array<i32>} : memref<24576xf32, #tpu.memory_space<vmem>>, vector<16xf32>,
      tpu.vector_store_idx %arg6[%get3A_471], %get3A_477 : memref<16384xf32, #tpu.memory_space<vmem>>[vector<16xi32>], vector<16xf32>,
      %scan3A_478 = arith.constant 0 : i32
      scf.yield %scan3A_478 : i32
    }
    %scan3A_111 = arith.constant 64 : i32
    %add3A_112 = arith.constant 65536 : i32
    %add3A_113 = arith.addi %add3A, %add3A_112 : i32
    %dma_start3A_114 = tpu.memref_slice %arg5[%add3A_113] : memref<12582912xf32, #tpu.memory_space<hbm>> -> memref<16384xf32, #tpu.memory_space<hbm>>
    %dma_start3A_115 = tpu.memref_slice %arg5[%add3A_113] : memref<12582912xf32, #tpu.memory_space<hbm>> -> memref<16384xf32, #tpu.memory_space<hbm>>
    tpu.enqueue_dma source(%arg6 : memref<16384xf32, #tpu.memory_space<vmem>>) target(%dma_start3A_115 : memref<16384xf32, #tpu.memory_space<hbm>>) target_semaphore(%arg13 : memref<!tpu.dma_semaphore, #tpu.memory_space<semaphore_mem>>)
    %dma_wait3A_116 = tpu.memref_slice %arg5[%add3A_113] : memref<12582912xf32, #tpu.memory_space<hbm>> -> memref<16384xf32, #tpu.memory_space<hbm>>
    %dma_wait3A_117 = tpu.memref_slice %arg5[%add3A_113] : memref<12582912xf32, #tpu.memory_space<hbm>> -> memref<16384xf32, #tpu.memory_space<hbm>>
    tpu.wait_dma2 semaphore(%arg13 : memref<!tpu.dma_semaphore, #tpu.memory_space<semaphore_mem>>) src(%arg6 : memref<16384xf32, #tpu.memory_space<vmem>>) dst(%dma_wait3A_117 : memref<16384xf32, #tpu.memory_space<hbm>>)
    %add3A_118 = arith.constant 131072 : i32
    %add3A_119 = arith.addi %add3A, %add3A_118 : i32
    %dma_start3A_120 = tpu.memref_slice %arg2[%add3A_119] : memref<12582912xf32, #tpu.memory_space<hbm>> -> memref<16384xf32, #tpu.memory_space<hbm>>
    %dma_start3A_121 = tpu.memref_slice %arg2[%add3A_119] : memref<12582912xf32, #tpu.memory_space<hbm>> -> memref<16384xf32, #tpu.memory_space<hbm>>
    tpu.enqueue_dma source(%dma_start3A_121 : memref<16384xf32, #tpu.memory_space<hbm>>) target(%arg6 : memref<16384xf32, #tpu.memory_space<vmem>>) target_semaphore(%arg12 : memref<!tpu.dma_semaphore, #tpu.memory_space<semaphore_mem>>)
    %dma_wait3A_122 = tpu.memref_slice %arg2[%add3A_62] : memref<12582912xf32, #tpu.memory_space<hbm>> -> memref<16384xf32, #tpu.memory_space<hbm>>
    %dma_wait3A_123 = tpu.memref_slice %arg2[%add3A_62] : memref<12582912xf32, #tpu.memory_space<hbm>> -> memref<16384xf32, #tpu.memory_space<hbm>>
    tpu.wait_dma2 semaphore(%arg12 : memref<!tpu.dma_semaphore, #tpu.memory_space<semaphore_mem>>) src(%dma_wait3A_123 : memref<16384xf32, #tpu.memory_space<hbm>>) dst(%arg7 : memref<16384xf32, #tpu.memory_space<vmem>>)
    %scan3A_124 = arith.constant 0 : i32
    %scan3A_125 = arith.constant 0 : i32
    %scan3A_126 = arith.constant 64 : i32
    %scan3A_127 = arith.addi %scan3A_125, %scan3A_126 : i32
    %scan3A_128 = arith.constant 1 : i32
    %scan3A_129 = scf.for %scan3A_467 = %scan3A_125 to %scan3A_127 step %scan3A_128 iter_args(%scan3A_468 = %scan3A_124) -> (i32)  : i32 {
      %mul3A_469 = arith.constant 16 : i32
      %mul3A_470 = arith.muli %scan3A_467, %mul3A_469 : i32
      %get3A = arith.index_cast %mul3A_470 : i32 to index
      %get3A_471 = tpu.vector_load %arg10[%get3A] {strides = array<i32>} : memref<1024xi32, #tpu.memory_space<vmem>>, vector<16xi32>,
      %mul3A_472 = arith.constant 16 : i32
      %mul3A_473 = arith.muli %scan3A_467, %mul3A_472 : i32
      %add3A_474 = arith.constant 5120 : i32
      %add3A_475 = arith.addi %add3A_474, %mul3A_473 : i32
      %get3A_476 = arith.index_cast %add3A_475 : i32 to index
      %get3A_477 = tpu.vector_load %arg11[%get3A_476] {strides = array<i32>} : memref<24576xf32, #tpu.memory_space<vmem>>, vector<16xf32>,
      tpu.vector_store_idx %arg7[%get3A_471], %get3A_477 : memref<16384xf32, #tpu.memory_space<vmem>>[vector<16xi32>], vector<16xf32>,
      %scan3A_478 = arith.constant 0 : i32
      scf.yield %scan3A_478 : i32
    }
    %scan3A_130 = arith.constant 64 : i32
    %add3A_131 = arith.constant 81920 : i32
    %add3A_132 = arith.addi %add3A, %add3A_131 : i32
    %dma_start3A_133 = tpu.memref_slice %arg5[%add3A_132] : memref<12582912xf32, #tpu.memory_space<hbm>> -> memref<16384xf32, #tpu.memory_space<hbm>>
    %dma_start3A_134 = tpu.memref_slice %arg5[%add3A_132] : memref<12582912xf32, #tpu.memory_space<hbm>> -> memref<16384xf32, #tpu.memory_space<hbm>>
    tpu.enqueue_dma source(%arg7 : memref<16384xf32, #tpu.memory_space<vmem>>) target(%dma_start3A_134 : memref<16384xf32, #tpu.memory_space<hbm>>) target_semaphore(%arg13 : memref<!tpu.dma_semaphore, #tpu.memory_space<semaphore_mem>>)
    %dma_wait3A_135 = tpu.memref_slice %arg5[%add3A_132] : memref<12582912xf32, #tpu.memory_space<hbm>> -> memref<16384xf32, #tpu.memory_space<hbm>>
    %dma_wait3A_136 = tpu.memref_slice %arg5[%add3A_132] : memref<12582912xf32, #tpu.memory_space<hbm>> -> memref<16384xf32, #tpu.memory_space<hbm>>
    tpu.wait_dma2 semaphore(%arg13 : memref<!tpu.dma_semaphore, #tpu.memory_space<semaphore_mem>>) src(%arg7 : memref<16384xf32, #tpu.memory_space<vmem>>) dst(%dma_wait3A_136 : memref<16384xf32, #tpu.memory_space<hbm>>)
    %add3A_137 = arith.constant 147456 : i32
    %add3A_138 = arith.addi %add3A, %add3A_137 : i32
    %dma_start3A_139 = tpu.memref_slice %arg2[%add3A_138] : memref<12582912xf32, #tpu.memory_space<hbm>> -> memref<16384xf32, #tpu.memory_space<hbm>>
    %dma_start3A_140 = tpu.memref_slice %arg2[%add3A_138] : memref<12582912xf32, #tpu.memory_space<hbm>> -> memref<16384xf32, #tpu.memory_space<hbm>>
    tpu.enqueue_dma source(%dma_start3A_140 : memref<16384xf32, #tpu.memory_space<hbm>>) target(%arg7 : memref<16384xf32, #tpu.memory_space<vmem>>) target_semaphore(%arg12 : memref<!tpu.dma_semaphore, #tpu.memory_space<semaphore_mem>>)
    %dma_wait3A_141 = tpu.memref_slice %arg2[%add3A_81] : memref<12582912xf32, #tpu.memory_space<hbm>> -> memref<16384xf32, #tpu.memory_space<hbm>>
    %dma_wait3A_142 = tpu.memref_slice %arg2[%add3A_81] : memref<12582912xf32, #tpu.memory_space<hbm>> -> memref<16384xf32, #tpu.memory_space<hbm>>
    tpu.wait_dma2 semaphore(%arg12 : memref<!tpu.dma_semaphore, #tpu.memory_space<semaphore_mem>>) src(%dma_wait3A_142 : memref<16384xf32, #tpu.memory_space<hbm>>) dst(%arg8 : memref<16384xf32, #tpu.memory_space<vmem>>)
    %scan3A_143 = arith.constant 0 : i32
    %scan3A_144 = arith.constant 0 : i32
    %scan3A_145 = arith.constant 64 : i32
    %scan3A_146 = arith.addi %scan3A_144, %scan3A_145 : i32
    %scan3A_147 = arith.constant 1 : i32
    %scan3A_148 = scf.for %scan3A_467 = %scan3A_144 to %scan3A_146 step %scan3A_147 iter_args(%scan3A_468 = %scan3A_143) -> (i32)  : i32 {
      %mul3A_469 = arith.constant 16 : i32
      %mul3A_470 = arith.muli %scan3A_467, %mul3A_469 : i32
      %get3A = arith.index_cast %mul3A_470 : i32 to index
      %get3A_471 = tpu.vector_load %arg10[%get3A] {strides = array<i32>} : memref<1024xi32, #tpu.memory_space<vmem>>, vector<16xi32>,
      %mul3A_472 = arith.constant 16 : i32
      %mul3A_473 = arith.muli %scan3A_467, %mul3A_472 : i32
      %add3A_474 = arith.constant 6144 : i32
      %add3A_475 = arith.addi %add3A_474, %mul3A_473 : i32
      %get3A_476 = arith.index_cast %add3A_475 : i32 to index
      %get3A_477 = tpu.vector_load %arg11[%get3A_476] {strides = array<i32>} : memref<24576xf32, #tpu.memory_space<vmem>>, vector<16xf32>,
      tpu.vector_store_idx %arg8[%get3A_471], %get3A_477 : memref<16384xf32, #tpu.memory_space<vmem>>[vector<16xi32>], vector<16xf32>,
      %scan3A_478 = arith.constant 0 : i32
      scf.yield %scan3A_478 : i32
    }
    %scan3A_149 = arith.constant 64 : i32
    %add3A_150 = arith.constant 98304 : i32
    %add3A_151 = arith.addi %add3A, %add3A_150 : i32
    %dma_start3A_152 = tpu.memref_slice %arg5[%add3A_151] : memref<12582912xf32, #tpu.memory_space<hbm>> -> memref<16384xf32, #tpu.memory_space<hbm>>
    %dma_start3A_153 = tpu.memref_slice %arg5[%add3A_151] : memref<12582912xf32, #tpu.memory_space<hbm>> -> memref<16384xf32, #tpu.memory_space<hbm>>
    tpu.enqueue_dma source(%arg8 : memref<16384xf32, #tpu.memory_space<vmem>>) target(%dma_start3A_153 : memref<16384xf32, #tpu.memory_space<hbm>>) target_semaphore(%arg13 : memref<!tpu.dma_semaphore, #tpu.memory_space<semaphore_mem>>)
    %dma_wait3A_154 = tpu.memref_slice %arg5[%add3A_151] : memref<12582912xf32, #tpu.memory_space<hbm>> -> memref<16384xf32, #tpu.memory_space<hbm>>
    %dma_wait3A_155 = tpu.memref_slice %arg5[%add3A_151] : memref<12582912xf32, #tpu.memory_space<hbm>> -> memref<16384xf32, #tpu.memory_space<hbm>>
    tpu.wait_dma2 semaphore(%arg13 : memref<!tpu.dma_semaphore, #tpu.memory_space<semaphore_mem>>) src(%arg8 : memref<16384xf32, #tpu.memory_space<vmem>>) dst(%dma_wait3A_155 : memref<16384xf32, #tpu.memory_space<hbm>>)
    %add3A_156 = arith.constant 163840 : i32
    %add3A_157 = arith.addi %add3A, %add3A_156 : i32
    %dma_start3A_158 = tpu.memref_slice %arg2[%add3A_157] : memref<12582912xf32, #tpu.memory_space<hbm>> -> memref<16384xf32, #tpu.memory_space<hbm>>
    %dma_start3A_159 = tpu.memref_slice %arg2[%add3A_157] : memref<12582912xf32, #tpu.memory_space<hbm>> -> memref<16384xf32, #tpu.memory_space<hbm>>
    tpu.enqueue_dma source(%dma_start3A_159 : memref<16384xf32, #tpu.memory_space<hbm>>) target(%arg8 : memref<16384xf32, #tpu.memory_space<vmem>>) target_semaphore(%arg12 : memref<!tpu.dma_semaphore, #tpu.memory_space<semaphore_mem>>)
    %dma_wait3A_160 = tpu.memref_slice %arg2[%add3A_100] : memref<12582912xf32, #tpu.memory_space<hbm>> -> memref<16384xf32, #tpu.memory_space<hbm>>
    %dma_wait3A_161 = tpu.memref_slice %arg2[%add3A_100] : memref<12582912xf32, #tpu.memory_space<hbm>> -> memref<16384xf32, #tpu.memory_space<hbm>>
    tpu.wait_dma2 semaphore(%arg12 : memref<!tpu.dma_semaphore, #tpu.memory_space<semaphore_mem>>) src(%dma_wait3A_161 : memref<16384xf32, #tpu.memory_space<hbm>>) dst(%arg9 : memref<16384xf32, #tpu.memory_space<vmem>>)
    %scan3A_162 = arith.constant 0 : i32
    %scan3A_163 = arith.constant 0 : i32
    %scan3A_164 = arith.constant 64 : i32
    %scan3A_165 = arith.addi %scan3A_163, %scan3A_164 : i32
    %scan3A_166 = arith.constant 1 : i32
    %scan3A_167 = scf.for %scan3A_467 = %scan3A_163 to %scan3A_165 step %scan3A_166 iter_args(%scan3A_468 = %scan3A_162) -> (i32)  : i32 {
      %mul3A_469 = arith.constant 16 : i32
      %mul3A_470 = arith.muli %scan3A_467, %mul3A_469 : i32
      %get3A = arith.index_cast %mul3A_470 : i32 to index
      %get3A_471 = tpu.vector_load %arg10[%get3A] {strides = array<i32>} : memref<1024xi32, #tpu.memory_space<vmem>>, vector<16xi32>,
      %mul3A_472 = arith.constant 16 : i32
      %mul3A_473 = arith.muli %scan3A_467, %mul3A_472 : i32
      %add3A_474 = arith.constant 7168 : i32
      %add3A_475 = arith.addi %add3A_474, %mul3A_473 : i32
      %get3A_476 = arith.index_cast %add3A_475 : i32 to index
      %get3A_477 = tpu.vector_load %arg11[%get3A_476] {strides = array<i32>} : memref<24576xf32, #tpu.memory_space<vmem>>, vector<16xf32>,
      tpu.vector_store_idx %arg9[%get3A_471], %get3A_477 : memref<16384xf32, #tpu.memory_space<vmem>>[vector<16xi32>], vector<16xf32>,
      %scan3A_478 = arith.constant 0 : i32
      scf.yield %scan3A_478 : i32
    }
    %scan3A_168 = arith.constant 64 : i32
    %add3A_169 = arith.constant 114688 : i32
    %add3A_170 = arith.addi %add3A, %add3A_169 : i32
    %dma_start3A_171 = tpu.memref_slice %arg5[%add3A_170] : memref<12582912xf32, #tpu.memory_space<hbm>> -> memref<16384xf32, #tpu.memory_space<hbm>>
    %dma_start3A_172 = tpu.memref_slice %arg5[%add3A_170] : memref<12582912xf32, #tpu.memory_space<hbm>> -> memref<16384xf32, #tpu.memory_space<hbm>>
    tpu.enqueue_dma source(%arg9 : memref<16384xf32, #tpu.memory_space<vmem>>) target(%dma_start3A_172 : memref<16384xf32, #tpu.memory_space<hbm>>) target_semaphore(%arg13 : memref<!tpu.dma_semaphore, #tpu.memory_space<semaphore_mem>>)
    %dma_wait3A_173 = tpu.memref_slice %arg5[%add3A_170] : memref<12582912xf32, #tpu.memory_space<hbm>> -> memref<16384xf32, #tpu.memory_space<hbm>>
    %dma_wait3A_174 = tpu.memref_slice %arg5[%add3A_170] : memref<12582912xf32, #tpu.memory_space<hbm>> -> memref<16384xf32, #tpu.memory_space<hbm>>
    tpu.wait_dma2 semaphore(%arg13 : memref<!tpu.dma_semaphore, #tpu.memory_space<semaphore_mem>>) src(%arg9 : memref<16384xf32, #tpu.memory_space<vmem>>) dst(%dma_wait3A_174 : memref<16384xf32, #tpu.memory_space<hbm>>)
    %add3A_175 = arith.constant 180224 : i32
    %add3A_176 = arith.addi %add3A, %add3A_175 : i32
    %dma_start3A_177 = tpu.memref_slice %arg2[%add3A_176] : memref<12582912xf32, #tpu.memory_space<hbm>> -> memref<16384xf32, #tpu.memory_space<hbm>>
    %dma_start3A_178 = tpu.memref_slice %arg2[%add3A_176] : memref<12582912xf32, #tpu.memory_space<hbm>> -> memref<16384xf32, #tpu.memory_space<hbm>>
    tpu.enqueue_dma source(%dma_start3A_178 : memref<16384xf32, #tpu.memory_space<hbm>>) target(%arg9 : memref<16384xf32, #tpu.memory_space<vmem>>) target_semaphore(%arg12 : memref<!tpu.dma_semaphore, #tpu.memory_space<semaphore_mem>>)
    %dma_wait3A_179 = tpu.memref_slice %arg2[%add3A_119] : memref<12582912xf32, #tpu.memory_space<hbm>> -> memref<16384xf32, #tpu.memory_space<hbm>>
    %dma_wait3A_180 = tpu.memref_slice %arg2[%add3A_119] : memref<12582912xf32, #tpu.memory_space<hbm>> -> memref<16384xf32, #tpu.memory_space<hbm>>
    tpu.wait_dma2 semaphore(%arg12 : memref<!tpu.dma_semaphore, #tpu.memory_space<semaphore_mem>>) src(%dma_wait3A_180 : memref<16384xf32, #tpu.memory_space<hbm>>) dst(%arg6 : memref<16384xf32, #tpu.memory_space<vmem>>)
    %scan3A_181 = arith.constant 0 : i32
    %scan3A_182 = arith.constant 0 : i32
    %scan3A_183 = arith.constant 64 : i32
    %scan3A_184 = arith.addi %scan3A_182, %scan3A_183 : i32
    %scan3A_185 = arith.constant 1 : i32
    %scan3A_186 = scf.for %scan3A_467 = %scan3A_182 to %scan3A_184 step %scan3A_185 iter_args(%scan3A_468 = %scan3A_181) -> (i32)  : i32 {
      %mul3A_469 = arith.constant 16 : i32
      %mul3A_470 = arith.muli %scan3A_467, %mul3A_469 : i32
      %get3A = arith.index_cast %mul3A_470 : i32 to index
      %get3A_471 = tpu.vector_load %arg10[%get3A] {strides = array<i32>} : memref<1024xi32, #tpu.memory_space<vmem>>, vector<16xi32>,
      %mul3A_472 = arith.constant 16 : i32
      %mul3A_473 = arith.muli %scan3A_467, %mul3A_472 : i32
      %add3A_474 = arith.constant 8192 : i32
      %add3A_475 = arith.addi %add3A_474, %mul3A_473 : i32
      %get3A_476 = arith.index_cast %add3A_475 : i32 to index
      %get3A_477 = tpu.vector_load %arg11[%get3A_476] {strides = array<i32>} : memref<24576xf32, #tpu.memory_space<vmem>>, vector<16xf32>,
      tpu.vector_store_idx %arg6[%get3A_471], %get3A_477 : memref<16384xf32, #tpu.memory_space<vmem>>[vector<16xi32>], vector<16xf32>,
      %scan3A_478 = arith.constant 0 : i32
      scf.yield %scan3A_478 : i32
    }
    %scan3A_187 = arith.constant 64 : i32
    %add3A_188 = arith.constant 131072 : i32
    %add3A_189 = arith.addi %add3A, %add3A_188 : i32
    %dma_start3A_190 = tpu.memref_slice %arg5[%add3A_189] : memref<12582912xf32, #tpu.memory_space<hbm>> -> memref<16384xf32, #tpu.memory_space<hbm>>
    %dma_start3A_191 = tpu.memref_slice %arg5[%add3A_189] : memref<12582912xf32, #tpu.memory_space<hbm>> -> memref<16384xf32, #tpu.memory_space<hbm>>
    tpu.enqueue_dma source(%arg6 : memref<16384xf32, #tpu.memory_space<vmem>>) target(%dma_start3A_191 : memref<16384xf32, #tpu.memory_space<hbm>>) target_semaphore(%arg13 : memref<!tpu.dma_semaphore, #tpu.memory_space<semaphore_mem>>)
    %dma_wait3A_192 = tpu.memref_slice %arg5[%add3A_189] : memref<12582912xf32, #tpu.memory_space<hbm>> -> memref<16384xf32, #tpu.memory_space<hbm>>
    %dma_wait3A_193 = tpu.memref_slice %arg5[%add3A_189] : memref<12582912xf32, #tpu.memory_space<hbm>> -> memref<16384xf32, #tpu.memory_space<hbm>>
    tpu.wait_dma2 semaphore(%arg13 : memref<!tpu.dma_semaphore, #tpu.memory_space<semaphore_mem>>) src(%arg6 : memref<16384xf32, #tpu.memory_space<vmem>>) dst(%dma_wait3A_193 : memref<16384xf32, #tpu.memory_space<hbm>>)
    %add3A_194 = arith.constant 196608 : i32
    %add3A_195 = arith.addi %add3A, %add3A_194 : i32
    %dma_start3A_196 = tpu.memref_slice %arg2[%add3A_195] : memref<12582912xf32, #tpu.memory_space<hbm>> -> memref<16384xf32, #tpu.memory_space<hbm>>
    %dma_start3A_197 = tpu.memref_slice %arg2[%add3A_195] : memref<12582912xf32, #tpu.memory_space<hbm>> -> memref<16384xf32, #tpu.memory_space<hbm>>
    tpu.enqueue_dma source(%dma_start3A_197 : memref<16384xf32, #tpu.memory_space<hbm>>) target(%arg6 : memref<16384xf32, #tpu.memory_space<vmem>>) target_semaphore(%arg12 : memref<!tpu.dma_semaphore, #tpu.memory_space<semaphore_mem>>)
    %dma_wait3A_198 = tpu.memref_slice %arg2[%add3A_138] : memref<12582912xf32, #tpu.memory_space<hbm>> -> memref<16384xf32, #tpu.memory_space<hbm>>
    %dma_wait3A_199 = tpu.memref_slice %arg2[%add3A_138] : memref<12582912xf32, #tpu.memory_space<hbm>> -> memref<16384xf32, #tpu.memory_space<hbm>>
    tpu.wait_dma2 semaphore(%arg12 : memref<!tpu.dma_semaphore, #tpu.memory_space<semaphore_mem>>) src(%dma_wait3A_199 : memref<16384xf32, #tpu.memory_space<hbm>>) dst(%arg7 : memref<16384xf32, #tpu.memory_space<vmem>>)
    %scan3A_200 = arith.constant 0 : i32
    %scan3A_201 = arith.constant 0 : i32
    %scan3A_202 = arith.constant 64 : i32
    %scan3A_203 = arith.addi %scan3A_201, %scan3A_202 : i32
    %scan3A_204 = arith.constant 1 : i32
    %scan3A_205 = scf.for %scan3A_467 = %scan3A_201 to %scan3A_203 step %scan3A_204 iter_args(%scan3A_468 = %scan3A_200) -> (i32)  : i32 {
      %mul3A_469 = arith.constant 16 : i32
      %mul3A_470 = arith.muli %scan3A_467, %mul3A_469 : i32
      %get3A = arith.index_cast %mul3A_470 : i32 to index
      %get3A_471 = tpu.vector_load %arg10[%get3A] {strides = array<i32>} : memref<1024xi32, #tpu.memory_space<vmem>>, vector<16xi32>,
      %mul3A_472 = arith.constant 16 : i32
      %mul3A_473 = arith.muli %scan3A_467, %mul3A_472 : i32
      %add3A_474 = arith.constant 9216 : i32
      %add3A_475 = arith.addi %add3A_474, %mul3A_473 : i32
      %get3A_476 = arith.index_cast %add3A_475 : i32 to index
      %get3A_477 = tpu.vector_load %arg11[%get3A_476] {strides = array<i32>} : memref<24576xf32, #tpu.memory_space<vmem>>, vector<16xf32>,
      tpu.vector_store_idx %arg7[%get3A_471], %get3A_477 : memref<16384xf32, #tpu.memory_space<vmem>>[vector<16xi32>], vector<16xf32>,
      %scan3A_478 = arith.constant 0 : i32
      scf.yield %scan3A_478 : i32
    }
    %scan3A_206 = arith.constant 64 : i32
    %add3A_207 = arith.constant 147456 : i32
    %add3A_208 = arith.addi %add3A, %add3A_207 : i32
    %dma_start3A_209 = tpu.memref_slice %arg5[%add3A_208] : memref<12582912xf32, #tpu.memory_space<hbm>> -> memref<16384xf32, #tpu.memory_space<hbm>>
    %dma_start3A_210 = tpu.memref_slice %arg5[%add3A_208] : memref<12582912xf32, #tpu.memory_space<hbm>> -> memref<16384xf32, #tpu.memory_space<hbm>>
    tpu.enqueue_dma source(%arg7 : memref<16384xf32, #tpu.memory_space<vmem>>) target(%dma_start3A_210 : memref<16384xf32, #tpu.memory_space<hbm>>) target_semaphore(%arg13 : memref<!tpu.dma_semaphore, #tpu.memory_space<semaphore_mem>>)
    %dma_wait3A_211 = tpu.memref_slice %arg5[%add3A_208] : memref<12582912xf32, #tpu.memory_space<hbm>> -> memref<16384xf32, #tpu.memory_space<hbm>>
    %dma_wait3A_212 = tpu.memref_slice %arg5[%add3A_208] : memref<12582912xf32, #tpu.memory_space<hbm>> -> memref<16384xf32, #tpu.memory_space<hbm>>
    tpu.wait_dma2 semaphore(%arg13 : memref<!tpu.dma_semaphore, #tpu.memory_space<semaphore_mem>>) src(%arg7 : memref<16384xf32, #tpu.memory_space<vmem>>) dst(%dma_wait3A_212 : memref<16384xf32, #tpu.memory_space<hbm>>)
    %add3A_213 = arith.constant 212992 : i32
    %add3A_214 = arith.addi %add3A, %add3A_213 : i32
    %dma_start3A_215 = tpu.memref_slice %arg2[%add3A_214] : memref<12582912xf32, #tpu.memory_space<hbm>> -> memref<16384xf32, #tpu.memory_space<hbm>>
    %dma_start3A_216 = tpu.memref_slice %arg2[%add3A_214] : memref<12582912xf32, #tpu.memory_space<hbm>> -> memref<16384xf32, #tpu.memory_space<hbm>>
    tpu.enqueue_dma source(%dma_start3A_216 : memref<16384xf32, #tpu.memory_space<hbm>>) target(%arg7 : memref<16384xf32, #tpu.memory_space<vmem>>) target_semaphore(%arg12 : memref<!tpu.dma_semaphore, #tpu.memory_space<semaphore_mem>>)
    %dma_wait3A_217 = tpu.memref_slice %arg2[%add3A_157] : memref<12582912xf32, #tpu.memory_space<hbm>> -> memref<16384xf32, #tpu.memory_space<hbm>>
    %dma_wait3A_218 = tpu.memref_slice %arg2[%add3A_157] : memref<12582912xf32, #tpu.memory_space<hbm>> -> memref<16384xf32, #tpu.memory_space<hbm>>
    tpu.wait_dma2 semaphore(%arg12 : memref<!tpu.dma_semaphore, #tpu.memory_space<semaphore_mem>>) src(%dma_wait3A_218 : memref<16384xf32, #tpu.memory_space<hbm>>) dst(%arg8 : memref<16384xf32, #tpu.memory_space<vmem>>)
    %scan3A_219 = arith.constant 0 : i32
    %scan3A_220 = arith.constant 0 : i32
    %scan3A_221 = arith.constant 64 : i32
    %scan3A_222 = arith.addi %scan3A_220, %scan3A_221 : i32
    %scan3A_223 = arith.constant 1 : i32
    %scan3A_224 = scf.for %scan3A_467 = %scan3A_220 to %scan3A_222 step %scan3A_223 iter_args(%scan3A_468 = %scan3A_219) -> (i32)  : i32 {
      %mul3A_469 = arith.constant 16 : i32
      %mul3A_470 = arith.muli %scan3A_467, %mul3A_469 : i32
      %get3A = arith.index_cast %mul3A_470 : i32 to index
      %get3A_471 = tpu.vector_load %arg10[%get3A] {strides = array<i32>} : memref<1024xi32, #tpu.memory_space<vmem>>, vector<16xi32>,
      %mul3A_472 = arith.constant 16 : i32
      %mul3A_473 = arith.muli %scan3A_467, %mul3A_472 : i32
      %add3A_474 = arith.constant 10240 : i32
      %add3A_475 = arith.addi %add3A_474, %mul3A_473 : i32
      %get3A_476 = arith.index_cast %add3A_475 : i32 to index
      %get3A_477 = tpu.vector_load %arg11[%get3A_476] {strides = array<i32>} : memref<24576xf32, #tpu.memory_space<vmem>>, vector<16xf32>,
      tpu.vector_store_idx %arg8[%get3A_471], %get3A_477 : memref<16384xf32, #tpu.memory_space<vmem>>[vector<16xi32>], vector<16xf32>,
      %scan3A_478 = arith.constant 0 : i32
      scf.yield %scan3A_478 : i32
    }
    %scan3A_225 = arith.constant 64 : i32
    %add3A_226 = arith.constant 163840 : i32
    %add3A_227 = arith.addi %add3A, %add3A_226 : i32
    %dma_start3A_228 = tpu.memref_slice %arg5[%add3A_227] : memref<12582912xf32, #tpu.memory_space<hbm>> -> memref<16384xf32, #tpu.memory_space<hbm>>
    %dma_start3A_229 = tpu.memref_slice %arg5[%add3A_227] : memref<12582912xf32, #tpu.memory_space<hbm>> -> memref<16384xf32, #tpu.memory_space<hbm>>
    tpu.enqueue_dma source(%arg8 : memref<16384xf32, #tpu.memory_space<vmem>>) target(%dma_start3A_229 : memref<16384xf32, #tpu.memory_space<hbm>>) target_semaphore(%arg13 : memref<!tpu.dma_semaphore, #tpu.memory_space<semaphore_mem>>)
    %dma_wait3A_230 = tpu.memref_slice %arg5[%add3A_227] : memref<12582912xf32, #tpu.memory_space<hbm>> -> memref<16384xf32, #tpu.memory_space<hbm>>
    %dma_wait3A_231 = tpu.memref_slice %arg5[%add3A_227] : memref<12582912xf32, #tpu.memory_space<hbm>> -> memref<16384xf32, #tpu.memory_space<hbm>>
    tpu.wait_dma2 semaphore(%arg13 : memref<!tpu.dma_semaphore, #tpu.memory_space<semaphore_mem>>) src(%arg8 : memref<16384xf32, #tpu.memory_space<vmem>>) dst(%dma_wait3A_231 : memref<16384xf32, #tpu.memory_space<hbm>>)
    %add3A_232 = arith.constant 229376 : i32
    %add3A_233 = arith.addi %add3A, %add3A_232 : i32
    %dma_start3A_234 = tpu.memref_slice %arg2[%add3A_233] : memref<12582912xf32, #tpu.memory_space<hbm>> -> memref<16384xf32, #tpu.memory_space<hbm>>
    %dma_start3A_235 = tpu.memref_slice %arg2[%add3A_233] : memref<12582912xf32, #tpu.memory_space<hbm>> -> memref<16384xf32, #tpu.memory_space<hbm>>
    tpu.enqueue_dma source(%dma_start3A_235 : memref<16384xf32, #tpu.memory_space<hbm>>) target(%arg8 : memref<16384xf32, #tpu.memory_space<vmem>>) target_semaphore(%arg12 : memref<!tpu.dma_semaphore, #tpu.memory_space<semaphore_mem>>)
    %dma_wait3A_236 = tpu.memref_slice %arg2[%add3A_176] : memref<12582912xf32, #tpu.memory_space<hbm>> -> memref<16384xf32, #tpu.memory_space<hbm>>
    %dma_wait3A_237 = tpu.memref_slice %arg2[%add3A_176] : memref<12582912xf32, #tpu.memory_space<hbm>> -> memref<16384xf32, #tpu.memory_space<hbm>>
    tpu.wait_dma2 semaphore(%arg12 : memref<!tpu.dma_semaphore, #tpu.memory_space<semaphore_mem>>) src(%dma_wait3A_237 : memref<16384xf32, #tpu.memory_space<hbm>>) dst(%arg9 : memref<16384xf32, #tpu.memory_space<vmem>>)
    %scan3A_238 = arith.constant 0 : i32
    %scan3A_239 = arith.constant 0 : i32
    %scan3A_240 = arith.constant 64 : i32
    %scan3A_241 = arith.addi %scan3A_239, %scan3A_240 : i32
    %scan3A_242 = arith.constant 1 : i32
    %scan3A_243 = scf.for %scan3A_467 = %scan3A_239 to %scan3A_241 step %scan3A_242 iter_args(%scan3A_468 = %scan3A_238) -> (i32)  : i32 {
      %mul3A_469 = arith.constant 16 : i32
      %mul3A_470 = arith.muli %scan3A_467, %mul3A_469 : i32
      %get3A = arith.index_cast %mul3A_470 : i32 to index
      %get3A_471 = tpu.vector_load %arg10[%get3A] {strides = array<i32>} : memref<1024xi32, #tpu.memory_space<vmem>>, vector<16xi32>,
      %mul3A_472 = arith.constant 16 : i32
      %mul3A_473 = arith.muli %scan3A_467, %mul3A_472 : i32
      %add3A_474 = arith.constant 11264 : i32
      %add3A_475 = arith.addi %add3A_474, %mul3A_473 : i32
      %get3A_476 = arith.index_cast %add3A_475 : i32 to index
      %get3A_477 = tpu.vector_load %arg11[%get3A_476] {strides = array<i32>} : memref<24576xf32, #tpu.memory_space<vmem>>, vector<16xf32>,
      tpu.vector_store_idx %arg9[%get3A_471], %get3A_477 : memref<16384xf32, #tpu.memory_space<vmem>>[vector<16xi32>], vector<16xf32>,
      %scan3A_478 = arith.constant 0 : i32
      scf.yield %scan3A_478 : i32
    }
    %scan3A_244 = arith.constant 64 : i32
    %add3A_245 = arith.constant 180224 : i32
    %add3A_246 = arith.addi %add3A, %add3A_245 : i32
    %dma_start3A_247 = tpu.memref_slice %arg5[%add3A_246] : memref<12582912xf32, #tpu.memory_space<hbm>> -> memref<16384xf32, #tpu.memory_space<hbm>>
    %dma_start3A_248 = tpu.memref_slice %arg5[%add3A_246] : memref<12582912xf32, #tpu.memory_space<hbm>> -> memref<16384xf32, #tpu.memory_space<hbm>>
    tpu.enqueue_dma source(%arg9 : memref<16384xf32, #tpu.memory_space<vmem>>) target(%dma_start3A_248 : memref<16384xf32, #tpu.memory_space<hbm>>) target_semaphore(%arg13 : memref<!tpu.dma_semaphore, #tpu.memory_space<semaphore_mem>>)
    %dma_wait3A_249 = tpu.memref_slice %arg5[%add3A_246] : memref<12582912xf32, #tpu.memory_space<hbm>> -> memref<16384xf32, #tpu.memory_space<hbm>>
    %dma_wait3A_250 = tpu.memref_slice %arg5[%add3A_246] : memref<12582912xf32, #tpu.memory_space<hbm>> -> memref<16384xf32, #tpu.memory_space<hbm>>
    tpu.wait_dma2 semaphore(%arg13 : memref<!tpu.dma_semaphore, #tpu.memory_space<semaphore_mem>>) src(%arg9 : memref<16384xf32, #tpu.memory_space<vmem>>) dst(%dma_wait3A_250 : memref<16384xf32, #tpu.memory_space<hbm>>)
    %add3A_251 = arith.constant 245760 : i32
    %add3A_252 = arith.addi %add3A, %add3A_251 : i32
    %dma_start3A_253 = tpu.memref_slice %arg2[%add3A_252] : memref<12582912xf32, #tpu.memory_space<hbm>> -> memref<16384xf32, #tpu.memory_space<hbm>>
    %dma_start3A_254 = tpu.memref_slice %arg2[%add3A_252] : memref<12582912xf32, #tpu.memory_space<hbm>> -> memref<16384xf32, #tpu.memory_space<hbm>>
    tpu.enqueue_dma source(%dma_start3A_254 : memref<16384xf32, #tpu.memory_space<hbm>>) target(%arg9 : memref<16384xf32, #tpu.memory_space<vmem>>) target_semaphore(%arg12 : memref<!tpu.dma_semaphore, #tpu.memory_space<semaphore_mem>>)
    %dma_wait3A_255 = tpu.memref_slice %arg2[%add3A_195] : memref<12582912xf32, #tpu.memory_space<hbm>> -> memref<16384xf32, #tpu.memory_space<hbm>>
    %dma_wait3A_256 = tpu.memref_slice %arg2[%add3A_195] : memref<12582912xf32, #tpu.memory_space<hbm>> -> memref<16384xf32, #tpu.memory_space<hbm>>
    tpu.wait_dma2 semaphore(%arg12 : memref<!tpu.dma_semaphore, #tpu.memory_space<semaphore_mem>>) src(%dma_wait3A_256 : memref<16384xf32, #tpu.memory_space<hbm>>) dst(%arg6 : memref<16384xf32, #tpu.memory_space<vmem>>)
    %scan3A_257 = arith.constant 0 : i32
    %scan3A_258 = arith.constant 0 : i32
    %scan3A_259 = arith.constant 64 : i32
    %scan3A_260 = arith.addi %scan3A_258, %scan3A_259 : i32
    %scan3A_261 = arith.constant 1 : i32
    %scan3A_262 = scf.for %scan3A_467 = %scan3A_258 to %scan3A_260 step %scan3A_261 iter_args(%scan3A_468 = %scan3A_257) -> (i32)  : i32 {
      %mul3A_469 = arith.constant 16 : i32
      %mul3A_470 = arith.muli %scan3A_467, %mul3A_469 : i32
      %get3A = arith.index_cast %mul3A_470 : i32 to index
      %get3A_471 = tpu.vector_load %arg10[%get3A] {strides = array<i32>} : memref<1024xi32, #tpu.memory_space<vmem>>, vector<16xi32>,
      %mul3A_472 = arith.constant 16 : i32
      %mul3A_473 = arith.muli %scan3A_467, %mul3A_472 : i32
      %add3A_474 = arith.constant 12288 : i32
      %add3A_475 = arith.addi %add3A_474, %mul3A_473 : i32
      %get3A_476 = arith.index_cast %add3A_475 : i32 to index
      %get3A_477 = tpu.vector_load %arg11[%get3A_476] {strides = array<i32>} : memref<24576xf32, #tpu.memory_space<vmem>>, vector<16xf32>,
      tpu.vector_store_idx %arg6[%get3A_471], %get3A_477 : memref<16384xf32, #tpu.memory_space<vmem>>[vector<16xi32>], vector<16xf32>,
      %scan3A_478 = arith.constant 0 : i32
      scf.yield %scan3A_478 : i32
    }
    %scan3A_263 = arith.constant 64 : i32
    %add3A_264 = arith.constant 196608 : i32
    %add3A_265 = arith.addi %add3A, %add3A_264 : i32
    %dma_start3A_266 = tpu.memref_slice %arg5[%add3A_265] : memref<12582912xf32, #tpu.memory_space<hbm>> -> memref<16384xf32, #tpu.memory_space<hbm>>
    %dma_start3A_267 = tpu.memref_slice %arg5[%add3A_265] : memref<12582912xf32, #tpu.memory_space<hbm>> -> memref<16384xf32, #tpu.memory_space<hbm>>
    tpu.enqueue_dma source(%arg6 : memref<16384xf32, #tpu.memory_space<vmem>>) target(%dma_start3A_267 : memref<16384xf32, #tpu.memory_space<hbm>>) target_semaphore(%arg13 : memref<!tpu.dma_semaphore, #tpu.memory_space<semaphore_mem>>)
    %dma_wait3A_268 = tpu.memref_slice %arg5[%add3A_265] : memref<12582912xf32, #tpu.memory_space<hbm>> -> memref<16384xf32, #tpu.memory_space<hbm>>
    %dma_wait3A_269 = tpu.memref_slice %arg5[%add3A_265] : memref<12582912xf32, #tpu.memory_space<hbm>> -> memref<16384xf32, #tpu.memory_space<hbm>>
    tpu.wait_dma2 semaphore(%arg13 : memref<!tpu.dma_semaphore, #tpu.memory_space<semaphore_mem>>) src(%arg6 : memref<16384xf32, #tpu.memory_space<vmem>>) dst(%dma_wait3A_269 : memref<16384xf32, #tpu.memory_space<hbm>>)
    %add3A_270 = arith.constant 262144 : i32
    %add3A_271 = arith.addi %add3A, %add3A_270 : i32
    %dma_start3A_272 = tpu.memref_slice %arg2[%add3A_271] : memref<12582912xf32, #tpu.memory_space<hbm>> -> memref<16384xf32, #tpu.memory_space<hbm>>
    %dma_start3A_273 = tpu.memref_slice %arg2[%add3A_271] : memref<12582912xf32, #tpu.memory_space<hbm>> -> memref<16384xf32, #tpu.memory_space<hbm>>
    tpu.enqueue_dma source(%dma_start3A_273 : memref<16384xf32, #tpu.memory_space<hbm>>) target(%arg6 : memref<16384xf32, #tpu.memory_space<vmem>>) target_semaphore(%arg12 : memref<!tpu.dma_semaphore, #tpu.memory_space<semaphore_mem>>)
    %dma_wait3A_274 = tpu.memref_slice %arg2[%add3A_214] : memref<12582912xf32, #tpu.memory_space<hbm>> -> memref<16384xf32, #tpu.memory_space<hbm>>
    %dma_wait3A_275 = tpu.memref_slice %arg2[%add3A_214] : memref<12582912xf32, #tpu.memory_space<hbm>> -> memref<16384xf32, #tpu.memory_space<hbm>>
    tpu.wait_dma2 semaphore(%arg12 : memref<!tpu.dma_semaphore, #tpu.memory_space<semaphore_mem>>) src(%dma_wait3A_275 : memref<16384xf32, #tpu.memory_space<hbm>>) dst(%arg7 : memref<16384xf32, #tpu.memory_space<vmem>>)
    %scan3A_276 = arith.constant 0 : i32
    %scan3A_277 = arith.constant 0 : i32
    %scan3A_278 = arith.constant 64 : i32
    %scan3A_279 = arith.addi %scan3A_277, %scan3A_278 : i32
    %scan3A_280 = arith.constant 1 : i32
    %scan3A_281 = scf.for %scan3A_467 = %scan3A_277 to %scan3A_279 step %scan3A_280 iter_args(%scan3A_468 = %scan3A_276) -> (i32)  : i32 {
      %mul3A_469 = arith.constant 16 : i32
      %mul3A_470 = arith.muli %scan3A_467, %mul3A_469 : i32
      %get3A = arith.index_cast %mul3A_470 : i32 to index
      %get3A_471 = tpu.vector_load %arg10[%get3A] {strides = array<i32>} : memref<1024xi32, #tpu.memory_space<vmem>>, vector<16xi32>,
      %mul3A_472 = arith.constant 16 : i32
      %mul3A_473 = arith.muli %scan3A_467, %mul3A_472 : i32
      %add3A_474 = arith.constant 13312 : i32
      %add3A_475 = arith.addi %add3A_474, %mul3A_473 : i32
      %get3A_476 = arith.index_cast %add3A_475 : i32 to index
      %get3A_477 = tpu.vector_load %arg11[%get3A_476] {strides = array<i32>} : memref<24576xf32, #tpu.memory_space<vmem>>, vector<16xf32>,
      tpu.vector_store_idx %arg7[%get3A_471], %get3A_477 : memref<16384xf32, #tpu.memory_space<vmem>>[vector<16xi32>], vector<16xf32>,
      %scan3A_478 = arith.constant 0 : i32
      scf.yield %scan3A_478 : i32
    }
    %scan3A_282 = arith.constant 64 : i32
    %add3A_283 = arith.constant 212992 : i32
    %add3A_284 = arith.addi %add3A, %add3A_283 : i32
    %dma_start3A_285 = tpu.memref_slice %arg5[%add3A_284] : memref<12582912xf32, #tpu.memory_space<hbm>> -> memref<16384xf32, #tpu.memory_space<hbm>>
    %dma_start3A_286 = tpu.memref_slice %arg5[%add3A_284] : memref<12582912xf32, #tpu.memory_space<hbm>> -> memref<16384xf32, #tpu.memory_space<hbm>>
    tpu.enqueue_dma source(%arg7 : memref<16384xf32, #tpu.memory_space<vmem>>) target(%dma_start3A_286 : memref<16384xf32, #tpu.memory_space<hbm>>) target_semaphore(%arg13 : memref<!tpu.dma_semaphore, #tpu.memory_space<semaphore_mem>>)
    %dma_wait3A_287 = tpu.memref_slice %arg5[%add3A_284] : memref<12582912xf32, #tpu.memory_space<hbm>> -> memref<16384xf32, #tpu.memory_space<hbm>>
    %dma_wait3A_288 = tpu.memref_slice %arg5[%add3A_284] : memref<12582912xf32, #tpu.memory_space<hbm>> -> memref<16384xf32, #tpu.memory_space<hbm>>
    tpu.wait_dma2 semaphore(%arg13 : memref<!tpu.dma_semaphore, #tpu.memory_space<semaphore_mem>>) src(%arg7 : memref<16384xf32, #tpu.memory_space<vmem>>) dst(%dma_wait3A_288 : memref<16384xf32, #tpu.memory_space<hbm>>)
    %add3A_289 = arith.constant 278528 : i32
    %add3A_290 = arith.addi %add3A, %add3A_289 : i32
    %dma_start3A_291 = tpu.memref_slice %arg2[%add3A_290] : memref<12582912xf32, #tpu.memory_space<hbm>> -> memref<16384xf32, #tpu.memory_space<hbm>>
    %dma_start3A_292 = tpu.memref_slice %arg2[%add3A_290] : memref<12582912xf32, #tpu.memory_space<hbm>> -> memref<16384xf32, #tpu.memory_space<hbm>>
    tpu.enqueue_dma source(%dma_start3A_292 : memref<16384xf32, #tpu.memory_space<hbm>>) target(%arg7 : memref<16384xf32, #tpu.memory_space<vmem>>) target_semaphore(%arg12 : memref<!tpu.dma_semaphore, #tpu.memory_space<semaphore_mem>>)
    %dma_wait3A_293 = tpu.memref_slice %arg2[%add3A_233] : memref<12582912xf32, #tpu.memory_space<hbm>> -> memref<16384xf32, #tpu.memory_space<hbm>>
    %dma_wait3A_294 = tpu.memref_slice %arg2[%add3A_233] : memref<12582912xf32, #tpu.memory_space<hbm>> -> memref<16384xf32, #tpu.memory_space<hbm>>
    tpu.wait_dma2 semaphore(%arg12 : memref<!tpu.dma_semaphore, #tpu.memory_space<semaphore_mem>>) src(%dma_wait3A_294 : memref<16384xf32, #tpu.memory_space<hbm>>) dst(%arg8 : memref<16384xf32, #tpu.memory_space<vmem>>)
    %scan3A_295 = arith.constant 0 : i32
    %scan3A_296 = arith.constant 0 : i32
    %scan3A_297 = arith.constant 64 : i32
    %scan3A_298 = arith.addi %scan3A_296, %scan3A_297 : i32
    %scan3A_299 = arith.constant 1 : i32
    %scan3A_300 = scf.for %scan3A_467 = %scan3A_296 to %scan3A_298 step %scan3A_299 iter_args(%scan3A_468 = %scan3A_295) -> (i32)  : i32 {
      %mul3A_469 = arith.constant 16 : i32
      %mul3A_470 = arith.muli %scan3A_467, %mul3A_469 : i32
      %get3A = arith.index_cast %mul3A_470 : i32 to index
      %get3A_471 = tpu.vector_load %arg10[%get3A] {strides = array<i32>} : memref<1024xi32, #tpu.memory_space<vmem>>, vector<16xi32>,
      %mul3A_472 = arith.constant 16 : i32
      %mul3A_473 = arith.muli %scan3A_467, %mul3A_472 : i32
      %add3A_474 = arith.constant 14336 : i32
      %add3A_475 = arith.addi %add3A_474, %mul3A_473 : i32
      %get3A_476 = arith.index_cast %add3A_475 : i32 to index
      %get3A_477 = tpu.vector_load %arg11[%get3A_476] {strides = array<i32>} : memref<24576xf32, #tpu.memory_space<vmem>>, vector<16xf32>,
      tpu.vector_store_idx %arg8[%get3A_471], %get3A_477 : memref<16384xf32, #tpu.memory_space<vmem>>[vector<16xi32>], vector<16xf32>,
      %scan3A_478 = arith.constant 0 : i32
      scf.yield %scan3A_478 : i32
    }
    %scan3A_301 = arith.constant 64 : i32
    %add3A_302 = arith.constant 229376 : i32
    %add3A_303 = arith.addi %add3A, %add3A_302 : i32
    %dma_start3A_304 = tpu.memref_slice %arg5[%add3A_303] : memref<12582912xf32, #tpu.memory_space<hbm>> -> memref<16384xf32, #tpu.memory_space<hbm>>
    %dma_start3A_305 = tpu.memref_slice %arg5[%add3A_303] : memref<12582912xf32, #tpu.memory_space<hbm>> -> memref<16384xf32, #tpu.memory_space<hbm>>
    tpu.enqueue_dma source(%arg8 : memref<16384xf32, #tpu.memory_space<vmem>>) target(%dma_start3A_305 : memref<16384xf32, #tpu.memory_space<hbm>>) target_semaphore(%arg13 : memref<!tpu.dma_semaphore, #tpu.memory_space<semaphore_mem>>)
    %dma_wait3A_306 = tpu.memref_slice %arg5[%add3A_303] : memref<12582912xf32, #tpu.memory_space<hbm>> -> memref<16384xf32, #tpu.memory_space<hbm>>
    %dma_wait3A_307 = tpu.memref_slice %arg5[%add3A_303] : memref<12582912xf32, #tpu.memory_space<hbm>> -> memref<16384xf32, #tpu.memory_space<hbm>>
    tpu.wait_dma2 semaphore(%arg13 : memref<!tpu.dma_semaphore, #tpu.memory_space<semaphore_mem>>) src(%arg8 : memref<16384xf32, #tpu.memory_space<vmem>>) dst(%dma_wait3A_307 : memref<16384xf32, #tpu.memory_space<hbm>>)
    %add3A_308 = arith.constant 294912 : i32
    %add3A_309 = arith.addi %add3A, %add3A_308 : i32
    %dma_start3A_310 = tpu.memref_slice %arg2[%add3A_309] : memref<12582912xf32, #tpu.memory_space<hbm>> -> memref<16384xf32, #tpu.memory_space<hbm>>
    %dma_start3A_311 = tpu.memref_slice %arg2[%add3A_309] : memref<12582912xf32, #tpu.memory_space<hbm>> -> memref<16384xf32, #tpu.memory_space<hbm>>
    tpu.enqueue_dma source(%dma_start3A_311 : memref<16384xf32, #tpu.memory_space<hbm>>) target(%arg8 : memref<16384xf32, #tpu.memory_space<vmem>>) target_semaphore(%arg12 : memref<!tpu.dma_semaphore, #tpu.memory_space<semaphore_mem>>)
    %dma_wait3A_312 = tpu.memref_slice %arg2[%add3A_252] : memref<12582912xf32, #tpu.memory_space<hbm>> -> memref<16384xf32, #tpu.memory_space<hbm>>
    %dma_wait3A_313 = tpu.memref_slice %arg2[%add3A_252] : memref<12582912xf32, #tpu.memory_space<hbm>> -> memref<16384xf32, #tpu.memory_space<hbm>>
    tpu.wait_dma2 semaphore(%arg12 : memref<!tpu.dma_semaphore, #tpu.memory_space<semaphore_mem>>) src(%dma_wait3A_313 : memref<16384xf32, #tpu.memory_space<hbm>>) dst(%arg9 : memref<16384xf32, #tpu.memory_space<vmem>>)
    %scan3A_314 = arith.constant 0 : i32
    %scan3A_315 = arith.constant 0 : i32
    %scan3A_316 = arith.constant 64 : i32
    %scan3A_317 = arith.addi %scan3A_315, %scan3A_316 : i32
    %scan3A_318 = arith.constant 1 : i32
    %scan3A_319 = scf.for %scan3A_467 = %scan3A_315 to %scan3A_317 step %scan3A_318 iter_args(%scan3A_468 = %scan3A_314) -> (i32)  : i32 {
      %mul3A_469 = arith.constant 16 : i32
      %mul3A_470 = arith.muli %scan3A_467, %mul3A_469 : i32
      %get3A = arith.index_cast %mul3A_470 : i32 to index
      %get3A_471 = tpu.vector_load %arg10[%get3A] {strides = array<i32>} : memref<1024xi32, #tpu.memory_space<vmem>>, vector<16xi32>,
      %mul3A_472 = arith.constant 16 : i32
      %mul3A_473 = arith.muli %scan3A_467, %mul3A_472 : i32
      %add3A_474 = arith.constant 15360 : i32
      %add3A_475 = arith.addi %add3A_474, %mul3A_473 : i32
      %get3A_476 = arith.index_cast %add3A_475 : i32 to index
      %get3A_477 = tpu.vector_load %arg11[%get3A_476] {strides = array<i32>} : memref<24576xf32, #tpu.memory_space<vmem>>, vector<16xf32>,
      tpu.vector_store_idx %arg9[%get3A_471], %get3A_477 : memref<16384xf32, #tpu.memory_space<vmem>>[vector<16xi32>], vector<16xf32>,
      %scan3A_478 = arith.constant 0 : i32
      scf.yield %scan3A_478 : i32
    }
    %scan3A_320 = arith.constant 64 : i32
    %add3A_321 = arith.constant 245760 : i32
    %add3A_322 = arith.addi %add3A, %add3A_321 : i32
    %dma_start3A_323 = tpu.memref_slice %arg5[%add3A_322] : memref<12582912xf32, #tpu.memory_space<hbm>> -> memref<16384xf32, #tpu.memory_space<hbm>>
    %dma_start3A_324 = tpu.memref_slice %arg5[%add3A_322] : memref<12582912xf32, #tpu.memory_space<hbm>> -> memref<16384xf32, #tpu.memory_space<hbm>>
    tpu.enqueue_dma source(%arg9 : memref<16384xf32, #tpu.memory_space<vmem>>) target(%dma_start3A_324 : memref<16384xf32, #tpu.memory_space<hbm>>) target_semaphore(%arg13 : memref<!tpu.dma_semaphore, #tpu.memory_space<semaphore_mem>>)
    %dma_wait3A_325 = tpu.memref_slice %arg5[%add3A_322] : memref<12582912xf32, #tpu.memory_space<hbm>> -> memref<16384xf32, #tpu.memory_space<hbm>>
    %dma_wait3A_326 = tpu.memref_slice %arg5[%add3A_322] : memref<12582912xf32, #tpu.memory_space<hbm>> -> memref<16384xf32, #tpu.memory_space<hbm>>
    tpu.wait_dma2 semaphore(%arg13 : memref<!tpu.dma_semaphore, #tpu.memory_space<semaphore_mem>>) src(%arg9 : memref<16384xf32, #tpu.memory_space<vmem>>) dst(%dma_wait3A_326 : memref<16384xf32, #tpu.memory_space<hbm>>)
    %add3A_327 = arith.constant 311296 : i32
    %add3A_328 = arith.addi %add3A, %add3A_327 : i32
    %dma_start3A_329 = tpu.memref_slice %arg2[%add3A_328] : memref<12582912xf32, #tpu.memory_space<hbm>> -> memref<16384xf32, #tpu.memory_space<hbm>>
    %dma_start3A_330 = tpu.memref_slice %arg2[%add3A_328] : memref<12582912xf32, #tpu.memory_space<hbm>> -> memref<16384xf32, #tpu.memory_space<hbm>>
    tpu.enqueue_dma source(%dma_start3A_330 : memref<16384xf32, #tpu.memory_space<hbm>>) target(%arg9 : memref<16384xf32, #tpu.memory_space<vmem>>) target_semaphore(%arg12 : memref<!tpu.dma_semaphore, #tpu.memory_space<semaphore_mem>>)
    %dma_wait3A_331 = tpu.memref_slice %arg2[%add3A_271] : memref<12582912xf32, #tpu.memory_space<hbm>> -> memref<16384xf32, #tpu.memory_space<hbm>>
    %dma_wait3A_332 = tpu.memref_slice %arg2[%add3A_271] : memref<12582912xf32, #tpu.memory_space<hbm>> -> memref<16384xf32, #tpu.memory_space<hbm>>
    tpu.wait_dma2 semaphore(%arg12 : memref<!tpu.dma_semaphore, #tpu.memory_space<semaphore_mem>>) src(%dma_wait3A_332 : memref<16384xf32, #tpu.memory_space<hbm>>) dst(%arg6 : memref<16384xf32, #tpu.memory_space<vmem>>)
    %scan3A_333 = arith.constant 0 : i32
    %scan3A_334 = arith.constant 0 : i32
    %scan3A_335 = arith.constant 64 : i32
    %scan3A_336 = arith.addi %scan3A_334, %scan3A_335 : i32
    %scan3A_337 = arith.constant 1 : i32
    %scan3A_338 = scf.for %scan3A_467 = %scan3A_334 to %scan3A_336 step %scan3A_337 iter_args(%scan3A_468 = %scan3A_333) -> (i32)  : i32 {
      %mul3A_469 = arith.constant 16 : i32
      %mul3A_470 = arith.muli %scan3A_467, %mul3A_469 : i32
      %get3A = arith.index_cast %mul3A_470 : i32 to index
      %get3A_471 = tpu.vector_load %arg10[%get3A] {strides = array<i32>} : memref<1024xi32, #tpu.memory_space<vmem>>, vector<16xi32>,
      %mul3A_472 = arith.constant 16 : i32
      %mul3A_473 = arith.muli %scan3A_467, %mul3A_472 : i32
      %add3A_474 = arith.constant 16384 : i32
      %add3A_475 = arith.addi %add3A_474, %mul3A_473 : i32
      %get3A_476 = arith.index_cast %add3A_475 : i32 to index
      %get3A_477 = tpu.vector_load %arg11[%get3A_476] {strides = array<i32>} : memref<24576xf32, #tpu.memory_space<vmem>>, vector<16xf32>,
      tpu.vector_store_idx %arg6[%get3A_471], %get3A_477 : memref<16384xf32, #tpu.memory_space<vmem>>[vector<16xi32>], vector<16xf32>,
      %scan3A_478 = arith.constant 0 : i32
      scf.yield %scan3A_478 : i32
    }
    %scan3A_339 = arith.constant 64 : i32
    %add3A_340 = arith.constant 262144 : i32
    %add3A_341 = arith.addi %add3A, %add3A_340 : i32
    %dma_start3A_342 = tpu.memref_slice %arg5[%add3A_341] : memref<12582912xf32, #tpu.memory_space<hbm>> -> memref<16384xf32, #tpu.memory_space<hbm>>
    %dma_start3A_343 = tpu.memref_slice %arg5[%add3A_341] : memref<12582912xf32, #tpu.memory_space<hbm>> -> memref<16384xf32, #tpu.memory_space<hbm>>
    tpu.enqueue_dma source(%arg6 : memref<16384xf32, #tpu.memory_space<vmem>>) target(%dma_start3A_343 : memref<16384xf32, #tpu.memory_space<hbm>>) target_semaphore(%arg13 : memref<!tpu.dma_semaphore, #tpu.memory_space<semaphore_mem>>)
    %dma_wait3A_344 = tpu.memref_slice %arg5[%add3A_341] : memref<12582912xf32, #tpu.memory_space<hbm>> -> memref<16384xf32, #tpu.memory_space<hbm>>
    %dma_wait3A_345 = tpu.memref_slice %arg5[%add3A_341] : memref<12582912xf32, #tpu.memory_space<hbm>> -> memref<16384xf32, #tpu.memory_space<hbm>>
    tpu.wait_dma2 semaphore(%arg13 : memref<!tpu.dma_semaphore, #tpu.memory_space<semaphore_mem>>) src(%arg6 : memref<16384xf32, #tpu.memory_space<vmem>>) dst(%dma_wait3A_345 : memref<16384xf32, #tpu.memory_space<hbm>>)
    %add3A_346 = arith.constant 327680 : i32
    %add3A_347 = arith.addi %add3A, %add3A_346 : i32
    %dma_start3A_348 = tpu.memref_slice %arg2[%add3A_347] : memref<12582912xf32, #tpu.memory_space<hbm>> -> memref<16384xf32, #tpu.memory_space<hbm>>
    %dma_start3A_349 = tpu.memref_slice %arg2[%add3A_347] : memref<12582912xf32, #tpu.memory_space<hbm>> -> memref<16384xf32, #tpu.memory_space<hbm>>
    tpu.enqueue_dma source(%dma_start3A_349 : memref<16384xf32, #tpu.memory_space<hbm>>) target(%arg6 : memref<16384xf32, #tpu.memory_space<vmem>>) target_semaphore(%arg12 : memref<!tpu.dma_semaphore, #tpu.memory_space<semaphore_mem>>)
    %dma_wait3A_350 = tpu.memref_slice %arg2[%add3A_290] : memref<12582912xf32, #tpu.memory_space<hbm>> -> memref<16384xf32, #tpu.memory_space<hbm>>
    %dma_wait3A_351 = tpu.memref_slice %arg2[%add3A_290] : memref<12582912xf32, #tpu.memory_space<hbm>> -> memref<16384xf32, #tpu.memory_space<hbm>>
    tpu.wait_dma2 semaphore(%arg12 : memref<!tpu.dma_semaphore, #tpu.memory_space<semaphore_mem>>) src(%dma_wait3A_351 : memref<16384xf32, #tpu.memory_space<hbm>>) dst(%arg7 : memref<16384xf32, #tpu.memory_space<vmem>>)
    %scan3A_352 = arith.constant 0 : i32
    %scan3A_353 = arith.constant 0 : i32
    %scan3A_354 = arith.constant 64 : i32
    %scan3A_355 = arith.addi %scan3A_353, %scan3A_354 : i32
    %scan3A_356 = arith.constant 1 : i32
    %scan3A_357 = scf.for %scan3A_467 = %scan3A_353 to %scan3A_355 step %scan3A_356 iter_args(%scan3A_468 = %scan3A_352) -> (i32)  : i32 {
      %mul3A_469 = arith.constant 16 : i32
      %mul3A_470 = arith.muli %scan3A_467, %mul3A_469 : i32
      %get3A = arith.index_cast %mul3A_470 : i32 to index
      %get3A_471 = tpu.vector_load %arg10[%get3A] {strides = array<i32>} : memref<1024xi32, #tpu.memory_space<vmem>>, vector<16xi32>,
      %mul3A_472 = arith.constant 16 : i32
      %mul3A_473 = arith.muli %scan3A_467, %mul3A_472 : i32
      %add3A_474 = arith.constant 17408 : i32
      %add3A_475 = arith.addi %add3A_474, %mul3A_473 : i32
      %get3A_476 = arith.index_cast %add3A_475 : i32 to index
      %get3A_477 = tpu.vector_load %arg11[%get3A_476] {strides = array<i32>} : memref<24576xf32, #tpu.memory_space<vmem>>, vector<16xf32>,
      tpu.vector_store_idx %arg7[%get3A_471], %get3A_477 : memref<16384xf32, #tpu.memory_space<vmem>>[vector<16xi32>], vector<16xf32>,
      %scan3A_478 = arith.constant 0 : i32
      scf.yield %scan3A_478 : i32
    }
    %scan3A_358 = arith.constant 64 : i32
    %add3A_359 = arith.constant 278528 : i32
    %add3A_360 = arith.addi %add3A, %add3A_359 : i32
    %dma_start3A_361 = tpu.memref_slice %arg5[%add3A_360] : memref<12582912xf32, #tpu.memory_space<hbm>> -> memref<16384xf32, #tpu.memory_space<hbm>>
    %dma_start3A_362 = tpu.memref_slice %arg5[%add3A_360] : memref<12582912xf32, #tpu.memory_space<hbm>> -> memref<16384xf32, #tpu.memory_space<hbm>>
    tpu.enqueue_dma source(%arg7 : memref<16384xf32, #tpu.memory_space<vmem>>) target(%dma_start3A_362 : memref<16384xf32, #tpu.memory_space<hbm>>) target_semaphore(%arg13 : memref<!tpu.dma_semaphore, #tpu.memory_space<semaphore_mem>>)
    %dma_wait3A_363 = tpu.memref_slice %arg5[%add3A_360] : memref<12582912xf32, #tpu.memory_space<hbm>> -> memref<16384xf32, #tpu.memory_space<hbm>>
    %dma_wait3A_364 = tpu.memref_slice %arg5[%add3A_360] : memref<12582912xf32, #tpu.memory_space<hbm>> -> memref<16384xf32, #tpu.memory_space<hbm>>
    tpu.wait_dma2 semaphore(%arg13 : memref<!tpu.dma_semaphore, #tpu.memory_space<semaphore_mem>>) src(%arg7 : memref<16384xf32, #tpu.memory_space<vmem>>) dst(%dma_wait3A_364 : memref<16384xf32, #tpu.memory_space<hbm>>)
    %add3A_365 = arith.constant 344064 : i32
    %add3A_366 = arith.addi %add3A, %add3A_365 : i32
    %dma_start3A_367 = tpu.memref_slice %arg2[%add3A_366] : memref<12582912xf32, #tpu.memory_space<hbm>> -> memref<16384xf32, #tpu.memory_space<hbm>>
    %dma_start3A_368 = tpu.memref_slice %arg2[%add3A_366] : memref<12582912xf32, #tpu.memory_space<hbm>> -> memref<16384xf32, #tpu.memory_space<hbm>>
    tpu.enqueue_dma source(%dma_start3A_368 : memref<16384xf32, #tpu.memory_space<hbm>>) target(%arg7 : memref<16384xf32, #tpu.memory_space<vmem>>) target_semaphore(%arg12 : memref<!tpu.dma_semaphore, #tpu.memory_space<semaphore_mem>>)
    %dma_wait3A_369 = tpu.memref_slice %arg2[%add3A_309] : memref<12582912xf32, #tpu.memory_space<hbm>> -> memref<16384xf32, #tpu.memory_space<hbm>>
    %dma_wait3A_370 = tpu.memref_slice %arg2[%add3A_309] : memref<12582912xf32, #tpu.memory_space<hbm>> -> memref<16384xf32, #tpu.memory_space<hbm>>
    tpu.wait_dma2 semaphore(%arg12 : memref<!tpu.dma_semaphore, #tpu.memory_space<semaphore_mem>>) src(%dma_wait3A_370 : memref<16384xf32, #tpu.memory_space<hbm>>) dst(%arg8 : memref<16384xf32, #tpu.memory_space<vmem>>)
    %scan3A_371 = arith.constant 0 : i32
    %scan3A_372 = arith.constant 0 : i32
    %scan3A_373 = arith.constant 64 : i32
    %scan3A_374 = arith.addi %scan3A_372, %scan3A_373 : i32
    %scan3A_375 = arith.constant 1 : i32
    %scan3A_376 = scf.for %scan3A_467 = %scan3A_372 to %scan3A_374 step %scan3A_375 iter_args(%scan3A_468 = %scan3A_371) -> (i32)  : i32 {
      %mul3A_469 = arith.constant 16 : i32
      %mul3A_470 = arith.muli %scan3A_467, %mul3A_469 : i32
      %get3A = arith.index_cast %mul3A_470 : i32 to index
      %get3A_471 = tpu.vector_load %arg10[%get3A] {strides = array<i32>} : memref<1024xi32, #tpu.memory_space<vmem>>, vector<16xi32>,
      %mul3A_472 = arith.constant 16 : i32
      %mul3A_473 = arith.muli %scan3A_467, %mul3A_472 : i32
      %add3A_474 = arith.constant 18432 : i32
      %add3A_475 = arith.addi %add3A_474, %mul3A_473 : i32
      %get3A_476 = arith.index_cast %add3A_475 : i32 to index
      %get3A_477 = tpu.vector_load %arg11[%get3A_476] {strides = array<i32>} : memref<24576xf32, #tpu.memory_space<vmem>>, vector<16xf32>,
      tpu.vector_store_idx %arg8[%get3A_471], %get3A_477 : memref<16384xf32, #tpu.memory_space<vmem>>[vector<16xi32>], vector<16xf32>,
      %scan3A_478 = arith.constant 0 : i32
      scf.yield %scan3A_478 : i32
    }
    %scan3A_377 = arith.constant 64 : i32
    %add3A_378 = arith.constant 294912 : i32
    %add3A_379 = arith.addi %add3A, %add3A_378 : i32
    %dma_start3A_380 = tpu.memref_slice %arg5[%add3A_379] : memref<12582912xf32, #tpu.memory_space<hbm>> -> memref<16384xf32, #tpu.memory_space<hbm>>
    %dma_start3A_381 = tpu.memref_slice %arg5[%add3A_379] : memref<12582912xf32, #tpu.memory_space<hbm>> -> memref<16384xf32, #tpu.memory_space<hbm>>
    tpu.enqueue_dma source(%arg8 : memref<16384xf32, #tpu.memory_space<vmem>>) target(%dma_start3A_381 : memref<16384xf32, #tpu.memory_space<hbm>>) target_semaphore(%arg13 : memref<!tpu.dma_semaphore, #tpu.memory_space<semaphore_mem>>)
    %dma_wait3A_382 = tpu.memref_slice %arg5[%add3A_379] : memref<12582912xf32, #tpu.memory_space<hbm>> -> memref<16384xf32, #tpu.memory_space<hbm>>
    %dma_wait3A_383 = tpu.memref_slice %arg5[%add3A_379] : memref<12582912xf32, #tpu.memory_space<hbm>> -> memref<16384xf32, #tpu.memory_space<hbm>>
    tpu.wait_dma2 semaphore(%arg13 : memref<!tpu.dma_semaphore, #tpu.memory_space<semaphore_mem>>) src(%arg8 : memref<16384xf32, #tpu.memory_space<vmem>>) dst(%dma_wait3A_383 : memref<16384xf32, #tpu.memory_space<hbm>>)
    %add3A_384 = arith.constant 360448 : i32
    %add3A_385 = arith.addi %add3A, %add3A_384 : i32
    %dma_start3A_386 = tpu.memref_slice %arg2[%add3A_385] : memref<12582912xf32, #tpu.memory_space<hbm>> -> memref<16384xf32, #tpu.memory_space<hbm>>
    %dma_start3A_387 = tpu.memref_slice %arg2[%add3A_385] : memref<12582912xf32, #tpu.memory_space<hbm>> -> memref<16384xf32, #tpu.memory_space<hbm>>
    tpu.enqueue_dma source(%dma_start3A_387 : memref<16384xf32, #tpu.memory_space<hbm>>) target(%arg8 : memref<16384xf32, #tpu.memory_space<vmem>>) target_semaphore(%arg12 : memref<!tpu.dma_semaphore, #tpu.memory_space<semaphore_mem>>)
    %dma_wait3A_388 = tpu.memref_slice %arg2[%add3A_328] : memref<12582912xf32, #tpu.memory_space<hbm>> -> memref<16384xf32, #tpu.memory_space<hbm>>
    %dma_wait3A_389 = tpu.memref_slice %arg2[%add3A_328] : memref<12582912xf32, #tpu.memory_space<hbm>> -> memref<16384xf32, #tpu.memory_space<hbm>>
    tpu.wait_dma2 semaphore(%arg12 : memref<!tpu.dma_semaphore, #tpu.memory_space<semaphore_mem>>) src(%dma_wait3A_389 : memref<16384xf32, #tpu.memory_space<hbm>>) dst(%arg9 : memref<16384xf32, #tpu.memory_space<vmem>>)
    %scan3A_390 = arith.constant 0 : i32
    %scan3A_391 = arith.constant 0 : i32
    %scan3A_392 = arith.constant 64 : i32
    %scan3A_393 = arith.addi %scan3A_391, %scan3A_392 : i32
    %scan3A_394 = arith.constant 1 : i32
    %scan3A_395 = scf.for %scan3A_467 = %scan3A_391 to %scan3A_393 step %scan3A_394 iter_args(%scan3A_468 = %scan3A_390) -> (i32)  : i32 {
      %mul3A_469 = arith.constant 16 : i32
      %mul3A_470 = arith.muli %scan3A_467, %mul3A_469 : i32
      %get3A = arith.index_cast %mul3A_470 : i32 to index
      %get3A_471 = tpu.vector_load %arg10[%get3A] {strides = array<i32>} : memref<1024xi32, #tpu.memory_space<vmem>>, vector<16xi32>,
      %mul3A_472 = arith.constant 16 : i32
      %mul3A_473 = arith.muli %scan3A_467, %mul3A_472 : i32
      %add3A_474 = arith.constant 19456 : i32
      %add3A_475 = arith.addi %add3A_474, %mul3A_473 : i32
      %get3A_476 = arith.index_cast %add3A_475 : i32 to index
      %get3A_477 = tpu.vector_load %arg11[%get3A_476] {strides = array<i32>} : memref<24576xf32, #tpu.memory_space<vmem>>, vector<16xf32>,
      tpu.vector_store_idx %arg9[%get3A_471], %get3A_477 : memref<16384xf32, #tpu.memory_space<vmem>>[vector<16xi32>], vector<16xf32>,
      %scan3A_478 = arith.constant 0 : i32
      scf.yield %scan3A_478 : i32
    }
    %scan3A_396 = arith.constant 64 : i32
    %add3A_397 = arith.constant 311296 : i32
    %add3A_398 = arith.addi %add3A, %add3A_397 : i32
    %dma_start3A_399 = tpu.memref_slice %arg5[%add3A_398] : memref<12582912xf32, #tpu.memory_space<hbm>> -> memref<16384xf32, #tpu.memory_space<hbm>>
    %dma_start3A_400 = tpu.memref_slice %arg5[%add3A_398] : memref<12582912xf32, #tpu.memory_space<hbm>> -> memref<16384xf32, #tpu.memory_space<hbm>>
    tpu.enqueue_dma source(%arg9 : memref<16384xf32, #tpu.memory_space<vmem>>) target(%dma_start3A_400 : memref<16384xf32, #tpu.memory_space<hbm>>) target_semaphore(%arg13 : memref<!tpu.dma_semaphore, #tpu.memory_space<semaphore_mem>>)
    %dma_wait3A_401 = tpu.memref_slice %arg5[%add3A_398] : memref<12582912xf32, #tpu.memory_space<hbm>> -> memref<16384xf32, #tpu.memory_space<hbm>>
    %dma_wait3A_402 = tpu.memref_slice %arg5[%add3A_398] : memref<12582912xf32, #tpu.memory_space<hbm>> -> memref<16384xf32, #tpu.memory_space<hbm>>
    tpu.wait_dma2 semaphore(%arg13 : memref<!tpu.dma_semaphore, #tpu.memory_space<semaphore_mem>>) src(%arg9 : memref<16384xf32, #tpu.memory_space<vmem>>) dst(%dma_wait3A_402 : memref<16384xf32, #tpu.memory_space<hbm>>)
    %add3A_403 = arith.constant 376832 : i32
    %add3A_404 = arith.addi %add3A, %add3A_403 : i32
    %dma_start3A_405 = tpu.memref_slice %arg2[%add3A_404] : memref<12582912xf32, #tpu.memory_space<hbm>> -> memref<16384xf32, #tpu.memory_space<hbm>>
    %dma_start3A_406 = tpu.memref_slice %arg2[%add3A_404] : memref<12582912xf32, #tpu.memory_space<hbm>> -> memref<16384xf32, #tpu.memory_space<hbm>>
    tpu.enqueue_dma source(%dma_start3A_406 : memref<16384xf32, #tpu.memory_space<hbm>>) target(%arg9 : memref<16384xf32, #tpu.memory_space<vmem>>) target_semaphore(%arg12 : memref<!tpu.dma_semaphore, #tpu.memory_space<semaphore_mem>>)
    %dma_wait3A_407 = tpu.memref_slice %arg2[%add3A_347] : memref<12582912xf32, #tpu.memory_space<hbm>> -> memref<16384xf32, #tpu.memory_space<hbm>>
    %dma_wait3A_408 = tpu.memref_slice %arg2[%add3A_347] : memref<12582912xf32, #tpu.memory_space<hbm>> -> memref<16384xf32, #tpu.memory_space<hbm>>
    tpu.wait_dma2 semaphore(%arg12 : memref<!tpu.dma_semaphore, #tpu.memory_space<semaphore_mem>>) src(%dma_wait3A_408 : memref<16384xf32, #tpu.memory_space<hbm>>) dst(%arg6 : memref<16384xf32, #tpu.memory_space<vmem>>)
    %scan3A_409 = arith.constant 0 : i32
    %scan3A_410 = arith.constant 0 : i32
    %scan3A_411 = arith.constant 64 : i32
    %scan3A_412 = arith.addi %scan3A_410, %scan3A_411 : i32
    %scan3A_413 = arith.constant 1 : i32
    %scan3A_414 = scf.for %scan3A_467 = %scan3A_410 to %scan3A_412 step %scan3A_413 iter_args(%scan3A_468 = %scan3A_409) -> (i32)  : i32 {
      %mul3A_469 = arith.constant 16 : i32
      %mul3A_470 = arith.muli %scan3A_467, %mul3A_469 : i32
      %get3A = arith.index_cast %mul3A_470 : i32 to index
      %get3A_471 = tpu.vector_load %arg10[%get3A] {strides = array<i32>} : memref<1024xi32, #tpu.memory_space<vmem>>, vector<16xi32>,
      %mul3A_472 = arith.constant 16 : i32
      %mul3A_473 = arith.muli %scan3A_467, %mul3A_472 : i32
      %add3A_474 = arith.constant 20480 : i32
      %add3A_475 = arith.addi %add3A_474, %mul3A_473 : i32
      %get3A_476 = arith.index_cast %add3A_475 : i32 to index
      %get3A_477 = tpu.vector_load %arg11[%get3A_476] {strides = array<i32>} : memref<24576xf32, #tpu.memory_space<vmem>>, vector<16xf32>,
      tpu.vector_store_idx %arg6[%get3A_471], %get3A_477 : memref<16384xf32, #tpu.memory_space<vmem>>[vector<16xi32>], vector<16xf32>,
      %scan3A_478 = arith.constant 0 : i32
      scf.yield %scan3A_478 : i32
    }
    %scan3A_415 = arith.constant 64 : i32
    %add3A_416 = arith.constant 327680 : i32
    %add3A_417 = arith.addi %add3A, %add3A_416 : i32
    %dma_start3A_418 = tpu.memref_slice %arg5[%add3A_417] : memref<12582912xf32, #tpu.memory_space<hbm>> -> memref<16384xf32, #tpu.memory_space<hbm>>
    %dma_start3A_419 = tpu.memref_slice %arg5[%add3A_417] : memref<12582912xf32, #tpu.memory_space<hbm>> -> memref<16384xf32, #tpu.memory_space<hbm>>
    tpu.enqueue_dma source(%arg6 : memref<16384xf32, #tpu.memory_space<vmem>>) target(%dma_start3A_419 : memref<16384xf32, #tpu.memory_space<hbm>>) target_semaphore(%arg13 : memref<!tpu.dma_semaphore, #tpu.memory_space<semaphore_mem>>)
    %dma_wait3A_420 = tpu.memref_slice %arg2[%add3A_366] : memref<12582912xf32, #tpu.memory_space<hbm>> -> memref<16384xf32, #tpu.memory_space<hbm>>
    %dma_wait3A_421 = tpu.memref_slice %arg2[%add3A_366] : memref<12582912xf32, #tpu.memory_space<hbm>> -> memref<16384xf32, #tpu.memory_space<hbm>>
    tpu.wait_dma2 semaphore(%arg12 : memref<!tpu.dma_semaphore, #tpu.memory_space<semaphore_mem>>) src(%dma_wait3A_421 : memref<16384xf32, #tpu.memory_space<hbm>>) dst(%arg7 : memref<16384xf32, #tpu.memory_space<vmem>>)
    %scan3A_422 = arith.constant 0 : i32
    %scan3A_423 = arith.constant 0 : i32
    %scan3A_424 = arith.constant 64 : i32
    %scan3A_425 = arith.addi %scan3A_423, %scan3A_424 : i32
    %scan3A_426 = arith.constant 1 : i32
    %scan3A_427 = scf.for %scan3A_467 = %scan3A_423 to %scan3A_425 step %scan3A_426 iter_args(%scan3A_468 = %scan3A_422) -> (i32)  : i32 {
      %mul3A_469 = arith.constant 16 : i32
      %mul3A_470 = arith.muli %scan3A_467, %mul3A_469 : i32
      %get3A = arith.index_cast %mul3A_470 : i32 to index
      %get3A_471 = tpu.vector_load %arg10[%get3A] {strides = array<i32>} : memref<1024xi32, #tpu.memory_space<vmem>>, vector<16xi32>,
      %mul3A_472 = arith.constant 16 : i32
      %mul3A_473 = arith.muli %scan3A_467, %mul3A_472 : i32
      %add3A_474 = arith.constant 21504 : i32
      %add3A_475 = arith.addi %add3A_474, %mul3A_473 : i32
      %get3A_476 = arith.index_cast %add3A_475 : i32 to index
      %get3A_477 = tpu.vector_load %arg11[%get3A_476] {strides = array<i32>} : memref<24576xf32, #tpu.memory_space<vmem>>, vector<16xf32>,
      tpu.vector_store_idx %arg7[%get3A_471], %get3A_477 : memref<16384xf32, #tpu.memory_space<vmem>>[vector<16xi32>], vector<16xf32>,
      %scan3A_478 = arith.constant 0 : i32
      scf.yield %scan3A_478 : i32
    }
    %scan3A_428 = arith.constant 64 : i32
    %add3A_429 = arith.constant 344064 : i32
    %add3A_430 = arith.addi %add3A, %add3A_429 : i32
    %dma_start3A_431 = tpu.memref_slice %arg5[%add3A_430] : memref<12582912xf32, #tpu.memory_space<hbm>> -> memref<16384xf32, #tpu.memory_space<hbm>>
    %dma_start3A_432 = tpu.memref_slice %arg5[%add3A_430] : memref<12582912xf32, #tpu.memory_space<hbm>> -> memref<16384xf32, #tpu.memory_space<hbm>>
    tpu.enqueue_dma source(%arg7 : memref<16384xf32, #tpu.memory_space<vmem>>) target(%dma_start3A_432 : memref<16384xf32, #tpu.memory_space<hbm>>) target_semaphore(%arg13 : memref<!tpu.dma_semaphore, #tpu.memory_space<semaphore_mem>>)
    %dma_wait3A_433 = tpu.memref_slice %arg2[%add3A_385] : memref<12582912xf32, #tpu.memory_space<hbm>> -> memref<16384xf32, #tpu.memory_space<hbm>>
    %dma_wait3A_434 = tpu.memref_slice %arg2[%add3A_385] : memref<12582912xf32, #tpu.memory_space<hbm>> -> memref<16384xf32, #tpu.memory_space<hbm>>
    tpu.wait_dma2 semaphore(%arg12 : memref<!tpu.dma_semaphore, #tpu.memory_space<semaphore_mem>>) src(%dma_wait3A_434 : memref<16384xf32, #tpu.memory_space<hbm>>) dst(%arg8 : memref<16384xf32, #tpu.memory_space<vmem>>)
    %scan3A_435 = arith.constant 0 : i32
    %scan3A_436 = arith.constant 0 : i32
    %scan3A_437 = arith.constant 64 : i32
    %scan3A_438 = arith.addi %scan3A_436, %scan3A_437 : i32
    %scan3A_439 = arith.constant 1 : i32
    %scan3A_440 = scf.for %scan3A_467 = %scan3A_436 to %scan3A_438 step %scan3A_439 iter_args(%scan3A_468 = %scan3A_435) -> (i32)  : i32 {
      %mul3A_469 = arith.constant 16 : i32
      %mul3A_470 = arith.muli %scan3A_467, %mul3A_469 : i32
      %get3A = arith.index_cast %mul3A_470 : i32 to index
      %get3A_471 = tpu.vector_load %arg10[%get3A] {strides = array<i32>} : memref<1024xi32, #tpu.memory_space<vmem>>, vector<16xi32>,
      %mul3A_472 = arith.constant 16 : i32
      %mul3A_473 = arith.muli %scan3A_467, %mul3A_472 : i32
      %add3A_474 = arith.constant 22528 : i32
      %add3A_475 = arith.addi %add3A_474, %mul3A_473 : i32
      %get3A_476 = arith.index_cast %add3A_475 : i32 to index
      %get3A_477 = tpu.vector_load %arg11[%get3A_476] {strides = array<i32>} : memref<24576xf32, #tpu.memory_space<vmem>>, vector<16xf32>,
      tpu.vector_store_idx %arg8[%get3A_471], %get3A_477 : memref<16384xf32, #tpu.memory_space<vmem>>[vector<16xi32>], vector<16xf32>,
      %scan3A_478 = arith.constant 0 : i32
      scf.yield %scan3A_478 : i32
    }
    %scan3A_441 = arith.constant 64 : i32
    %add3A_442 = arith.constant 360448 : i32
    %add3A_443 = arith.addi %add3A, %add3A_442 : i32
    %dma_start3A_444 = tpu.memref_slice %arg5[%add3A_443] : memref<12582912xf32, #tpu.memory_space<hbm>> -> memref<16384xf32, #tpu.memory_space<hbm>>
    %dma_start3A_445 = tpu.memref_slice %arg5[%add3A_443] : memref<12582912xf32, #tpu.memory_space<hbm>> -> memref<16384xf32, #tpu.memory_space<hbm>>
    tpu.enqueue_dma source(%arg8 : memref<16384xf32, #tpu.memory_space<vmem>>) target(%dma_start3A_445 : memref<16384xf32, #tpu.memory_space<hbm>>) target_semaphore(%arg13 : memref<!tpu.dma_semaphore, #tpu.memory_space<semaphore_mem>>)
    %dma_wait3A_446 = tpu.memref_slice %arg2[%add3A_404] : memref<12582912xf32, #tpu.memory_space<hbm>> -> memref<16384xf32, #tpu.memory_space<hbm>>
    %dma_wait3A_447 = tpu.memref_slice %arg2[%add3A_404] : memref<12582912xf32, #tpu.memory_space<hbm>> -> memref<16384xf32, #tpu.memory_space<hbm>>
    tpu.wait_dma2 semaphore(%arg12 : memref<!tpu.dma_semaphore, #tpu.memory_space<semaphore_mem>>) src(%dma_wait3A_447 : memref<16384xf32, #tpu.memory_space<hbm>>) dst(%arg9 : memref<16384xf32, #tpu.memory_space<vmem>>)
    %scan3A_448 = arith.constant 0 : i32
    %scan3A_449 = arith.constant 0 : i32
    %scan3A_450 = arith.constant 64 : i32
    %scan3A_451 = arith.addi %scan3A_449, %scan3A_450 : i32
    %scan3A_452 = arith.constant 1 : i32
    %scan3A_453 = scf.for %scan3A_467 = %scan3A_449 to %scan3A_451 step %scan3A_452 iter_args(%scan3A_468 = %scan3A_448) -> (i32)  : i32 {
      %mul3A_469 = arith.constant 16 : i32
      %mul3A_470 = arith.muli %scan3A_467, %mul3A_469 : i32
      %get3A = arith.index_cast %mul3A_470 : i32 to index
      %get3A_471 = tpu.vector_load %arg10[%get3A] {strides = array<i32>} : memref<1024xi32, #tpu.memory_space<vmem>>, vector<16xi32>,
      %mul3A_472 = arith.constant 16 : i32
      %mul3A_473 = arith.muli %scan3A_467, %mul3A_472 : i32
      %add3A_474 = arith.constant 23552 : i32
      %add3A_475 = arith.addi %add3A_474, %mul3A_473 : i32
      %get3A_476 = arith.index_cast %add3A_475 : i32 to index
      %get3A_477 = tpu.vector_load %arg11[%get3A_476] {strides = array<i32>} : memref<24576xf32, #tpu.memory_space<vmem>>, vector<16xf32>,
      tpu.vector_store_idx %arg9[%get3A_471], %get3A_477 : memref<16384xf32, #tpu.memory_space<vmem>>[vector<16xi32>], vector<16xf32>,
      %scan3A_478 = arith.constant 0 : i32
      scf.yield %scan3A_478 : i32
    }
    %scan3A_454 = arith.constant 64 : i32
    %add3A_455 = arith.constant 376832 : i32
    %add3A_456 = arith.addi %add3A, %add3A_455 : i32
    %dma_start3A_457 = tpu.memref_slice %arg5[%add3A_456] : memref<12582912xf32, #tpu.memory_space<hbm>> -> memref<16384xf32, #tpu.memory_space<hbm>>
    %dma_start3A_458 = tpu.memref_slice %arg5[%add3A_456] : memref<12582912xf32, #tpu.memory_space<hbm>> -> memref<16384xf32, #tpu.memory_space<hbm>>
    tpu.enqueue_dma source(%arg9 : memref<16384xf32, #tpu.memory_space<vmem>>) target(%dma_start3A_458 : memref<16384xf32, #tpu.memory_space<hbm>>) target_semaphore(%arg13 : memref<!tpu.dma_semaphore, #tpu.memory_space<semaphore_mem>>)
    %dma_wait3A_459 = tpu.memref_slice %arg5[%add3A_417] : memref<12582912xf32, #tpu.memory_space<hbm>> -> memref<16384xf32, #tpu.memory_space<hbm>>
    %dma_wait3A_460 = tpu.memref_slice %arg5[%add3A_417] : memref<12582912xf32, #tpu.memory_space<hbm>> -> memref<16384xf32, #tpu.memory_space<hbm>>
    tpu.wait_dma2 semaphore(%arg13 : memref<!tpu.dma_semaphore, #tpu.memory_space<semaphore_mem>>) src(%arg6 : memref<16384xf32, #tpu.memory_space<vmem>>) dst(%dma_wait3A_460 : memref<16384xf32, #tpu.memory_space<hbm>>)
    %dma_wait3A_461 = tpu.memref_slice %arg5[%add3A_430] : memref<12582912xf32, #tpu.memory_space<hbm>> -> memref<16384xf32, #tpu.memory_space<hbm>>
    %dma_wait3A_462 = tpu.memref_slice %arg5[%add3A_430] : memref<12582912xf32, #tpu.memory_space<hbm>> -> memref<16384xf32, #tpu.memory_space<hbm>>
    tpu.wait_dma2 semaphore(%arg13 : memref<!tpu.dma_semaphore, #tpu.memory_space<semaphore_mem>>) src(%arg7 : memref<16384xf32, #tpu.memory_space<vmem>>) dst(%dma_wait3A_462 : memref<16384xf32, #tpu.memory_space<hbm>>)
    %dma_wait3A_463 = tpu.memref_slice %arg5[%add3A_443] : memref<12582912xf32, #tpu.memory_space<hbm>> -> memref<16384xf32, #tpu.memory_space<hbm>>
    %dma_wait3A_464 = tpu.memref_slice %arg5[%add3A_443] : memref<12582912xf32, #tpu.memory_space<hbm>> -> memref<16384xf32, #tpu.memory_space<hbm>>
    tpu.wait_dma2 semaphore(%arg13 : memref<!tpu.dma_semaphore, #tpu.memory_space<semaphore_mem>>) src(%arg8 : memref<16384xf32, #tpu.memory_space<vmem>>) dst(%dma_wait3A_464 : memref<16384xf32, #tpu.memory_space<hbm>>)
    %dma_wait3A_465 = tpu.memref_slice %arg5[%add3A_456] : memref<12582912xf32, #tpu.memory_space<hbm>> -> memref<16384xf32, #tpu.memory_space<hbm>>
    %dma_wait3A_466 = tpu.memref_slice %arg5[%add3A_456] : memref<12582912xf32, #tpu.memory_space<hbm>> -> memref<16384xf32, #tpu.memory_space<hbm>>
    tpu.wait_dma2 semaphore(%arg13 : memref<!tpu.dma_semaphore, #tpu.memory_space<semaphore_mem>>) src(%arg9 : memref<16384xf32, #tpu.memory_space<vmem>>) dst(%dma_wait3A_466 : memref<16384xf32, #tpu.memory_space<hbm>>)
    return
  }
}

#map = affine_map<(d0, d1) -> (0, 0)>
module attributes {stable_mosaic.version = 14 : i64} {
  func.func @_k2_body(%arg0: i32, %arg1: i32, %arg2: memref<8x16384xf32, #tpu.memory_space<hbm>>, %arg3: memref<8x16384xf32, #tpu.memory_space<hbm>>, %arg4: memref<16x32xf32, #tpu.memory_space<hbm>>, %arg5: memref<16x1024xi32, #tpu.memory_space<hbm>>, %arg6: memref<16384xf32, #tpu.memory_space<vmem>>, %arg7: memref<32xf32, #tpu.memory_space<vmem>>, %arg8: memref<1040xi32, #tpu.memory_space<vmem>>, %arg9: memref<16400xi32, #tpu.memory_space<vmem>>) attributes {dimension_semantics = [#tpu.dimension_semantics<core_parallel>, #tpu.dimension_semantics<subcore_parallel>], iteration_bounds = array<i64: 2, 16>, scalar_prefetch = 0 : i64, scratch_operands = 4 : i64, tpu.core_type = #tpu.core_type<sc_vector_subcore>, window_params = [{transform_indices = #map}, {transform_indices = #map}, {transform_indices = #map}, {transform_indices = #map}]} {
    %mul3A = arith.constant 2 : i32
    %mul3A_0 = arith.muli %arg1, %mul3A : i32
    %add3A = arith.addi %mul3A_0, %arg0 : i32
    %lt3A = arith.constant 16 : i32
    %lt3A_1 = arith.cmpi slt, %add3A, %lt3A : i32
    %convert_element_type3A = arith.extui %lt3A_1 : i1 to i32
    %cond3A = arith.constant 0 : i32
    %cond3A_2 = arith.cmpi ne, %convert_element_type3A, %cond3A : i32
    scf.if %cond3A_2 {
      %lt3A_3 = arith.constant 8 : i32
      %lt3A_4 = arith.cmpi slt, %add3A, %lt3A_3 : i32
      %convert_element_type3A_5 = arith.extui %lt3A_4 : i1 to i32
      %cond3A_6 = arith.constant 0 : i32
      %cond3A_7 = arith.cmpi ne, %convert_element_type3A_5, %cond3A_6 : i32
      scf.if %cond3A_7 {
        "tpu.region"() ({
          %run_scoped3A = tpu.sem_alloc : memref<!tpu.dma_semaphore, #tpu.memory_space<semaphore_mem>>
          %dma_start3A = arith.constant 0 : i32
          %dma_start3A_28 = tpu.memref_slice %arg2[%add3A, %dma_start3A] : memref<8x16384xf32, #tpu.memory_space<hbm>> -> memref<1x16384xf32, #tpu.memory_space<hbm>>
          %dma_start3A_29 = tpu.memref_squeeze %dma_start3A_28 : memref<1x16384xf32, #tpu.memory_space<hbm>> -> memref<16384xf32, #tpu.memory_space<hbm>>
          %dma_start3A_30 = arith.constant 0 : i32
          %dma_start3A_31 = tpu.memref_slice %arg2[%add3A, %dma_start3A_30] : memref<8x16384xf32, #tpu.memory_space<hbm>> -> memref<1x16384xf32, #tpu.memory_space<hbm>>
          %dma_start3A_32 = tpu.memref_squeeze %dma_start3A_31 : memref<1x16384xf32, #tpu.memory_space<hbm>> -> memref<16384xf32, #tpu.memory_space<hbm>>
          tpu.enqueue_dma source(%dma_start3A_32 : memref<16384xf32, #tpu.memory_space<hbm>>) target(%arg6 : memref<16384xf32, #tpu.memory_space<vmem>>) target_semaphore(%run_scoped3A : memref<!tpu.dma_semaphore, #tpu.memory_space<semaphore_mem>>)
          %dma_wait3A = arith.constant 0 : i32
          %dma_wait3A_33 = tpu.memref_slice %arg2[%add3A, %dma_wait3A] : memref<8x16384xf32, #tpu.memory_space<hbm>> -> memref<1x16384xf32, #tpu.memory_space<hbm>>
          %dma_wait3A_34 = tpu.memref_squeeze %dma_wait3A_33 : memref<1x16384xf32, #tpu.memory_space<hbm>> -> memref<16384xf32, #tpu.memory_space<hbm>>
          %dma_wait3A_35 = arith.constant 0 : i32
          %dma_wait3A_36 = tpu.memref_slice %arg2[%add3A, %dma_wait3A_35] : memref<8x16384xf32, #tpu.memory_space<hbm>> -> memref<1x16384xf32, #tpu.memory_space<hbm>>
          %dma_wait3A_37 = tpu.memref_squeeze %dma_wait3A_36 : memref<1x16384xf32, #tpu.memory_space<hbm>> -> memref<16384xf32, #tpu.memory_space<hbm>>
          tpu.wait_dma2 semaphore(%run_scoped3A : memref<!tpu.dma_semaphore, #tpu.memory_space<semaphore_mem>>) src(%dma_wait3A_37 : memref<16384xf32, #tpu.memory_space<hbm>>) dst(%arg6 : memref<16384xf32, #tpu.memory_space<vmem>>)
          tpu.yield
        }) : () -> ()
      } else {
      }
      %ge3A = arith.constant 8 : i32
      %ge3A_8 = arith.cmpi sge, %add3A, %ge3A : i32
      %convert_element_type3A_9 = arith.extui %ge3A_8 : i1 to i32
      %cond3A_10 = arith.constant 0 : i32
      %cond3A_11 = arith.cmpi ne, %convert_element_type3A_9, %cond3A_10 : i32
      scf.if %cond3A_11 {
        %sub3A_28 = arith.constant 8 : i32
        %sub3A_29 = arith.subi %add3A, %sub3A_28 : i32
        "tpu.region"() ({
          %run_scoped3A = tpu.sem_alloc : memref<!tpu.dma_semaphore, #tpu.memory_space<semaphore_mem>>
          %dma_start3A = arith.constant 0 : i32
          %dma_start3A_30 = tpu.memref_slice %arg3[%sub3A_29, %dma_start3A] : memref<8x16384xf32, #tpu.memory_space<hbm>> -> memref<1x16384xf32, #tpu.memory_space<hbm>>
          %dma_start3A_31 = tpu.memref_squeeze %dma_start3A_30 : memref<1x16384xf32, #tpu.memory_space<hbm>> -> memref<16384xf32, #tpu.memory_space<hbm>>
          %dma_start3A_32 = arith.constant 0 : i32
          %dma_start3A_33 = tpu.memref_slice %arg3[%sub3A_29, %dma_start3A_32] : memref<8x16384xf32, #tpu.memory_space<hbm>> -> memref<1x16384xf32, #tpu.memory_space<hbm>>
          %dma_start3A_34 = tpu.memref_squeeze %dma_start3A_33 : memref<1x16384xf32, #tpu.memory_space<hbm>> -> memref<16384xf32, #tpu.memory_space<hbm>>
          tpu.enqueue_dma source(%dma_start3A_34 : memref<16384xf32, #tpu.memory_space<hbm>>) target(%arg6 : memref<16384xf32, #tpu.memory_space<vmem>>) target_semaphore(%run_scoped3A : memref<!tpu.dma_semaphore, #tpu.memory_space<semaphore_mem>>)
          %dma_wait3A = arith.constant 0 : i32
          %dma_wait3A_35 = tpu.memref_slice %arg3[%sub3A_29, %dma_wait3A] : memref<8x16384xf32, #tpu.memory_space<hbm>> -> memref<1x16384xf32, #tpu.memory_space<hbm>>
          %dma_wait3A_36 = tpu.memref_squeeze %dma_wait3A_35 : memref<1x16384xf32, #tpu.memory_space<hbm>> -> memref<16384xf32, #tpu.memory_space<hbm>>
          %dma_wait3A_37 = arith.constant 0 : i32
          %dma_wait3A_38 = tpu.memref_slice %arg3[%sub3A_29, %dma_wait3A_37] : memref<8x16384xf32, #tpu.memory_space<hbm>> -> memref<1x16384xf32, #tpu.memory_space<hbm>>
          %dma_wait3A_39 = tpu.memref_squeeze %dma_wait3A_38 : memref<1x16384xf32, #tpu.memory_space<hbm>> -> memref<16384xf32, #tpu.memory_space<hbm>>
          tpu.wait_dma2 semaphore(%run_scoped3A : memref<!tpu.dma_semaphore, #tpu.memory_space<semaphore_mem>>) src(%dma_wait3A_39 : memref<16384xf32, #tpu.memory_space<hbm>>) dst(%arg6 : memref<16384xf32, #tpu.memory_space<vmem>>)
          tpu.yield
        }) : () -> ()
      } else {
      }
      "tpu.region"() ({
        %run_scoped3A = tpu.sem_alloc : memref<!tpu.dma_semaphore, #tpu.memory_space<semaphore_mem>>
        %dma_start3A = arith.constant 0 : i32
        %dma_start3A_28 = tpu.memref_slice %arg4[%add3A, %dma_start3A] : memref<16x32xf32, #tpu.memory_space<hbm>> -> memref<1x32xf32, #tpu.memory_space<hbm>>
        %dma_start3A_29 = tpu.memref_squeeze %dma_start3A_28 : memref<1x32xf32, #tpu.memory_space<hbm>> -> memref<32xf32, #tpu.memory_space<hbm>>
        %dma_start3A_30 = arith.constant 0 : i32
        %dma_start3A_31 = tpu.memref_slice %arg4[%add3A, %dma_start3A_30] : memref<16x32xf32, #tpu.memory_space<hbm>> -> memref<1x32xf32, #tpu.memory_space<hbm>>
        %dma_start3A_32 = tpu.memref_squeeze %dma_start3A_31 : memref<1x32xf32, #tpu.memory_space<hbm>> -> memref<32xf32, #tpu.memory_space<hbm>>
        tpu.enqueue_dma source(%dma_start3A_32 : memref<32xf32, #tpu.memory_space<hbm>>) target(%arg7 : memref<32xf32, #tpu.memory_space<vmem>>) target_semaphore(%run_scoped3A : memref<!tpu.dma_semaphore, #tpu.memory_space<semaphore_mem>>)
        %dma_wait3A = arith.constant 0 : i32
        %dma_wait3A_33 = tpu.memref_slice %arg4[%add3A, %dma_wait3A] : memref<16x32xf32, #tpu.memory_space<hbm>> -> memref<1x32xf32, #tpu.memory_space<hbm>>
        %dma_wait3A_34 = tpu.memref_squeeze %dma_wait3A_33 : memref<1x32xf32, #tpu.memory_space<hbm>> -> memref<32xf32, #tpu.memory_space<hbm>>
        %dma_wait3A_35 = arith.constant 0 : i32
        %dma_wait3A_36 = tpu.memref_slice %arg4[%add3A, %dma_wait3A_35] : memref<16x32xf32, #tpu.memory_space<hbm>> -> memref<1x32xf32, #tpu.memory_space<hbm>>
        %dma_wait3A_37 = tpu.memref_squeeze %dma_wait3A_36 : memref<1x32xf32, #tpu.memory_space<hbm>> -> memref<32xf32, #tpu.memory_space<hbm>>
        tpu.wait_dma2 semaphore(%run_scoped3A : memref<!tpu.dma_semaphore, #tpu.memory_space<semaphore_mem>>) src(%dma_wait3A_37 : memref<32xf32, #tpu.memory_space<hbm>>) dst(%arg7 : memref<32xf32, #tpu.memory_space<vmem>>)
        tpu.yield
      }) : () -> ()
      %get3A = arith.constant 0 : index
      %get3A_12 = tpu.vector_load %arg7[%get3A] {strides = array<i32>} : memref<32xf32, #tpu.memory_space<vmem>>, vector<16xf32>,
      %scan3A = arith.constant 0 : i32
      %scan3A_13 = arith.constant 0 : i32
      %scan3A_14 = arith.constant 0 : i32
      %scan3A_15 = arith.constant 1024 : i32
      %scan3A_16 = arith.addi %scan3A_14, %scan3A_15 : i32
      %scan3A_17 = arith.constant 1 : i32
      %scan3A_18:2 = scf.for %scan3A_28 = %scan3A_14 to %scan3A_16 step %scan3A_17 iter_args(%scan3A_29 = %scan3A, %scan3A_30 = %scan3A_13) -> (i32, i32)  : i32 {
        %mul3A_31 = arith.constant 16 : i32
        %mul3A_32 = arith.muli %scan3A_28, %mul3A_31 : i32
        %get3A_33 = arith.index_cast %mul3A_32 : i32 to index
        %get3A_34 = tpu.vector_load %arg6[%get3A_33] {strides = array<i32>} : memref<16384xf32, #tpu.memory_space<vmem>>, vector<16xf32>,
        %iota3A = tpu.iota {dimensions = array<i32: 0>} : vector<16xi32>
        %mul3A_35 = arith.constant 16 : i32
        %mul3A_36 = arith.muli %scan3A_28, %mul3A_35 : i32
        %add3A_37 = vector.broadcast %mul3A_36 : i32 to vector<16xi32>
        %add3A_38 = arith.addi %iota3A, %add3A_37 : vector<16xi32>
        %gt3A = arith.cmpf ogt, %get3A_34, %get3A_12 : vector<16xf32>
        %eq3A = arith.cmpf oeq, %get3A_34, %get3A_12 : vector<16xf32>
        %convert_element_type3A_39 = arith.extui %gt3A : vector<16xi1> to vector<16xi32>
        %convert_element_type3A_40 = arith.extui %eq3A : vector<16xi1> to vector<16xi32>
        %broadcast_in_dim3A = arith.constant true
        %broadcast_in_dim3A_41 = vector.broadcast %broadcast_in_dim3A : i1 to vector<16xi1>
        %masked_cumsum3A = tpu.scan <sum>, %convert_element_type3A_39 masked %broadcast_in_dim3A_41 : vector<16xi32>, vector<16xi1> -> vector<16xi32>
        %broadcast_in_dim3A_42 = arith.constant true
        %broadcast_in_dim3A_43 = vector.broadcast %broadcast_in_dim3A_42 : i1 to vector<16xi1>
        %masked_cumsum3A_44 = tpu.scan <sum>, %convert_element_type3A_40 masked %broadcast_in_dim3A_43 : vector<16xi32>, vector<16xi1> -> vector<16xi32>
        %add3A_45 = vector.broadcast %scan3A_29 : i32 to vector<16xi32>
        %add3A_46 = arith.addi %add3A_45, %masked_cumsum3A : vector<16xi32>
        %sub3A_47 = arith.constant 1 : i32
        %sub3A_48 = vector.broadcast %sub3A_47 : i32 to vector<16xi32>
        %sub3A_49 = arith.subi %add3A_46, %sub3A_48 : vector<16xi32>
        %jit3A = arith.constant 1039 : i32
        %broadcast_in_dim3A_50 = vector.broadcast %jit3A : i32 to vector<16xi32>
        %select_n3A = arith.select %gt3A, %sub3A_49, %broadcast_in_dim3A_50 : vector<16xi1>, vector<16xi32>
        %add3A_51 = vector.broadcast %scan3A_30 : i32 to vector<16xi32>
        %add3A_52 = arith.addi %add3A_51, %masked_cumsum3A_44 : vector<16xi32>
        %sub3A_53 = arith.constant 1 : i32
        %sub3A_54 = vector.broadcast %sub3A_53 : i32 to vector<16xi32>
        %sub3A_55 = arith.subi %add3A_52, %sub3A_54 : vector<16xi32>
        %jit3A_56 = arith.constant 16399 : i32
        %broadcast_in_dim3A_57 = vector.broadcast %jit3A_56 : i32 to vector<16xi32>
        %select_n3A_58 = arith.select %eq3A, %sub3A_55, %broadcast_in_dim3A_57 : vector<16xi1>, vector<16xi32>
        tpu.vector_store_idx %arg8[%select_n3A], %add3A_38 : memref<1040xi32, #tpu.memory_space<vmem>>[vector<16xi32>], vector<16xi32>,
        tpu.vector_store_idx %arg9[%select_n3A_58], %add3A_38 : memref<16400xi32, #tpu.memory_space<vmem>>[vector<16xi32>], vector<16xi32>,
        %reduce_sum3A = arith.constant true
        %reduce_sum3A_59 = vector.broadcast %reduce_sum3A : i1 to vector<16xi1>
        %reduce_sum3A_60 = tpu.scan <sum>, %convert_element_type3A_39 masked %reduce_sum3A_59 : vector<16xi32>, vector<16xi1> -> vector<16xi32>
        %reduce_sum3A_61 = vector.extract %reduce_sum3A_60[15] : i32 from vector<16xi32>
        %add3A_62 = arith.addi %scan3A_29, %reduce_sum3A_61 : i32
        %reduce_sum3A_63 = arith.constant true
        %reduce_sum3A_64 = vector.broadcast %reduce_sum3A_63 : i1 to vector<16xi1>
        %reduce_sum3A_65 = tpu.scan <sum>, %convert_element_type3A_40 masked %reduce_sum3A_64 : vector<16xi32>, vector<16xi1> -> vector<16xi32>
        %reduce_sum3A_66 = vector.extract %reduce_sum3A_65[15] : i32 from vector<16xi32>
        %add3A_67 = arith.addi %scan3A_30, %reduce_sum3A_66 : i32
        scf.yield %add3A_62, %add3A_67 : i32, i32
      }
      %scan3A_19 = arith.constant 1024 : i32
      %sub3A = arith.constant 1024 : i32
      %sub3A_20 = arith.subi %sub3A, %scan3A_18#0 : i32
      %scan3A_21 = arith.constant 0 : i32
      %scan3A_22 = arith.constant 0 : i32
      %scan3A_23 = arith.constant 64 : i32
      %scan3A_24 = arith.addi %scan3A_22, %scan3A_23 : i32
      %scan3A_25 = arith.constant 1 : i32
      %scan3A_26 = scf.for %scan3A_28 = %scan3A_22 to %scan3A_24 step %scan3A_25 iter_args(%scan3A_29 = %scan3A_21) -> (i32)  : i32 {
        %mul3A_30 = arith.constant 16 : i32
        %mul3A_31 = arith.muli %scan3A_28, %mul3A_30 : i32
        %sub3A_32 = arith.subi %sub3A_20, %mul3A_31 : i32
        %gt3A = arith.constant 0 : i32
        %gt3A_33 = arith.cmpi sgt, %sub3A_32, %gt3A : i32
        %convert_element_type3A_34 = arith.extui %gt3A_33 : i1 to i32
        %cond3A_35 = arith.constant 0 : i32
        %cond3A_36 = arith.cmpi ne, %convert_element_type3A_34, %cond3A_35 : i32
        scf.if %cond3A_36 {
          %mul3A_38 = arith.constant 16 : i32
          %mul3A_39 = arith.muli %scan3A_28, %mul3A_38 : i32
          %get3A_40 = arith.index_cast %mul3A_39 : i32 to index
          %get3A_41 = tpu.vector_load %arg9[%get3A_40] {strides = array<i32>} : memref<16400xi32, #tpu.memory_space<vmem>>, vector<16xi32>,
          %iota3A = tpu.iota {dimensions = array<i32: 0>} : vector<16xi32>
          %lt3A_42 = vector.broadcast %sub3A_32 : i32 to vector<16xi32>
          %lt3A_43 = arith.cmpi slt, %iota3A, %lt3A_42 : vector<16xi32>
          %mul3A_44 = arith.constant 16 : i32
          %mul3A_45 = arith.muli %scan3A_28, %mul3A_44 : i32
          %add3A_46 = arith.addi %scan3A_18#0, %mul3A_45 : i32
          %add3A_47 = vector.broadcast %add3A_46 : i32 to vector<16xi32>
          %add3A_48 = arith.addi %add3A_47, %iota3A : vector<16xi32>
          %jit3A = arith.constant 1039 : i32
          %broadcast_in_dim3A = vector.broadcast %jit3A : i32 to vector<16xi32>
          %select_n3A = arith.select %lt3A_43, %add3A_48, %broadcast_in_dim3A : vector<16xi1>, vector<16xi32>
          tpu.vector_store_idx %arg8[%select_n3A], %get3A_41 : memref<1040xi32, #tpu.memory_space<vmem>>[vector<16xi32>], vector<16xi32>,
        } else {
        }
        %scan3A_37 = arith.constant 0 : i32
        scf.yield %scan3A_37 : i32
      }
      %scan3A_27 = arith.constant 64 : i32
      "tpu.region"() ({
        %run_scoped3A = tpu.sem_alloc : memref<!tpu.dma_semaphore, #tpu.memory_space<semaphore_mem>>
        %dma_start3A = arith.constant 0 : i32
        %dma_start3A_28 = tpu.memref_slice %arg8[%dma_start3A] : memref<1040xi32, #tpu.memory_space<vmem>> -> memref<1024xi32, #tpu.memory_space<vmem>>
        %dma_start3A_29 = arith.constant 0 : i32
        %dma_start3A_30 = tpu.memref_slice %arg5[%add3A, %dma_start3A_29] : memref<16x1024xi32, #tpu.memory_space<hbm>> -> memref<1x1024xi32, #tpu.memory_space<hbm>>
        %dma_start3A_31 = tpu.memref_squeeze %dma_start3A_30 : memref<1x1024xi32, #tpu.memory_space<hbm>> -> memref<1024xi32, #tpu.memory_space<hbm>>
        %dma_start3A_32 = arith.constant 0 : i32
        %dma_start3A_33 = tpu.memref_slice %arg5[%add3A, %dma_start3A_32] : memref<16x1024xi32, #tpu.memory_space<hbm>> -> memref<1x1024xi32, #tpu.memory_space<hbm>>
        %dma_start3A_34 = tpu.memref_squeeze %dma_start3A_33 : memref<1x1024xi32, #tpu.memory_space<hbm>> -> memref<1024xi32, #tpu.memory_space<hbm>>
        %dma_start3A_35 = arith.constant 0 : i32
        %dma_start3A_36 = tpu.memref_slice %arg8[%dma_start3A_35] : memref<1040xi32, #tpu.memory_space<vmem>> -> memref<1024xi32, #tpu.memory_space<vmem>>
        tpu.enqueue_dma source(%dma_start3A_36 : memref<1024xi32, #tpu.memory_space<vmem>>) target(%dma_start3A_34 : memref<1024xi32, #tpu.memory_space<hbm>>) target_semaphore(%run_scoped3A : memref<!tpu.dma_semaphore, #tpu.memory_space<semaphore_mem>>)
        %dma_wait3A = arith.constant 0 : i32
        %dma_wait3A_37 = tpu.memref_slice %arg8[%dma_wait3A] : memref<1040xi32, #tpu.memory_space<vmem>> -> memref<1024xi32, #tpu.memory_space<vmem>>
        %dma_wait3A_38 = arith.constant 0 : i32
        %dma_wait3A_39 = tpu.memref_slice %arg5[%add3A, %dma_wait3A_38] : memref<16x1024xi32, #tpu.memory_space<hbm>> -> memref<1x1024xi32, #tpu.memory_space<hbm>>
        %dma_wait3A_40 = tpu.memref_squeeze %dma_wait3A_39 : memref<1x1024xi32, #tpu.memory_space<hbm>> -> memref<1024xi32, #tpu.memory_space<hbm>>
        %dma_wait3A_41 = arith.constant 0 : i32
        %dma_wait3A_42 = tpu.memref_slice %arg5[%add3A, %dma_wait3A_41] : memref<16x1024xi32, #tpu.memory_space<hbm>> -> memref<1x1024xi32, #tpu.memory_space<hbm>>
        %dma_wait3A_43 = tpu.memref_squeeze %dma_wait3A_42 : memref<1x1024xi32, #tpu.memory_space<hbm>> -> memref<1024xi32, #tpu.memory_space<hbm>>
        %dma_wait3A_44 = arith.constant 0 : i32
        %dma_wait3A_45 = tpu.memref_slice %arg8[%dma_wait3A_44] : memref<1040xi32, #tpu.memory_space<vmem>> -> memref<1024xi32, #tpu.memory_space<vmem>>
        tpu.wait_dma2 semaphore(%run_scoped3A : memref<!tpu.dma_semaphore, #tpu.memory_space<semaphore_mem>>) src(%dma_wait3A_45 : memref<1024xi32, #tpu.memory_space<vmem>>) dst(%dma_wait3A_43 : memref<1024xi32, #tpu.memory_space<hbm>>)
        tpu.yield
      }) : () -> ()
    } else {
    }
    return
  }
}

module attributes {stable_mosaic.version = 14 : i64} {
  func.func @_k1_body(%arg0: i32, %arg1: memref<1x19x16384xf32, #tpu.memory_space<vmem>>, %arg2: memref<1x1x16384xf32, #tpu.memory_space<vmem>>) attributes {dimension_semantics = [#tpu.dimension_semantics<arbitrary>], iteration_bounds = array<i64: 8>, scalar_prefetch = 0 : i64, scratch_operands = 0 : i64, tpu.core_type = #tpu.core_type<tc>, window_params = [{transform_indices = @transform_0, window_bounds = array<i64: 1, 19, 16384>}, {transform_indices = @transform_1, window_bounds = array<i64: 1, 1, 16384>}]} {
    %get3A = arith.constant 0 : index
    %get3A_0 = arith.constant 0 : index
    %get3A_1 = arith.constant 0 : index
    %get3A_2 = vector.load %arg1[%get3A, %get3A_0, %get3A_1] : memref<1x19x16384xf32, #tpu.memory_space<vmem>>, vector<1x19x16384xf32>
    %get3A_3 = vector.shape_cast %get3A_2 : vector<1x19x16384xf32> to vector<19x16384xf32>
    %reduce_max3A = arith.constant dense<0xFF800000> : vector<16384xf32>
    %reduce_max3A_4 = vector.multi_reduction <maximumf>, %get3A_3, %reduce_max3A [0] : vector<19x16384xf32> to vector<16384xf32>
    %broadcast_in_dim3A = vector.shape_cast %reduce_max3A_4 : vector<16384xf32> to vector<1x16384xf32>
    %sub3A = vector.broadcast %broadcast_in_dim3A : vector<1x16384xf32> to vector<19x16384xf32>
    %sub3A_5 = arith.subf %get3A_3, %sub3A : vector<19x16384xf32>
    %exp3A = math.exp %sub3A_5 : vector<19x16384xf32>
    %reduce_sum3A = arith.constant dense<0.000000e+00> : vector<16384xf32>
    %reduce_sum3A_6 = vector.multi_reduction <add>, %exp3A, %reduce_sum3A [0] : vector<19x16384xf32> to vector<16384xf32>
    %broadcast_in_dim3A_7 = vector.shape_cast %reduce_sum3A_6 : vector<16384xf32> to vector<1x16384xf32>
    %div3A = vector.broadcast %broadcast_in_dim3A_7 : vector<1x16384xf32> to vector<19x16384xf32>
    %div3A_8 = arith.divf %exp3A, %div3A : vector<19x16384xf32>
    %log3A = math.log %div3A_8 : vector<19x16384xf32>
    %mul3A = arith.mulf %div3A_8, %log3A : vector<19x16384xf32>
    %reduce_sum3A_9 = arith.constant dense<0.000000e+00> : vector<16384xf32>
    %reduce_sum3A_10 = vector.multi_reduction <add>, %mul3A, %reduce_sum3A_9 [0] : vector<19x16384xf32> to vector<16384xf32>
    %broadcast_in_dim3A_11 = vector.shape_cast %reduce_sum3A_10 : vector<16384xf32> to vector<1x16384xf32>
    %neg3A = arith.constant 0.000000e+00 : f32
    %neg3A_12 = vector.broadcast %neg3A : f32 to vector<1x16384xf32>
    %neg3A_13 = arith.subf %neg3A_12, %broadcast_in_dim3A_11 : vector<1x16384xf32>
    %swap3A = arith.constant 0 : index
    %swap3A_14 = arith.constant 0 : index
    %swap3A_15 = arith.constant 0 : index
    %swap3A_16 = vector.load %arg2[%swap3A, %swap3A_14, %swap3A_15] : memref<1x1x16384xf32, #tpu.memory_space<vmem>>, vector<1x1x16384xf32>
    %swap3A_17 = vector.shape_cast %swap3A_16 : vector<1x1x16384xf32> to vector<1x16384xf32>
    %swap3A_18 = vector.shape_cast %neg3A_13 : vector<1x16384xf32> to vector<1x1x16384xf32>
    tpu.vector_store %arg2[%swap3A, %swap3A_14, %swap3A_15], %swap3A_18 {strides = array<i32>} : memref<1x1x16384xf32, #tpu.memory_space<vmem>>, vector<1x1x16384xf32>,
    return
  }
  func.func @transform_0(%arg0: i32) -> (i32, i32, i32) {
    %c0_i32 = arith.constant 0 : i32
    %c0_i32_0 = arith.constant 0 : i32
    %c0_i32_1 = arith.constant 0 : i32
    return %arg0, %c0_i32, %c0_i32_0 : i32, i32, i32
  }
  func.func @transform_1(%arg0: i32) -> (i32, i32, i32) {
    %c0_i32 = arith.constant 0 : i32
    %c0_i32_0 = arith.constant 0 : i32
    %c0_i32_1 = arith.constant 0 : i32
    return %arg0, %c0_i32, %c0_i32_0 : i32, i32, i32
  }
}

module attributes {stable_mosaic.version = 14 : i64} {
  func.func @_k1b_body(%arg0: i32, %arg1: memref<16x16384xf32, #tpu.memory_space<vmem>>, %arg2: memref<16x2x16xf32, #tpu.memory_space<vmem>>) attributes {dimension_semantics = [#tpu.dimension_semantics<arbitrary>], iteration_bounds = array<i64: 1>, scalar_prefetch = 0 : i64, scratch_operands = 0 : i64, tpu.core_type = #tpu.core_type<tc>, window_params = [{pipeline_mode = #tpu.pipeline_mode<synchronous>, transform_indices = @transform_0, window_bounds = array<i64: 16, 16384>}, {pipeline_mode = #tpu.pipeline_mode<synchronous>, transform_indices = @transform_1, window_bounds = array<i64: 16, 2, 16>}]} {
    %get3A = arith.constant 0 : index
    %get3A_0 = arith.constant 0 : index
    %get3A_1 = vector.load %arg1[%get3A, %get3A_0] : memref<16x16384xf32, #tpu.memory_space<vmem>>, vector<16x16384xf32>
    %max3A = arith.constant 0.000000e+00 : f32
    %max3A_2 = vector.broadcast %max3A : f32 to vector<16x16384xf32>
    %max3A_3 = arith.maximumf %get3A_1, %max3A_2 : vector<16x16384xf32>
    %bitcast_convert_type3A = tpu.bitcast %max3A_3 : vector<16x16384xf32> -> vector<16x16384xi32>
    %broadcast_in_dim3A = arith.constant 0 : i32
    %broadcast_in_dim3A_4 = vector.broadcast %broadcast_in_dim3A : i32 to vector<16x1xi32>
    %scan3A = arith.constant 0 : i32
    %scan3A_5 = arith.constant 31 : i32
    %scan3A_6 = arith.addi %scan3A, %scan3A_5 : i32
    %scan3A_7 = arith.constant 1 : i32
    %scan3A_8 = scf.for %scan3A_30 = %scan3A to %scan3A_6 step %scan3A_7 iter_args(%scan3A_31 = %broadcast_in_dim3A_4) -> (vector<16x1xi32>)  : i32 {
      %sub3A = arith.constant 30 : i32
      %sub3A_32 = arith.subi %sub3A, %scan3A_30 : i32
      %shift_left3A = arith.constant 1 : i32
      %shift_left3A_33 = arith.shli %shift_left3A, %sub3A_32 : i32
      %or3A = vector.broadcast %shift_left3A_33 : i32 to vector<16x1xi32>
      %or3A_34 = arith.ori %scan3A_31, %or3A : vector<16x1xi32>
      %ge3A = vector.broadcast %or3A_34 : vector<16x1xi32> to vector<16x16384xi32>
      %ge3A_35 = arith.cmpi sge, %bitcast_convert_type3A, %ge3A : vector<16x16384xi32>
      %convert_element_type3A_36 = arith.extui %ge3A_35 : vector<16x16384xi1> to vector<16x16384xi32>
      %convert_element_type3A_37 = arith.sitofp %convert_element_type3A_36 : vector<16x16384xi32> to vector<16x16384xf32>
      %reduce_sum3A_38 = arith.constant dense<0.000000e+00> : vector<16xf32>
      %reduce_sum3A_39 = vector.multi_reduction <add>, %convert_element_type3A_37, %reduce_sum3A_38 [1] : vector<16x16384xf32> to vector<16xf32>
      %broadcast_in_dim3A_40 = vector.shape_cast %reduce_sum3A_39 : vector<16xf32> to vector<16x1xf32>
      %ge3A_41 = arith.constant 1.024000e+03 : f32
      %ge3A_42 = vector.broadcast %ge3A_41 : f32 to vector<16x1xf32>
      %ge3A_43 = arith.cmpf oge, %broadcast_in_dim3A_40, %ge3A_42 : vector<16x1xf32>
      %select_n3A = arith.select %ge3A_43, %or3A_34, %scan3A_31 : vector<16x1xi1>, vector<16x1xi32>
      scf.yield %select_n3A : vector<16x1xi32>
    }
    %scan3A_9 = arith.constant 31 : i32
    %gt3A = vector.broadcast %scan3A_8 : vector<16x1xi32> to vector<16x16384xi32>
    %gt3A_10 = arith.cmpi sgt, %bitcast_convert_type3A, %gt3A : vector<16x16384xi32>
    %convert_element_type3A = arith.extui %gt3A_10 : vector<16x16384xi1> to vector<16x16384xi32>
    %convert_element_type3A_11 = arith.sitofp %convert_element_type3A : vector<16x16384xi32> to vector<16x16384xf32>
    %reduce_sum3A = arith.constant dense<0.000000e+00> : vector<16xf32>
    %reduce_sum3A_12 = vector.multi_reduction <add>, %convert_element_type3A_11, %reduce_sum3A [1] : vector<16x16384xf32> to vector<16xf32>
    %broadcast_in_dim3A_13 = vector.shape_cast %reduce_sum3A_12 : vector<16xf32> to vector<16x1xf32>
    %bitcast_convert_type3A_14 = tpu.bitcast %scan3A_8 : vector<16x1xi32> -> vector<16x1xf32>
    %broadcast_in_dim3A_15 = vector.shape_cast %bitcast_convert_type3A_14 : vector<16x1xf32> to vector<16x1xf32>
    %broadcast_in_dim3A_16 = vector.broadcast %broadcast_in_dim3A_15 : vector<16x1xf32> to vector<16x16xf32>
    %swap3A = arith.constant 0 : index
    %swap3A_17 = arith.constant 0 : index
    %swap3A_18 = arith.constant 0 : index
    %swap3A_19 = vector.load %arg2[%swap3A, %swap3A_17, %swap3A_18] : memref<16x2x16xf32, #tpu.memory_space<vmem>>, vector<16x1x16xf32>
    %swap3A_20 = vector.shape_cast %swap3A_19 : vector<16x1x16xf32> to vector<16x16xf32>
    %swap3A_21 = vector.shape_cast %broadcast_in_dim3A_16 : vector<16x16xf32> to vector<16x1x16xf32>
    tpu.vector_store %arg2[%swap3A, %swap3A_17, %swap3A_18], %swap3A_21 {strides = array<i32>} : memref<16x2x16xf32, #tpu.memory_space<vmem>>, vector<16x1x16xf32>,
    %broadcast_in_dim3A_22 = vector.shape_cast %broadcast_in_dim3A_13 : vector<16x1xf32> to vector<16x1xf32>
    %broadcast_in_dim3A_23 = vector.broadcast %broadcast_in_dim3A_22 : vector<16x1xf32> to vector<16x16xf32>
    %swap3A_24 = arith.constant 0 : index
    %swap3A_25 = arith.constant 1 : index
    %swap3A_26 = arith.constant 0 : index
    %swap3A_27 = vector.load %arg2[%swap3A_24, %swap3A_25, %swap3A_26] : memref<16x2x16xf32, #tpu.memory_space<vmem>>, vector<16x1x16xf32>
    %swap3A_28 = vector.shape_cast %swap3A_27 : vector<16x1x16xf32> to vector<16x16xf32>
    %swap3A_29 = vector.shape_cast %broadcast_in_dim3A_23 : vector<16x16xf32> to vector<16x1x16xf32>
    tpu.vector_store %arg2[%swap3A_24, %swap3A_25, %swap3A_26], %swap3A_29 {strides = array<i32>} : memref<16x2x16xf32, #tpu.memory_space<vmem>>, vector<16x1x16xf32>,
    return
  }
  func.func @transform_0(%arg0: i32) -> (i32, i32) {
    %c0_i32 = arith.constant 0 : i32
    %c0_i32_0 = arith.constant 0 : i32
    %c0_i32_1 = arith.constant 0 : i32
    return %c0_i32, %c0_i32_0 : i32, i32
  }
  func.func @transform_1(%arg0: i32) -> (i32, i32, i32) {
    %c0_i32 = arith.constant 0 : i32
    %c0_i32_0 = arith.constant 0 : i32
    %c0_i32_1 = arith.constant 0 : i32
    %c0_i32_2 = arith.constant 0 : i32
    return %c0_i32, %c0_i32_0, %c0_i32_1 : i32, i32, i32
  }
}

module attributes {stable_mosaic.version = 14 : i64} {
  func.func @_k4_body(%arg0: i32, %arg1: memref<1x96x1024xf32, #tpu.memory_space<vmem>>, %arg2: memref<1x96x1024xf32, #tpu.memory_space<vmem>>, %arg3: memref<96x96xf32, #tpu.memory_space<vmem>>, %arg4: memref<96x96xf32, #tpu.memory_space<vmem>>, %arg5: memref<96x96xf32, #tpu.memory_space<vmem>>, %arg6: memref<96x96xf32, #tpu.memory_space<vmem>>, %arg7: memref<96x384xf32, #tpu.memory_space<vmem>>, %arg8: memref<384x1xf32, #tpu.memory_space<vmem>>, %arg9: memref<384x96xf32, #tpu.memory_space<vmem>>, %arg10: memref<96x1xf32, #tpu.memory_space<vmem>>, %arg11: memref<1x96x1024xf32, #tpu.memory_space<vmem>>) attributes {dimension_semantics = [#tpu.dimension_semantics<arbitrary>], iteration_bounds = array<i64: 8>, scalar_prefetch = 0 : i64, scratch_operands = 0 : i64, tpu.core_type = #tpu.core_type<tc>, window_params = [{transform_indices = @transform_0, window_bounds = array<i64: 1, 96, 1024>}, {transform_indices = @transform_1, window_bounds = array<i64: 1, 96, 1024>}, {pipeline_mode = #tpu.pipeline_mode<synchronous>, transform_indices = @transform_2, window_bounds = array<i64: 96, 96>}, {pipeline_mode = #tpu.pipeline_mode<synchronous>, transform_indices = @transform_3, window_bounds = array<i64: 96, 96>}, {pipeline_mode = #tpu.pipeline_mode<synchronous>, transform_indices = @transform_4, window_bounds = array<i64: 96, 96>}, {pipeline_mode = #tpu.pipeline_mode<synchronous>, transform_indices = @transform_5, window_bounds = array<i64: 96, 96>}, {pipeline_mode = #tpu.pipeline_mode<synchronous>, transform_indices = @transform_6, window_bounds = array<i64: 96, 384>}, {pipeline_mode = #tpu.pipeline_mode<synchronous>, transform_indices = @transform_7, window_bounds = array<i64: 384, 1>}, {pipeline_mode = #tpu.pipeline_mode<synchronous>, transform_indices = @transform_8, window_bounds = array<i64: 384, 96>}, {pipeline_mode = #tpu.pipeline_mode<synchronous>, transform_indices = @transform_9, window_bounds = array<i64: 96, 1>}, {transform_indices = @transform_10, window_bounds = array<i64: 1, 96, 1024>}]} {
    %get3A = arith.constant 0 : index
    %get3A_0 = arith.constant 0 : index
    %get3A_1 = arith.constant 0 : index
    %get3A_2 = vector.load %arg1[%get3A, %get3A_0, %get3A_1] : memref<1x96x1024xf32, #tpu.memory_space<vmem>>, vector<1x96x1024xf32>
    %get3A_3 = vector.shape_cast %get3A_2 : vector<1x96x1024xf32> to vector<96x1024xf32>
    %get3A_4 = arith.constant 0 : index
    %get3A_5 = arith.constant 0 : index
    %get3A_6 = arith.constant 0 : index
    %get3A_7 = vector.load %arg2[%get3A_4, %get3A_5, %get3A_6] : memref<1x96x1024xf32, #tpu.memory_space<vmem>>, vector<1x96x1024xf32>
    %get3A_8 = vector.shape_cast %get3A_7 : vector<1x96x1024xf32> to vector<96x1024xf32>
    %get3A_9 = arith.constant 0 : index
    %get3A_10 = arith.constant 0 : index
    %get3A_11 = vector.load %arg3[%get3A_9, %get3A_10] : memref<96x96xf32, #tpu.memory_space<vmem>>, vector<96x96xf32>
    %convert_element_type3A = arith.truncf %get3A_11 : vector<96x96xf32> to vector<96x96xbf16>
    %convert_element_type3A_12 = arith.truncf %get3A_3 : vector<96x1024xf32> to vector<96x1024xbf16>
    %dot_general3A = arith.constant dense<0.000000e+00> : vector<96x1024xf32>
    %dot_general3A_13 = tpu.matmul %convert_element_type3A, %convert_element_type3A_12, %dot_general3A {dimension_numbers = #tpu.dot_dimension_numbers<[0], [0], [1], [1], [0, 1, 1, 1], [], []>, transpose_lhs_hint = false} : vector<96x96xbf16>, vector<96x1024xbf16>, vector<96x1024xf32> -> vector<96x1024xf32>
    %get3A_14 = arith.constant 0 : index
    %get3A_15 = arith.constant 0 : index
    %get3A_16 = vector.load %arg4[%get3A_14, %get3A_15] : memref<96x96xf32, #tpu.memory_space<vmem>>, vector<96x96xf32>
    %convert_element_type3A_17 = arith.truncf %get3A_16 : vector<96x96xf32> to vector<96x96xbf16>
    %convert_element_type3A_18 = arith.truncf %get3A_8 : vector<96x1024xf32> to vector<96x1024xbf16>
    %dot_general3A_19 = arith.constant dense<0.000000e+00> : vector<96x1024xf32>
    %dot_general3A_20 = tpu.matmul %convert_element_type3A_17, %convert_element_type3A_18, %dot_general3A_19 {dimension_numbers = #tpu.dot_dimension_numbers<[0], [0], [1], [1], [0, 1, 1, 1], [], []>, transpose_lhs_hint = false} : vector<96x96xbf16>, vector<96x1024xbf16>, vector<96x1024xf32> -> vector<96x1024xf32>
    %get3A_21 = arith.constant 0 : index
    %get3A_22 = arith.constant 0 : index
    %get3A_23 = vector.load %arg5[%get3A_21, %get3A_22] : memref<96x96xf32, #tpu.memory_space<vmem>>, vector<96x96xf32>
    %convert_element_type3A_24 = arith.truncf %get3A_23 : vector<96x96xf32> to vector<96x96xbf16>
    %convert_element_type3A_25 = arith.truncf %get3A_8 : vector<96x1024xf32> to vector<96x1024xbf16>
    %dot_general3A_26 = arith.constant dense<0.000000e+00> : vector<96x1024xf32>
    %dot_general3A_27 = tpu.matmul %convert_element_type3A_24, %convert_element_type3A_25, %dot_general3A_26 {dimension_numbers = #tpu.dot_dimension_numbers<[0], [0], [1], [1], [0, 1, 1, 1], [], []>, transpose_lhs_hint = false} : vector<96x96xbf16>, vector<96x1024xbf16>, vector<96x1024xf32> -> vector<96x1024xf32>
    %slice3A = vector.extract_strided_slice %dot_general3A_13 {offsets = [0, 0], sizes = [12, 1024], strides = [1, 1]} : vector<96x1024xf32> to vector<12x1024xf32>
    %slice3A_28 = vector.extract_strided_slice %dot_general3A_20 {offsets = [0, 0], sizes = [12, 1024], strides = [1, 1]} : vector<96x1024xf32> to vector<12x1024xf32>
    %slice3A_29 = vector.extract_strided_slice %dot_general3A_27 {offsets = [0, 0], sizes = [12, 1024], strides = [1, 1]} : vector<96x1024xf32> to vector<12x1024xf32>
    %convert_element_type3A_30 = arith.truncf %slice3A : vector<12x1024xf32> to vector<12x1024xbf16>
    %convert_element_type3A_31 = arith.truncf %slice3A_28 : vector<12x1024xf32> to vector<12x1024xbf16>
    %dot_general3A_32 = arith.constant dense<0.000000e+00> : vector<1024x1024xf32>
    %dot_general3A_33 = tpu.matmul %convert_element_type3A_30, %convert_element_type3A_31, %dot_general3A_32 {dimension_numbers = #tpu.dot_dimension_numbers<[0], [0], [1], [1], [0, 1, 1, 1], [], []>, transpose_lhs_hint = false} : vector<12x1024xbf16>, vector<12x1024xbf16>, vector<1024x1024xf32> -> vector<1024x1024xf32>
    %mul3A = arith.constant 0.288675129 : f32
    %mul3A_34 = vector.broadcast %mul3A : f32 to vector<1024x1024xf32>
    %mul3A_35 = arith.mulf %dot_general3A_33, %mul3A_34 : vector<1024x1024xf32>
    %exp3A = math.exp %mul3A_35 : vector<1024x1024xf32>
    %reduce_sum3A = arith.constant dense<0.000000e+00> : vector<1024xf32>
    %reduce_sum3A_36 = vector.multi_reduction <add>, %exp3A, %reduce_sum3A [1] : vector<1024x1024xf32> to vector<1024xf32>
    %broadcast_in_dim3A = vector.shape_cast %reduce_sum3A_36 : vector<1024xf32> to vector<1024x1xf32>
    %div3A = arith.constant 1.000000e+00 : f32
    %div3A_37 = vector.broadcast %div3A : f32 to vector<1024x1xf32>
    %div3A_38 = arith.divf %div3A_37, %broadcast_in_dim3A : vector<1024x1xf32>
    %mul3A_39 = vector.broadcast %div3A_38 : vector<1024x1xf32> to vector<1024x1024xf32>
    %mul3A_40 = arith.mulf %exp3A, %mul3A_39 : vector<1024x1024xf32>
    %convert_element_type3A_41 = arith.truncf %slice3A_29 : vector<12x1024xf32> to vector<12x1024xbf16>
    %convert_element_type3A_42 = arith.truncf %mul3A_40 : vector<1024x1024xf32> to vector<1024x1024xbf16>
    %dot_general3A_43 = arith.constant dense<0.000000e+00> : vector<12x1024xf32>
    %dot_general3A_44 = tpu.matmul %convert_element_type3A_41, %convert_element_type3A_42, %dot_general3A_43 {dimension_numbers = #tpu.dot_dimension_numbers<[1], [1], [0], [0], [0, 0, 1, 0], [], []>, transpose_lhs_hint = false} : vector<12x1024xbf16>, vector<1024x1024xbf16>, vector<12x1024xf32> -> vector<12x1024xf32>
    %slice3A_45 = vector.extract_strided_slice %dot_general3A_13 {offsets = [12, 0], sizes = [12, 1024], strides = [1, 1]} : vector<96x1024xf32> to vector<12x1024xf32>
    %slice3A_46 = vector.extract_strided_slice %dot_general3A_20 {offsets = [12, 0], sizes = [12, 1024], strides = [1, 1]} : vector<96x1024xf32> to vector<12x1024xf32>
    %slice3A_47 = vector.extract_strided_slice %dot_general3A_27 {offsets = [12, 0], sizes = [12, 1024], strides = [1, 1]} : vector<96x1024xf32> to vector<12x1024xf32>
    %convert_element_type3A_48 = arith.truncf %slice3A_45 : vector<12x1024xf32> to vector<12x1024xbf16>
    %convert_element_type3A_49 = arith.truncf %slice3A_46 : vector<12x1024xf32> to vector<12x1024xbf16>
    %dot_general3A_50 = arith.constant dense<0.000000e+00> : vector<1024x1024xf32>
    %dot_general3A_51 = tpu.matmul %convert_element_type3A_48, %convert_element_type3A_49, %dot_general3A_50 {dimension_numbers = #tpu.dot_dimension_numbers<[0], [0], [1], [1], [0, 1, 1, 1], [], []>, transpose_lhs_hint = false} : vector<12x1024xbf16>, vector<12x1024xbf16>, vector<1024x1024xf32> -> vector<1024x1024xf32>
    %mul3A_52 = arith.constant 0.288675129 : f32
    %mul3A_53 = vector.broadcast %mul3A_52 : f32 to vector<1024x1024xf32>
    %mul3A_54 = arith.mulf %dot_general3A_51, %mul3A_53 : vector<1024x1024xf32>
    %exp3A_55 = math.exp %mul3A_54 : vector<1024x1024xf32>
    %reduce_sum3A_56 = arith.constant dense<0.000000e+00> : vector<1024xf32>
    %reduce_sum3A_57 = vector.multi_reduction <add>, %exp3A_55, %reduce_sum3A_56 [1] : vector<1024x1024xf32> to vector<1024xf32>
    %broadcast_in_dim3A_58 = vector.shape_cast %reduce_sum3A_57 : vector<1024xf32> to vector<1024x1xf32>
    %div3A_59 = arith.constant 1.000000e+00 : f32
    %div3A_60 = vector.broadcast %div3A_59 : f32 to vector<1024x1xf32>
    %div3A_61 = arith.divf %div3A_60, %broadcast_in_dim3A_58 : vector<1024x1xf32>
    %mul3A_62 = vector.broadcast %div3A_61 : vector<1024x1xf32> to vector<1024x1024xf32>
    %mul3A_63 = arith.mulf %exp3A_55, %mul3A_62 : vector<1024x1024xf32>
    %convert_element_type3A_64 = arith.truncf %slice3A_47 : vector<12x1024xf32> to vector<12x1024xbf16>
    %convert_element_type3A_65 = arith.truncf %mul3A_63 : vector<1024x1024xf32> to vector<1024x1024xbf16>
    %dot_general3A_66 = arith.constant dense<0.000000e+00> : vector<12x1024xf32>
    %dot_general3A_67 = tpu.matmul %convert_element_type3A_64, %convert_element_type3A_65, %dot_general3A_66 {dimension_numbers = #tpu.dot_dimension_numbers<[1], [1], [0], [0], [0, 0, 1, 0], [], []>, transpose_lhs_hint = false} : vector<12x1024xbf16>, vector<1024x1024xbf16>, vector<12x1024xf32> -> vector<12x1024xf32>
    %slice3A_68 = vector.extract_strided_slice %dot_general3A_13 {offsets = [24, 0], sizes = [12, 1024], strides = [1, 1]} : vector<96x1024xf32> to vector<12x1024xf32>
    %slice3A_69 = vector.extract_strided_slice %dot_general3A_20 {offsets = [24, 0], sizes = [12, 1024], strides = [1, 1]} : vector<96x1024xf32> to vector<12x1024xf32>
    %slice3A_70 = vector.extract_strided_slice %dot_general3A_27 {offsets = [24, 0], sizes = [12, 1024], strides = [1, 1]} : vector<96x1024xf32> to vector<12x1024xf32>
    %convert_element_type3A_71 = arith.truncf %slice3A_68 : vector<12x1024xf32> to vector<12x1024xbf16>
    %convert_element_type3A_72 = arith.truncf %slice3A_69 : vector<12x1024xf32> to vector<12x1024xbf16>
    %dot_general3A_73 = arith.constant dense<0.000000e+00> : vector<1024x1024xf32>
    %dot_general3A_74 = tpu.matmul %convert_element_type3A_71, %convert_element_type3A_72, %dot_general3A_73 {dimension_numbers = #tpu.dot_dimension_numbers<[0], [0], [1], [1], [0, 1, 1, 1], [], []>, transpose_lhs_hint = false} : vector<12x1024xbf16>, vector<12x1024xbf16>, vector<1024x1024xf32> -> vector<1024x1024xf32>
    %mul3A_75 = arith.constant 0.288675129 : f32
    %mul3A_76 = vector.broadcast %mul3A_75 : f32 to vector<1024x1024xf32>
    %mul3A_77 = arith.mulf %dot_general3A_74, %mul3A_76 : vector<1024x1024xf32>
    %exp3A_78 = math.exp %mul3A_77 : vector<1024x1024xf32>
    %reduce_sum3A_79 = arith.constant dense<0.000000e+00> : vector<1024xf32>
    %reduce_sum3A_80 = vector.multi_reduction <add>, %exp3A_78, %reduce_sum3A_79 [1] : vector<1024x1024xf32> to vector<1024xf32>
    %broadcast_in_dim3A_81 = vector.shape_cast %reduce_sum3A_80 : vector<1024xf32> to vector<1024x1xf32>
    %div3A_82 = arith.constant 1.000000e+00 : f32
    %div3A_83 = vector.broadcast %div3A_82 : f32 to vector<1024x1xf32>
    %div3A_84 = arith.divf %div3A_83, %broadcast_in_dim3A_81 : vector<1024x1xf32>
    %mul3A_85 = vector.broadcast %div3A_84 : vector<1024x1xf32> to vector<1024x1024xf32>
    %mul3A_86 = arith.mulf %exp3A_78, %mul3A_85 : vector<1024x1024xf32>
    %convert_element_type3A_87 = arith.truncf %slice3A_70 : vector<12x1024xf32> to vector<12x1024xbf16>
    %convert_element_type3A_88 = arith.truncf %mul3A_86 : vector<1024x1024xf32> to vector<1024x1024xbf16>
    %dot_general3A_89 = arith.constant dense<0.000000e+00> : vector<12x1024xf32>
    %dot_general3A_90 = tpu.matmul %convert_element_type3A_87, %convert_element_type3A_88, %dot_general3A_89 {dimension_numbers = #tpu.dot_dimension_numbers<[1], [1], [0], [0], [0, 0, 1, 0], [], []>, transpose_lhs_hint = false} : vector<12x1024xbf16>, vector<1024x1024xbf16>, vector<12x1024xf32> -> vector<12x1024xf32>
    %slice3A_91 = vector.extract_strided_slice %dot_general3A_13 {offsets = [36, 0], sizes = [12, 1024], strides = [1, 1]} : vector<96x1024xf32> to vector<12x1024xf32>
    %slice3A_92 = vector.extract_strided_slice %dot_general3A_20 {offsets = [36, 0], sizes = [12, 1024], strides = [1, 1]} : vector<96x1024xf32> to vector<12x1024xf32>
    %slice3A_93 = vector.extract_strided_slice %dot_general3A_27 {offsets = [36, 0], sizes = [12, 1024], strides = [1, 1]} : vector<96x1024xf32> to vector<12x1024xf32>
    %convert_element_type3A_94 = arith.truncf %slice3A_91 : vector<12x1024xf32> to vector<12x1024xbf16>
    %convert_element_type3A_95 = arith.truncf %slice3A_92 : vector<12x1024xf32> to vector<12x1024xbf16>
    %dot_general3A_96 = arith.constant dense<0.000000e+00> : vector<1024x1024xf32>
    %dot_general3A_97 = tpu.matmul %convert_element_type3A_94, %convert_element_type3A_95, %dot_general3A_96 {dimension_numbers = #tpu.dot_dimension_numbers<[0], [0], [1], [1], [0, 1, 1, 1], [], []>, transpose_lhs_hint = false} : vector<12x1024xbf16>, vector<12x1024xbf16>, vector<1024x1024xf32> -> vector<1024x1024xf32>
    %mul3A_98 = arith.constant 0.288675129 : f32
    %mul3A_99 = vector.broadcast %mul3A_98 : f32 to vector<1024x1024xf32>
    %mul3A_100 = arith.mulf %dot_general3A_97, %mul3A_99 : vector<1024x1024xf32>
    %exp3A_101 = math.exp %mul3A_100 : vector<1024x1024xf32>
    %reduce_sum3A_102 = arith.constant dense<0.000000e+00> : vector<1024xf32>
    %reduce_sum3A_103 = vector.multi_reduction <add>, %exp3A_101, %reduce_sum3A_102 [1] : vector<1024x1024xf32> to vector<1024xf32>
    %broadcast_in_dim3A_104 = vector.shape_cast %reduce_sum3A_103 : vector<1024xf32> to vector<1024x1xf32>
    %div3A_105 = arith.constant 1.000000e+00 : f32
    %div3A_106 = vector.broadcast %div3A_105 : f32 to vector<1024x1xf32>
    %div3A_107 = arith.divf %div3A_106, %broadcast_in_dim3A_104 : vector<1024x1xf32>
    %mul3A_108 = vector.broadcast %div3A_107 : vector<1024x1xf32> to vector<1024x1024xf32>
    %mul3A_109 = arith.mulf %exp3A_101, %mul3A_108 : vector<1024x1024xf32>
    %convert_element_type3A_110 = arith.truncf %slice3A_93 : vector<12x1024xf32> to vector<12x1024xbf16>
    %convert_element_type3A_111 = arith.truncf %mul3A_109 : vector<1024x1024xf32> to vector<1024x1024xbf16>
    %dot_general3A_112 = arith.constant dense<0.000000e+00> : vector<12x1024xf32>
    %dot_general3A_113 = tpu.matmul %convert_element_type3A_110, %convert_element_type3A_111, %dot_general3A_112 {dimension_numbers = #tpu.dot_dimension_numbers<[1], [1], [0], [0], [0, 0, 1, 0], [], []>, transpose_lhs_hint = false} : vector<12x1024xbf16>, vector<1024x1024xbf16>, vector<12x1024xf32> -> vector<12x1024xf32>
    %slice3A_114 = vector.extract_strided_slice %dot_general3A_13 {offsets = [48, 0], sizes = [12, 1024], strides = [1, 1]} : vector<96x1024xf32> to vector<12x1024xf32>
    %slice3A_115 = vector.extract_strided_slice %dot_general3A_20 {offsets = [48, 0], sizes = [12, 1024], strides = [1, 1]} : vector<96x1024xf32> to vector<12x1024xf32>
    %slice3A_116 = vector.extract_strided_slice %dot_general3A_27 {offsets = [48, 0], sizes = [12, 1024], strides = [1, 1]} : vector<96x1024xf32> to vector<12x1024xf32>
    %convert_element_type3A_117 = arith.truncf %slice3A_114 : vector<12x1024xf32> to vector<12x1024xbf16>
    %convert_element_type3A_118 = arith.truncf %slice3A_115 : vector<12x1024xf32> to vector<12x1024xbf16>
    %dot_general3A_119 = arith.constant dense<0.000000e+00> : vector<1024x1024xf32>
    %dot_general3A_120 = tpu.matmul %convert_element_type3A_117, %convert_element_type3A_118, %dot_general3A_119 {dimension_numbers = #tpu.dot_dimension_numbers<[0], [0], [1], [1], [0, 1, 1, 1], [], []>, transpose_lhs_hint = false} : vector<12x1024xbf16>, vector<12x1024xbf16>, vector<1024x1024xf32> -> vector<1024x1024xf32>
    %mul3A_121 = arith.constant 0.288675129 : f32
    %mul3A_122 = vector.broadcast %mul3A_121 : f32 to vector<1024x1024xf32>
    %mul3A_123 = arith.mulf %dot_general3A_120, %mul3A_122 : vector<1024x1024xf32>
    %exp3A_124 = math.exp %mul3A_123 : vector<1024x1024xf32>
    %reduce_sum3A_125 = arith.constant dense<0.000000e+00> : vector<1024xf32>
    %reduce_sum3A_126 = vector.multi_reduction <add>, %exp3A_124, %reduce_sum3A_125 [1] : vector<1024x1024xf32> to vector<1024xf32>
    %broadcast_in_dim3A_127 = vector.shape_cast %reduce_sum3A_126 : vector<1024xf32> to vector<1024x1xf32>
    %div3A_128 = arith.constant 1.000000e+00 : f32
    %div3A_129 = vector.broadcast %div3A_128 : f32 to vector<1024x1xf32>
    %div3A_130 = arith.divf %div3A_129, %broadcast_in_dim3A_127 : vector<1024x1xf32>
    %mul3A_131 = vector.broadcast %div3A_130 : vector<1024x1xf32> to vector<1024x1024xf32>
    %mul3A_132 = arith.mulf %exp3A_124, %mul3A_131 : vector<1024x1024xf32>
    %convert_element_type3A_133 = arith.truncf %slice3A_116 : vector<12x1024xf32> to vector<12x1024xbf16>
    %convert_element_type3A_134 = arith.truncf %mul3A_132 : vector<1024x1024xf32> to vector<1024x1024xbf16>
    %dot_general3A_135 = arith.constant dense<0.000000e+00> : vector<12x1024xf32>
    %dot_general3A_136 = tpu.matmul %convert_element_type3A_133, %convert_element_type3A_134, %dot_general3A_135 {dimension_numbers = #tpu.dot_dimension_numbers<[1], [1], [0], [0], [0, 0, 1, 0], [], []>, transpose_lhs_hint = false} : vector<12x1024xbf16>, vector<1024x1024xbf16>, vector<12x1024xf32> -> vector<12x1024xf32>
    %slice3A_137 = vector.extract_strided_slice %dot_general3A_13 {offsets = [60, 0], sizes = [12, 1024], strides = [1, 1]} : vector<96x1024xf32> to vector<12x1024xf32>
    %slice3A_138 = vector.extract_strided_slice %dot_general3A_20 {offsets = [60, 0], sizes = [12, 1024], strides = [1, 1]} : vector<96x1024xf32> to vector<12x1024xf32>
    %slice3A_139 = vector.extract_strided_slice %dot_general3A_27 {offsets = [60, 0], sizes = [12, 1024], strides = [1, 1]} : vector<96x1024xf32> to vector<12x1024xf32>
    %convert_element_type3A_140 = arith.truncf %slice3A_137 : vector<12x1024xf32> to vector<12x1024xbf16>
    %convert_element_type3A_141 = arith.truncf %slice3A_138 : vector<12x1024xf32> to vector<12x1024xbf16>
    %dot_general3A_142 = arith.constant dense<0.000000e+00> : vector<1024x1024xf32>
    %dot_general3A_143 = tpu.matmul %convert_element_type3A_140, %convert_element_type3A_141, %dot_general3A_142 {dimension_numbers = #tpu.dot_dimension_numbers<[0], [0], [1], [1], [0, 1, 1, 1], [], []>, transpose_lhs_hint = false} : vector<12x1024xbf16>, vector<12x1024xbf16>, vector<1024x1024xf32> -> vector<1024x1024xf32>
    %mul3A_144 = arith.constant 0.288675129 : f32
    %mul3A_145 = vector.broadcast %mul3A_144 : f32 to vector<1024x1024xf32>
    %mul3A_146 = arith.mulf %dot_general3A_143, %mul3A_145 : vector<1024x1024xf32>
    %exp3A_147 = math.exp %mul3A_146 : vector<1024x1024xf32>
    %reduce_sum3A_148 = arith.constant dense<0.000000e+00> : vector<1024xf32>
    %reduce_sum3A_149 = vector.multi_reduction <add>, %exp3A_147, %reduce_sum3A_148 [1] : vector<1024x1024xf32> to vector<1024xf32>
    %broadcast_in_dim3A_150 = vector.shape_cast %reduce_sum3A_149 : vector<1024xf32> to vector<1024x1xf32>
    %div3A_151 = arith.constant 1.000000e+00 : f32
    %div3A_152 = vector.broadcast %div3A_151 : f32 to vector<1024x1xf32>
    %div3A_153 = arith.divf %div3A_152, %broadcast_in_dim3A_150 : vector<1024x1xf32>
    %mul3A_154 = vector.broadcast %div3A_153 : vector<1024x1xf32> to vector<1024x1024xf32>
    %mul3A_155 = arith.mulf %exp3A_147, %mul3A_154 : vector<1024x1024xf32>
    %convert_element_type3A_156 = arith.truncf %slice3A_139 : vector<12x1024xf32> to vector<12x1024xbf16>
    %convert_element_type3A_157 = arith.truncf %mul3A_155 : vector<1024x1024xf32> to vector<1024x1024xbf16>
    %dot_general3A_158 = arith.constant dense<0.000000e+00> : vector<12x1024xf32>
    %dot_general3A_159 = tpu.matmul %convert_element_type3A_156, %convert_element_type3A_157, %dot_general3A_158 {dimension_numbers = #tpu.dot_dimension_numbers<[1], [1], [0], [0], [0, 0, 1, 0], [], []>, transpose_lhs_hint = false} : vector<12x1024xbf16>, vector<1024x1024xbf16>, vector<12x1024xf32> -> vector<12x1024xf32>
    %slice3A_160 = vector.extract_strided_slice %dot_general3A_13 {offsets = [72, 0], sizes = [12, 1024], strides = [1, 1]} : vector<96x1024xf32> to vector<12x1024xf32>
    %slice3A_161 = vector.extract_strided_slice %dot_general3A_20 {offsets = [72, 0], sizes = [12, 1024], strides = [1, 1]} : vector<96x1024xf32> to vector<12x1024xf32>
    %slice3A_162 = vector.extract_strided_slice %dot_general3A_27 {offsets = [72, 0], sizes = [12, 1024], strides = [1, 1]} : vector<96x1024xf32> to vector<12x1024xf32>
    %convert_element_type3A_163 = arith.truncf %slice3A_160 : vector<12x1024xf32> to vector<12x1024xbf16>
    %convert_element_type3A_164 = arith.truncf %slice3A_161 : vector<12x1024xf32> to vector<12x1024xbf16>
    %dot_general3A_165 = arith.constant dense<0.000000e+00> : vector<1024x1024xf32>
    %dot_general3A_166 = tpu.matmul %convert_element_type3A_163, %convert_element_type3A_164, %dot_general3A_165 {dimension_numbers = #tpu.dot_dimension_numbers<[0], [0], [1], [1], [0, 1, 1, 1], [], []>, transpose_lhs_hint = false} : vector<12x1024xbf16>, vector<12x1024xbf16>, vector<1024x1024xf32> -> vector<1024x1024xf32>
    %mul3A_167 = arith.constant 0.288675129 : f32
    %mul3A_168 = vector.broadcast %mul3A_167 : f32 to vector<1024x1024xf32>
    %mul3A_169 = arith.mulf %dot_general3A_166, %mul3A_168 : vector<1024x1024xf32>
    %exp3A_170 = math.exp %mul3A_169 : vector<1024x1024xf32>
    %reduce_sum3A_171 = arith.constant dense<0.000000e+00> : vector<1024xf32>
    %reduce_sum3A_172 = vector.multi_reduction <add>, %exp3A_170, %reduce_sum3A_171 [1] : vector<1024x1024xf32> to vector<1024xf32>
    %broadcast_in_dim3A_173 = vector.shape_cast %reduce_sum3A_172 : vector<1024xf32> to vector<1024x1xf32>
    %div3A_174 = arith.constant 1.000000e+00 : f32
    %div3A_175 = vector.broadcast %div3A_174 : f32 to vector<1024x1xf32>
    %div3A_176 = arith.divf %div3A_175, %broadcast_in_dim3A_173 : vector<1024x1xf32>
    %mul3A_177 = vector.broadcast %div3A_176 : vector<1024x1xf32> to vector<1024x1024xf32>
    %mul3A_178 = arith.mulf %exp3A_170, %mul3A_177 : vector<1024x1024xf32>
    %convert_element_type3A_179 = arith.truncf %slice3A_162 : vector<12x1024xf32> to vector<12x1024xbf16>
    %convert_element_type3A_180 = arith.truncf %mul3A_178 : vector<1024x1024xf32> to vector<1024x1024xbf16>
    %dot_general3A_181 = arith.constant dense<0.000000e+00> : vector<12x1024xf32>
    %dot_general3A_182 = tpu.matmul %convert_element_type3A_179, %convert_element_type3A_180, %dot_general3A_181 {dimension_numbers = #tpu.dot_dimension_numbers<[1], [1], [0], [0], [0, 0, 1, 0], [], []>, transpose_lhs_hint = false} : vector<12x1024xbf16>, vector<1024x1024xbf16>, vector<12x1024xf32> -> vector<12x1024xf32>
    %slice3A_183 = vector.extract_strided_slice %dot_general3A_13 {offsets = [84, 0], sizes = [12, 1024], strides = [1, 1]} : vector<96x1024xf32> to vector<12x1024xf32>
    %slice3A_184 = vector.extract_strided_slice %dot_general3A_20 {offsets = [84, 0], sizes = [12, 1024], strides = [1, 1]} : vector<96x1024xf32> to vector<12x1024xf32>
    %slice3A_185 = vector.extract_strided_slice %dot_general3A_27 {offsets = [84, 0], sizes = [12, 1024], strides = [1, 1]} : vector<96x1024xf32> to vector<12x1024xf32>
    %convert_element_type3A_186 = arith.truncf %slice3A_183 : vector<12x1024xf32> to vector<12x1024xbf16>
    %convert_element_type3A_187 = arith.truncf %slice3A_184 : vector<12x1024xf32> to vector<12x1024xbf16>
    %dot_general3A_188 = arith.constant dense<0.000000e+00> : vector<1024x1024xf32>
    %dot_general3A_189 = tpu.matmul %convert_element_type3A_186, %convert_element_type3A_187, %dot_general3A_188 {dimension_numbers = #tpu.dot_dimension_numbers<[0], [0], [1], [1], [0, 1, 1, 1], [], []>, transpose_lhs_hint = false} : vector<12x1024xbf16>, vector<12x1024xbf16>, vector<1024x1024xf32> -> vector<1024x1024xf32>
    %mul3A_190 = arith.constant 0.288675129 : f32
    %mul3A_191 = vector.broadcast %mul3A_190 : f32 to vector<1024x1024xf32>
    %mul3A_192 = arith.mulf %dot_general3A_189, %mul3A_191 : vector<1024x1024xf32>
    %exp3A_193 = math.exp %mul3A_192 : vector<1024x1024xf32>
    %reduce_sum3A_194 = arith.constant dense<0.000000e+00> : vector<1024xf32>
    %reduce_sum3A_195 = vector.multi_reduction <add>, %exp3A_193, %reduce_sum3A_194 [1] : vector<1024x1024xf32> to vector<1024xf32>
    %broadcast_in_dim3A_196 = vector.shape_cast %reduce_sum3A_195 : vector<1024xf32> to vector<1024x1xf32>
    %div3A_197 = arith.constant 1.000000e+00 : f32
    %div3A_198 = vector.broadcast %div3A_197 : f32 to vector<1024x1xf32>
    %div3A_199 = arith.divf %div3A_198, %broadcast_in_dim3A_196 : vector<1024x1xf32>
    %mul3A_200 = vector.broadcast %div3A_199 : vector<1024x1xf32> to vector<1024x1024xf32>
    %mul3A_201 = arith.mulf %exp3A_193, %mul3A_200 : vector<1024x1024xf32>
    %convert_element_type3A_202 = arith.truncf %slice3A_185 : vector<12x1024xf32> to vector<12x1024xbf16>
    %convert_element_type3A_203 = arith.truncf %mul3A_201 : vector<1024x1024xf32> to vector<1024x1024xbf16>
    %dot_general3A_204 = arith.constant dense<0.000000e+00> : vector<12x1024xf32>
    %dot_general3A_205 = tpu.matmul %convert_element_type3A_202, %convert_element_type3A_203, %dot_general3A_204 {dimension_numbers = #tpu.dot_dimension_numbers<[1], [1], [0], [0], [0, 0, 1, 0], [], []>, transpose_lhs_hint = false} : vector<12x1024xbf16>, vector<1024x1024xbf16>, vector<12x1024xf32> -> vector<12x1024xf32>
    %concatenate3A = tpu.concatenate %dot_general3A_44, %dot_general3A_67, %dot_general3A_90, %dot_general3A_113, %dot_general3A_136, %dot_general3A_159, %dot_general3A_182, %dot_general3A_205 in 0 : vector<12x1024xf32>, vector<12x1024xf32>, vector<12x1024xf32>, vector<12x1024xf32>, vector<12x1024xf32>, vector<12x1024xf32>, vector<12x1024xf32>, vector<12x1024xf32> -> vector<96x1024xf32>
    %get3A_206 = arith.constant 0 : index
    %get3A_207 = arith.constant 0 : index
    %get3A_208 = vector.load %arg6[%get3A_206, %get3A_207] : memref<96x96xf32, #tpu.memory_space<vmem>>, vector<96x96xf32>
    %convert_element_type3A_209 = arith.truncf %get3A_208 : vector<96x96xf32> to vector<96x96xbf16>
    %convert_element_type3A_210 = arith.truncf %concatenate3A : vector<96x1024xf32> to vector<96x1024xbf16>
    %dot_general3A_211 = arith.constant dense<0.000000e+00> : vector<96x1024xf32>
    %dot_general3A_212 = tpu.matmul %convert_element_type3A_209, %convert_element_type3A_210, %dot_general3A_211 {dimension_numbers = #tpu.dot_dimension_numbers<[0], [0], [1], [1], [0, 1, 1, 1], [], []>, transpose_lhs_hint = false} : vector<96x96xbf16>, vector<96x1024xbf16>, vector<96x1024xf32> -> vector<96x1024xf32>
    %add3A = arith.addf %get3A_3, %dot_general3A_212 : vector<96x1024xf32>
    %get3A_213 = arith.constant 0 : index
    %get3A_214 = arith.constant 0 : index
    %get3A_215 = vector.load %arg7[%get3A_213, %get3A_214] : memref<96x384xf32, #tpu.memory_space<vmem>>, vector<96x384xf32>
    %convert_element_type3A_216 = arith.truncf %get3A_215 : vector<96x384xf32> to vector<96x384xbf16>
    %convert_element_type3A_217 = arith.truncf %add3A : vector<96x1024xf32> to vector<96x1024xbf16>
    %dot_general3A_218 = arith.constant dense<0.000000e+00> : vector<384x1024xf32>
    %dot_general3A_219 = tpu.matmul %convert_element_type3A_216, %convert_element_type3A_217, %dot_general3A_218 {dimension_numbers = #tpu.dot_dimension_numbers<[0], [0], [1], [1], [0, 1, 1, 1], [], []>, transpose_lhs_hint = false} : vector<96x384xbf16>, vector<96x1024xbf16>, vector<384x1024xf32> -> vector<384x1024xf32>
    %get3A_220 = arith.constant 0 : index
    %get3A_221 = arith.constant 0 : index
    %get3A_222 = vector.load %arg8[%get3A_220, %get3A_221] : memref<384x1xf32, #tpu.memory_space<vmem>>, vector<384x1xf32>
    %add3A_223 = vector.broadcast %get3A_222 : vector<384x1xf32> to vector<384x1024xf32>
    %add3A_224 = arith.addf %dot_general3A_219, %add3A_223 : vector<384x1024xf32>
    %integer_pow3A = arith.mulf %add3A_224, %add3A_224 : vector<384x1024xf32>
    %integer_pow3A_225 = arith.mulf %add3A_224, %integer_pow3A : vector<384x1024xf32>
    %mul3A_226 = arith.constant 4.471500e-02 : f32
    %mul3A_227 = vector.broadcast %mul3A_226 : f32 to vector<384x1024xf32>
    %mul3A_228 = arith.mulf %mul3A_227, %integer_pow3A_225 : vector<384x1024xf32>
    %add3A_229 = arith.addf %add3A_224, %mul3A_228 : vector<384x1024xf32>
    %mul3A_230 = arith.constant 0.797884583 : f32
    %mul3A_231 = vector.broadcast %mul3A_230 : f32 to vector<384x1024xf32>
    %mul3A_232 = arith.mulf %mul3A_231, %add3A_229 : vector<384x1024xf32>
    %tanh3A = math.tanh %mul3A_232 : vector<384x1024xf32>
    %add3A_233 = arith.constant 1.000000e+00 : f32
    %add3A_234 = vector.broadcast %add3A_233 : f32 to vector<384x1024xf32>
    %add3A_235 = arith.addf %add3A_234, %tanh3A : vector<384x1024xf32>
    %mul3A_236 = arith.constant 5.000000e-01 : f32
    %mul3A_237 = vector.broadcast %mul3A_236 : f32 to vector<384x1024xf32>
    %mul3A_238 = arith.mulf %mul3A_237, %add3A_235 : vector<384x1024xf32>
    %mul3A_239 = arith.mulf %add3A_224, %mul3A_238 : vector<384x1024xf32>
    %get3A_240 = arith.constant 0 : index
    %get3A_241 = arith.constant 0 : index
    %get3A_242 = vector.load %arg9[%get3A_240, %get3A_241] : memref<384x96xf32, #tpu.memory_space<vmem>>, vector<384x96xf32>
    %convert_element_type3A_243 = arith.truncf %get3A_242 : vector<384x96xf32> to vector<384x96xbf16>
    %convert_element_type3A_244 = arith.truncf %mul3A_239 : vector<384x1024xf32> to vector<384x1024xbf16>
    %dot_general3A_245 = arith.constant dense<0.000000e+00> : vector<96x1024xf32>
    %dot_general3A_246 = tpu.matmul %convert_element_type3A_243, %convert_element_type3A_244, %dot_general3A_245 {dimension_numbers = #tpu.dot_dimension_numbers<[0], [0], [1], [1], [0, 1, 1, 1], [], []>, transpose_lhs_hint = false} : vector<384x96xbf16>, vector<384x1024xbf16>, vector<96x1024xf32> -> vector<96x1024xf32>
    %add3A_247 = arith.addf %add3A, %dot_general3A_246 : vector<96x1024xf32>
    %get3A_248 = arith.constant 0 : index
    %get3A_249 = arith.constant 0 : index
    %get3A_250 = vector.load %arg10[%get3A_248, %get3A_249] : memref<96x1xf32, #tpu.memory_space<vmem>>, vector<96x1xf32>
    %add3A_251 = vector.broadcast %get3A_250 : vector<96x1xf32> to vector<96x1024xf32>
    %add3A_252 = arith.addf %add3A_247, %add3A_251 : vector<96x1024xf32>
    %swap3A = arith.constant 0 : index
    %swap3A_253 = arith.constant 0 : index
    %swap3A_254 = arith.constant 0 : index
    %swap3A_255 = vector.load %arg11[%swap3A, %swap3A_253, %swap3A_254] : memref<1x96x1024xf32, #tpu.memory_space<vmem>>, vector<1x96x1024xf32>
    %swap3A_256 = vector.shape_cast %swap3A_255 : vector<1x96x1024xf32> to vector<96x1024xf32>
    %swap3A_257 = vector.shape_cast %add3A_252 : vector<96x1024xf32> to vector<1x96x1024xf32>
    tpu.vector_store %arg11[%swap3A, %swap3A_253, %swap3A_254], %swap3A_257 {strides = array<i32>} : memref<1x96x1024xf32, #tpu.memory_space<vmem>>, vector<1x96x1024xf32>,
    return
  }
  func.func @transform_0(%arg0: i32) -> (i32, i32, i32) {
    %c0_i32 = arith.constant 0 : i32
    %c0_i32_0 = arith.constant 0 : i32
    %c0_i32_1 = arith.constant 0 : i32
    return %arg0, %c0_i32, %c0_i32_0 : i32, i32, i32
  }
  func.func @transform_1(%arg0: i32) -> (i32, i32, i32) {
    %add3A = arith.constant 8 : i32
    %add3A_0 = arith.addi %arg0, %add3A : i32
    %c0_i32 = arith.constant 0 : i32
    %c0_i32_1 = arith.constant 0 : i32
    %c0_i32_2 = arith.constant 0 : i32
    return %add3A_0, %c0_i32, %c0_i32_1 : i32, i32, i32
  }
  func.func @transform_2(%arg0: i32) -> (i32, i32) {
    %c0_i32 = arith.constant 0 : i32
    %c0_i32_0 = arith.constant 0 : i32
    %c0_i32_1 = arith.constant 0 : i32
    return %c0_i32, %c0_i32_0 : i32, i32
  }
  func.func @transform_3(%arg0: i32) -> (i32, i32) {
    %c0_i32 = arith.constant 0 : i32
    %c0_i32_0 = arith.constant 0 : i32
    %c0_i32_1 = arith.constant 0 : i32
    return %c0_i32, %c0_i32_0 : i32, i32
  }
  func.func @transform_4(%arg0: i32) -> (i32, i32) {
    %c0_i32 = arith.constant 0 : i32
    %c0_i32_0 = arith.constant 0 : i32
    %c0_i32_1 = arith.constant 0 : i32
    return %c0_i32, %c0_i32_0 : i32, i32
  }
  func.func @transform_5(%arg0: i32) -> (i32, i32) {
    %c0_i32 = arith.constant 0 : i32
    %c0_i32_0 = arith.constant 0 : i32
    %c0_i32_1 = arith.constant 0 : i32
    return %c0_i32, %c0_i32_0 : i32, i32
  }
  func.func @transform_6(%arg0: i32) -> (i32, i32) {
    %c0_i32 = arith.constant 0 : i32
    %c0_i32_0 = arith.constant 0 : i32
    %c0_i32_1 = arith.constant 0 : i32
    return %c0_i32, %c0_i32_0 : i32, i32
  }
  func.func @transform_7(%arg0: i32) -> (i32, i32) {
    %c0_i32 = arith.constant 0 : i32
    %c0_i32_0 = arith.constant 0 : i32
    %c0_i32_1 = arith.constant 0 : i32
    return %c0_i32, %c0_i32_0 : i32, i32
  }
  func.func @transform_8(%arg0: i32) -> (i32, i32) {
    %c0_i32 = arith.constant 0 : i32
    %c0_i32_0 = arith.constant 0 : i32
    %c0_i32_1 = arith.constant 0 : i32
    return %c0_i32, %c0_i32_0 : i32, i32
  }
  func.func @transform_9(%arg0: i32) -> (i32, i32) {
    %c0_i32 = arith.constant 0 : i32
    %c0_i32_0 = arith.constant 0 : i32
    %c0_i32_1 = arith.constant 0 : i32
    return %c0_i32, %c0_i32_0 : i32, i32
  }
  func.func @transform_10(%arg0: i32) -> (i32, i32, i32) {
    %c0_i32 = arith.constant 0 : i32
    %c0_i32_0 = arith.constant 0 : i32
    %c0_i32_1 = arith.constant 0 : i32
    return %arg0, %c0_i32, %c0_i32_0 : i32, i32, i32
  }
}

</mosaic_0001>

<sc_bundles>
// kernel: kernel.11.cloned.1.call-start
scs
__scs_entry_jumppad:
0x0: {  	(pc) =	sbr.rel $0x88, $3  }
0x1: {  	(tag) =	ssettag $0x0;
	lr =	simm.s32 $0x1  }
0x2: {  	[smem:$0x3F96] =	sst lr;
	_ =	strace $0xD0000000  }
0x3: {  	_ = 	snop  }
0x4: {  	_ = 	snop  }
0x5: {  	_ = 	snop  }
0x6: {  	_ = 	snop  }
0x7: {  	_ = 	snop  }
__scs_overlays_trampoline_lowered:
0x8: {  	[smem:$0x3FA5] =	sst s0  }
0x9: {  	[smem:$0x3FA6] =	sst s1  }
0xa: {  	[smem:$0x3FA7] =	sst s2  }
0xb: {  	[smem:$0x3FA8] =	sst s3  }
0xc: {  	[smem:$0x3FA9] =	sst s4  }
0xd: {  	[smem:$0x3FAA] =	sst s5  }
0xe: {  	[smem:$0x3FAB] =	sst s6  }
0xf: {  	[smem:$0x3FAC] =	sst s7  }
0x10: {  	[smem:$0x3FAD] =	sst s8  }
0x11: {  	[smem:$0x3FAE] =	sst s9;
	s0 =	simm.s32 @!p0 $0x0  }
0x12: {  	s1 =	sld [smem:$0x3F94];
	s0 =	simm.s32 @p0 $0x1  }
0x13: {  	[smem:$0x3FAF] =	sst s0;
	s0 =	simm.s32 @!p1 $0x0  }
0x14: {  	s2 =	sld [smem:$0x3F93];
	s0 =	simm.s32 @p1 $0x1  }
0x15: {  	[smem:$0x3FB0] =	sst s0;
	s0 =	simm.s32 @!p2 $0x0  }
0x16: {  	s3 =	sld [smem:$0x3FDB];
	s0 =	simm.s32 @p2 $0x1  }
0x17: {  	s4 =	simm.s32 $0x1BF5;
	[smem:$0x3FB2] =	sst s0  }
0x18: {  	s0 =	sld [smem:$0x3F95];
	_ =	swait.ge [sflag:s4], $0x0  }
0x19: {  	s7 =	sld [smem:$0x3F96]  }
0x1a: {  	s8 =	sadd.s32 $0xFFFFE003, lr  }
0x1b: {  	s9 =	sadd.s32 $0xFFFFFEF7, lr;
	s5 =	simm.s32 $0xFFFFFFFF;
	p2 =	slt.u32 s8, $0xFFFFF086  }
0x1c: {  	p1 =	slt.u32 s9, $0xF7A;
	s5 =	simm.s32 @!p2 $0x0  }
0x1d: {  	s5 =	simm.s32 @p1 $0x1;
	p0 =	seq.s32 s7, s2  }
0x1e: {  	s7 =	smul.u32 @!p0 $0xF7A, s2;
	p2 =	seq.s32 @!p0 s5, $0x0  }
0x1f: {  	s9 =	smul.u32 $0xF7A, s1;
	s8 =	simm.s32 @!p0 $0x1BF5;
	p2 =	por !p2, p0  }
0x20: {  	[sflag:s8] =	ssyncset.s32 @!p0 $0xFFFFF086;
	s6 =	sadd.s32 @!p0 s3, s7;
	s7 =	simm.s32 @!p0 $0x108  }
0x21: {  	s3 =	sadd.s32 s3, s9;
	s6 =	sadd.s32 @!p0 $0x88, s6;
	s7 =	simm.s32 @p2 $0x1082  }
0x22: {  	[simem:s7], [sflag:s8] =	dma.local @!p0 [hbm:s6], $0xF7A  }
0x23: {  	s9 =	sor.u32 $0xD0000000, s2;
	s6 =	simm.s32 $0x108;
	_ =	swait.ge @!p0 [sflag:s8], $0x0  }
0x24: {  	s3 =	sadd.s32 $0x88, s3;
	s6 =	simm.s32 @!p1 $0x1082;
	[sflag:s4] =	ssyncset.s32 $0xFFFFF086  }
0x25: {  	[simem:s6], [sflag:s4] =	dma.local [hbm:s3], $0xF7A  }
0x26: {  	[smem:$0x3F96] =	sst s1;
	(tag) =	ssettag s2;
	_ =	strace s9  }
0x27: {  	s1 =	sld [smem:$0x3FA6]  }
0x28: {  	s2 =	sld [smem:$0x3FA7]  }
0x29: {  	s4 =	sld [smem:$0x3FA9]  }
0x2a: {  	p0 =	seq.s32 s5, $0x0;
	s5 =	sld [smem:$0x3FAA]  }
0x2b: {  	s6 =	sld [smem:$0x3FAB]  }
0x2c: {  	s7 =	sld [smem:$0x3FAC]  }
0x2d: {  	s3 =	simm.s32 $0x108;
	s8 =	sld [smem:$0x3FAD]  }
0x2e: {  	s3 =	simm.s32 @!p0 $0x1082;
	s9 =	sld [smem:$0x3FAE]  }
0x2f: {  	lr =	sadd.s32 s0, s3;
	s0 =	sld [smem:$0x3FA5]  }
0x30: {  	s3 =	sld [smem:$0x3FA8]  }
0x31: {  	[smem:$0x3FB1] =	sst s10  }
0x32: {  	s10 =	sld [smem:$0x3FAF];
	_ =	sdelay $0x3  }
0x33: {  	p0 =	seq.s32 s10, $0x1;
	s10 =	sld [smem:$0x3FB1];
	_ =	sdelay $0x3  }
0x34: {  	[smem:$0x3FB1] =	sst s10  }
0x35: {  	s10 =	sld [smem:$0x3FB0];
	_ =	sdelay $0x3  }
0x36: {  	p1 =	seq.s32 s10, $0x1;
	s10 =	sld [smem:$0x3FB1];
	_ =	sdelay $0x3  }
0x37: {  	[smem:$0x3FB1] =	sst s10  }
0x38: {  	s10 =	sld [smem:$0x3FB2]  }
0x39: {  	_ = 	snop;
	(pc) =	sbr.ind lr, $3  }
0x3a: {  	_ = 	snop  }
0x3b: {  	_ = 	snop  }
0x3c: {  	p2 =	seq.s32 s10, $0x1;
	s10 =	sld [smem:$0x3FB1]  }
0x3d: {  	_ =	shalt  }
0x3e: {  	_ =	shalt  }
0x3f: {  	_ =	shalt  }
0x40: {  	_ =	shalt  }
0x41: {  	_ =	shalt  }
0x42: {  	_ =	shalt  }
0x43: {  	_ =	shalt  }
0x44: {  	_ =	shalt  }
0x45: {  	_ =	shalt  }
0x46: {  	_ =	shalt  }
0x47: {  	_ =	shalt  }
0x48: {  	_ =	shalt  }
0x49: {  	_ =	shalt  }
0x4a: {  	_ =	shalt  }
0x4b: {  	_ =	shalt  }
0x4c: {  	_ =	shalt  }
0x4d: {  	_ =	shalt  }
0x4e: {  	_ =	shalt  }
0x4f: {  	_ =	shalt  }
0x50: {  	_ =	shalt  }
0x51: {  	_ =	shalt  }
0x52: {  	_ =	shalt  }
0x53: {  	_ =	shalt  }
0x54: {  	_ =	shalt  }
0x55: {  	_ =	shalt  }
0x56: {  	_ =	shalt  }
0x57: {  	_ =	shalt  }
0x58: {  	_ =	shalt  }
0x59: {  	_ =	shalt  }
0x5a: {  	_ =	shalt  }
0x5b: {  	_ =	shalt  }
0x5c: {  	_ =	shalt  }
0x5d: {  	_ =	shalt  }
0x5e: {  	_ =	shalt  }
0x5f: {  	_ =	shalt  }
0x60: {  	_ =	shalt  }
0x61: {  	_ =	shalt  }
0x62: {  	_ =	shalt  }
0x63: {  	_ =	shalt  }
0x64: {  	_ =	shalt  }
0x65: {  	_ =	shalt  }
0x66: {  	_ =	shalt  }
0x67: {  	_ =	shalt  }
0x68: {  	_ =	shalt  }
0x69: {  	_ =	shalt  }
0x6a: {  	_ =	shalt  }
0x6b: {  	_ =	shalt  }
0x6c: {  	_ =	shalt  }
0x6d: {  	_ =	shalt  }
0x6e: {  	_ =	shalt  }
0x6f: {  	_ =	shalt  }
0x70: {  	_ =	shalt  }
0x71: {  	_ =	shalt  }
0x72: {  	_ =	shalt  }
0x73: {  	_ =	shalt  }
0x74: {  	_ =	shalt  }
0x75: {  	_ =	shalt  }
0x76: {  	_ =	shalt  }
0x77: {  	_ =	shalt  }
0x78: {  	_ =	shalt  }
0x79: {  	_ =	shalt  }
0x7a: {  	_ =	shalt  }
0x7b: {  	_ =	shalt  }
0x7c: {  	_ =	shalt  }
0x7d: {  	_ =	shalt  }
0x7e: {  	_ =	shalt  }
0x7f: {  	_ =	shalt  }
0x80: {  	_ =	shalt  }
0x81: {  	_ =	shalt  }
0x82: {  	_ =	shalt  }
0x83: {  	_ =	shalt  }
0x84: {  	_ =	shalt  }
0x85: {  	_ =	shalt  }
0x86: {  	_ =	shalt  }
0x87: {  	_ =	shalt  }
.Lfunc_end0:
.L_simem_size_0:
called_computation.1_lowered:
.L_overlay_start_0:
0x88: {  	s2 =	sld [smem:$0x3FD9]  }
0x89: {  	s3 =	sld [smem:$0x3FFE];
	_ =	sdelay $0x1  }
0x8a: {  	s1 =	srdreg.scid  }
0x8b: {  	s0 =	sand.u32 $0x1, s1  }
0x8c: {  	s17 =	sshll.u32 s0, $0xA;
	s2 =	sadd.s32 s3, s2  }
0x8d: {  	s2 =	sadd.s32 s2, s17  }
0x8e: {  	[smem:$0x3FBD] =	sst s2  }
0x8f: {  	_ = 	snop  }
0x90: {  	s2 =	sld [smem:$0x3FC9]  }
0x91: {  	s18 =	sld [smem:$0x3FD0];
	(tm) =	ssettm $0x1  }
0x92: {  	s4 =	sld [smem:$0x3FFB];
	_ =	sdelay $0x3  }
0x93: {  	_ =	strace s4  }
0x94: {  	s4 =	sld [smem:$0x3FFC];
	_ =	sdelay $0x3  }
0x95: {  	_ =	strace s4  }
0x96: {  	s4 =	sld [smem:$0x3FFD];
	_ =	sdelay $0x3  }
0x97: {  	_ =	strace s4  }
0x98: {  	_ =	strace $0x8FFFFFFF  }
0x99: {  	s19 =	sld [smem:$0x3FDB];
	_ =	sdelay $0x1  }
0x9a: {  	s5 =	simm.s32 $_scs_section_size  }
0x9b: {  	s6 =	simm.s32 $_size__tile_overlayer_lowered;
	s7 =	simm.s32 $_tile_overlayer_lowered  }
0x9c: {  	s22 =	simm.s32 $0x1BFF;
	s21 =	sshll.u32 s7, $0x1;
	s4 =	sadd.s32 s5, s19  }
0x9d: {  	s8 =	simm.s32 $0x0;
	s20 =	sshll.u32 s6, $0x1;
	s6 =	sadd.s32 s21, s4  }
0x9e: {  	[timem:s8], [sflag:s22] =	dma.local [hbm:s6], s20  }
0x9f: {  	_ =	swait.ge [sflag:s22], s20  }
0xa0: {  	s5 =	ssub.s32 $0x0, s20;
	[sflag:s22] =	ssyncset.done $0x0  }
0xa1: {  	[sflag:s22] =	ssyncadd.s32 s5;
	_ =	sdelay $0x1  }
0xa2: {  	s23 =	simm.s32 $0x1B8B  }
0xa3: {  	_ =	swait.ge [sflag:s23], $0x1  }
0xa4: {  	[sflag:s23] =	ssyncset.done $0x0  }
0xa5: {  	s25 =	simm.s32 $0x1B8E;
	s24 =	sld [smem:$0x3FFE];
	[sflag:s23] =	ssyncadd.s32 $0xFFFFFFFF  }
0xa6: {  	s26 =	simm.s32 $execute0_lowered;
	[smem:$0x3FD2] =	sst s25  }
0xa7: {  	s6 =	sshll.u32 s26, $0x1;
	_ =	strace $0x80000049;
	[dreg:$0x1] =	wrdreg $0xFFFFFFFF  }
0xa8: {  	s28 =	simm.s32 $_size_execute0_lowered;
	s4 =	sadd.s32 s4, s6;
	[dreg:$0x0] =	wrdreg $0x0  }
0xa9: {  	s6 =	sshll.u32 s28, $0x1;
	[dreg:$0x2] =	wrdreg s4  }
0xaa: {  	[dreg:$0x3] =	wrdreg s6  }
0xab: {  	[dreg:$0x4] =	wrdreg $0xC0  }
0xac: {  	_ =	task [dreg:s8], $0x5FFFF  }
0xad: {  	[dreg:$0x1] =	wrdreg $0xFFFFFFFF  }
0xae: {  	[dreg:$0x0] =	wrdreg $0x60  }
0xaf: {  	[dreg:$0x2] =	wrdreg s2  }
0xb0: {  	[dreg:$0x3] =	wrdreg s24  }
0xb1: {  	[dreg:$0x4] =	wrdreg s18  }
0xb2: {  	[dreg:$0x5] =	wrdreg $0x9  }
0xb3: {  	_ =	task.clear_ibuf [dreg:s8], $0x6FFFF;
	_ =	strace $0x90000049  }
0xb4: {  	s29 =	simm.s32 $0x9;
	_ =	strace $0x8000004B  }
0xb5: {  	_ =	swait.ge [sflag:s29], $0x1  }
0xb6: {  	[sflag:s29] =	ssyncadd.s32 $0xFFFFFFFF  }
0xb7: {  	_ =	strace $0x9000004B  }
0xb8: {  	_ =	sfence  }
0xb9: {  	s30 =	sld [smem:$0x0];
	_ =	sdelay $0x2  }
0xba: {  	s31 =	sshll.u32 s1, $0xD;
	s1 =	sshrl.u32 s1, $0x2  }
0xbb: {  	s3 =	sand.u32 $0x4000, s31;
	s1 =	sadd.s32 s1, s30  }
0xbc: {  	s0 =	sor.u32 s3, s0;
	s1 =	sshll.u32 s1, $0x11  }
0xbd: {  	s0 =	sor.u32 s1, s0  }
0xbe: {  	s0 =	sadd.s32 $0x8F2B, s0  }
0xbf: {  	[sflag:s0] =	ssyncadd.remote.s32 $0x1  }
0xc0: {  	_ =	sfence.sel $0xFFFF  }
0xc1: {  	[dreg:$0x0] =	wrdreg $0xFFFFFFFF;
	(pc) =	sbr.abs _section_cstart, $3  }
0xc2: {  	[dreg:$0x1] =	wrdreg $0xFFFFFFFF  }
0xc3: {  	_ =	task.clear_ibuf [dreg:s8], $0x2FFFF;
	_ =	strace $0x9FFFFFFF  }
0xc4: {  	(tm) =	ssettm $0x7FFFFFFF  }
0xc5: {  	_ =	shalt  }
tec
execute0_lowered:
.L_overlay_start_1:
0x0: {  	(tag) =	ssettag $0x1  }
0x1: {  	s1 =	rddreg [dreg:$0x0]  }
0x2: {  	s4 =	rddreg [dreg:$0x1]  }
0x3: {  	s5 =	rddreg [dreg:$0x2]  }
0x4: {  	s0 =	rddreg [dreg:$0x3];
	s3 =	simm.s32 $0x0;
	s2 =	stileid.u32  }
0x5: {  	s7 =	srdreg.scid;
	s13 =	simm.s32 $0x0;
	[smem:$0x7FF] =	sst s3  }
0x6: {  	s6 =	sshll.u32 s2, $0x4;
	s7 =	sand.u32 $0x1, s7;
	s8 =	smul.u32 $0x18000, s2  }
0x7: {  	s9 =	sand.u32 $0x7, s2;
	s10 =	sshll.u32 s2, $0x7;
	s11 =	smul.u32 $0xC000, s7  }
0x8: {  	s6 =	sand.u32 $0x70, s6;
	s31 =	ssub.s32 $0x2, s7;
	s9 =	smul.u32 $0x180000, s9  }
0x9: {  	s10 =	sand.u32 $0x400, s10;
	s7 =	smul.u32 $0xC0000, s7;
	s4 =	sadd.s32 s6, s4  }
0xa: {  	_ =	strace $0x8000004A;
	s12 =	sshrl.u32 s31, $0x1;
	s4 =	sadd.s32 s10, s4  }
0xb: {  	s8 =	sadd.s32 s11, s8;
	s6 =	ssub.s32 s31, s12;
	s7 =	sadd.s32 s7, s9  }
0xc: {  	s9 =	simm.s32 $0x400;
	s10 =	simm.s32 $0x2;
	s11 =	simm.s32 $0x1  }
0xd: {  	s12 =	simm.s32 $0xC400;
	s4 =	sadd.s32 $0x6200, s4;
	s8 =	sshrl.u32 s8, $0x3  }
0xe: {  	s6 =	smax.u32 s6, $0x1;
	s5 =	sadd.s32 s5, s8;
	s8 =	simm.s32 $0x80  }
.LBB2_1:
0xf: {  	[tilespmem:s3], [sflag:$0x2] =	stream.strided.gather [hbm4b:s4+s8], $0x400, s9, s8, $0x38;
	[tilespmem:$0x18400] =	vst v63  }
0x10: {  	_ =	swait.ge [sflag:s10], $0x400  }
0x11: {  	[sflag:s10] =	ssyncset.done $0x0  }
0x12: {  	s14 =	smov.u32 s7;
	s15 =	simm.s32 $0x0;
	[sflag:s10] =	ssyncadd.s32 $0xFFFFFC00  }
.LBB2_2:
0x13: {  	v0 =	vld [tilespmem:$0x0];
	_ =	sdelay $0x4  }
0x14: {  	s16 =	sshra.s32 s15, $0x2;
	v0 =	vadd.s32 s14, v0  }
0x15: {  	[tilespmem:s16+$0x400] =	vst v0  }
0x16: {  	v0 =	vld [tilespmem:$0x10];
	_ =	sdelay $0x4  }
0x17: {  	v0 =	vadd.s32 s14, v0  }
0x18: {  	[tilespmem:s16+$0x410] =	vst v0  }
0x19: {  	v0 =	vld [tilespmem:$0x20];
	_ =	sdelay $0x4  }
0x1a: {  	v0 =	vadd.s32 s14, v0  }
0x1b: {  	[tilespmem:s16+$0x420] =	vst v0  }
0x1c: {  	v0 =	vld [tilespmem:$0x30];
	_ =	sdelay $0x4  }
0x1d: {  	v0 =	vadd.s32 s14, v0  }
0x1e: {  	[tilespmem:s16+$0x430] =	vst v0  }
0x1f: {  	v0 =	vld [tilespmem:$0x40];
	_ =	sdelay $0x4  }
0x20: {  	v0 =	vadd.s32 s14, v0  }
0x21: {  	[tilespmem:s16+$0x440] =	vst v0  }
0x22: {  	v0 =	vld [tilespmem:$0x50];
	_ =	sdelay $0x4  }
0x23: {  	v0 =	vadd.s32 s14, v0  }
0x24: {  	[tilespmem:s16+$0x450] =	vst v0  }
0x25: {  	v0 =	vld [tilespmem:$0x60];
	_ =	sdelay $0x4  }
0x26: {  	v0 =	vadd.s32 s14, v0  }
0x27: {  	[tilespmem:s16+$0x460] =	vst v0  }
0x28: {  	v0 =	vld [tilespmem:$0x70];
	_ =	sdelay $0x4  }
0x29: {  	v0 =	vadd.s32 s14, v0  }
0x2a: {  	s17 =	sadd.s32 $0x400, s16;
	s18 =	sadd.s32 $0xC400, s16;
	[tilespmem:s16+$0x470] =	vst v0  }
0x2b: {  	[tilespmem:s18], [sflag:$0x1] =	stream.indirect.gather [hbm4b:s1+s8], $0x1, s17, s8, $0xb8;
	[tilespmem:$0x18400] =	vst v63  }
0x2c: {  	v0 =	vld [tilespmem:$0x80];
	_ =	sdelay $0x4  }
0x2d: {  	v0 =	vadd.s32 s14, v0  }
0x2e: {  	[tilespmem:s16+$0x480] =	vst v0  }
0x2f: {  	v0 =	vld [tilespmem:$0x90];
	_ =	sdelay $0x4  }
0x30: {  	v0 =	vadd.s32 s14, v0  }
0x31: {  	[tilespmem:s16+$0x490] =	vst v0  }
0x32: {  	v0 =	vld [tilespmem:$0xA0];
	_ =	sdelay $0x4  }
0x33: {  	v0 =	vadd.s32 s14, v0  }
0x34: {  	[tilespmem:s16+$0x4A0] =	vst v0  }
0x35: {  	v0 =	vld [tilespmem:$0xB0];
	_ =	sdelay $0x4  }
0x36: {  	v0 =	vadd.s32 s14, v0  }
0x37: {  	[tilespmem:s16+$0x4B0] =	vst v0  }
0x38: {  	v0 =	vld [tilespmem:$0xC0];
	_ =	sdelay $0x4  }
0x39: {  	v0 =	vadd.s32 s14, v0  }
0x3a: {  	[tilespmem:s16+$0x4C0] =	vst v0  }
0x3b: {  	v0 =	vld [tilespmem:$0xD0];
	_ =	sdelay $0x4  }
0x3c: {  	v0 =	vadd.s32 s14, v0  }
0x3d: {  	[tilespmem:s16+$0x4D0] =	vst v0  }
0x3e: {  	v0 =	vld [tilespmem:$0xE0];
	_ =	sdelay $0x4  }
0x3f: {  	v0 =	vadd.s32 s14, v0  }
0x40: {  	[tilespmem:s16+$0x4E0] =	vst v0  }
0x41: {  	v0 =	vld [tilespmem:$0xF0];
	_ =	sdelay $0x4  }
0x42: {  	v0 =	vadd.s32 s14, v0  }
0x43: {  	s19 =	sadd.s32 $0xC480, s16;
	s18 =	sadd.s32 $0x480, s16;
	[tilespmem:s16+$0x4F0] =	vst v0  }
0x44: {  	[tilespmem:s19], [sflag:$0x1] =	stream.indirect.gather [hbm4b:s1+s8], $0x1, s18, s8, $0xb8;
	[tilespmem:$0x18400] =	vst v63  }
0x45: {  	v0 =	vld [tilespmem:$0x100];
	_ =	sdelay $0x4  }
0x46: {  	v0 =	vadd.s32 s14, v0  }
0x47: {  	[tilespmem:s16+$0x500] =	vst v0  }
0x48: {  	v0 =	vld [tilespmem:$0x110];
	_ =	sdelay $0x4  }
0x49: {  	v0 =	vadd.s32 s14, v0  }
0x4a: {  	[tilespmem:s16+$0x510] =	vst v0  }
0x4b: {  	v0 =	vld [tilespmem:$0x120];
	_ =	sdelay $0x4  }
0x4c: {  	v0 =	vadd.s32 s14, v0  }
0x4d: {  	[tilespmem:s16+$0x520] =	vst v0  }
0x4e: {  	v0 =	vld [tilespmem:$0x130];
	_ =	sdelay $0x4  }
0x4f: {  	v0 =	vadd.s32 s14, v0  }
0x50: {  	[tilespmem:s16+$0x530] =	vst v0  }
0x51: {  	v0 =	vld [tilespmem:$0x140];
	_ =	sdelay $0x4  }
0x52: {  	v0 =	vadd.s32 s14, v0  }
0x53: {  	[tilespmem:s16+$0x540] =	vst v0  }
0x54: {  	v0 =	vld [tilespmem:$0x150];
	_ =	sdelay $0x4  }
0x55: {  	v0 =	vadd.s32 s14, v0  }
0x56: {  	[tilespmem:s16+$0x550] =	vst v0  }
0x57: {  	v0 =	vld [tilespmem:$0x160];
	_ =	sdelay $0x4  }
0x58: {  	v0 =	vadd.s32 s14, v0  }
0x59: {  	[tilespmem:s16+$0x560] =	vst v0  }
0x5a: {  	v0 =	vld [tilespmem:$0x170];
	_ =	sdelay $0x4  }
0x5b: {  	v0 =	vadd.s32 s14, v0  }
0x5c: {  	s20 =	sadd.s32 $0x500, s16;
	s21 =	sadd.s32 $0xC500, s16;
	[tilespmem:s16+$0x570] =	vst v0  }
0x5d: {  	[tilespmem:s21], [sflag:$0x1] =	stream.indirect.gather [hbm4b:s1+s8], $0x1, s20, s8, $0xb8;
	[tilespmem:$0x18400] =	vst v63  }
0x5e: {  	v0 =	vld [tilespmem:$0x180];
	_ =	sdelay $0x4  }
0x5f: {  	v0 =	vadd.s32 s14, v0  }
0x60: {  	[tilespmem:s16+$0x580] =	vst v0  }
0x61: {  	v0 =	vld [tilespmem:$0x190];
	_ =	sdelay $0x4  }
0x62: {  	v0 =	vadd.s32 s14, v0  }
0x63: {  	[tilespmem:s16+$0x590] =	vst v0  }
0x64: {  	v0 =	vld [tilespmem:$0x1A0];
	_ =	sdelay $0x4  }
0x65: {  	v0 =	vadd.s32 s14, v0  }
0x66: {  	[tilespmem:s16+$0x5A0] =	vst v0  }
0x67: {  	v0 =	vld [tilespmem:$0x1B0];
	_ =	sdelay $0x4  }
0x68: {  	v0 =	vadd.s32 s14, v0  }
0x69: {  	[tilespmem:s16+$0x5B0] =	vst v0  }
0x6a: {  	v0 =	vld [tilespmem:$0x1C0];
	_ =	sdelay $0x4  }
0x6b: {  	v0 =	vadd.s32 s14, v0  }
0x6c: {  	[tilespmem:s16+$0x5C0] =	vst v0  }
0x6d: {  	v0 =	vld [tilespmem:$0x1D0];
	_ =	sdelay $0x4  }
0x6e: {  	v0 =	vadd.s32 s14, v0  }
0x6f: {  	[tilespmem:s16+$0x5D0] =	vst v0  }
0x70: {  	v0 =	vld [tilespmem:$0x1E0];
	_ =	sdelay $0x4  }
0x71: {  	v0 =	vadd.s32 s14, v0  }
0x72: {  	[tilespmem:s16+$0x5E0] =	vst v0  }
0x73: {  	v0 =	vld [tilespmem:$0x1F0];
	_ =	sdelay $0x4  }
0x74: {  	v0 =	vadd.s32 s14, v0  }
0x75: {  	s22 =	sadd.s32 $0x580, s16;
	s23 =	sadd.s32 $0xC580, s16;
	[tilespmem:s16+$0x5F0] =	vst v0  }
0x76: {  	[tilespmem:s23], [sflag:$0x1] =	stream.indirect.gather [hbm4b:s1+s8], $0x1, s22, s8, $0xb8;
	[tilespmem:$0x18400] =	vst v63  }
0x77: {  	v0 =	vld [tilespmem:$0x200];
	_ =	sdelay $0x4  }
0x78: {  	v0 =	vadd.s32 s14, v0  }
0x79: {  	[tilespmem:s16+$0x600] =	vst v0  }
0x7a: {  	v0 =	vld [tilespmem:$0x210];
	_ =	sdelay $0x4  }
0x7b: {  	v0 =	vadd.s32 s14, v0  }
0x7c: {  	[tilespmem:s16+$0x610] =	vst v0  }
0x7d: {  	v0 =	vld [tilespmem:$0x220];
	_ =	sdelay $0x4  }
0x7e: {  	v0 =	vadd.s32 s14, v0  }
0x7f: {  	[tilespmem:s16+$0x620] =	vst v0  }
0x80: {  	v0 =	vld [tilespmem:$0x230];
	_ =	sdelay $0x4  }
0x81: {  	v0 =	vadd.s32 s14, v0  }
0x82: {  	[tilespmem:s16+$0x630] =	vst v0  }
0x83: {  	v0 =	vld [tilespmem:$0x240];
	_ =	sdelay $0x4  }
0x84: {  	v0 =	vadd.s32 s14, v0  }
0x85: {  	[tilespmem:s16+$0x640] =	vst v0  }
0x86: {  	v0 =	vld [tilespmem:$0x250];
	_ =	sdelay $0x4  }
0x87: {  	v0 =	vadd.s32 s14, v0  }
0x88: {  	[tilespmem:s16+$0x650] =	vst v0  }
0x89: {  	v0 =	vld [tilespmem:$0x260];
	_ =	sdelay $0x4  }
0x8a: {  	v0 =	vadd.s32 s14, v0  }
0x8b: {  	[tilespmem:s16+$0x660] =	vst v0  }
0x8c: {  	v0 =	vld [tilespmem:$0x270];
	_ =	sdelay $0x4  }
0x8d: {  	v0 =	vadd.s32 s14, v0  }
0x8e: {  	s24 =	sadd.s32 $0x600, s16;
	s25 =	sadd.s32 $0xC600, s16;
	[tilespmem:s16+$0x670] =	vst v0  }
0x8f: {  	[tilespmem:s25], [sflag:$0x1] =	stream.indirect.gather [hbm4b:s1+s8], $0x1, s24, s8, $0xb8;
	[tilespmem:$0x18400] =	vst v63  }
0x90: {  	v0 =	vld [tilespmem:$0x280];
	_ =	sdelay $0x4  }
0x91: {  	v0 =	vadd.s32 s14, v0  }
0x92: {  	[tilespmem:s16+$0x680] =	vst v0  }
0x93: {  	v0 =	vld [tilespmem:$0x290];
	_ =	sdelay $0x4  }
0x94: {  	v0 =	vadd.s32 s14, v0  }
0x95: {  	[tilespmem:s16+$0x690] =	vst v0  }
0x96: {  	v0 =	vld [tilespmem:$0x2A0];
	_ =	sdelay $0x4  }
0x97: {  	v0 =	vadd.s32 s14, v0  }
0x98: {  	[tilespmem:s16+$0x6A0] =	vst v0  }
0x99: {  	v0 =	vld [tilespmem:$0x2B0];
	_ =	sdelay $0x4  }
0x9a: {  	v0 =	vadd.s32 s14, v0  }
0x9b: {  	[tilespmem:s16+$0x6B0] =	vst v0  }
0x9c: {  	v0 =	vld [tilespmem:$0x2C0];
	_ =	sdelay $0x4  }
0x9d: {  	v0 =	vadd.s32 s14, v0  }
0x9e: {  	[tilespmem:s16+$0x6C0] =	vst v0  }
0x9f: {  	v0 =	vld [tilespmem:$0x2D0];
	_ =	sdelay $0x4  }
0xa0: {  	v0 =	vadd.s32 s14, v0  }
0xa1: {  	[tilespmem:s16+$0x6D0] =	vst v0  }
0xa2: {  	v0 =	vld [tilespmem:$0x2E0];
	_ =	sdelay $0x4  }
0xa3: {  	v0 =	vadd.s32 s14, v0  }
0xa4: {  	[tilespmem:s16+$0x6E0] =	vst v0  }
0xa5: {  	v0 =	vld [tilespmem:$0x2F0];
	_ =	sdelay $0x4  }
0xa6: {  	v0 =	vadd.s32 s14, v0  }
0xa7: {  	s26 =	sadd.s32 $0x680, s16;
	s28 =	sadd.s32 $0xC680, s16;
	[tilespmem:s16+$0x6F0] =	vst v0  }
0xa8: {  	[tilespmem:s28], [sflag:$0x1] =	stream.indirect.gather [hbm4b:s1+s8], $0x1, s26, s8, $0xb8;
	[tilespmem:$0x18400] =	vst v63  }
0xa9: {  	v0 =	vld [tilespmem:$0x300];
	_ =	sdelay $0x4  }
0xaa: {  	v0 =	vadd.s32 s14, v0  }
0xab: {  	[tilespmem:s16+$0x700] =	vst v0  }
0xac: {  	v0 =	vld [tilespmem:$0x310];
	_ =	sdelay $0x4  }
0xad: {  	v0 =	vadd.s32 s14, v0  }
0xae: {  	[tilespmem:s16+$0x710] =	vst v0  }
0xaf: {  	v0 =	vld [tilespmem:$0x320];
	_ =	sdelay $0x4  }
0xb0: {  	v0 =	vadd.s32 s14, v0  }
0xb1: {  	[tilespmem:s16+$0x720] =	vst v0  }
0xb2: {  	v0 =	vld [tilespmem:$0x330];
	_ =	sdelay $0x4  }
0xb3: {  	v0 =	vadd.s32 s14, v0  }
0xb4: {  	[tilespmem:s16+$0x730] =	vst v0  }
0xb5: {  	v0 =	vld [tilespmem:$0x340];
	_ =	sdelay $0x4  }
0xb6: {  	v0 =	vadd.s32 s14, v0  }
0xb7: {  	[tilespmem:s16+$0x740] =	vst v0  }
0xb8: {  	v0 =	vld [tilespmem:$0x350];
	_ =	sdelay $0x4  }
0xb9: {  	v0 =	vadd.s32 s14, v0  }
0xba: {  	[tilespmem:s16+$0x750] =	vst v0  }
0xbb: {  	v0 =	vld [tilespmem:$0x360];
	_ =	sdelay $0x4  }
0xbc: {  	v0 =	vadd.s32 s14, v0  }
0xbd: {  	[tilespmem:s16+$0x760] =	vst v0  }
0xbe: {  	v0 =	vld [tilespmem:$0x370];
	_ =	sdelay $0x4  }
0xbf: {  	v0 =	vadd.s32 s14, v0  }
0xc0: {  	s29 =	sadd.s32 $0x700, s16;
	s30 =	sadd.s32 $0xC700, s16;
	[tilespmem:s16+$0x770] =	vst v0  }
0xc1: {  	[tilespmem:s30], [sflag:$0x1] =	stream.indirect.gather [hbm4b:s1+s8], $0x1, s29, s8, $0xb8;
	[tilespmem:$0x18400] =	vst v63  }
0xc2: {  	v0 =	vld [tilespmem:$0x380];
	_ =	sdelay $0x4  }
0xc3: {  	v0 =	vadd.s32 s14, v0  }
0xc4: {  	[tilespmem:s16+$0x780] =	vst v0  }
0xc5: {  	v0 =	vld [tilespmem:$0x390];
	_ =	sdelay $0x4  }
0xc6: {  	v0 =	vadd.s32 s14, v0  }
0xc7: {  	[tilespmem:s16+$0x790] =	vst v0  }
0xc8: {  	v0 =	vld [tilespmem:$0x3A0];
	_ =	sdelay $0x4  }
0xc9: {  	v0 =	vadd.s32 s14, v0  }
0xca: {  	[tilespmem:s16+$0x7A0] =	vst v0  }
0xcb: {  	v0 =	vld [tilespmem:$0x3B0];
	_ =	sdelay $0x4  }
0xcc: {  	v0 =	vadd.s32 s14, v0  }
0xcd: {  	[tilespmem:s16+$0x7B0] =	vst v0  }
0xce: {  	v0 =	vld [tilespmem:$0x3C0];
	_ =	sdelay $0x4  }
0xcf: {  	v0 =	vadd.s32 s14, v0  }
0xd0: {  	[tilespmem:s16+$0x7C0] =	vst v0  }
0xd1: {  	v0 =	vld [tilespmem:$0x3D0];
	_ =	sdelay $0x4  }
0xd2: {  	v0 =	vadd.s32 s14, v0  }
0xd3: {  	[tilespmem:s16+$0x7D0] =	vst v0  }
0xd4: {  	v0 =	vld [tilespmem:$0x3E0];
	_ =	sdelay $0x4  }
0xd5: {  	v0 =	vadd.s32 s14, v0  }
0xd6: {  	[tilespmem:s16+$0x7E0] =	vst v0  }
0xd7: {  	v0 =	vld [tilespmem:$0x3F0];
	_ =	sdelay $0x1  }
0xd8: {  	p0 =	sne.s32 s15, $0x2F000  }
.Ltmp0:
0xd9: {  	_ = 	snop;
	(pc) =	sbr.rel @p0 .LBB2_2-.Ltmp0, $4  }
0xda: {  	_ = 	snop  }
0xdb: {  	s15 =	sadd.s32 $0x1000, s15;
	v0 =	vadd.s32 s14, v0  }
0xdc: {  	s31 =	sadd.s32 $0x780, s16;
	s14 =	sadd.s32 $0x4000, s14;
	[tilespmem:s16+$0x7F0] =	vst v0;
	s16 =	sadd.s32 $0xC780, s16  }
0xdd: {  	[tilespmem:s16], [sflag:$0x1] =	stream.indirect.gather [hbm4b:s1+s8], $0x1, s31, s8, $0xb8;
	[tilespmem:$0x18400] =	vst v63  }
0xde: {  	_ =	swait.ge [sflag:s11], $0x80  }
0xdf: {  	s14 =	simm.s32 $0x17F;
	[sflag:s11] =	ssyncset.done $0x0  }
.LBB2_4:
0xe0: {  	p0 =	sne.s32 s14, $0x1;
	s14 =	sadd.s32 $0xFFFFFFFF, s14;
	[sflag:s11] =	ssyncadd.s32 $0xFFFFFF80  }
.Ltmp1:
0xe1: {  	(pc) =	sbr.rel @p0 .LBB2_4-.Ltmp1, $3  }
0xe2: {  	_ =	sdelay $0x1  }
0xe3: {  	_ =	swait.ge [sflag:s11], $0x80  }
0xe4: {  	[sflag:s11] =	ssyncset.done $0x0  }
0xe5: {  	s13 =	sadd.s32 $0x1, s13  }
0xe6: {  	p0 =	sne.s32 s13, s6  }
.Ltmp2:
0xe7: {  	[sflag:s11] =	ssyncadd.s32 $0xFFFFFF80;
	(pc) =	sbr.rel @p0 .LBB2_1-.Ltmp2, $4  }
0xe8: {  	[hbm4b:s5+s3] =	stream.linear.scatter [tilespmem:s12], [sflag:$0x2], $0xC000, $0x38;
	[tilespmem:$0x18400] =	vst v63  }
0xe9: {  	_ =	swait.ge [sflag:s10], $0xC000  }
0xea: {  	[sflag:s10] =	ssyncset.done $0x0  }
0xeb: {  	[sflag:s10] =	ssyncadd.s32 $0xFFFF4000  }
0xec: {  	_ =	sfence.sel $0x180000  }
0xed: {  	[bflag:$0x0] =	sbarrier.arrive $0xFFFF  }
0xee: {  	p0 =	sne.s32 s2, $0x0;
	_ =	strace $0x9000004A  }
0xef: {  	s0 =	sadd.s32 @!p0 $0x100000, s0;
	[bflag:$0x2] =	sbarrier.arrive $0xFFFF  }
0xf0: {  	[sflag:s0] =	ssyncadd.tile.s32 @!p0 $0x1;
	_ =	shalt  }
.Lfunc_end2:
_tile_overlayer_lowered:
.L_overlay_start_2:
0xf1: {  	(tag) =	ssettag $0x2  }
0xf2: {  	s0 =	rddreg [dreg:$0x0];
	s2 =	stileid.u32  }
0xf3: {  	s1 =	rddreg [dreg:$0x1];
	p0 =	sne.s32 s2, $0x0  }
0xf4: {  	s3 =	rddreg [dreg:$0x2];
	[bflag:$0x3] =	sbarrier.arrive $0xFFFF;
	s2 =	simm.s32 @!p0 $0x1C02  }
0xf5: {  	[timem:s3], [sflag:s2] =	dma.local @!p0 [hbm:s0], s1  }
0xf6: {  	s0 =	simm.s32 @!p0 $0x2  }
0xf7: {  	_ =	swait.ge @!p0 [sflag:s0], s1  }
0xf8: {  	s1 =	ssub.s32 @!p0 $0x0, s1;
	[sflag:s0] =	ssyncset.done @!p0 $0x0  }
0xf9: {  	[sflag:s0] =	ssyncadd.s32 @!p0 s1  }
0xfa: {  	[bflag:$0x3] =	sbarrier.arrive $0xFFFF  }
0xfb: {  	_ =	shalt  }

// kernel: kernel.14.cloned.1.call-start
scs
__scs_entry_jumppad:
0x0: {  	(pc) =	sbr.rel $0x88, $3  }
0x1: {  	(tag) =	ssettag $0x0;
	lr =	simm.s32 $0x1  }
0x2: {  	[smem:$0x3F96] =	sst lr;
	_ =	strace $0xD0000000  }
0x3: {  	_ = 	snop  }
0x4: {  	_ = 	snop  }
0x5: {  	_ = 	snop  }
0x6: {  	_ = 	snop  }
0x7: {  	_ = 	snop  }
__scs_overlays_trampoline_lowered:
0x8: {  	[smem:$0x3FA5] =	sst s0  }
0x9: {  	[smem:$0x3FA6] =	sst s1  }
0xa: {  	[smem:$0x3FA7] =	sst s2  }
0xb: {  	[smem:$0x3FA8] =	sst s3  }
0xc: {  	[smem:$0x3FA9] =	sst s4  }
0xd: {  	[smem:$0x3FAA] =	sst s5  }
0xe: {  	[smem:$0x3FAB] =	sst s6  }
0xf: {  	[smem:$0x3FAC] =	sst s7  }
0x10: {  	[smem:$0x3FAD] =	sst s8  }
0x11: {  	[smem:$0x3FAE] =	sst s9;
	s0 =	simm.s32 @!p0 $0x0  }
0x12: {  	s1 =	sld [smem:$0x3F94];
	s0 =	simm.s32 @p0 $0x1  }
0x13: {  	[smem:$0x3FAF] =	sst s0;
	s0 =	simm.s32 @!p1 $0x0  }
0x14: {  	s2 =	sld [smem:$0x3F93];
	s0 =	simm.s32 @p1 $0x1  }
0x15: {  	[smem:$0x3FB0] =	sst s0;
	s0 =	simm.s32 @!p2 $0x0  }
0x16: {  	s3 =	sld [smem:$0x3FDB];
	s0 =	simm.s32 @p2 $0x1  }
0x17: {  	s4 =	simm.s32 $0x1BF5;
	[smem:$0x3FB2] =	sst s0  }
0x18: {  	s0 =	sld [smem:$0x3F95];
	_ =	swait.ge [sflag:s4], $0x0  }
0x19: {  	s7 =	sld [smem:$0x3F96]  }
0x1a: {  	s8 =	sadd.s32 $0xFFFFE003, lr  }
0x1b: {  	s9 =	sadd.s32 $0xFFFFFEF7, lr;
	s5 =	simm.s32 $0xFFFFFFFF;
	p2 =	slt.u32 s8, $0xFFFFF086  }
0x1c: {  	p1 =	slt.u32 s9, $0xF7A;
	s5 =	simm.s32 @!p2 $0x0  }
0x1d: {  	s5 =	simm.s32 @p1 $0x1;
	p0 =	seq.s32 s7, s2  }
0x1e: {  	s7 =	smul.u32 @!p0 $0xF7A, s2;
	p2 =	seq.s32 @!p0 s5, $0x0  }
0x1f: {  	s9 =	smul.u32 $0xF7A, s1;
	s8 =	simm.s32 @!p0 $0x1BF5;
	p2 =	por !p2, p0  }
0x20: {  	[sflag:s8] =	ssyncset.s32 @!p0 $0xFFFFF086;
	s6 =	sadd.s32 @!p0 s3, s7;
	s7 =	simm.s32 @!p0 $0x108  }
0x21: {  	s3 =	sadd.s32 s3, s9;
	s6 =	sadd.s32 @!p0 $0x88, s6;
	s7 =	simm.s32 @p2 $0x1082  }
0x22: {  	[simem:s7], [sflag:s8] =	dma.local @!p0 [hbm:s6], $0xF7A  }
0x23: {  	s9 =	sor.u32 $0xD0000000, s2;
	s6 =	simm.s32 $0x108;
	_ =	swait.ge @!p0 [sflag:s8], $0x0  }
0x24: {  	s3 =	sadd.s32 $0x88, s3;
	s6 =	simm.s32 @!p1 $0x1082;
	[sflag:s4] =	ssyncset.s32 $0xFFFFF086  }
0x25: {  	[simem:s6], [sflag:s4] =	dma.local [hbm:s3], $0xF7A  }
0x26: {  	[smem:$0x3F96] =	sst s1;
	(tag) =	ssettag s2;
	_ =	strace s9  }
0x27: {  	s1 =	sld [smem:$0x3FA6]  }
0x28: {  	s2 =	sld [smem:$0x3FA7]  }
0x29: {  	s4 =	sld [smem:$0x3FA9]  }
0x2a: {  	p0 =	seq.s32 s5, $0x0;
	s5 =	sld [smem:$0x3FAA]  }
0x2b: {  	s6 =	sld [smem:$0x3FAB]  }
0x2c: {  	s7 =	sld [smem:$0x3FAC]  }
0x2d: {  	s3 =	simm.s32 $0x108;
	s8 =	sld [smem:$0x3FAD]  }
0x2e: {  	s3 =	simm.s32 @!p0 $0x1082;
	s9 =	sld [smem:$0x3FAE]  }
0x2f: {  	lr =	sadd.s32 s0, s3;
	s0 =	sld [smem:$0x3FA5]  }
0x30: {  	s3 =	sld [smem:$0x3FA8]  }
0x31: {  	[smem:$0x3FB1] =	sst s10  }
0x32: {  	s10 =	sld [smem:$0x3FAF];
	_ =	sdelay $0x3  }
0x33: {  	p0 =	seq.s32 s10, $0x1;
	s10 =	sld [smem:$0x3FB1];
	_ =	sdelay $0x3  }
0x34: {  	[smem:$0x3FB1] =	sst s10  }
0x35: {  	s10 =	sld [smem:$0x3FB0];
	_ =	sdelay $0x3  }
0x36: {  	p1 =	seq.s32 s10, $0x1;
	s10 =	sld [smem:$0x3FB1];
	_ =	sdelay $0x3  }
0x37: {  	[smem:$0x3FB1] =	sst s10  }
0x38: {  	s10 =	sld [smem:$0x3FB2]  }
0x39: {  	_ = 	snop;
	(pc) =	sbr.ind lr, $3  }
0x3a: {  	_ = 	snop  }
0x3b: {  	_ = 	snop  }
0x3c: {  	p2 =	seq.s32 s10, $0x1;
	s10 =	sld [smem:$0x3FB1]  }
0x3d: {  	_ =	shalt  }
0x3e: {  	_ =	shalt  }
0x3f: {  	_ =	shalt  }
0x40: {  	_ =	shalt  }
0x41: {  	_ =	shalt  }
0x42: {  	_ =	shalt  }
0x43: {  	_ =	shalt  }
0x44: {  	_ =	shalt  }
0x45: {  	_ =	shalt  }
0x46: {  	_ =	shalt  }
0x47: {  	_ =	shalt  }
0x48: {  	_ =	shalt  }
0x49: {  	_ =	shalt  }
0x4a: {  	_ =	shalt  }
0x4b: {  	_ =	shalt  }
0x4c: {  	_ =	shalt  }
0x4d: {  	_ =	shalt  }
0x4e: {  	_ =	shalt  }
0x4f: {  	_ =	shalt  }
0x50: {  	_ =	shalt  }
0x51: {  	_ =	shalt  }
0x52: {  	_ =	shalt  }
0x53: {  	_ =	shalt  }
0x54: {  	_ =	shalt  }
0x55: {  	_ =	shalt  }
0x56: {  	_ =	shalt  }
0x57: {  	_ =	shalt  }
0x58: {  	_ =	shalt  }
0x59: {  	_ =	shalt  }
0x5a: {  	_ =	shalt  }
0x5b: {  	_ =	shalt  }
0x5c: {  	_ =	shalt  }
0x5d: {  	_ =	shalt  }
0x5e: {  	_ =	shalt  }
0x5f: {  	_ =	shalt  }
0x60: {  	_ =	shalt  }
0x61: {  	_ =	shalt  }
0x62: {  	_ =	shalt  }
0x63: {  	_ =	shalt  }
0x64: {  	_ =	shalt  }
0x65: {  	_ =	shalt  }
0x66: {  	_ =	shalt  }
0x67: {  	_ =	shalt  }
0x68: {  	_ =	shalt  }
0x69: {  	_ =	shalt  }
0x6a: {  	_ =	shalt  }
0x6b: {  	_ =	shalt  }
0x6c: {  	_ =	shalt  }
0x6d: {  	_ =	shalt  }
0x6e: {  	_ =	shalt  }
0x6f: {  	_ =	shalt  }
0x70: {  	_ =	shalt  }
0x71: {  	_ =	shalt  }
0x72: {  	_ =	shalt  }
0x73: {  	_ =	shalt  }
0x74: {  	_ =	shalt  }
0x75: {  	_ =	shalt  }
0x76: {  	_ =	shalt  }
0x77: {  	_ =	shalt  }
0x78: {  	_ =	shalt  }
0x79: {  	_ =	shalt  }
0x7a: {  	_ =	shalt  }
0x7b: {  	_ =	shalt  }
0x7c: {  	_ =	shalt  }
0x7d: {  	_ =	shalt  }
0x7e: {  	_ =	shalt  }
0x7f: {  	_ =	shalt  }
0x80: {  	_ =	shalt  }
0x81: {  	_ =	shalt  }
0x82: {  	_ =	shalt  }
0x83: {  	_ =	shalt  }
0x84: {  	_ =	shalt  }
0x85: {  	_ =	shalt  }
0x86: {  	_ =	shalt  }
0x87: {  	_ =	shalt  }
.Lfunc_end0:
.L_simem_size_0:
called_computation.2_lowered:
.L_overlay_start_0:
0x88: {  	s2 =	sld [smem:$0x3FD9]  }
0x89: {  	s3 =	sld [smem:$0x3FFE];
	_ =	sdelay $0x1  }
0x8a: {  	s1 =	srdreg.scid  }
0x8b: {  	s0 =	sand.u32 $0x1, s1  }
0x8c: {  	s17 =	sshll.u32 s0, $0xA;
	s2 =	sadd.s32 s3, s2  }
0x8d: {  	s2 =	sadd.s32 s2, s17  }
0x8e: {  	[smem:$0x3FBD] =	sst s2  }
0x8f: {  	_ = 	snop  }
0x90: {  	s2 =	sld [smem:$0x3FC9]  }
0x91: {  	s18 =	sld [smem:$0x3FD0];
	(tm) =	ssettm $0x1  }
0x92: {  	s4 =	sld [smem:$0x3FFB];
	_ =	sdelay $0x3  }
0x93: {  	_ =	strace s4  }
0x94: {  	s4 =	sld [smem:$0x3FFC];
	_ =	sdelay $0x3  }
0x95: {  	_ =	strace s4  }
0x96: {  	s4 =	sld [smem:$0x3FFD];
	_ =	sdelay $0x3  }
0x97: {  	_ =	strace s4  }
0x98: {  	_ =	strace $0x8FFFFFFF  }
0x99: {  	s19 =	sld [smem:$0x3FDB];
	_ =	sdelay $0x1  }
0x9a: {  	s5 =	simm.s32 $_scs_section_size  }
0x9b: {  	s6 =	simm.s32 $_size__tile_overlayer_lowered;
	s7 =	simm.s32 $_tile_overlayer_lowered  }
0x9c: {  	s22 =	simm.s32 $0x1BFF;
	s21 =	sshll.u32 s7, $0x1;
	s4 =	sadd.s32 s5, s19  }
0x9d: {  	s8 =	simm.s32 $0x0;
	s20 =	sshll.u32 s6, $0x1;
	s6 =	sadd.s32 s21, s4  }
0x9e: {  	[timem:s8], [sflag:s22] =	dma.local [hbm:s6], s20  }
0x9f: {  	_ =	swait.ge [sflag:s22], s20  }
0xa0: {  	s5 =	ssub.s32 $0x0, s20;
	[sflag:s22] =	ssyncset.done $0x0  }
0xa1: {  	[sflag:s22] =	ssyncadd.s32 s5;
	_ =	sdelay $0x1  }
0xa2: {  	s23 =	simm.s32 $0x1B8B  }
0xa3: {  	_ =	swait.ge [sflag:s23], $0x1  }
0xa4: {  	[sflag:s23] =	ssyncset.done $0x0  }
0xa5: {  	s25 =	simm.s32 $0x1B8E;
	s24 =	sld [smem:$0x3FFE];
	[sflag:s23] =	ssyncadd.s32 $0xFFFFFFFF  }
0xa6: {  	s26 =	simm.s32 $execute0_lowered;
	[smem:$0x3FD2] =	sst s25  }
0xa7: {  	s6 =	sshll.u32 s26, $0x1;
	_ =	strace $0x8000004C;
	[dreg:$0x1] =	wrdreg $0xFFFFFFFF  }
0xa8: {  	s28 =	simm.s32 $_size_execute0_lowered;
	s4 =	sadd.s32 s4, s6;
	[dreg:$0x0] =	wrdreg $0x0  }
0xa9: {  	s6 =	sshll.u32 s28, $0x1;
	[dreg:$0x2] =	wrdreg s4  }
0xaa: {  	[dreg:$0x3] =	wrdreg s6  }
0xab: {  	[dreg:$0x4] =	wrdreg $0xC0  }
0xac: {  	_ =	task [dreg:s8], $0x5FFFF  }
0xad: {  	[dreg:$0x1] =	wrdreg $0xFFFFFFFF  }
0xae: {  	[dreg:$0x0] =	wrdreg $0x60  }
0xaf: {  	[dreg:$0x2] =	wrdreg s2  }
0xb0: {  	[dreg:$0x3] =	wrdreg s24  }
0xb1: {  	[dreg:$0x4] =	wrdreg s18  }
0xb2: {  	[dreg:$0x5] =	wrdreg $0x9  }
0xb3: {  	_ =	task.clear_ibuf [dreg:s8], $0x6FFFF;
	_ =	strace $0x9000004C  }
0xb4: {  	s29 =	simm.s32 $0x9;
	_ =	strace $0x8000004E  }
0xb5: {  	_ =	swait.ge [sflag:s29], $0x1  }
0xb6: {  	[sflag:s29] =	ssyncadd.s32 $0xFFFFFFFF  }
0xb7: {  	_ =	strace $0x9000004E  }
0xb8: {  	_ =	sfence  }
0xb9: {  	s30 =	sld [smem:$0x0];
	_ =	sdelay $0x2  }
0xba: {  	s31 =	sshll.u32 s1, $0xD;
	s1 =	sshrl.u32 s1, $0x2  }
0xbb: {  	s3 =	sand.u32 $0x4000, s31;
	s1 =	sadd.s32 s1, s30  }
0xbc: {  	s0 =	sor.u32 s3, s0;
	s1 =	sshll.u32 s1, $0x11  }
0xbd: {  	s0 =	sor.u32 s1, s0  }
0xbe: {  	s0 =	sadd.s32 $0x8F2B, s0  }
0xbf: {  	[sflag:s0] =	ssyncadd.remote.s32 $0x1  }
0xc0: {  	_ =	sfence.sel $0xFFFF  }
0xc1: {  	[dreg:$0x0] =	wrdreg $0xFFFFFFFF;
	(pc) =	sbr.abs _section_cstart, $3  }
0xc2: {  	[dreg:$0x1] =	wrdreg $0xFFFFFFFF  }
0xc3: {  	_ =	task.clear_ibuf [dreg:s8], $0x2FFFF;
	_ =	strace $0x9FFFFFFF  }
0xc4: {  	(tm) =	ssettm $0x7FFFFFFF  }
0xc5: {  	_ =	shalt  }
tec
execute0_lowered:
.L_overlay_start_1:
0x0: {  	(tag) =	ssettag $0x1  }
0x1: {  	s15 =	rddreg [dreg:$0x0]  }
0x2: {  	s0 =	srdreg.scid;
	s3 =	rddreg [dreg:$0x1]  }
0x3: {  	s6 =	stileid.u32;
	s19 =	rddreg [dreg:$0x2];
	s1 =	simm.s32 $0x0  }
0x4: {  	s28 =	simm.s32 $0x1;
	s29 =	simm.s32 $0x2;
	s4 =	smul.u32 $0xC00, s6  }
0x5: {  	s30 =	simm.s32 $0x0;
	s0 =	sand.u32 $0x1, s0;
	s22 =	smul.u32 $0x60000, s6  }
0x6: {  	[smem:$0x7FF] =	sst s1;
	s26 =	sshll.u32 s6, $0x2;
	s2 =	smul.u32 $0xC000, s0  }
0x7: {  	s5 =	smul.u32 $0x600000, s0;
	s23 =	sshll.u32 s0, $0x6;
	s0 =	ssub.s32 $0x2, s0  }
0x8: {  	s31 =	sand.u32 $0x30, s26;
	s25 =	sshrl.u32 s0, $0x1;
	s2 =	sadd.s32 s4, s2  }
0x9: {  	s24 =	sadd.s32 s22, s5;
	s22 =	ssub.s32 s0, s25;
	s21 =	sadd.s32 s2, s3  }
0xa: {  	s2 =	sadd.s32 s23, s3;
	s12 =	sshrl.u32 s24, $0x3;
	s22 =	smax.u32 s22, $0x1  }
0xb: {  	s3 =	sor.u32 $0x800, s12;
	s20 =	sadd.s32 s31, s2;
	s4 =	sor.u32 $0x1000, s12  }
0xc: {  	s6 =	sor.u32 $0x1800, s12;
	s7 =	sor.u32 $0x2000, s12;
	s2 =	sadd.s32 s15, s3  }
0xd: {  	s10 =	sor.u32 $0x2800, s12;
	s5 =	sadd.s32 s15, s4;
	[dreg:$0x4] =	wrdreg s2  }
0xe: {  	s13 =	sor.u32 $0x3000, s12;
	s8 =	sadd.s32 s15, s6;
	[dreg:$0x5] =	wrdreg s5  }
0xf: {  	s16 =	sor.u32 $0x3800, s12;
	s9 =	sadd.s32 s15, s7;
	[dreg:$0x6] =	wrdreg s8  }
0x10: {  	s18 =	sadd.s32 $0x4000, s12;
	s3 =	sadd.s32 s19, s3;
	[dreg:$0x7] =	wrdreg s9  }
0x11: {  	s24 =	sadd.s32 $0x4800, s12;
	s11 =	sadd.s32 s15, s10;
	[dreg:$0x8] =	wrdreg s3  }
0x12: {  	s31 =	sadd.s32 $0x5000, s12;
	s0 =	sadd.s32 s19, s4;
	[dreg:$0x9] =	wrdreg s11  }
0x13: {  	s21 =	sadd.s32 $0x6A00, s21;
	s14 =	sadd.s32 s15, s13;
	[dreg:$0xa] =	wrdreg s0  }
0x14: {  	s17 =	sadd.s32 s15, s16;
	s4 =	sadd.s32 s19, s7;
	[dreg:$0xb] =	wrdreg s14  }
0x15: {  	s23 =	sadd.s32 s15, s18;
	s25 =	sadd.s32 s15, s24;
	[dreg:$0xd] =	wrdreg s17  }
0x16: {  	s26 =	sadd.s32 s19, s18;
	s7 =	sadd.s32 $0x6000, s12;
	[dreg:$0xe] =	wrdreg s4  }
0x17: {  	s20 =	sadd.s32 $0x6200, s20;
	s2 =	sadd.s32 s19, s6;
	[dreg:$0xf] =	wrdreg s23  }
0x18: {  	s5 =	sadd.s32 s19, s10;
	[dreg:$0x11] =	wrdreg s25;
	s3 =	sadd.s32 s19, s13  }
0x19: {  	s0 =	sadd.s32 s19, s16;
	[dreg:$0x14] =	wrdreg s26;
	s4 =	sadd.s32 s15, s31  }
0x1a: {  	s8 =	sadd.s32 s15, s7;
	s9 =	sadd.s32 $0x6800, s12;
	[dreg:$0xc] =	wrdreg s2  }
0x1b: {  	s11 =	sadd.s32 $0x7000, s12;
	s14 =	sadd.s32 $0x7800, s12;
	[dreg:$0x10] =	wrdreg s5  }
0x1c: {  	s17 =	sadd.s32 $0x8000, s12;
	s23 =	sadd.s32 $0x8800, s12;
	[dreg:$0x12] =	wrdreg s3  }
0x1d: {  	s25 =	sadd.s32 $0x9800, s12;
	s26 =	sadd.s32 $0xA000, s12;
	[dreg:$0x13] =	wrdreg s0  }
0x1e: {  	s3 =	sadd.s32 s19, s24;
	[dreg:$0x16] =	wrdreg s4;
	s5 =	sadd.s32 $0x5800, s12  }
0x1f: {  	s0 =	sadd.s32 s19, s31;
	[dreg:$0x1a] =	wrdreg s8;
	s10 =	sadd.s32 s15, s9  }
0x20: {  	s13 =	sadd.s32 s15, s11;
	s16 =	sadd.s32 s15, s14;
	[dreg:$0x15] =	wrdreg s3  }
0x21: {  	s18 =	sadd.s32 s15, s17;
	s4 =	sadd.s32 s15, s23;
	[dreg:$0x17] =	wrdreg s0  }
0x22: {  	s24 =	sadd.s32 $0x9000, s12;
	s8 =	sadd.s32 s15, s25;
	[dreg:$0x1c] =	wrdreg s10  }
0x23: {  	s31 =	sadd.s32 $0xA800, s12;
	s6 =	sadd.s32 s15, s5;
	[dreg:$0x1e] =	wrdreg s13  }
0x24: {  	s2 =	sadd.s32 s19, s5;
	s0 =	sadd.s32 s19, s7;
	[smem:$0x7FA] =	sst s16  }
0x25: {  	[smem:$0x7FC] =	sst s18;
	s5 =	sadd.s32 s19, s23;
	s7 =	sadd.s32 s19, s24  }
0x26: {  	s10 =	sadd.s32 s15, s12;
	s18 =	sadd.s32 $0xB000, s12;
	[dreg:$0x18] =	wrdreg s6  }
0x27: {  	s23 =	sadd.s32 $0xB800, s12;
	s13 =	sadd.s32 s15, s31;
	[dreg:$0x19] =	wrdreg s2  }
0x28: {  	s16 =	sadd.s32 s19, s26;
	[dreg:$0x1b] =	wrdreg s0;
	s2 =	sadd.s32 s19, s9  }
0x29: {  	s0 =	sadd.s32 s19, s11;
	s6 =	sadd.s32 s15, s24;
	s9 =	sadd.s32 s19, s25  }
0x2a: {  	s11 =	sadd.s32 s19, s12;
	s12 =	sadd.s32 s15, s26;
	s24 =	simm.s32 $0x4000  }
0x2b: {  	s25 =	simm.s32 $0x8000;
	s26 =	simm.s32 $0xC000;
	[dreg:$0x1d] =	wrdreg s2  }
0x2c: {  	[dreg:$0x1f] =	wrdreg s0;
	s2 =	sadd.s32 s19, s14;
	s0 =	sadd.s32 s19, s17  }
0x2d: {  	s14 =	sadd.s32 s15, s18;
	s15 =	sadd.s32 s15, s23;
	[smem:$0x7FB] =	sst s2  }
0x2e: {  	s17 =	sadd.s32 s19, s31;
	s18 =	sadd.s32 s19, s18;
	[smem:$0x7FD] =	sst s0  }
0x2f: {  	s19 =	sadd.s32 s19, s23;
	s23 =	simm.s32 $0x3;
	_ =	strace $0x8000004D  }
.LBB2_1:
0x30: {  	s0 =	simm.s32 $0x80;
	s2 =	simm.s32 $0x400;
	s3 =	simm.s32 $0x10000  }
0x31: {  	[tilespmem:s3], [sflag:$0x3] =	stream.strided.gather [hbm4b:s20+s0], $0x400, s2, s0, $0x38;
	[tilespmem:$0x16400] =	vst v63  }
0x32: {  	_ =	swait.ge [sflag:s23], $0x400  }
0x33: {  	[sflag:s23] =	ssyncset.done $0x0  }
0x34: {  	s31 =	simm.s32 $0x10400;
	[sflag:s23] =	ssyncadd.s32 $0xFFFFFC00  }
0x35: {  	[tilespmem:s31], [sflag:$0x3] =	stream.linear.gather [hbm4b:s21+s1], $0x6000, $0x38;
	[tilespmem:$0x16400] =	vst v63  }
0x36: {  	_ =	swait.ge [sflag:s23], $0x6000  }
0x37: {  	[sflag:s23] =	ssyncset.done $0x0  }
0x38: {  	[sflag:s23] =	ssyncadd.s32 $0xFFFFA000  }
0x39: {  	[tilespmem:s1], [sflag:$0x1] =	stream.linear.gather [hbm4b:s10+s1], $0x4000, $0x38;
	[tilespmem:$0x16400] =	vst v63  }
0x3a: {  	s2 =	rddreg [dreg:$0x4]  }
0x3b: {  	[tilespmem:s24], [sflag:$0x1] =	stream.linear.gather [hbm4b:s2+s1], $0x4000, $0x38;
	[tilespmem:$0x16400] =	vst v63  }
0x3c: {  	s3 =	rddreg [dreg:$0x5]  }
0x3d: {  	[tilespmem:s25], [sflag:$0x1] =	stream.linear.gather [hbm4b:s3+s1], $0x4000, $0x38;
	[tilespmem:$0x16400] =	vst v63  }
0x3e: {  	s31 =	rddreg [dreg:$0x6]  }
0x3f: {  	[tilespmem:s26], [sflag:$0x1] =	stream.linear.gather [hbm4b:s31+s1], $0x4000, $0x38;
	[tilespmem:$0x16400] =	vst v63  }
0x40: {  	_ =	swait.ge [sflag:s28], $0x4000  }
0x41: {  	[sflag:s28] =	ssyncset.done $0x0  }
0x42: {  	s0 =	simm.s32 $0x40;
	s2 =	simm.s32 $0x0;
	[sflag:s28] =	ssyncadd.s32 $0xFFFFC000  }
.LBB2_2:
0x43: {  	p0 =	sne.s32 s0, $0xFC0;
	v0 =	vld [tilespmem:s2+$0x10000];
	_ =	sdelay $0x2  }
0x44: {  	v1 =	vld [tilespmem:s2+$0x10400]  }
.Ltmp0:
0x45: {  	(pc) =	sbr.rel @p0 .LBB2_2-.Ltmp0, $2  }
0x46: {  	_ =	sdelay $0x2  }
0x47: {  	s2 =	sshra.s32 s0, $0x2;
	s0 =	sadd.s32 $0x40, s0;
	[tilespmem:v0+s1+$0x0] =	vst.idx.msk $0xffff, v1  }
0x48: {  	v0 =	vld [tilespmem:s2+$0x10000];
	_ =	sdelay $0x2  }
0x49: {  	v1 =	vld [tilespmem:s2+$0x10400];
	_ =	sdelay $0x4  }
0x4a: {  	s31 =	simm.s32 $0x0;
	[tilespmem:v0+s1+$0x0] =	vst.idx.msk $0xffff, v1  }
0x4b: {  	[hbm4b:s11+s31] =	stream.linear.scatter [tilespmem:s31], [sflag:$0x2], $0x4000, $0x38;
	[tilespmem:$0x16400] =	vst v63  }
0x4c: {  	_ =	swait.ge [sflag:s29], $0x4000  }
0x4d: {  	[sflag:s29] =	ssyncset.done $0x0  }
0x4e: {  	s0 =	rddreg [dreg:$0x7];
	[sflag:s29] =	ssyncadd.s32 $0xFFFFC000  }
0x4f: {  	[tilespmem:s31], [sflag:$0x1] =	stream.linear.gather [hbm4b:s0+s31], $0x4000, $0x38;
	[tilespmem:$0x16400] =	vst v63  }
0x50: {  	_ =	swait.ge [sflag:s28], $0x4000  }
0x51: {  	[sflag:s28] =	ssyncset.done $0x0  }
0x52: {  	s0 =	simm.s32 $0x10000;
	[sflag:s28] =	ssyncadd.s32 $0xFFFFC000  }
0x53: {  	s2 =	simm.s32 $0x10;
	v0 =	vld [tilespmem:s0+$0x0]  }
.LBB2_4:
0x54: {  	p0 =	sne.s32 s2, $0x3F0  }
0x55: {  	s3 =	sand.u32 $0x3F0, s31;
	s31 =	smov.u32 s2  }
0x56: {  	v1 =	vld [tilespmem:s3+$0x10800];
	_ =	sdelay $0x1  }
.Ltmp1:
0x57: {  	(pc) =	sbr.rel @p0 .LBB2_4-.Ltmp1, $3  }
0x58: {  	_ =	sdelay $0x1  }
0x59: {  	s0 =	sadd.s32 $0x10, s0;
	[tilespmem:v0+s24+$0x0] =	vst.idx.msk $0xffff, v1  }
0x5a: {  	s2 =	sadd.s32 $0x10, s2;
	v0 =	vld [tilespmem:s0+$0x0]  }
0x5b: {  	_ =	sdelay $0x1  }
0x5c: {  	s0 =	sand.u32 $0x3F0, s31  }
0x5d: {  	v1 =	vld [tilespmem:s0+$0x10800];
	_ =	sdelay $0x4  }
0x5e: {  	s31 =	simm.s32 $0x0;
	s2 =	rddreg [dreg:$0x8];
	[tilespmem:v0+s24+$0x0] =	vst.idx.msk $0xffff, v1  }
0x5f: {  	[hbm4b:s2+s31] =	stream.linear.scatter [tilespmem:s24], [sflag:$0x2], $0x4000, $0x38;
	[tilespmem:$0x16400] =	vst v63  }
0x60: {  	_ =	swait.ge [sflag:s29], $0x4000  }
0x61: {  	[sflag:s29] =	ssyncset.done $0x0  }
0x62: {  	s3 =	rddreg [dreg:$0x9];
	[sflag:s29] =	ssyncadd.s32 $0xFFFFC000  }
0x63: {  	[tilespmem:s24], [sflag:$0x1] =	stream.linear.gather [hbm4b:s3+s31], $0x4000, $0x38;
	[tilespmem:$0x16400] =	vst v63  }
0x64: {  	_ =	swait.ge [sflag:s28], $0x4000  }
0x65: {  	[sflag:s28] =	ssyncset.done $0x0  }
0x66: {  	s0 =	simm.s32 $0x10000;
	[sflag:s28] =	ssyncadd.s32 $0xFFFFC000  }
0x67: {  	s2 =	simm.s32 $0x10;
	v0 =	vld [tilespmem:s0+$0x0]  }
.LBB2_6:
0x68: {  	p0 =	sne.s32 s2, $0x3F0  }
0x69: {  	s3 =	sand.u32 $0x3F0, s31;
	s31 =	smov.u32 s2  }
0x6a: {  	v1 =	vld [tilespmem:s3+$0x10C00];
	_ =	sdelay $0x1  }
.Ltmp2:
0x6b: {  	(pc) =	sbr.rel @p0 .LBB2_6-.Ltmp2, $3  }
0x6c: {  	_ =	sdelay $0x1  }
0x6d: {  	s0 =	sadd.s32 $0x10, s0;
	[tilespmem:v0+s25+$0x0] =	vst.idx.msk $0xffff, v1  }
0x6e: {  	s2 =	sadd.s32 $0x10, s2;
	v0 =	vld [tilespmem:s0+$0x0]  }
0x6f: {  	_ =	sdelay $0x1  }
0x70: {  	s0 =	sand.u32 $0x3F0, s31  }
0x71: {  	v1 =	vld [tilespmem:s0+$0x10C00];
	_ =	sdelay $0x4  }
0x72: {  	s31 =	simm.s32 $0x0;
	s2 =	rddreg [dreg:$0xa];
	[tilespmem:v0+s25+$0x0] =	vst.idx.msk $0xffff, v1  }
0x73: {  	[hbm4b:s2+s31] =	stream.linear.scatter [tilespmem:s25], [sflag:$0x2], $0x4000, $0x38;
	[tilespmem:$0x16400] =	vst v63  }
0x74: {  	_ =	swait.ge [sflag:s29], $0x4000  }
0x75: {  	[sflag:s29] =	ssyncset.done $0x0  }
0x76: {  	s3 =	rddreg [dreg:$0xb];
	[sflag:s29] =	ssyncadd.s32 $0xFFFFC000  }
0x77: {  	[tilespmem:s25], [sflag:$0x1] =	stream.linear.gather [hbm4b:s3+s31], $0x4000, $0x38;
	[tilespmem:$0x16400] =	vst v63  }
0x78: {  	_ =	swait.ge [sflag:s28], $0x4000  }
0x79: {  	[sflag:s28] =	ssyncset.done $0x0  }
0x7a: {  	s0 =	simm.s32 $0x10000;
	[sflag:s28] =	ssyncadd.s32 $0xFFFFC000  }
0x7b: {  	s2 =	simm.s32 $0x10;
	v0 =	vld [tilespmem:s0+$0x0]  }
.LBB2_8:
0x7c: {  	p0 =	sne.s32 s2, $0x3F0  }
0x7d: {  	s3 =	sand.u32 $0x3F0, s31;
	s31 =	smov.u32 s2  }
0x7e: {  	v1 =	vld [tilespmem:s3+$0x11000];
	_ =	sdelay $0x1  }
.Ltmp3:
0x7f: {  	(pc) =	sbr.rel @p0 .LBB2_8-.Ltmp3, $3  }
0x80: {  	_ =	sdelay $0x1  }
0x81: {  	s0 =	sadd.s32 $0x10, s0;
	[tilespmem:v0+s26+$0x0] =	vst.idx.msk $0xffff, v1  }
0x82: {  	s2 =	sadd.s32 $0x10, s2;
	v0 =	vld [tilespmem:s0+$0x0]  }
0x83: {  	_ =	sdelay $0x1  }
0x84: {  	s0 =	sand.u32 $0x3F0, s31  }
0x85: {  	v1 =	vld [tilespmem:s0+$0x11000];
	_ =	sdelay $0x4  }
0x86: {  	s31 =	simm.s32 $0x0;
	s2 =	rddreg [dreg:$0xc];
	[tilespmem:v0+s26+$0x0] =	vst.idx.msk $0xffff, v1  }
0x87: {  	[hbm4b:s2+s31] =	stream.linear.scatter [tilespmem:s26], [sflag:$0x2], $0x4000, $0x38;
	[tilespmem:$0x16400] =	vst v63  }
0x88: {  	_ =	swait.ge [sflag:s29], $0x4000  }
0x89: {  	[sflag:s29] =	ssyncset.done $0x0  }
0x8a: {  	s3 =	rddreg [dreg:$0xd];
	[sflag:s29] =	ssyncadd.s32 $0xFFFFC000  }
0x8b: {  	[tilespmem:s26], [sflag:$0x1] =	stream.linear.gather [hbm4b:s3+s31], $0x4000, $0x38;
	[tilespmem:$0x16400] =	vst v63  }
0x8c: {  	_ =	swait.ge [sflag:s28], $0x4000  }
0x8d: {  	[sflag:s28] =	ssyncset.done $0x0  }
0x8e: {  	s0 =	simm.s32 $0x10000;
	[sflag:s28] =	ssyncadd.s32 $0xFFFFC000  }
0x8f: {  	s2 =	simm.s32 $0x10;
	v0 =	vld [tilespmem:s0+$0x0]  }
.LBB2_10:
0x90: {  	p0 =	sne.s32 s2, $0x3F0  }
0x91: {  	s3 =	sand.u32 $0x3F0, s31;
	s31 =	smov.u32 s2  }
0x92: {  	v1 =	vld [tilespmem:s3+$0x11400];
	_ =	sdelay $0x1  }
.Ltmp4:
0x93: {  	(pc) =	sbr.rel @p0 .LBB2_10-.Ltmp4, $3  }
0x94: {  	_ =	sdelay $0x1  }
0x95: {  	s0 =	sadd.s32 $0x10, s0;
	[tilespmem:v0+s1+$0x0] =	vst.idx.msk $0xffff, v1  }
0x96: {  	s2 =	sadd.s32 $0x10, s2;
	v0 =	vld [tilespmem:s0+$0x0]  }
0x97: {  	_ =	sdelay $0x1  }
0x98: {  	s0 =	sand.u32 $0x3F0, s31  }
0x99: {  	v1 =	vld [tilespmem:s0+$0x11400];
	_ =	sdelay $0x4  }
0x9a: {  	s31 =	simm.s32 $0x0;
	s2 =	rddreg [dreg:$0xe];
	[tilespmem:v0+s1+$0x0] =	vst.idx.msk $0xffff, v1  }
0x9b: {  	[hbm4b:s2+s31] =	stream.linear.scatter [tilespmem:s31], [sflag:$0x2], $0x4000, $0x38;
	[tilespmem:$0x16400] =	vst v63  }
0x9c: {  	_ =	swait.ge [sflag:s29], $0x4000  }
0x9d: {  	[sflag:s29] =	ssyncset.done $0x0  }
0x9e: {  	s3 =	rddreg [dreg:$0xf];
	[sflag:s29] =	ssyncadd.s32 $0xFFFFC000  }
0x9f: {  	[tilespmem:s31], [sflag:$0x1] =	stream.linear.gather [hbm4b:s3+s31], $0x4000, $0x38;
	[tilespmem:$0x16400] =	vst v63  }
0xa0: {  	_ =	swait.ge [sflag:s28], $0x4000  }
0xa1: {  	[sflag:s28] =	ssyncset.done $0x0  }
0xa2: {  	s0 =	simm.s32 $0x10000;
	[sflag:s28] =	ssyncadd.s32 $0xFFFFC000  }
0xa3: {  	s2 =	simm.s32 $0x10;
	v0 =	vld [tilespmem:s0+$0x0]  }
.LBB2_12:
0xa4: {  	p0 =	sne.s32 s2, $0x3F0  }
0xa5: {  	s3 =	sand.u32 $0x3F0, s31;
	s31 =	smov.u32 s2  }
0xa6: {  	v1 =	vld [tilespmem:s3+$0x11800];
	_ =	sdelay $0x1  }
.Ltmp5:
0xa7: {  	(pc) =	sbr.rel @p0 .LBB2_12-.Ltmp5, $3  }
0xa8: {  	_ =	sdelay $0x1  }
0xa9: {  	s0 =	sadd.s32 $0x10, s0;
	[tilespmem:v0+s24+$0x0] =	vst.idx.msk $0xffff, v1  }
0xaa: {  	s2 =	sadd.s32 $0x10, s2;
	v0 =	vld [tilespmem:s0+$0x0]  }
0xab: {  	_ =	sdelay $0x1  }
0xac: {  	s0 =	sand.u32 $0x3F0, s31  }
0xad: {  	v1 =	vld [tilespmem:s0+$0x11800];
	_ =	sdelay $0x4  }
0xae: {  	s31 =	simm.s32 $0x0;
	s2 =	rddreg [dreg:$0x10];
	[tilespmem:v0+s24+$0x0] =	vst.idx.msk $0xffff, v1  }
0xaf: {  	[hbm4b:s2+s31] =	stream.linear.scatter [tilespmem:s24], [sflag:$0x2], $0x4000, $0x38;
	[tilespmem:$0x16400] =	vst v63  }
0xb0: {  	_ =	swait.ge [sflag:s29], $0x4000  }
0xb1: {  	[sflag:s29] =	ssyncset.done $0x0  }
0xb2: {  	s3 =	rddreg [dreg:$0x11];
	[sflag:s29] =	ssyncadd.s32 $0xFFFFC000  }
0xb3: {  	[tilespmem:s24], [sflag:$0x1] =	stream.linear.gather [hbm4b:s3+s31], $0x4000, $0x38;
	[tilespmem:$0x16400] =	vst v63  }
0xb4: {  	_ =	swait.ge [sflag:s28], $0x4000  }
0xb5: {  	[sflag:s28] =	ssyncset.done $0x0  }
0xb6: {  	s0 =	simm.s32 $0x10000;
	[sflag:s28] =	ssyncadd.s32 $0xFFFFC000  }
0xb7: {  	s2 =	simm.s32 $0x10;
	v0 =	vld [tilespmem:s0+$0x0]  }
.LBB2_14:
0xb8: {  	p0 =	sne.s32 s2, $0x3F0  }
0xb9: {  	s3 =	sand.u32 $0x3F0, s31;
	s31 =	smov.u32 s2  }
0xba: {  	v1 =	vld [tilespmem:s3+$0x11C00];
	_ =	sdelay $0x1  }
.Ltmp6:
0xbb: {  	(pc) =	sbr.rel @p0 .LBB2_14-.Ltmp6, $3  }
0xbc: {  	_ =	sdelay $0x1  }
0xbd: {  	s0 =	sadd.s32 $0x10, s0;
	[tilespmem:v0+s25+$0x0] =	vst.idx.msk $0xffff, v1  }
0xbe: {  	s2 =	sadd.s32 $0x10, s2;
	v0 =	vld [tilespmem:s0+$0x0]  }
0xbf: {  	_ =	sdelay $0x1  }
0xc0: {  	s0 =	sand.u32 $0x3F0, s31  }
0xc1: {  	v1 =	vld [tilespmem:s0+$0x11C00];
	_ =	sdelay $0x4  }
0xc2: {  	s31 =	simm.s32 $0x0;
	s2 =	rddreg [dreg:$0x12];
	[tilespmem:v0+s25+$0x0] =	vst.idx.msk $0xffff, v1  }
0xc3: {  	[hbm4b:s2+s31] =	stream.linear.scatter [tilespmem:s25], [sflag:$0x2], $0x4000, $0x38;
	[tilespmem:$0x16400] =	vst v63  }
0xc4: {  	_ =	swait.ge [sflag:s29], $0x4000  }
0xc5: {  	[sflag:s29] =	ssyncset.done $0x0  }
0xc6: {  	s3 =	rddreg [dreg:$0x16];
	[sflag:s29] =	ssyncadd.s32 $0xFFFFC000  }
0xc7: {  	[tilespmem:s25], [sflag:$0x1] =	stream.linear.gather [hbm4b:s3+s31], $0x4000, $0x38;
	[tilespmem:$0x16400] =	vst v63  }
0xc8: {  	_ =	swait.ge [sflag:s28], $0x4000  }
0xc9: {  	[sflag:s28] =	ssyncset.done $0x0  }
0xca: {  	s0 =	simm.s32 $0x10000;
	[sflag:s28] =	ssyncadd.s32 $0xFFFFC000  }
0xcb: {  	s2 =	simm.s32 $0x10;
	v0 =	vld [tilespmem:s0+$0x0]  }
.LBB2_16:
0xcc: {  	p0 =	sne.s32 s2, $0x3F0  }
0xcd: {  	s3 =	sand.u32 $0x3F0, s31;
	s31 =	smov.u32 s2  }
0xce: {  	v1 =	vld [tilespmem:s3+$0x12000];
	_ =	sdelay $0x1  }
.Ltmp7:
0xcf: {  	(pc) =	sbr.rel @p0 .LBB2_16-.Ltmp7, $3  }
0xd0: {  	_ =	sdelay $0x1  }
0xd1: {  	s0 =	sadd.s32 $0x10, s0;
	[tilespmem:v0+s26+$0x0] =	vst.idx.msk $0xffff, v1  }
0xd2: {  	s2 =	sadd.s32 $0x10, s2;
	v0 =	vld [tilespmem:s0+$0x0]  }
0xd3: {  	_ =	sdelay $0x1  }
0xd4: {  	s0 =	sand.u32 $0x3F0, s31  }
0xd5: {  	v1 =	vld [tilespmem:s0+$0x12000];
	_ =	sdelay $0x4  }
0xd6: {  	s31 =	simm.s32 $0x0;
	s2 =	rddreg [dreg:$0x13];
	[tilespmem:v0+s26+$0x0] =	vst.idx.msk $0xffff, v1  }
0xd7: {  	[hbm4b:s2+s31] =	stream.linear.scatter [tilespmem:s26], [sflag:$0x2], $0x4000, $0x38;
	[tilespmem:$0x16400] =	vst v63  }
0xd8: {  	_ =	swait.ge [sflag:s29], $0x4000  }
0xd9: {  	[sflag:s29] =	ssyncset.done $0x0  }
0xda: {  	s3 =	rddreg [dreg:$0x18];
	[sflag:s29] =	ssyncadd.s32 $0xFFFFC000  }
0xdb: {  	[tilespmem:s26], [sflag:$0x1] =	stream.linear.gather [hbm4b:s3+s31], $0x4000, $0x38;
	[tilespmem:$0x16400] =	vst v63  }
0xdc: {  	_ =	swait.ge [sflag:s28], $0x4000  }
0xdd: {  	[sflag:s28] =	ssyncset.done $0x0  }
0xde: {  	s0 =	simm.s32 $0x10000;
	[sflag:s28] =	ssyncadd.s32 $0xFFFFC000  }
0xdf: {  	s2 =	simm.s32 $0x10;
	v0 =	vld [tilespmem:s0+$0x0]  }
.LBB2_18:
0xe0: {  	p0 =	sne.s32 s2, $0x3F0  }
0xe1: {  	s3 =	sand.u32 $0x3F0, s31;
	s31 =	smov.u32 s2  }
0xe2: {  	v1 =	vld [tilespmem:s3+$0x12400];
	_ =	sdelay $0x1  }
.Ltmp8:
0xe3: {  	(pc) =	sbr.rel @p0 .LBB2_18-.Ltmp8, $3  }
0xe4: {  	_ =	sdelay $0x1  }
0xe5: {  	s0 =	sadd.s32 $0x10, s0;
	[tilespmem:v0+s1+$0x0] =	vst.idx.msk $0xffff, v1  }
0xe6: {  	s2 =	sadd.s32 $0x10, s2;
	v0 =	vld [tilespmem:s0+$0x0]  }
0xe7: {  	_ =	sdelay $0x1  }
0xe8: {  	s0 =	sand.u32 $0x3F0, s31  }
0xe9: {  	v1 =	vld [tilespmem:s0+$0x12400];
	_ =	sdelay $0x4  }
0xea: {  	s31 =	simm.s32 $0x0;
	s2 =	rddreg [dreg:$0x14];
	[tilespmem:v0+s1+$0x0] =	vst.idx.msk $0xffff, v1  }
0xeb: {  	[hbm4b:s2+s31] =	stream.linear.scatter [tilespmem:s31], [sflag:$0x2], $0x4000, $0x38;
	[tilespmem:$0x16400] =	vst v63  }
0xec: {  	_ =	swait.ge [sflag:s29], $0x4000  }
0xed: {  	[sflag:s29] =	ssyncset.done $0x0  }
0xee: {  	s3 =	rddreg [dreg:$0x1a];
	[sflag:s29] =	ssyncadd.s32 $0xFFFFC000  }
0xef: {  	[tilespmem:s31], [sflag:$0x1] =	stream.linear.gather [hbm4b:s3+s31], $0x4000, $0x38;
	[tilespmem:$0x16400] =	vst v63  }
0xf0: {  	_ =	swait.ge [sflag:s28], $0x4000  }
0xf1: {  	[sflag:s28] =	ssyncset.done $0x0  }
0xf2: {  	s0 =	simm.s32 $0x10000;
	[sflag:s28] =	ssyncadd.s32 $0xFFFFC000  }
0xf3: {  	s2 =	simm.s32 $0x10;
	v0 =	vld [tilespmem:s0+$0x0]  }
.LBB2_20:
0xf4: {  	p0 =	sne.s32 s2, $0x3F0  }
0xf5: {  	s3 =	sand.u32 $0x3F0, s31;
	s31 =	smov.u32 s2  }
0xf6: {  	v1 =	vld [tilespmem:s3+$0x12800];
	_ =	sdelay $0x1  }
.Ltmp9:
0xf7: {  	(pc) =	sbr.rel @p0 .LBB2_20-.Ltmp9, $3  }
0xf8: {  	_ =	sdelay $0x1  }
0xf9: {  	s0 =	sadd.s32 $0x10, s0;
	[tilespmem:v0+s24+$0x0] =	vst.idx.msk $0xffff, v1  }
0xfa: {  	s2 =	sadd.s32 $0x10, s2;
	v0 =	vld [tilespmem:s0+$0x0]  }
0xfb: {  	_ =	sdelay $0x1  }
0xfc: {  	s0 =	sand.u32 $0x3F0, s31  }
0xfd: {  	v1 =	vld [tilespmem:s0+$0x12800];
	_ =	sdelay $0x4  }
0xfe: {  	s31 =	simm.s32 $0x0;
	s2 =	rddreg [dreg:$0x15];
	[tilespmem:v0+s24+$0x0] =	vst.idx.msk $0xffff, v1  }
0xff: {  	[hbm4b:s2+s31] =	stream.linear.scatter [tilespmem:s24], [sflag:$0x2], $0x4000, $0x38;
	[tilespmem:$0x16400] =	vst v63  }
0x100: {  	_ =	swait.ge [sflag:s29], $0x4000  }
0x101: {  	[sflag:s29] =	ssyncset.done $0x0  }
0x102: {  	s3 =	rddreg [dreg:$0x1c];
	[sflag:s29] =	ssyncadd.s32 $0xFFFFC000  }
0x103: {  	[tilespmem:s24], [sflag:$0x1] =	stream.linear.gather [hbm4b:s3+s31], $0x4000, $0x38;
	[tilespmem:$0x16400] =	vst v63  }
0x104: {  	_ =	swait.ge [sflag:s28], $0x4000  }
0x105: {  	[sflag:s28] =	ssyncset.done $0x0  }
0x106: {  	s0 =	simm.s32 $0x10000;
	[sflag:s28] =	ssyncadd.s32 $0xFFFFC000  }
0x107: {  	s2 =	simm.s32 $0x10;
	v0 =	vld [tilespmem:s0+$0x0]  }
.LBB2_22:
0x108: {  	p0 =	sne.s32 s2, $0x3F0  }
0x109: {  	s3 =	sand.u32 $0x3F0, s31;
	s31 =	smov.u32 s2  }
0x10a: {  	v1 =	vld [tilespmem:s3+$0x12C00];
	_ =	sdelay $0x1  }
.Ltmp10:
0x10b: {  	(pc) =	sbr.rel @p0 .LBB2_22-.Ltmp10, $3  }
0x10c: {  	_ =	sdelay $0x1  }
0x10d: {  	s0 =	sadd.s32 $0x10, s0;
	[tilespmem:v0+s25+$0x0] =	vst.idx.msk $0xffff, v1  }
0x10e: {  	s2 =	sadd.s32 $0x10, s2;
	v0 =	vld [tilespmem:s0+$0x0]  }
0x10f: {  	_ =	sdelay $0x1  }
0x110: {  	s0 =	sand.u32 $0x3F0, s31  }
0x111: {  	v1 =	vld [tilespmem:s0+$0x12C00];
	_ =	sdelay $0x4  }
0x112: {  	s31 =	simm.s32 $0x0;
	s2 =	rddreg [dreg:$0x17];
	[tilespmem:v0+s25+$0x0] =	vst.idx.msk $0xffff, v1  }
0x113: {  	[hbm4b:s2+s31] =	stream.linear.scatter [tilespmem:s25], [sflag:$0x2], $0x4000, $0x38;
	[tilespmem:$0x16400] =	vst v63  }
0x114: {  	_ =	swait.ge [sflag:s29], $0x4000  }
0x115: {  	[sflag:s29] =	ssyncset.done $0x0  }
0x116: {  	s3 =	rddreg [dreg:$0x1e];
	[sflag:s29] =	ssyncadd.s32 $0xFFFFC000  }
0x117: {  	[tilespmem:s25], [sflag:$0x1] =	stream.linear.gather [hbm4b:s3+s31], $0x4000, $0x38;
	[tilespmem:$0x16400] =	vst v63  }
0x118: {  	_ =	swait.ge [sflag:s28], $0x4000  }
0x119: {  	[sflag:s28] =	ssyncset.done $0x0  }
0x11a: {  	s0 =	simm.s32 $0x10000;
	[sflag:s28] =	ssyncadd.s32 $0xFFFFC000  }
0x11b: {  	s2 =	simm.s32 $0x10;
	v0 =	vld [tilespmem:s0+$0x0]  }
.LBB2_24:
0x11c: {  	p0 =	sne.s32 s2, $0x3F0  }
0x11d: {  	s3 =	sand.u32 $0x3F0, s31;
	s31 =	smov.u32 s2  }
0x11e: {  	v1 =	vld [tilespmem:s3+$0x13000];
	_ =	sdelay $0x1  }
.Ltmp11:
0x11f: {  	(pc) =	sbr.rel @p0 .LBB2_24-.Ltmp11, $3  }
0x120: {  	_ =	sdelay $0x1  }
0x121: {  	s0 =	sadd.s32 $0x10, s0;
	[tilespmem:v0+s26+$0x0] =	vst.idx.msk $0xffff, v1  }
0x122: {  	s2 =	sadd.s32 $0x10, s2;
	v0 =	vld [tilespmem:s0+$0x0]  }
0x123: {  	_ =	sdelay $0x1  }
0x124: {  	s0 =	sand.u32 $0x3F0, s31  }
0x125: {  	v1 =	vld [tilespmem:s0+$0x13000];
	_ =	sdelay $0x4  }
0x126: {  	s31 =	simm.s32 $0x0;
	s2 =	rddreg [dreg:$0x19];
	[tilespmem:v0+s26+$0x0] =	vst.idx.msk $0xffff, v1  }
0x127: {  	[hbm4b:s2+s31] =	stream.linear.scatter [tilespmem:s26], [sflag:$0x2], $0x4000, $0x38;
	[tilespmem:$0x16400] =	vst v63  }
0x128: {  	_ =	swait.ge [sflag:s29], $0x4000  }
0x129: {  	s3 =	sld [smem:$0x7FA]  }
0x12a: {  	[sflag:s29] =	ssyncset.done $0x0  }
0x12b: {  	[sflag:s29] =	ssyncadd.s32 $0xFFFFC000  }
0x12c: {  	[tilespmem:s26], [sflag:$0x1] =	stream.linear.gather [hbm4b:s3+s31], $0x4000, $0x38;
	[tilespmem:$0x16400] =	vst v63  }
0x12d: {  	_ =	swait.ge [sflag:s28], $0x4000  }
0x12e: {  	[sflag:s28] =	ssyncset.done $0x0  }
0x12f: {  	s0 =	simm.s32 $0x10000;
	[sflag:s28] =	ssyncadd.s32 $0xFFFFC000  }
0x130: {  	s2 =	simm.s32 $0x10;
	v0 =	vld [tilespmem:s0+$0x0]  }
.LBB2_26:
0x131: {  	p0 =	sne.s32 s2, $0x3F0  }
0x132: {  	s3 =	sand.u32 $0x3F0, s31;
	s31 =	smov.u32 s2  }
0x133: {  	v1 =	vld [tilespmem:s3+$0x13400];
	_ =	sdelay $0x1  }
.Ltmp12:
0x134: {  	(pc) =	sbr.rel @p0 .LBB2_26-.Ltmp12, $3  }
0x135: {  	_ =	sdelay $0x1  }
0x136: {  	s0 =	sadd.s32 $0x10, s0;
	[tilespmem:v0+s1+$0x0] =	vst.idx.msk $0xffff, v1  }
0x137: {  	s2 =	sadd.s32 $0x10, s2;
	v0 =	vld [tilespmem:s0+$0x0]  }
0x138: {  	_ =	sdelay $0x1  }
0x139: {  	s0 =	sand.u32 $0x3F0, s31  }
0x13a: {  	v1 =	vld [tilespmem:s0+$0x13400];
	_ =	sdelay $0x4  }
0x13b: {  	s31 =	simm.s32 $0x0;
	s2 =	rddreg [dreg:$0x1b];
	[tilespmem:v0+s1+$0x0] =	vst.idx.msk $0xffff, v1  }
0x13c: {  	[hbm4b:s2+s31] =	stream.linear.scatter [tilespmem:s31], [sflag:$0x2], $0x4000, $0x38;
	[tilespmem:$0x16400] =	vst v63  }
0x13d: {  	_ =	swait.ge [sflag:s29], $0x4000  }
0x13e: {  	s3 =	sld [smem:$0x7FC]  }
0x13f: {  	[sflag:s29] =	ssyncset.done $0x0  }
0x140: {  	[sflag:s29] =	ssyncadd.s32 $0xFFFFC000  }
0x141: {  	[tilespmem:s31], [sflag:$0x1] =	stream.linear.gather [hbm4b:s3+s31], $0x4000, $0x38;
	[tilespmem:$0x16400] =	vst v63  }
0x142: {  	_ =	swait.ge [sflag:s28], $0x4000  }
0x143: {  	[sflag:s28] =	ssyncset.done $0x0  }
0x144: {  	s0 =	simm.s32 $0x10000;
	[sflag:s28] =	ssyncadd.s32 $0xFFFFC000  }
0x145: {  	s2 =	simm.s32 $0x10;
	v0 =	vld [tilespmem:s0+$0x0]  }
.LBB2_28:
0x146: {  	p0 =	sne.s32 s2, $0x3F0  }
0x147: {  	s3 =	sand.u32 $0x3F0, s31;
	s31 =	smov.u32 s2  }
0x148: {  	v1 =	vld [tilespmem:s3+$0x13800];
	_ =	sdelay $0x1  }
.Ltmp13:
0x149: {  	(pc) =	sbr.rel @p0 .LBB2_28-.Ltmp13, $3  }
0x14a: {  	_ =	sdelay $0x1  }
0x14b: {  	s0 =	sadd.s32 $0x10, s0;
	[tilespmem:v0+s24+$0x0] =	vst.idx.msk $0xffff, v1  }
0x14c: {  	s2 =	sadd.s32 $0x10, s2;
	v0 =	vld [tilespmem:s0+$0x0]  }
0x14d: {  	_ =	sdelay $0x1  }
0x14e: {  	s0 =	sand.u32 $0x3F0, s31  }
0x14f: {  	v1 =	vld [tilespmem:s0+$0x13800];
	_ =	sdelay $0x4  }
0x150: {  	s31 =	simm.s32 $0x0;
	s3 =	rddreg [dreg:$0x1d];
	[tilespmem:v0+s24+$0x0] =	vst.idx.msk $0xffff, v1  }
0x151: {  	[hbm4b:s3+s31] =	stream.linear.scatter [tilespmem:s24], [sflag:$0x2], $0x4000, $0x38;
	[tilespmem:$0x16400] =	vst v63  }
0x152: {  	_ =	swait.ge [sflag:s29], $0x4000  }
0x153: {  	[sflag:s29] =	ssyncset.done $0x0  }
0x154: {  	[sflag:s29] =	ssyncadd.s32 $0xFFFFC000  }
0x155: {  	[tilespmem:s24], [sflag:$0x1] =	stream.linear.gather [hbm4b:s4+s31], $0x4000, $0x38;
	[tilespmem:$0x16400] =	vst v63  }
0x156: {  	_ =	swait.ge [sflag:s28], $0x4000  }
0x157: {  	[sflag:s28] =	ssyncset.done $0x0  }
0x158: {  	s0 =	simm.s32 $0x10000;
	[sflag:s28] =	ssyncadd.s32 $0xFFFFC000  }
0x159: {  	s2 =	simm.s32 $0x10;
	v0 =	vld [tilespmem:s0+$0x0]  }
.LBB2_30:
0x15a: {  	p0 =	sne.s32 s2, $0x3F0  }
0x15b: {  	s3 =	sand.u32 $0x3F0, s31;
	s31 =	smov.u32 s2  }
0x15c: {  	v1 =	vld [tilespmem:s3+$0x13C00];
	_ =	sdelay $0x1  }
.Ltmp14:
0x15d: {  	(pc) =	sbr.rel @p0 .LBB2_30-.Ltmp14, $3  }
0x15e: {  	_ =	sdelay $0x1  }
0x15f: {  	s0 =	sadd.s32 $0x10, s0;
	[tilespmem:v0+s25+$0x0] =	vst.idx.msk $0xffff, v1  }
0x160: {  	s2 =	sadd.s32 $0x10, s2;
	v0 =	vld [tilespmem:s0+$0x0]  }
0x161: {  	_ =	sdelay $0x1  }
0x162: {  	s0 =	sand.u32 $0x3F0, s31  }
0x163: {  	v1 =	vld [tilespmem:s0+$0x13C00];
	_ =	sdelay $0x4  }
0x164: {  	s31 =	simm.s32 $0x0;
	s3 =	rddreg [dreg:$0x1f];
	[tilespmem:v0+s25+$0x0] =	vst.idx.msk $0xffff, v1  }
0x165: {  	[hbm4b:s3+s31] =	stream.linear.scatter [tilespmem:s25], [sflag:$0x2], $0x4000, $0x38;
	[tilespmem:$0x16400] =	vst v63  }
0x166: {  	_ =	swait.ge [sflag:s29], $0x4000  }
0x167: {  	[sflag:s29] =	ssyncset.done $0x0  }
0x168: {  	[sflag:s29] =	ssyncadd.s32 $0xFFFFC000  }
0x169: {  	[tilespmem:s25], [sflag:$0x1] =	stream.linear.gather [hbm4b:s6+s31], $0x4000, $0x38;
	[tilespmem:$0x16400] =	vst v63  }
0x16a: {  	_ =	swait.ge [sflag:s28], $0x4000  }
0x16b: {  	[sflag:s28] =	ssyncset.done $0x0  }
0x16c: {  	s0 =	simm.s32 $0x10000;
	[sflag:s28] =	ssyncadd.s32 $0xFFFFC000  }
0x16d: {  	s2 =	simm.s32 $0x10;
	v0 =	vld [tilespmem:s0+$0x0]  }
.LBB2_32:
0x16e: {  	p0 =	sne.s32 s2, $0x3F0  }
0x16f: {  	s3 =	sand.u32 $0x3F0, s31;
	s31 =	smov.u32 s2  }
0x170: {  	v1 =	vld [tilespmem:s3+$0x14000];
	_ =	sdelay $0x1  }
.Ltmp15:
0x171: {  	(pc) =	sbr.rel @p0 .LBB2_32-.Ltmp15, $3  }
0x172: {  	_ =	sdelay $0x1  }
0x173: {  	s0 =	sadd.s32 $0x10, s0;
	[tilespmem:v0+s26+$0x0] =	vst.idx.msk $0xffff, v1  }
0x174: {  	s2 =	sadd.s32 $0x10, s2;
	v0 =	vld [tilespmem:s0+$0x0]  }
0x175: {  	_ =	sdelay $0x1  }
0x176: {  	s0 =	sand.u32 $0x3F0, s31  }
0x177: {  	v1 =	vld [tilespmem:s0+$0x14000];
	_ =	sdelay $0x2  }
0x178: {  	s3 =	sld [smem:$0x7FB];
	_ =	sdelay $0x1  }
0x179: {  	s31 =	simm.s32 $0x0;
	[tilespmem:v0+s26+$0x0] =	vst.idx.msk $0xffff, v1  }
0x17a: {  	[hbm4b:s3+s31] =	stream.linear.scatter [tilespmem:s26], [sflag:$0x2], $0x4000, $0x38;
	[tilespmem:$0x16400] =	vst v63  }
0x17b: {  	_ =	swait.ge [sflag:s29], $0x4000  }
0x17c: {  	[sflag:s29] =	ssyncset.done $0x0  }
0x17d: {  	[sflag:s29] =	ssyncadd.s32 $0xFFFFC000  }
0x17e: {  	[tilespmem:s26], [sflag:$0x1] =	stream.linear.gather [hbm4b:s8+s31], $0x4000, $0x38;
	[tilespmem:$0x16400] =	vst v63  }
0x17f: {  	_ =	swait.ge [sflag:s28], $0x4000  }
0x180: {  	[sflag:s28] =	ssyncset.done $0x0  }
0x181: {  	s0 =	simm.s32 $0x10000;
	[sflag:s28] =	ssyncadd.s32 $0xFFFFC000  }
0x182: {  	s2 =	simm.s32 $0x10;
	v0 =	vld [tilespmem:s0+$0x0]  }
.LBB2_34:
0x183: {  	p0 =	sne.s32 s2, $0x3F0  }
0x184: {  	s3 =	sand.u32 $0x3F0, s31;
	s31 =	smov.u32 s2  }
0x185: {  	v1 =	vld [tilespmem:s3+$0x14400];
	_ =	sdelay $0x1  }
.Ltmp16:
0x186: {  	(pc) =	sbr.rel @p0 .LBB2_34-.Ltmp16, $3  }
0x187: {  	_ =	sdelay $0x1  }
0x188: {  	s0 =	sadd.s32 $0x10, s0;
	[tilespmem:v0+s1+$0x0] =	vst.idx.msk $0xffff, v1  }
0x189: {  	s2 =	sadd.s32 $0x10, s2;
	v0 =	vld [tilespmem:s0+$0x0]  }
0x18a: {  	_ =	sdelay $0x1  }
0x18b: {  	s0 =	sand.u32 $0x3F0, s31  }
0x18c: {  	v1 =	vld [tilespmem:s0+$0x14400];
	_ =	sdelay $0x2  }
0x18d: {  	s3 =	sld [smem:$0x7FD];
	_ =	sdelay $0x1  }
0x18e: {  	s31 =	simm.s32 $0x0;
	[tilespmem:v0+s1+$0x0] =	vst.idx.msk $0xffff, v1  }
0x18f: {  	[hbm4b:s3+s31] =	stream.linear.scatter [tilespmem:s31], [sflag:$0x2], $0x4000, $0x38;
	[tilespmem:$0x16400] =	vst v63  }
0x190: {  	_ =	swait.ge [sflag:s29], $0x4000  }
0x191: {  	[sflag:s29] =	ssyncset.done $0x0  }
0x192: {  	[sflag:s29] =	ssyncadd.s32 $0xFFFFC000  }
0x193: {  	[tilespmem:s31], [sflag:$0x1] =	stream.linear.gather [hbm4b:s12+s31], $0x4000, $0x38;
	[tilespmem:$0x16400] =	vst v63  }
0x194: {  	_ =	swait.ge [sflag:s28], $0x4000  }
0x195: {  	[sflag:s28] =	ssyncset.done $0x0  }
0x196: {  	s0 =	simm.s32 $0x10000;
	[sflag:s28] =	ssyncadd.s32 $0xFFFFC000  }
0x197: {  	s2 =	simm.s32 $0x10;
	v0 =	vld [tilespmem:s0+$0x0]  }
.LBB2_36:
0x198: {  	p0 =	sne.s32 s2, $0x3F0  }
0x199: {  	s3 =	sand.u32 $0x3F0, s31;
	s31 =	smov.u32 s2  }
0x19a: {  	v1 =	vld [tilespmem:s3+$0x14800];
	_ =	sdelay $0x1  }
.Ltmp17:
0x19b: {  	(pc) =	sbr.rel @p0 .LBB2_36-.Ltmp17, $3  }
0x19c: {  	_ =	sdelay $0x1  }
0x19d: {  	s0 =	sadd.s32 $0x10, s0;
	[tilespmem:v0+s24+$0x0] =	vst.idx.msk $0xffff, v1  }
0x19e: {  	s2 =	sadd.s32 $0x10, s2;
	v0 =	vld [tilespmem:s0+$0x0]  }
0x19f: {  	_ =	sdelay $0x1  }
0x1a0: {  	s0 =	sand.u32 $0x3F0, s31  }
0x1a1: {  	v1 =	vld [tilespmem:s0+$0x14800];
	_ =	sdelay $0x4  }
0x1a2: {  	s31 =	simm.s32 $0x0;
	[tilespmem:v0+s24+$0x0] =	vst.idx.msk $0xffff, v1  }
0x1a3: {  	[hbm4b:s5+s31] =	stream.linear.scatter [tilespmem:s24], [sflag:$0x2], $0x4000, $0x38;
	[tilespmem:$0x16400] =	vst v63  }
0x1a4: {  	_ =	swait.ge [sflag:s29], $0x4000  }
0x1a5: {  	[sflag:s29] =	ssyncset.done $0x0  }
0x1a6: {  	[sflag:s29] =	ssyncadd.s32 $0xFFFFC000  }
0x1a7: {  	[tilespmem:s24], [sflag:$0x1] =	stream.linear.gather [hbm4b:s13+s31], $0x4000, $0x38;
	[tilespmem:$0x16400] =	vst v63  }
0x1a8: {  	_ =	swait.ge [sflag:s28], $0x4000  }
0x1a9: {  	[sflag:s28] =	ssyncset.done $0x0  }
0x1aa: {  	s0 =	simm.s32 $0x10000;
	[sflag:s28] =	ssyncadd.s32 $0xFFFFC000  }
0x1ab: {  	s2 =	simm.s32 $0x10;
	v0 =	vld [tilespmem:s0+$0x0]  }
.LBB2_38:
0x1ac: {  	p0 =	sne.s32 s2, $0x3F0  }
0x1ad: {  	s3 =	sand.u32 $0x3F0, s31;
	s31 =	smov.u32 s2  }
0x1ae: {  	v1 =	vld [tilespmem:s3+$0x14C00];
	_ =	sdelay $0x1  }
.Ltmp18:
0x1af: {  	(pc) =	sbr.rel @p0 .LBB2_38-.Ltmp18, $3  }
0x1b0: {  	_ =	sdelay $0x1  }
0x1b1: {  	s0 =	sadd.s32 $0x10, s0;
	[tilespmem:v0+s25+$0x0] =	vst.idx.msk $0xffff, v1  }
0x1b2: {  	s2 =	sadd.s32 $0x10, s2;
	v0 =	vld [tilespmem:s0+$0x0]  }
0x1b3: {  	_ =	sdelay $0x1  }
0x1b4: {  	s0 =	sand.u32 $0x3F0, s31  }
0x1b5: {  	v1 =	vld [tilespmem:s0+$0x14C00];
	_ =	sdelay $0x4  }
0x1b6: {  	s31 =	simm.s32 $0x0;
	[tilespmem:v0+s25+$0x0] =	vst.idx.msk $0xffff, v1  }
0x1b7: {  	[hbm4b:s7+s31] =	stream.linear.scatter [tilespmem:s25], [sflag:$0x2], $0x4000, $0x38;
	[tilespmem:$0x16400] =	vst v63  }
0x1b8: {  	_ =	swait.ge [sflag:s29], $0x4000  }
0x1b9: {  	[sflag:s29] =	ssyncset.done $0x0  }
0x1ba: {  	[sflag:s29] =	ssyncadd.s32 $0xFFFFC000  }
0x1bb: {  	[tilespmem:s25], [sflag:$0x1] =	stream.linear.gather [hbm4b:s14+s31], $0x4000, $0x38;
	[tilespmem:$0x16400] =	vst v63  }
0x1bc: {  	_ =	swait.ge [sflag:s28], $0x4000  }
0x1bd: {  	[sflag:s28] =	ssyncset.done $0x0  }
0x1be: {  	s0 =	simm.s32 $0x10000;
	[sflag:s28] =	ssyncadd.s32 $0xFFFFC000  }
0x1bf: {  	s2 =	simm.s32 $0x10;
	v0 =	vld [tilespmem:s0+$0x0]  }
.LBB2_40:
0x1c0: {  	p0 =	sne.s32 s2, $0x3F0  }
0x1c1: {  	s3 =	sand.u32 $0x3F0, s31;
	s31 =	smov.u32 s2  }
0x1c2: {  	v1 =	vld [tilespmem:s3+$0x15000];
	_ =	sdelay $0x1  }
.Ltmp19:
0x1c3: {  	(pc) =	sbr.rel @p0 .LBB2_40-.Ltmp19, $3  }
0x1c4: {  	_ =	sdelay $0x1  }
0x1c5: {  	s0 =	sadd.s32 $0x10, s0;
	[tilespmem:v0+s26+$0x0] =	vst.idx.msk $0xffff, v1  }
0x1c6: {  	s2 =	sadd.s32 $0x10, s2;
	v0 =	vld [tilespmem:s0+$0x0]  }
0x1c7: {  	_ =	sdelay $0x1  }
0x1c8: {  	s0 =	sand.u32 $0x3F0, s31  }
0x1c9: {  	v1 =	vld [tilespmem:s0+$0x15000];
	_ =	sdelay $0x4  }
0x1ca: {  	s31 =	simm.s32 $0x0;
	[tilespmem:v0+s26+$0x0] =	vst.idx.msk $0xffff, v1  }
0x1cb: {  	[hbm4b:s9+s31] =	stream.linear.scatter [tilespmem:s26], [sflag:$0x2], $0x4000, $0x38;
	[tilespmem:$0x16400] =	vst v63  }
0x1cc: {  	_ =	swait.ge [sflag:s29], $0x4000  }
0x1cd: {  	[sflag:s29] =	ssyncset.done $0x0  }
0x1ce: {  	[sflag:s29] =	ssyncadd.s32 $0xFFFFC000  }
0x1cf: {  	[tilespmem:s26], [sflag:$0x1] =	stream.linear.gather [hbm4b:s15+s31], $0x4000, $0x38;
	[tilespmem:$0x16400] =	vst v63  }
0x1d0: {  	_ =	swait.ge [sflag:s28], $0x4000  }
0x1d1: {  	[sflag:s28] =	ssyncset.done $0x0  }
0x1d2: {  	s0 =	simm.s32 $0x10000;
	[sflag:s28] =	ssyncadd.s32 $0xFFFFC000  }
0x1d3: {  	s2 =	simm.s32 $0x10;
	v0 =	vld [tilespmem:s0+$0x0]  }
.LBB2_42:
0x1d4: {  	p0 =	sne.s32 s2, $0x3F0  }
0x1d5: {  	s3 =	sand.u32 $0x3F0, s31;
	s31 =	smov.u32 s2  }
0x1d6: {  	v1 =	vld [tilespmem:s3+$0x15400];
	_ =	sdelay $0x1  }
.Ltmp20:
0x1d7: {  	(pc) =	sbr.rel @p0 .LBB2_42-.Ltmp20, $3  }
0x1d8: {  	_ =	sdelay $0x1  }
0x1d9: {  	s0 =	sadd.s32 $0x10, s0;
	[tilespmem:v0+s1+$0x0] =	vst.idx.msk $0xffff, v1  }
0x1da: {  	s2 =	sadd.s32 $0x10, s2;
	v0 =	vld [tilespmem:s0+$0x0]  }
0x1db: {  	_ =	sdelay $0x1  }
0x1dc: {  	s0 =	sand.u32 $0x3F0, s31  }
0x1dd: {  	v1 =	vld [tilespmem:s0+$0x15400];
	_ =	sdelay $0x4  }
0x1de: {  	s31 =	simm.s32 $0x0;
	[tilespmem:v0+s1+$0x0] =	vst.idx.msk $0xffff, v1  }
0x1df: {  	[hbm4b:s16+s31] =	stream.linear.scatter [tilespmem:s31], [sflag:$0x2], $0x4000, $0x38;
	[tilespmem:$0x16400] =	vst v63  }
0x1e0: {  	_ =	swait.ge [sflag:s28], $0x4000  }
0x1e1: {  	[sflag:s28] =	ssyncset.done $0x0  }
0x1e2: {  	s0 =	simm.s32 $0x10000;
	[sflag:s28] =	ssyncadd.s32 $0xFFFFC000  }
0x1e3: {  	s2 =	simm.s32 $0x10;
	v0 =	vld [tilespmem:s0+$0x0]  }
.LBB2_44:
0x1e4: {  	p0 =	sne.s32 s2, $0x3F0  }
0x1e5: {  	s3 =	sand.u32 $0x3F0, s31;
	s31 =	smov.u32 s2  }
0x1e6: {  	v1 =	vld [tilespmem:s3+$0x15800];
	_ =	sdelay $0x1  }
.Ltmp21:
0x1e7: {  	(pc) =	sbr.rel @p0 .LBB2_44-.Ltmp21, $3  }
0x1e8: {  	_ =	sdelay $0x1  }
0x1e9: {  	s0 =	sadd.s32 $0x10, s0;
	[tilespmem:v0+s24+$0x0] =	vst.idx.msk $0xffff, v1  }
0x1ea: {  	s2 =	sadd.s32 $0x10, s2;
	v0 =	vld [tilespmem:s0+$0x0]  }
0x1eb: {  	_ =	sdelay $0x1  }
0x1ec: {  	s0 =	sand.u32 $0x3F0, s31  }
0x1ed: {  	v1 =	vld [tilespmem:s0+$0x15800];
	_ =	sdelay $0x4  }
0x1ee: {  	s31 =	simm.s32 $0x0;
	[tilespmem:v0+s24+$0x0] =	vst.idx.msk $0xffff, v1  }
0x1ef: {  	[hbm4b:s17+s31] =	stream.linear.scatter [tilespmem:s24], [sflag:$0x2], $0x4000, $0x38;
	[tilespmem:$0x16400] =	vst v63  }
0x1f0: {  	_ =	swait.ge [sflag:s28], $0x4000  }
0x1f1: {  	[sflag:s28] =	ssyncset.done $0x0  }
0x1f2: {  	s0 =	simm.s32 $0x10000;
	[sflag:s28] =	ssyncadd.s32 $0xFFFFC000  }
0x1f3: {  	s2 =	simm.s32 $0x10;
	v0 =	vld [tilespmem:s0+$0x0]  }
.LBB2_46:
0x1f4: {  	p0 =	sne.s32 s2, $0x3F0  }
0x1f5: {  	s3 =	sand.u32 $0x3F0, s31;
	s31 =	smov.u32 s2  }
0x1f6: {  	v1 =	vld [tilespmem:s3+$0x15C00];
	_ =	sdelay $0x1  }
.Ltmp22:
0x1f7: {  	(pc) =	sbr.rel @p0 .LBB2_46-.Ltmp22, $3  }
0x1f8: {  	_ =	sdelay $0x1  }
0x1f9: {  	s0 =	sadd.s32 $0x10, s0;
	[tilespmem:v0+s25+$0x0] =	vst.idx.msk $0xffff, v1  }
0x1fa: {  	s2 =	sadd.s32 $0x10, s2;
	v0 =	vld [tilespmem:s0+$0x0]  }
0x1fb: {  	_ =	sdelay $0x1  }
0x1fc: {  	s0 =	sand.u32 $0x3F0, s31  }
0x1fd: {  	v1 =	vld [tilespmem:s0+$0x15C00];
	_ =	sdelay $0x4  }
0x1fe: {  	s31 =	simm.s32 $0x0;
	[tilespmem:v0+s25+$0x0] =	vst.idx.msk $0xffff, v1  }
0x1ff: {  	[hbm4b:s18+s31] =	stream.linear.scatter [tilespmem:s25], [sflag:$0x2], $0x4000, $0x38;
	[tilespmem:$0x16400] =	vst v63  }
0x200: {  	_ =	swait.ge [sflag:s28], $0x4000  }
0x201: {  	[sflag:s28] =	ssyncset.done $0x0  }
0x202: {  	s0 =	simm.s32 $0x10000;
	[sflag:s28] =	ssyncadd.s32 $0xFFFFC000  }
0x203: {  	s2 =	simm.s32 $0x10;
	v0 =	vld [tilespmem:s0+$0x0]  }
.LBB2_48:
0x204: {  	p0 =	sne.s32 s2, $0x3F0  }
0x205: {  	s3 =	sand.u32 $0x3F0, s31;
	s31 =	smov.u32 s2  }
0x206: {  	v1 =	vld [tilespmem:s3+$0x16000];
	_ =	sdelay $0x1  }
.Ltmp23:
0x207: {  	(pc) =	sbr.rel @p0 .LBB2_48-.Ltmp23, $3  }
0x208: {  	_ =	sdelay $0x1  }
0x209: {  	s0 =	sadd.s32 $0x10, s0;
	[tilespmem:v0+s26+$0x0] =	vst.idx.msk $0xffff, v1  }
0x20a: {  	s2 =	sadd.s32 $0x10, s2;
	v0 =	vld [tilespmem:s0+$0x0]  }
0x20b: {  	_ =	sdelay $0x1  }
0x20c: {  	s0 =	sand.u32 $0x3F0, s31  }
0x20d: {  	v1 =	vld [tilespmem:s0+$0x16000];
	_ =	sdelay $0x4  }
0x20e: {  	[tilespmem:v0+s26+$0x0] =	vst.idx.msk $0xffff, v1  }
0x20f: {  	[hbm4b:s19+s1] =	stream.linear.scatter [tilespmem:s26], [sflag:$0x2], $0x4000, $0x38;
	[tilespmem:$0x16400] =	vst v63  }
0x210: {  	_ =	swait.ge [sflag:s29], $0x4000  }
0x211: {  	[sflag:s29] =	ssyncset.done $0x0  }
0x212: {  	[sflag:s29] =	ssyncadd.s32 $0xFFFFC000  }
0x213: {  	_ =	swait.ge [sflag:s29], $0x4000  }
0x214: {  	[sflag:s29] =	ssyncset.done $0x0  }
0x215: {  	s30 =	sadd.s32 $0x1, s30;
	[sflag:s29] =	ssyncadd.s32 $0xFFFFC000  }
0x216: {  	p0 =	sne.s32 s30, s22;
	_ =	swait.ge [sflag:s29], $0x4000  }
.Ltmp24:
0x217: {  	[sflag:s29] =	ssyncset.done $0x0;
	(pc) =	sbr.rel @p0 .LBB2_1-.Ltmp24, $4  }
0x218: {  	[sflag:s29] =	ssyncadd.s32 $0xFFFFC000  }
0x219: {  	_ =	swait.ge [sflag:s29], $0x4000  }
0x21a: {  	[sflag:s29] =	ssyncset.done $0x0  }
0x21b: {  	[sflag:s29] =	ssyncadd.s32 $0xFFFFC000  }
0x21c: {  	_ =	sfence.sel $0x180000  }
0x21d: {  	[bflag:$0x0] =	sbarrier.arrive $0xFFFF  }
0x21e: {  	_ =	strace $0x9000004D  }
0x21f: {  	s0 =	stileid.u32;
	[bflag:$0x2] =	sbarrier.arrive $0xFFFF  }
0x220: {  	p0 =	sne.s32 s0, $0x0;
	s0 =	rddreg [dreg:$0x3]  }
0x221: {  	s0 =	sadd.s32 @!p0 $0x100000, s0  }
0x222: {  	[sflag:s0] =	ssyncadd.tile.s32 @!p0 $0x1;
	_ =	shalt  }
.Lfunc_end2:
_tile_overlayer_lowered:
.L_overlay_start_2:
0x223: {  	(tag) =	ssettag $0x2  }
0x224: {  	s0 =	rddreg [dreg:$0x0];
	s2 =	stileid.u32  }
0x225: {  	s1 =	rddreg [dreg:$0x1];
	p0 =	sne.s32 s2, $0x0  }
0x226: {  	s3 =	rddreg [dreg:$0x2];
	[bflag:$0x3] =	sbarrier.arrive $0xFFFF;
	s2 =	simm.s32 @!p0 $0x1C03  }
0x227: {  	[timem:s3], [sflag:s2] =	dma.local @!p0 [hbm:s0], s1  }
0x228: {  	s0 =	simm.s32 @!p0 $0x3  }
0x229: {  	_ =	swait.ge @!p0 [sflag:s0], s1  }
0x22a: {  	s1 =	ssub.s32 @!p0 $0x0, s1;
	[sflag:s0] =	ssyncset.done @!p0 $0x0  }
0x22b: {  	[sflag:s0] =	ssyncadd.s32 @!p0 s1  }
0x22c: {  	[bflag:$0x3] =	sbarrier.arrive $0xFFFF  }
0x22d: {  	_ =	shalt  }

// kernel: kernel.8.cloned.1.call-start
scs
__scs_entry_jumppad:
0x0: {  	(pc) =	sbr.rel $0x88, $3  }
0x1: {  	(tag) =	ssettag $0x0;
	lr =	simm.s32 $0x1  }
0x2: {  	[smem:$0x3F96] =	sst lr;
	_ =	strace $0xD0000000  }
0x3: {  	_ = 	snop  }
0x4: {  	_ = 	snop  }
0x5: {  	_ = 	snop  }
0x6: {  	_ = 	snop  }
0x7: {  	_ = 	snop  }
__scs_overlays_trampoline_lowered:
0x8: {  	[smem:$0x3FA5] =	sst s0  }
0x9: {  	[smem:$0x3FA6] =	sst s1  }
0xa: {  	[smem:$0x3FA7] =	sst s2  }
0xb: {  	[smem:$0x3FA8] =	sst s3  }
0xc: {  	[smem:$0x3FA9] =	sst s4  }
0xd: {  	[smem:$0x3FAA] =	sst s5  }
0xe: {  	[smem:$0x3FAB] =	sst s6  }
0xf: {  	[smem:$0x3FAC] =	sst s7  }
0x10: {  	[smem:$0x3FAD] =	sst s8  }
0x11: {  	[smem:$0x3FAE] =	sst s9;
	s0 =	simm.s32 @!p0 $0x0  }
0x12: {  	s1 =	sld [smem:$0x3F94];
	s0 =	simm.s32 @p0 $0x1  }
0x13: {  	[smem:$0x3FAF] =	sst s0;
	s0 =	simm.s32 @!p1 $0x0  }
0x14: {  	s2 =	sld [smem:$0x3F93];
	s0 =	simm.s32 @p1 $0x1  }
0x15: {  	[smem:$0x3FB0] =	sst s0;
	s0 =	simm.s32 @!p2 $0x0  }
0x16: {  	s3 =	sld [smem:$0x3FDB];
	s0 =	simm.s32 @p2 $0x1  }
0x17: {  	s4 =	simm.s32 $0x1BF5;
	[smem:$0x3FB2] =	sst s0  }
0x18: {  	s0 =	sld [smem:$0x3F95];
	_ =	swait.ge [sflag:s4], $0x0  }
0x19: {  	s7 =	sld [smem:$0x3F96]  }
0x1a: {  	s8 =	sadd.s32 $0xFFFFE003, lr  }
0x1b: {  	s9 =	sadd.s32 $0xFFFFFEF7, lr;
	s5 =	simm.s32 $0xFFFFFFFF;
	p2 =	slt.u32 s8, $0xFFFFF086  }
0x1c: {  	p1 =	slt.u32 s9, $0xF7A;
	s5 =	simm.s32 @!p2 $0x0  }
0x1d: {  	s5 =	simm.s32 @p1 $0x1;
	p0 =	seq.s32 s7, s2  }
0x1e: {  	s7 =	smul.u32 @!p0 $0xF7A, s2;
	p2 =	seq.s32 @!p0 s5, $0x0  }
0x1f: {  	s9 =	smul.u32 $0xF7A, s1;
	s8 =	simm.s32 @!p0 $0x1BF5;
	p2 =	por !p2, p0  }
0x20: {  	[sflag:s8] =	ssyncset.s32 @!p0 $0xFFFFF086;
	s6 =	sadd.s32 @!p0 s3, s7;
	s7 =	simm.s32 @!p0 $0x108  }
0x21: {  	s3 =	sadd.s32 s3, s9;
	s6 =	sadd.s32 @!p0 $0x88, s6;
	s7 =	simm.s32 @p2 $0x1082  }
0x22: {  	[simem:s7], [sflag:s8] =	dma.local @!p0 [hbm:s6], $0xF7A  }
0x23: {  	s9 =	sor.u32 $0xD0000000, s2;
	s6 =	simm.s32 $0x108;
	_ =	swait.ge @!p0 [sflag:s8], $0x0  }
0x24: {  	s3 =	sadd.s32 $0x88, s3;
	s6 =	simm.s32 @!p1 $0x1082;
	[sflag:s4] =	ssyncset.s32 $0xFFFFF086  }
0x25: {  	[simem:s6], [sflag:s4] =	dma.local [hbm:s3], $0xF7A  }
0x26: {  	[smem:$0x3F96] =	sst s1;
	(tag) =	ssettag s2;
	_ =	strace s9  }
0x27: {  	s1 =	sld [smem:$0x3FA6]  }
0x28: {  	s2 =	sld [smem:$0x3FA7]  }
0x29: {  	s4 =	sld [smem:$0x3FA9]  }
0x2a: {  	p0 =	seq.s32 s5, $0x0;
	s5 =	sld [smem:$0x3FAA]  }
0x2b: {  	s6 =	sld [smem:$0x3FAB]  }
0x2c: {  	s7 =	sld [smem:$0x3FAC]  }
0x2d: {  	s3 =	simm.s32 $0x108;
	s8 =	sld [smem:$0x3FAD]  }
0x2e: {  	s3 =	simm.s32 @!p0 $0x1082;
	s9 =	sld [smem:$0x3FAE]  }
0x2f: {  	lr =	sadd.s32 s0, s3;
	s0 =	sld [smem:$0x3FA5]  }
0x30: {  	s3 =	sld [smem:$0x3FA8]  }
0x31: {  	[smem:$0x3FB1] =	sst s10  }
0x32: {  	s10 =	sld [smem:$0x3FAF];
	_ =	sdelay $0x3  }
0x33: {  	p0 =	seq.s32 s10, $0x1;
	s10 =	sld [smem:$0x3FB1];
	_ =	sdelay $0x3  }
0x34: {  	[smem:$0x3FB1] =	sst s10  }
0x35: {  	s10 =	sld [smem:$0x3FB0];
	_ =	sdelay $0x3  }
0x36: {  	p1 =	seq.s32 s10, $0x1;
	s10 =	sld [smem:$0x3FB1];
	_ =	sdelay $0x3  }
0x37: {  	[smem:$0x3FB1] =	sst s10  }
0x38: {  	s10 =	sld [smem:$0x3FB2]  }
0x39: {  	_ = 	snop;
	(pc) =	sbr.ind lr, $3  }
0x3a: {  	_ = 	snop  }
0x3b: {  	_ = 	snop  }
0x3c: {  	p2 =	seq.s32 s10, $0x1;
	s10 =	sld [smem:$0x3FB1]  }
0x3d: {  	_ =	shalt  }
0x3e: {  	_ =	shalt  }
0x3f: {  	_ =	shalt  }
0x40: {  	_ =	shalt  }
0x41: {  	_ =	shalt  }
0x42: {  	_ =	shalt  }
0x43: {  	_ =	shalt  }
0x44: {  	_ =	shalt  }
0x45: {  	_ =	shalt  }
0x46: {  	_ =	shalt  }
0x47: {  	_ =	shalt  }
0x48: {  	_ =	shalt  }
0x49: {  	_ =	shalt  }
0x4a: {  	_ =	shalt  }
0x4b: {  	_ =	shalt  }
0x4c: {  	_ =	shalt  }
0x4d: {  	_ =	shalt  }
0x4e: {  	_ =	shalt  }
0x4f: {  	_ =	shalt  }
0x50: {  	_ =	shalt  }
0x51: {  	_ =	shalt  }
0x52: {  	_ =	shalt  }
0x53: {  	_ =	shalt  }
0x54: {  	_ =	shalt  }
0x55: {  	_ =	shalt  }
0x56: {  	_ =	shalt  }
0x57: {  	_ =	shalt  }
0x58: {  	_ =	shalt  }
0x59: {  	_ =	shalt  }
0x5a: {  	_ =	shalt  }
0x5b: {  	_ =	shalt  }
0x5c: {  	_ =	shalt  }
0x5d: {  	_ =	shalt  }
0x5e: {  	_ =	shalt  }
0x5f: {  	_ =	shalt  }
0x60: {  	_ =	shalt  }
0x61: {  	_ =	shalt  }
0x62: {  	_ =	shalt  }
0x63: {  	_ =	shalt  }
0x64: {  	_ =	shalt  }
0x65: {  	_ =	shalt  }
0x66: {  	_ =	shalt  }
0x67: {  	_ =	shalt  }
0x68: {  	_ =	shalt  }
0x69: {  	_ =	shalt  }
0x6a: {  	_ =	shalt  }
0x6b: {  	_ =	shalt  }
0x6c: {  	_ =	shalt  }
0x6d: {  	_ =	shalt  }
0x6e: {  	_ =	shalt  }
0x6f: {  	_ =	shalt  }
0x70: {  	_ =	shalt  }
0x71: {  	_ =	shalt  }
0x72: {  	_ =	shalt  }
0x73: {  	_ =	shalt  }
0x74: {  	_ =	shalt  }
0x75: {  	_ =	shalt  }
0x76: {  	_ =	shalt  }
0x77: {  	_ =	shalt  }
0x78: {  	_ =	shalt  }
0x79: {  	_ =	shalt  }
0x7a: {  	_ =	shalt  }
0x7b: {  	_ =	shalt  }
0x7c: {  	_ =	shalt  }
0x7d: {  	_ =	shalt  }
0x7e: {  	_ =	shalt  }
0x7f: {  	_ =	shalt  }
0x80: {  	_ =	shalt  }
0x81: {  	_ =	shalt  }
0x82: {  	_ =	shalt  }
0x83: {  	_ =	shalt  }
0x84: {  	_ =	shalt  }
0x85: {  	_ =	shalt  }
0x86: {  	_ =	shalt  }
0x87: {  	_ =	shalt  }
.Lfunc_end0:
.L_simem_size_0:
called_computation_lowered:
.L_overlay_start_0:
0x88: {  	s2 =	sld [smem:$0x3FD9]  }
0x89: {  	s3 =	sld [smem:$0x3FFE];
	_ =	sdelay $0x1  }
0x8a: {  	s1 =	srdreg.scid  }
0x8b: {  	s0 =	sand.u32 $0x1, s1  }
0x8c: {  	s17 =	sshll.u32 s0, $0xA;
	s2 =	sadd.s32 s3, s2  }
0x8d: {  	s2 =	sadd.s32 s2, s17  }
0x8e: {  	[smem:$0x3FBD] =	sst s2  }
0x8f: {  	_ = 	snop  }
0x90: {  	s2 =	sld [smem:$0x3FD0];
	(tm) =	ssettm $0x1  }
0x91: {  	s18 =	sld [smem:$0x3FFB];
	_ =	sdelay $0x3  }
0x92: {  	_ =	strace s18  }
0x93: {  	s3 =	sld [smem:$0x3FFC];
	_ =	sdelay $0x3  }
0x94: {  	_ =	strace s3  }
0x95: {  	s3 =	sld [smem:$0x3FFD];
	_ =	sdelay $0x3  }
0x96: {  	_ =	strace s3  }
0x97: {  	_ =	strace $0x8FFFFFFF  }
0x98: {  	s19 =	sld [smem:$0x3FDB];
	_ =	sdelay $0x1  }
0x99: {  	s4 =	simm.s32 $_scs_section_size  }
0x9a: {  	s5 =	simm.s32 $_size__tile_overlayer_lowered;
	s6 =	simm.s32 $_tile_overlayer_lowered  }
0x9b: {  	s22 =	simm.s32 $0x1BFF;
	s21 =	sshll.u32 s6, $0x1;
	s3 =	sadd.s32 s4, s19  }
0x9c: {  	s7 =	simm.s32 $0x0;
	s20 =	sshll.u32 s5, $0x1;
	s5 =	sadd.s32 s21, s3  }
0x9d: {  	[timem:s7], [sflag:s22] =	dma.local [hbm:s5], s20  }
0x9e: {  	_ =	swait.ge [sflag:s22], s20  }
0x9f: {  	s4 =	ssub.s32 $0x0, s20;
	[sflag:s22] =	ssyncset.done $0x0  }
0xa0: {  	[sflag:s22] =	ssyncadd.s32 s4;
	_ =	sdelay $0x1  }
0xa1: {  	s23 =	simm.s32 $0x1B8B  }
0xa2: {  	_ =	swait.ge [sflag:s23], $0x1  }
0xa3: {  	[sflag:s23] =	ssyncset.done $0x0  }
0xa4: {  	s25 =	simm.s32 $0x1B8E;
	s24 =	sld [smem:$0x3FFE];
	[sflag:s23] =	ssyncadd.s32 $0xFFFFFFFF  }
0xa5: {  	s26 =	simm.s32 $execute0_lowered;
	[smem:$0x3FD2] =	sst s25  }
0xa6: {  	s5 =	sshll.u32 s26, $0x1;
	_ =	strace $0x80000046;
	[dreg:$0x1] =	wrdreg $0xFFFFFFFF  }
0xa7: {  	s28 =	simm.s32 $_size_execute0_lowered;
	s3 =	sadd.s32 s3, s5;
	[dreg:$0x0] =	wrdreg $0x0  }
0xa8: {  	s5 =	sshll.u32 s28, $0x1;
	[dreg:$0x2] =	wrdreg s3  }
0xa9: {  	[dreg:$0x3] =	wrdreg s5  }
0xaa: {  	[dreg:$0x4] =	wrdreg $0xC0  }
0xab: {  	_ =	task [dreg:s7], $0x5FFFF  }
0xac: {  	[dreg:$0x1] =	wrdreg $0xFFFFFFFF  }
0xad: {  	[dreg:$0x0] =	wrdreg $0x60  }
0xae: {  	[dreg:$0x2] =	wrdreg s2  }
0xaf: {  	[dreg:$0x3] =	wrdreg s24  }
0xb0: {  	[dreg:$0x4] =	wrdreg $0x9  }
0xb1: {  	_ =	task.clear_ibuf [dreg:s7], $0x5FFFF;
	_ =	strace $0x90000046  }
0xb2: {  	s29 =	simm.s32 $0x9;
	_ =	strace $0x80000048  }
0xb3: {  	_ =	swait.ge [sflag:s29], $0x1  }
0xb4: {  	[sflag:s29] =	ssyncadd.s32 $0xFFFFFFFF  }
0xb5: {  	_ =	strace $0x90000048  }
0xb6: {  	_ =	sfence  }
0xb7: {  	s30 =	sld [smem:$0x0];
	_ =	sdelay $0x2  }
0xb8: {  	s31 =	sshll.u32 s1, $0xD;
	s1 =	sshrl.u32 s1, $0x2  }
0xb9: {  	s3 =	sand.u32 $0x4000, s31;
	s1 =	sadd.s32 s1, s30  }
0xba: {  	s0 =	sor.u32 s3, s0;
	s1 =	sshll.u32 s1, $0x11  }
0xbb: {  	s0 =	sor.u32 s1, s0  }
0xbc: {  	s0 =	sadd.s32 $0x8F2B, s0  }
0xbd: {  	[sflag:s0] =	ssyncadd.remote.s32 $0x1  }
0xbe: {  	_ =	sfence.sel $0xFFFF  }
0xbf: {  	[dreg:$0x0] =	wrdreg $0xFFFFFFFF;
	(pc) =	sbr.abs _section_cstart, $3  }
0xc0: {  	[dreg:$0x1] =	wrdreg $0xFFFFFFFF  }
0xc1: {  	_ =	task.clear_ibuf [dreg:s7], $0x2FFFF;
	_ =	strace $0x9FFFFFFF  }
0xc2: {  	(tm) =	ssettm $0x7FFFFFFF  }
0xc3: {  	_ =	shalt  }
tec
execute0_lowered:
.L_overlay_start_1:
0x0: {  	(tag) =	ssettag $0x1  }
0x1: {  	s1 =	stileid.u32  }
0x2: {  	p0 =	sgt.u32 s1, $0x7  }
.Ltmp0:
0x3: {  	_ = 	snop;
	(pc) =	sbr.rel @p0 .LBB2_7-.Ltmp0, $4  }
0x4: {  	s4 =	rddreg [dreg:$0x0]  }
0x5: {  	s3 =	rddreg [dreg:$0x1];
	s2 =	simm.s32 $0x0  }
0x6: {  	[smem:$0x7FF] =	sst s2  }
0x7: {  	s0 =	rddreg [dreg:$0x2];
	_ =	strace $0x80000047  }
0x8: {  	s5 =	srdreg.scid  }
0x9: {  	s6 =	sshll.u32 s1, $0x1;
	s7 =	sshrl.u32 s1, $0x2;
	s29 =	sadd.s32 $0x2000, s3  }
0xa: {  	p0 =	slt.u32 s1, $0x4;
	s10 =	simm.s32 $0x4000;
	s5 =	sand.u32 $0x1, s5  }
0xb: {  	s11 =	simm.s32 $0x4080;
	s12 =	simm.s32 $0x4500;
	s6 =	sor.u32 s5, s6  }
0xc: {  	s9 =	sshll.u32 s7, $0xA;
	s7 =	sshll.u32 s7, $0xD;
	s8 =	sshll.u32 s6, $0x7  }
0xd: {  	s5 =	ssub.s32 $0x2, s5;
	s6 =	sshll.u32 s6, $0x4;
	s8 =	sand.u32 $0x380, s8  }
0xe: {  	s31 =	sshrl.u32 s5, $0x1;
	s9 =	sor.u32 s9, s8;
	s7 =	sor.u32 s7, s8  }
0xf: {  	s30 =	sand.u32 $0x70, s6;
	s28 =	sshrl.u32 s9, $0x3;
	s7 =	sshrl.u32 s7, $0x3  }
0x10: {  	s9 =	simm.s32 $0x1;
	s8 =	sadd.s32 s28, s3;
	s7 =	sadd.s32 s7, s3  }
0x11: {  	s3 =	sadd.s32 $0x6000, s8;
	s8 =	sadd.s32 s4, s6;
	s4 =	sadd.s32 s29, s30  }
0x12: {  	s6 =	ssub.s32 s5, s31;
	s5 =	sadd.s32 $0x6200, s7;
	s7 =	simm.s32 $0x80  }
0x13: {  	v0 =	vlaneseq.u32;
	v1 =	vimm.s32 $0x0;
	s6 =	smax.u32 s6, $0x1;
	s4 =	smov.u32 @p0 s8;
	s8 =	simm.s32 $0x400  }
.LBB2_2:
0x14: {  	s13 =	simm.s32 $0x0  }
0x15: {  	[tilespmem:s13], [sflag:$0x1] =	stream.strided.gather [hbm4b:s4+s7], $0x4000, s8, s7, $0x38;
	[tilespmem:$0x8580] =	vst v63  }
0x16: {  	_ =	swait.ge [sflag:s9], $0x4000  }
0x17: {  	[sflag:s9] =	ssyncset.done $0x0  }
0x18: {  	[sflag:s9] =	ssyncadd.s32 $0xFFFFC000  }
0x19: {  	[tilespmem:s10], [sflag:$0x1] =	stream.linear.gather [hbm4b:s3+s13], $0x80, $0x38;
	[tilespmem:$0x8580] =	vst v63  }
0x1a: {  	_ =	swait.ge [sflag:s9], $0x80  }
0x1b: {  	[sflag:s9] =	ssyncset.done $0x0  }
0x1c: {  	[sflag:s9] =	ssyncadd.s32 $0xFFFFFF80  }
0x1d: {  	v2 =	vld [tilespmem:$0x4000]  }
0x1e: {  	v3 =	vld [tilespmem:s13+$0x0];
	_ =	sdelay $0x4  }
0x1f: {  	vm0 =	vgt.f32 v3, v2  }
0x20: {  	vm1 =	veq.f32 v3, v2;
	v3 =	vsel vm0, $0x1, v1  }
0x21: {  	v4 =	vsel vm1, $0x1, v1;
	(xrf0) =	vadd.scan.msk.s32 $0xffff, v3  }
0x22: {  	(xrf0) =	vadd.scan.msk.s32 $0xffff, v4;
	_ =	sdelay $0x1  }
0x23: {  	v3 =	vmov s13  }
0x24: {  	v3 =	vadd.s32 $0xFFFFFFFF, v3  }
0x25: {  	v3 =	vbroadcast v3, $0x0  }
0x26: {  	v4, _, _ =	vpop (xrf0)  }
0x27: {  	v5 =	vadd.s32 v4, v3;
	v6, _, _ =	vpop (xrf0);
	(v2sf) =	vpush v4, $0xF  }
0x28: {  	v5 =	vnsel vm0, $0x40F, v5;
	v3 =	vadd.s32 v6, v3;
	(v2sf) =	vpush v6, $0xF  }
0x29: {  	v3 =	vnsel vm1, $0x400F, v3;
	_ =	sdelay $0x2  }
0x2a: {  	v7 =	vor.u32 s13, v0  }
0x2b: {  	[tilespmem:v5+s11+$0x0] =	vst.idx.msk $0xffff, v7  }
0x2c: {  	s14 =	simm.s32 $0x10;
	[tilespmem:v3+s12+$0x0] =	vst.idx.msk $0xffff, v7  }
0x2d: {  	s16 =	simm.s32 $0x20;
	s15 =	simm.s32 $0x0;
	s17 =	simm.s32 $0x10;
	v3 =	vld [tilespmem:s14+$0x0]  }
.LBB2_3:
0x2e: {  	p0 =	sne.s32 s16, $0x3FF0;
	_ =	sdelay $0x3  }
0x2f: {  	vm1 =	vgt.f32 v3, v2;
	vm0 =	veq.f32 v3, v2  }
0x30: {  	v3 =	vsel vm1, $0x1, v1  }
0x31: {  	v4 =	vsel vm0, $0x1, v1;
	(xrf0) =	vadd.scan.msk.s32 $0xffff, v3;
	s18 =	spop (v2sf)  }
0x32: {  	(xrf0) =	vadd.scan.msk.s32 $0xffff, v4;
	s13 =	sadd.s32 s13, s18;
	s18 =	spop (v2sf)  }
0x33: {  	v3 =	vmov s13;
	s15 =	sadd.s32 s15, s18  }
0x34: {  	v3 =	vadd.s32 $0xFFFFFFFF, v3  }
0x35: {  	v4 =	vmov s15;
	v3 =	vbroadcast v3, $0x0  }
0x36: {  	v4 =	vadd.s32 $0xFFFFFFFF, v4  }
0x37: {  	v4 =	vbroadcast v4, $0x0;
	v5, _, _ =	vpop (xrf0)  }
0x38: {  	v3 =	vadd.s32 v5, v3;
	v6, _, _ =	vpop (xrf0);
	(v2sf) =	vpush v5, $0xF  }
0x39: {  	v3 =	vnsel vm1, $0x40F, v3;
	v4 =	vadd.s32 v6, v4;
	(v2sf) =	vpush v6, $0xF  }
0x3a: {  	v4 =	vnsel vm0, $0x400F, v4;
	_ =	sdelay $0x1  }
.Ltmp1:
0x3b: {  	(pc) =	sbr.rel @p0 .LBB2_3-.Ltmp1, $4  }
0x3c: {  	v5 =	vor.u32 s14, v0;
	s14 =	smov.u32 s16  }
0x3d: {  	[tilespmem:v3+s11+$0x0] =	vst.idx.msk $0xffff, v5  }
0x3e: {  	s17 =	sadd.s32 $0x10, s17;
	[tilespmem:v4+s12+$0x0] =	vst.idx.msk $0xffff, v5  }
0x3f: {  	s16 =	sadd.s32 $0x10, s16;
	v3 =	vld [tilespmem:s17+$0x0]  }
0x40: {  	_ =	sdelay $0x3  }
0x41: {  	vm0 =	vgt.f32 v3, v2  }
0x42: {  	v4 =	vsel vm0, $0x1, v1  }
0x43: {  	(xrf0) =	vadd.scan.msk.s32 $0xffff, v4;
	_ =	sdelay $0x1  }
0x44: {  	vm1 =	veq.f32 v3, v2  }
0x45: {  	v2 =	vsel vm1, $0x1, v1;
	_ =	sdelay $0x2  }
0x46: {  	(xrf0) =	vadd.scan.msk.s32 $0xffff, v2;
	v2, _, _ =	vpop (xrf0)  }
0x47: {  	(v2sf) =	vpush v2, $0xF;
	_ =	sdelay $0x6  }
0x48: {  	s16 =	spop (v2sf)  }
0x49: {  	s17 =	spop (v2sf);
	s13 =	sadd.s32 s13, s16;
	v3, _, _ =	vpop (xrf0)  }
0x4a: {  	v4 =	vmov s13;
	s15 =	sadd.s32 s15, s17;
	(v2sf) =	vpush v3, $0xF  }
0x4b: {  	v4 =	vadd.s32 $0xFFFFFFFF, v4;
	v5 =	vmov s15  }
0x4c: {  	v4 =	vbroadcast v4, $0x0;
	v5 =	vadd.s32 $0xFFFFFFFF, v5  }
0x4d: {  	v5 =	vbroadcast v5, $0x0  }
0x4e: {  	v2 =	vadd.s32 v2, v4  }
0x4f: {  	v2 =	vnsel vm0, $0x40F, v2;
	v3 =	vadd.s32 v3, v5  }
0x50: {  	v3 =	vnsel vm1, $0x400F, v3;
	s30 =	spop (v2sf)  }
0x51: {  	s15 =	sadd.s32 s13, s30  }
0x52: {  	s13 =	ssub.s32 $0x400, s15  }
0x53: {  	v4 =	vor.u32 s14, v0;
	p0 =	slt.s32 s13, $0x1  }
0x54: {  	[tilespmem:v2+s11+$0x0] =	vst.idx.msk $0xffff, v4;
	v2 =	vmov @!p0 s13;
	v5 =	vlaneseq.u32 @!p0  }
0x55: {  	[tilespmem:v3+s12+$0x0] =	vst.idx.msk $0xffff, v4;
	s16 =	simm.s32 @!p0 $0x0;
	vm0 =	vgt.s32 @!p0 v2, v5;
	v3 =	vadd.s32 @!p0 s15, v5;
	p0 =	por p0, p0  }
0x56: {  	v2 =	vld @!p0 [tilespmem:s16+$0x4500];
	v3 =	vnsel @!p0 vm0, $0x40F, v3;
	_ =	sdelay $0x1  }
0x57: {  	s13 =	sadd.s32 $0xFFFFFFF0, s13  }
0x58: {  	s14 =	simm.s32 $0x80;
	s31 =	spop (v2sf);
	p1 =	slt.s32 s13, $0x1  }
0x59: {  	s15 =	sadd.s32 $0x10, s15;
	s16 =	simm.s32 @!p1 $0x10;
	v4 =	vmov @!p1 s13;
	v5 =	vlaneseq.u32 @!p1;
	s17 =	simm.s32 @!p0 $0x4080  }
.LBB2_5:
0x5a: {  	[tilespmem:v3+s17+$0x0] =	vst.idx.msk @!p0 $0xffff, v2;
	s17 =	smov.u32 s14;
	s14 =	sadd.s32 $0x40, s14  }
0x5b: {  	vm0 =	vgt.s32 @!p1 v4, v5;
	v4 =	vadd.s32 @!p1 s15, v5;
	p0 =	por p1, p1;
	p2 =	sne.s32 s14, $0x1000  }
.Ltmp2:
0x5c: {  	v2 =	vld @!p0 [tilespmem:s16+$0x4500];
	v3 =	vnsel @!p0 vm0, $0x40F, v4;
	(pc) =	sbr.rel @p2 .LBB2_5-.Ltmp2, $4  }
0x5d: {  	_ = 	snop  }
0x5e: {  	s13 =	sadd.s32 $0xFFFFFFF0, s13  }
0x5f: {  	p1 =	slt.s32 s13, $0x1  }
0x60: {  	s15 =	sadd.s32 $0x10, s15;
	s16 =	sshra.s32 @!p1 s17, $0x2;
	v4 =	vmov @!p1 s13;
	v5 =	vlaneseq.u32 @!p1;
	s17 =	simm.s32 @!p0 $0x4080  }
0x61: {  	_ =	sdelay $0x3  }
0x62: {  	vm0 =	vgt.s32 @!p1 v4, v5;
	v4 =	vadd.s32 @!p1 s15, v5;
	[tilespmem:v3+s17+$0x0] =	vst.idx.msk @!p0 $0xffff, v2;
	p0 =	por p1, p1  }
0x63: {  	v2 =	vld @!p0 [tilespmem:s16+$0x4500];
	v3 =	vnsel @!p0 vm0, $0x40F, v4;
	_ =	sdelay $0x3  }
0x64: {  	s2 =	sadd.s32 $0x1, s2;
	s13 =	simm.s32 @!p0 $0x4080  }
0x65: {  	[tilespmem:v3+s13+$0x0] =	vst.idx.msk @!p0 $0xffff, v2;
	p0 =	sne.s32 s2, s6  }
.Ltmp3:
0x66: {  	_ = 	snop;
	(pc) =	sbr.rel @p0 .LBB2_2-.Ltmp3, $4  }
0x67: {  	[hbm4b:s5+s7] =	stream.strided.scatter [tilespmem:s11], [sflag:$0x1], $0x400, s8, s7, $0x38;
	[tilespmem:$0x8580] =	vst v63  }
0x68: {  	_ =	swait.ge [sflag:s9], $0x400  }
0x69: {  	[sflag:s9] =	ssyncset.done $0x0  }
0x6a: {  	[sflag:s9] =	ssyncadd.s32 $0xFFFFFC00  }
.LBB2_7:
0x6b: {  	_ =	sfence.sel $0x180000  }
0x6c: {  	[bflag:$0x0] =	sbarrier.arrive $0xFFFF  }
0x6d: {  	p0 =	sne.s32 s1, $0x0;
	_ =	strace $0x90000047  }
0x6e: {  	s0 =	sadd.s32 @!p0 $0x100000, s0;
	[bflag:$0x2] =	sbarrier.arrive $0xFFFF  }
0x6f: {  	[sflag:s0] =	ssyncadd.tile.s32 @!p0 $0x1;
	_ =	shalt  }
.Lfunc_end2:
_tile_overlayer_lowered:
.L_overlay_start_2:
0x70: {  	(tag) =	ssettag $0x2  }
0x71: {  	s0 =	rddreg [dreg:$0x0];
	s2 =	stileid.u32  }
0x72: {  	s1 =	rddreg [dreg:$0x1];
	p0 =	sne.s32 s2, $0x0  }
0x73: {  	s3 =	rddreg [dreg:$0x2];
	[bflag:$0x3] =	sbarrier.arrive $0xFFFF;
	s2 =	simm.s32 @!p0 $0x1C01  }
0x74: {  	[timem:s3], [sflag:s2] =	dma.local @!p0 [hbm:s0], s1  }
0x75: {  	s0 =	simm.s32 @!p0 $0x1  }
0x76: {  	_ =	swait.ge @!p0 [sflag:s0], s1  }
0x77: {  	s1 =	ssub.s32 @!p0 $0x0, s1;
	[sflag:s0] =	ssyncset.done @!p0 $0x0  }
0x78: {  	[sflag:s0] =	ssyncadd.s32 @!p0 s1  }
0x79: {  	[bflag:$0x3] =	sbarrier.arrive $0xFFFF  }
0x7a: {  	_ =	shalt  }

</sc_bundles>
